<compile_context>
chip_gen: v7x
topology: tpu7x:2x2x1
jax: 0.10.2.dev20260603
libtpu: 0.0.44.dev20260713+nightly
codegen_flags: <defaults>
</compile_context>

<pallas_src>
import jax
import jax.numpy as jnp
from jax import lax
from jax.experimental import pallas as pl
from jax.experimental.pallas import tpu as pltpu
from jax.experimental.pallas import tpu_sc as plsc

N_SVC, N_POD, N_NODE = 10000, 50000, 5000
T, D, H = 8, 128, 128
E_SVC, E_IN, E_NP = 320000, 400000, 400000

P_SVC, P_POD, P_NODE = 10240, 50176, 5120
EP_SVC, EP_IN, EP_NP = 327680, 425984, 425984
NP_PASS = 32
CCOL = 32
NLANE = 16
NTILE = 16
NCORE = 2
SB = 128


def _sc_mesh():
    return plsc.VectorSubcoreMesh(core_axis_name="c", subcore_axis_name="s",
                                  num_cores=NCORE, num_subcores=NTILE)


def _degree_kernel(svc_s, svc_d, in_s, in_d, np_s, np_d):
    specs = [
        (svc_s, EP_SVC, P_SVC), (svc_d, EP_SVC, P_SVC),
        (in_s, EP_IN, P_POD), (in_d, EP_IN, P_NODE),
        (np_s, EP_NP, P_NODE), (np_d, EP_NP, P_POD),
    ]
    out_type = [jax.ShapeDtypeStruct((NCORE * NTILE, p), jnp.float32)
                for (_, _, p) in specs]
    scratch = [
        pltpu.VMEM((max(p for (_, _, p) in specs),), jnp.float32),
        pltpu.VMEM((max(e for (_, e, _) in specs) // (NCORE * NTILE) // 128, 128),
                   jnp.int32),
    ]

    def body(s1, s2, s3, s4, s5, s6, o1, o2, o3, o4, o5, o6, hist, idxc):
        wid = lax.axis_index("s") * NCORE + lax.axis_index("c")
        ones = jnp.ones((NLANE,), jnp.float32)
        for (arr, e_pad, nbins), out in zip(
                [(s1, EP_SVC, P_SVC), (s2, EP_SVC, P_SVC),
                 (s3, EP_IN, P_POD), (s4, EP_IN, P_NODE),
                 (s5, EP_NP, P_NODE), (s6, EP_NP, P_POD)],
                [o1, o2, o3, o4, o5, o6]):
            chunk = e_pad // (NCORE * NTILE)
            rows = chunk // 128

            def zero_b(i, _):
                hist[pl.ds(i * NLANE, NLANE)] = jnp.zeros((NLANE,), jnp.float32)
                return 0
            lax.fori_loop(0, nbins // NLANE, zero_b, 0)
            pltpu.sync_copy(arr.at[pl.ds(wid * rows, rows)], idxc.at[pl.ds(0, rows)])

            def scat(i, _):
                r = i // 8
                k = lax.rem(i, 8)
                idx = idxc[r, pl.ds(k * NLANE, NLANE)]
                plsc.addupdate_scatter(hist, [idx], ones)
                return 0
            lax.fori_loop(0, rows * 8, scat, 0)
            pltpu.sync_copy(hist.at[pl.ds(0, nbins)], out.at[wid])

    fn = pl.kernel(body, out_type=out_type, mesh=_sc_mesh(),
                   scratch_types=scratch,
                   compiler_params=pltpu.CompilerParams(
                       needs_layout_passes=False))
    return fn(svc_s.reshape(-1, 128), svc_d.reshape(-1, 128),
              in_s.reshape(-1, 128), in_d.reshape(-1, 128),
              np_s.reshape(-1, 128), np_d.reshape(-1, 128))


def _deg_finalize(hist_s, hist_d, pad_cnt):
    npd = hist_s.shape[1]
    bq = 512

    def body(hs_ref, hd_ref, rs_ref, rd_ref):
        i = pl.program_id(0)
        first = (lax.broadcasted_iota(jnp.int32, (bq,), 0) < 128) & (i == 0)
        ds = jnp.sum(hs_ref[...], axis=0)
        ds = jnp.maximum(ds - jnp.where(first, jnp.float32(pad_cnt // 128),
                                        0.0), 1.0)
        dd = jnp.maximum(jnp.sum(hd_ref[...], axis=0), 1.0)
        rs_ref[...] = jnp.broadcast_to(lax.rsqrt(ds)[:, None], (bq, 8))
        rd_ref[...] = jnp.broadcast_to(lax.rsqrt(dd)[:, None], (bq, 8))

    return pl.pallas_call(
        body,
        grid=(npd // bq,),
        in_specs=[pl.BlockSpec((NCORE * NTILE, bq), lambda i: (0, i))] * 2,
        out_specs=[pl.BlockSpec((bq, 8), lambda i: (i, 0))] * 2,
        out_shape=[jax.ShapeDtypeStruct((npd, 8), jnp.float32)] * 2,
    )(hist_s, hist_d)


def _prescale(feat, rs, npd, ccol):
    n = feat.shape[0]
    bn = 512
    nb = npd // bn
    nch = D // ccol

    def body(f_ref, rs_ref, o_ref):
        xs = (f_ref[...] * rs_ref[:, 0:1]).astype(jnp.bfloat16)
        for t in range(T):
            for c in range(nch):
                o_ref[t, c] = xs[:, t * D + c * ccol:t * D + (c + 1) * ccol]

    out = pl.pallas_call(
        body,
        grid=(nb,),
        in_specs=[
            pl.BlockSpec((bn, T * D), lambda i: (i, 0)),
            pl.BlockSpec((bn, 8), lambda i: (i, 0)),
        ],
        out_specs=pl.BlockSpec((T, nch, bn, ccol), lambda i: (0, 0, i, 0)),
        out_shape=jax.ShapeDtypeStruct((T, nch, npd, ccol), jnp.bfloat16),
    )(feat.reshape(n, T * D), rs)
    return out.reshape(T * nch * npd, ccol)


def _aggregate(xs_flat, src2d, dst2d, n_src_pad, n_dst_pad, e_pad, ccol):
    chunk = e_pad // (NCORE * NTILE)
    b2 = chunk // SB
    rpt = n_dst_pad // NTILE
    nz = rpt // 64
    n_pass = (T * D) // ccol

    def body(xs_hbm, src_hbm, dst_hbm, out_hbm, srcc, dstc, rows0, rows1,
             rows2, rows3, zbuf, acc, sem0, sem1, sem2, sem3):
        cid = lax.axis_index("c")
        sid = lax.axis_index("s")
        row0 = (cid * NTILE + sid) * b2

        def zb(i, _):
            for q in range(ccol // 32):
                zbuf[i, pl.ds(q * 32, 32)] = jnp.zeros((32,), jnp.bfloat16)
            return 0
        lax.fori_loop(0, 64, zb, 0)
        pltpu.sync_copy(src_hbm.at[pl.ds(row0, b2)], srcc)
        pltpu.sync_copy(dst_hbm.at[pl.ds(row0, b2)], dstc)

        def one_pass(p, _):
            @pl.when(p > 0)
            def _():
                def badd(i, _):
                    r = i // 8
                    k = lax.rem(i, 8)
                    srcc[r, pl.ds(k * NLANE, NLANE)] = (
                        srcc[r, pl.ds(k * NLANE, NLANE)] + n_src_pad)
                    return 0
                lax.fori_loop(0, b2 * 8, badd, 0)

            def zs(i, _):
                pltpu.sync_copy(zbuf, acc.at[pl.ds(sid * rpt + i * 64, 64)])
                return 0
            lax.fori_loop(0, nz, zs, 0)
            plsc.subcore_barrier()

            bufs = [(rows0, sem0), (rows1, sem1), (rows2, sem2),
                    (rows3, sem3)]
            for q in range(3):
                pltpu.async_copy(xs_hbm.at[srcc.at[q]], bufs[q][0],
                                 bufs[q][1])

            def burst4(j4, _):
                j = 4 * j4
                for q in range(4):
                    jj = j + q
                    rb, sm = bufs[q]
                    nb_, ns_ = bufs[(q + 3) % 4]

                    @pl.when(jj + 3 < b2)
                    def _(jj=jj, nb_=nb_, ns_=ns_):
                        pltpu.async_copy(xs_hbm.at[srcc.at[jj + 3]], nb_, ns_)

                    pltpu.make_async_copy(xs_hbm.at[srcc.at[jj]], rb,
                                          sm).wait()
                    pltpu.sync_copy(rb, acc.at[dstc.at[jj]], add=True)
                return 0
            lax.fori_loop(0, b2 // 4, burst4, 0)
            plsc.subcore_barrier()
            pltpu.sync_copy(acc.at[pl.ds(sid * rpt, rpt)],
                            out_hbm.at[cid, p, pl.ds(sid * rpt, rpt)])
            return 0
        lax.fori_loop(0, n_pass, one_pass, 0)

    fn = pl.kernel(
        body,
        out_type=jax.ShapeDtypeStruct((NCORE, n_pass, n_dst_pad, ccol),
                                      jnp.bfloat16),
        mesh=_sc_mesh(),
        scratch_types=[
            pltpu.VMEM((b2, SB), jnp.int32),
            pltpu.VMEM((b2, SB), jnp.int32),
            pltpu.VMEM((SB, ccol), jnp.bfloat16),
            pltpu.VMEM((SB, ccol), jnp.bfloat16),
            pltpu.VMEM((SB, ccol), jnp.bfloat16),
            pltpu.VMEM((SB, ccol), jnp.bfloat16),
            pltpu.VMEM((64, ccol), jnp.bfloat16),
            pltpu.VMEM_SHARED((n_dst_pad, ccol), jnp.bfloat16),
            pltpu.SemaphoreType.DMA,
            pltpu.SemaphoreType.DMA,
            pltpu.SemaphoreType.DMA,
            pltpu.SemaphoreType.DMA,
        ],
        compiler_params=pltpu.CompilerParams(needs_layout_passes=False,
                                             use_tc_tiling_on_sc=False),
    )
    return fn(xs_flat, src2d, dst2d)


def _reduce(a_part, w, b, rs_d, n_dst, n_dst_pad, ccol):
    bnd = 512
    nb = n_dst_pad // bnd
    nch = D // ccol
    a5 = a_part.reshape(NCORE, T, nch, n_dst_pad, ccol)

    def body(a_ref, w_ref, b_ref, rs_ref, o_ref, acc, macc):
        t, i, c = pl.program_id(0), pl.program_id(1), pl.program_id(2)
        part = (a_ref[0, 0, 0].astype(jnp.float32)
                + a_ref[1, 0, 0].astype(jnp.float32)) @ w_ref[...]

        @pl.when(c == 0)
        def _():
            acc[...] = part

        @pl.when(c > 0)
        def _():
            acc[...] = acc[...] + part

        @pl.when(jnp.logical_and(i == 0, c == 0))
        def _():
            macc[...] = jnp.zeros_like(macc)

        @pl.when(c == nch - 1)
        def _():
            h = acc[...] * rs_ref[:, 0:1] + b_ref[...]
            lr = jnp.where(h > 0, h, 0.01 * h)
            row = (lax.broadcasted_iota(jnp.int32, (bnd, 1), 0)
                   + i * bnd)
            lr = jnp.where(row < n_dst, lr, 0.0)
            macc[...] = macc[...] + jnp.sum(lr, axis=0, keepdims=True)

        @pl.when(jnp.logical_and(i == nb - 1, c == nch - 1))
        def _():
            o_ref[...] = jnp.broadcast_to(macc[...][:, None, :] * (1.0 / n_dst),
                                          (1, 8, H))

    return pl.pallas_call(
        body,
        grid=(T, nb, nch),
        in_specs=[
            pl.BlockSpec((NCORE, 1, 1, bnd, ccol), lambda t, i, c: (0, t, c, i, 0)),
            pl.BlockSpec((ccol, H), lambda t, i, c: (c, 0)),
            pl.BlockSpec((1, H), lambda t, i, c: (0, 0)),
            pl.BlockSpec((bnd, 8), lambda t, i, c: (i, 0)),
        ],
        out_specs=pl.BlockSpec((1, 8, H), lambda t, i, c: (t, 0, 0)),
        out_shape=jax.ShapeDtypeStruct((T, 8, H), jnp.float32),
        scratch_shapes=[pltpu.VMEM((bnd, H), jnp.float32),
                        pltpu.VMEM((1, H), jnp.float32)],
    )(a5, w, b.reshape(1, H), rs_d)[:, 0, :]


def _tail(m_svc, m_node, m_pod, lsw, lsb, lnw, lnb, lpw, lpb,
          wx0t, wh0t, b0, wx1t, wh1t, b1):
    def body(ms, mn, mp, lsw_r, lsb_r, lnw_r, lnb_r, lpw_r, lpb_r,
             wx0_r, wh0_r, b0_r, wx1_r, wh1_r, b1_r, o_ref, vbuf, seq0):
        vbuf[...] = (ms[...] @ lsw_r[...] + lsb_r[...]
                     + mn[...] @ lnw_r[...] + lnb_r[...]
                     + mp[...] @ lpw_r[...] + lpb_r[...]) * (1.0 / 3.0)

        def layer(src_ref, wx, wh, bb, dst_ref):
            def step(t, hc):
                h, c = hc
                z = src_ref[pl.ds(t, 1), :] @ wx + h @ wh + bb
                ii = jax.nn.sigmoid(z[:, 0:H])
                ff = jax.nn.sigmoid(z[:, H:2 * H])
                gg = jnp.tanh(z[:, 2 * H:3 * H])
                oo = jax.nn.sigmoid(z[:, 3 * H:4 * H])
                c = ff * c + ii * gg
                h = oo * jnp.tanh(c)
                dst_ref[pl.ds(t, 1), :] = h
                return (h, c)
            z0 = jnp.zeros((1, H), jnp.float32)
            lax.fori_loop(0, T, step, (z0, z0))

        layer(vbuf, wx0_r[...], wh0_r[...], b0_r[...], seq0)
        layer(seq0, wx1_r[...], wh1_r[...], b1_r[...], o_ref)

    return pl.pallas_call(
        body,
        out_shape=jax.ShapeDtypeStruct((T, H), jnp.float32),
        scratch_shapes=[pltpu.VMEM((T, H), jnp.float32),
                        pltpu.VMEM((T, H), jnp.float32)],
    )(m_svc, m_node, m_pod, lsw, lsb.reshape(1, H), lnw, lnb.reshape(1, H),
      lpw, lpb.reshape(1, H), wx0t, wh0t, b0.reshape(1, 4 * H),
      wx1t, wh1t, b1.reshape(1, 4 * H))


def kernel(svc_feat, pod_feat, node_feat, W_svc, b_svc, W_in, b_in, W_np, b_np,
           L_svc_w, L_svc_b, L_node_w, L_node_b, L_pod_w, L_pod_b,
           lstm_Wx0, lstm_Wh0, lstm_b0, lstm_Wx1, lstm_Wh1, lstm_b1,
           edge_svc_src, edge_svc_dst, edge_in_src, edge_in_dst,
           edge_np_src, edge_np_dst):
    def pad_e(src, dst, e_pad, n_dst, n_dst_pad):
        npad = e_pad - src.shape[0]
        ar = jnp.arange(npad, dtype=jnp.int32)
        return (jnp.concatenate([src, ar % 128]),
                jnp.concatenate([dst, n_dst + ar % (n_dst_pad - n_dst)]))

    svc_s, svc_d = pad_e(edge_svc_src, edge_svc_dst, EP_SVC, N_SVC, P_SVC)
    in_s, in_d = pad_e(edge_in_src, edge_in_dst, EP_IN, N_NODE, P_NODE)
    np_s, np_d = pad_e(edge_np_src, edge_np_dst, EP_NP, N_POD, P_POD)

    h_svc_s, h_svc_d, h_in_s, h_in_d, h_np_s, h_np_d = _degree_kernel(
        svc_s, svc_d, in_s, in_d, np_s, np_d)

    rs_svc_s, rs_svc_d = _deg_finalize(h_svc_s, h_svc_d, EP_SVC - E_SVC)
    rs_pod_s, rs_pod_d = _deg_finalize(h_in_s, h_np_d, EP_IN - E_IN)
    rs_node_s, rs_node_d = _deg_finalize(h_np_s, h_in_d, EP_NP - E_NP)

    xs_svc = _prescale(svc_feat, rs_svc_s, P_SVC, 128)
    xs_pod = _prescale(pod_feat, rs_pod_s, P_POD, 128)
    xs_node = _prescale(node_feat, rs_node_s, P_NODE, 32)

    a_svc = _aggregate(xs_svc, svc_s.reshape(-1, SB), svc_d.reshape(-1, SB),
                       P_SVC, P_SVC, EP_SVC, 128)
    a_node = _aggregate(xs_pod, in_s.reshape(-1, SB), in_d.reshape(-1, SB),
                        P_POD, P_NODE, EP_IN, 128)
    a_pod = _aggregate(xs_node, np_s.reshape(-1, SB), np_d.reshape(-1, SB),
                       P_NODE, P_POD, EP_NP, 32)

    m_svc = _reduce(a_svc, W_svc, b_svc, rs_svc_d, N_SVC, P_SVC, 128)
    m_node = _reduce(a_node, W_in, b_in, rs_node_d, N_NODE, P_NODE, 128)
    m_pod = _reduce(a_pod, W_np, b_np, rs_pod_d, N_POD, P_POD, 32)

    return _tail(m_svc, m_node, m_pod, L_svc_w, L_svc_b, L_node_w, L_node_b,
                 L_pod_w, L_pod_b, lstm_Wx0.T, lstm_Wh0.T, lstm_b0,
                 lstm_Wx1.T, lstm_Wh1.T, lstm_b1)

# --- scband reference (transcript-rebuilt; emitter-appended) ---
"""Pipeline reference for scband-hgraph-conv-window-3143916060813 (READ-ONLY COPY).

The authoritative reference and input builder live on the scoring server;
editing this copy changes nothing except your own understanding.
"""

import jax, jax.numpy as jnp
import numpy as np

N_SVC = 10000; N_POD = 50000; N_NODE = 5000
T = 8; D = 128; H = 128
E_SVC = 320000; E_IN = 400000; E_NP = 400000

def _graphconv(x, src, dst, n_dst, W, b):
    n_src = x.shape[0]
    deg_s = jnp.clip(jnp.bincount(src, length=n_src), 1).astype(jnp.float32)
    deg_d = jnp.clip(jnp.bincount(dst, length=n_dst), 1).astype(jnp.float32)
    h = (x * jax.lax.rsqrt(deg_s)[:, None]) @ W
    agg = jnp.zeros((n_dst, h.shape[1]), h.dtype).at[dst].add(jnp.take(h, src, axis=0))
    return agg * jax.lax.rsqrt(deg_d)[:, None] + b

def _lstm_layer(seq, Wx, Wh, b):
    Hd = Wh.shape[1]
    def step(carry, x):
        h, c = carry
        z = x @ Wx.T + h @ Wh.T + b
        i, f, g, o = jnp.split(z, 4)
        i = jax.nn.sigmoid(i); f = jax.nn.sigmoid(f)
        g = jnp.tanh(g); o = jax.nn.sigmoid(o)
        c = f * c + i * g
        h = o * jnp.tanh(c)
        return (h, c), h
    _, ys = jax.lax.scan(step, (jnp.zeros(Hd, jnp.float32), jnp.zeros(Hd, jnp.float32)), seq)
    return ys

def setup_inputs(seed: int = 0):
    key = jax.random.key(seed)
    ks = jax.random.split(key, 24)
    s = 0.05
    inp = {}
    inp["svc_feat"] = jax.random.normal(ks[0], (N_SVC, T, D), jnp.float32)
    inp["pod_feat"] = jax.random.normal(ks[1], (N_POD, T, D), jnp.float32)
    inp["node_feat"] = jax.random.normal(ks[2], (N_NODE, T, D), jnp.float32)
    inp["W_svc"] = jax.random.normal(ks[3], (D, H), jnp.float32) * s
    inp["b_svc"] = jnp.zeros((H,), jnp.float32)
    inp["W_in"] = jax.random.normal(ks[4], (D, H), jnp.float32) * s
    inp["b_in"] = jnp.zeros((H,), jnp.float32)
    inp["W_np"] = jax.random.normal(ks[5], (D, H), jnp.float32) * s
    inp["b_np"] = jnp.zeros((H,), jnp.float32)
    inp["L_svc_w"] = jax.random.normal(ks[6], (H, H), jnp.float32) * s
    inp["L_svc_b"] = jnp.zeros((H,), jnp.float32)
    inp["L_node_w"] = jax.random.normal(ks[7], (H, H), jnp.float32) * s
    inp["L_node_b"] = jnp.zeros((H,), jnp.float32)
    inp["L_pod_w"] = jax.random.normal(ks[8], (H, H), jnp.float32) * s
    inp["L_pod_b"] = jnp.zeros((H,), jnp.float32)
    inp["lstm_Wx0"] = jax.random.normal(ks[9], (4 * H, H), jnp.float32) * s
    inp["lstm_Wh0"] = jax.random.normal(ks[10], (4 * H, H), jnp.float32) * s
    inp["lstm_b0"] = jnp.zeros((4 * H,), jnp.float32)
    inp["lstm_Wx1"] = jax.random.normal(ks[11], (4 * H, H), jnp.float32) * s
    inp["lstm_Wh1"] = jax.random.normal(ks[12], (4 * H, H), jnp.float32) * s
    inp["lstm_b1"] = jnp.zeros((4 * H,), jnp.float32)
    inp["edge_svc_src"] = jax.random.randint(ks[13], (E_SVC,), 0, N_SVC, jnp.int32)
    inp["edge_svc_dst"] = jax.random.randint(ks[14], (E_SVC,), 0, N_SVC, jnp.int32)
    inp["edge_in_src"] = jax.random.randint(ks[15], (E_IN,), 0, N_POD, jnp.int32)
    inp["edge_in_dst"] = jax.random.randint(ks[16], (E_IN,), 0, N_NODE, jnp.int32)
    inp["edge_np_src"] = jax.random.randint(ks[17], (E_NP,), 0, N_NODE, jnp.int32)
    inp["edge_np_dst"] = jax.random.randint(ks[18], (E_NP,), 0, N_POD, jnp.int32)
    return inp

def reference(svc_feat, pod_feat, node_feat, W_svc, b_svc, W_in, b_in, W_np, b_np, L_svc_w, L_svc_b, L_node_w, L_node_b, L_pod_w, L_pod_b, lstm_Wx0, lstm_Wh0, lstm_b0, lstm_Wx1, lstm_Wh1, lstm_b1, edge_svc_src, edge_svc_dst, edge_in_src, edge_in_dst, edge_np_src, edge_np_dst):
    outs = []
    for t in range(T):
        x_svc = svc_feat[:, t, :]
        x_pod = pod_feat[:, t, :]
        x_node = node_feat[:, t, :]
        h_svc = _graphconv(x_svc, edge_svc_src, edge_svc_dst, N_SVC, W_svc, b_svc)
        h_node = _graphconv(x_pod, edge_in_src, edge_in_dst, N_NODE, W_in, b_in)
        h_pod = _graphconv(x_node, edge_np_src, edge_np_dst, N_POD, W_np, b_np)
        lrelu = lambda v: jax.nn.leaky_relu(v, negative_slope=0.01)
        v_svc = jnp.mean(lrelu(h_svc) @ L_svc_w + L_svc_b, axis=0)
        v_node = jnp.mean(lrelu(h_node) @ L_node_w + L_node_b, axis=0)
        v_pod = jnp.mean(lrelu(h_pod) @ L_pod_w + L_pod_b, axis=0)
        outs.append((v_svc + v_node + v_pod) / 3.0)
    seq = jnp.stack(outs, axis=0)
    y0 = _lstm_layer(seq, lstm_Wx0, lstm_Wh0, lstm_b0)
    y1 = _lstm_layer(y0, lstm_Wx1, lstm_Wh1, lstm_b1)
    return y1

if __name__ == "__main__":
    import jax
    _d = setup_inputs()
    print(jax.jit(kernel)(*tuple(_d.values())))

</pallas_src>

<mosaic_0001>
#map = affine_map<(d0, d1) -> (0, 0)>
module attributes {stable_mosaic.version = 14 : i64} {
  func.func @body(%arg0: i32, %arg1: i32, %arg2: memref<2560x128xi32, #tpu.memory_space<hbm>>, %arg3: memref<2560x128xi32, #tpu.memory_space<hbm>>, %arg4: memref<3328x128xi32, #tpu.memory_space<hbm>>, %arg5: memref<3328x128xi32, #tpu.memory_space<hbm>>, %arg6: memref<3328x128xi32, #tpu.memory_space<hbm>>, %arg7: memref<3328x128xi32, #tpu.memory_space<hbm>>, %arg8: memref<32x10240xf32, #tpu.memory_space<hbm>>, %arg9: memref<32x10240xf32, #tpu.memory_space<hbm>>, %arg10: memref<32x50176xf32, #tpu.memory_space<hbm>>, %arg11: memref<32x5120xf32, #tpu.memory_space<hbm>>, %arg12: memref<32x5120xf32, #tpu.memory_space<hbm>>, %arg13: memref<32x50176xf32, #tpu.memory_space<hbm>>, %arg14: memref<50176xf32, #tpu.memory_space<vmem>>, %arg15: memref<104x128xi32, #tpu.memory_space<vmem>>) attributes {dimension_semantics = [#tpu.dimension_semantics<core_parallel>, #tpu.dimension_semantics<subcore_parallel>], iteration_bounds = array<i64: 2, 16>, scalar_prefetch = 0 : i64, scratch_operands = 2 : i64, tpu.core_type = #tpu.core_type<sc_vector_subcore>, window_params = [{transform_indices = #map}, {transform_indices = #map}, {transform_indices = #map}, {transform_indices = #map}, {transform_indices = #map}, {transform_indices = #map}, {transform_indices = #map}, {transform_indices = #map}, {transform_indices = #map}, {transform_indices = #map}, {transform_indices = #map}, {transform_indices = #map}]} {
    %mul3A = arith.constant 2 : i32
    %mul3A_0 = arith.muli %arg1, %mul3A : i32
    %add3A = arith.addi %mul3A_0, %arg0 : i32
    %broadcast_in_dim3A = arith.constant 1.000000e+00 : f32
    %broadcast_in_dim3A_1 = vector.broadcast %broadcast_in_dim3A : f32 to vector<16xf32>
    %scan3A = arith.constant 0 : i32
    %scan3A_2 = arith.constant 0 : i32
    %scan3A_3 = arith.constant 640 : i32
    %scan3A_4 = arith.addi %scan3A_2, %scan3A_3 : i32
    %scan3A_5 = arith.constant 1 : i32
    %scan3A_6 = scf.for %scan3A_97 = %scan3A_2 to %scan3A_4 step %scan3A_5 iter_args(%scan3A_98 = %scan3A) -> (i32)  : i32 {
      %broadcast_in_dim3A_99 = arith.constant 0.000000e+00 : f32
      %broadcast_in_dim3A_100 = vector.broadcast %broadcast_in_dim3A_99 : f32 to vector<16xf32>
      %mul3A_101 = arith.constant 16 : i32
      %mul3A_102 = arith.muli %scan3A_97, %mul3A_101 : i32
      %swap3A = arith.index_cast %mul3A_102 : i32 to index
      %swap3A_103 = tpu.vector_load %arg14[%swap3A] {strides = array<i32>} : memref<50176xf32, #tpu.memory_space<vmem>>, vector<16xf32>,
      tpu.vector_store %arg14[%swap3A], %broadcast_in_dim3A_100 {strides = array<i32>} : memref<50176xf32, #tpu.memory_space<vmem>>, vector<16xf32>,
      %scan3A_104 = arith.constant 0 : i32
      scf.yield %scan3A_104 : i32
    }
    %scan3A_7 = arith.constant 640 : i32
    %mul3A_8 = arith.constant 80 : i32
    %mul3A_9 = arith.muli %add3A, %mul3A_8 : i32
    "tpu.region"() ({
      %run_scoped3A = tpu.sem_alloc : memref<!tpu.dma_semaphore, #tpu.memory_space<semaphore_mem>>
      %dma_start3A = arith.constant 0 : i32
      %dma_start3A_97 = arith.constant 0 : i32
      %dma_start3A_98 = tpu.memref_slice %arg15[%dma_start3A, %dma_start3A_97] : memref<104x128xi32, #tpu.memory_space<vmem>> -> memref<80x128xi32, #tpu.memory_space<vmem>>
      %dma_start3A_99 = arith.constant 0 : i32
      %dma_start3A_100 = tpu.memref_slice %arg2[%mul3A_9, %dma_start3A_99] : memref<2560x128xi32, #tpu.memory_space<hbm>> -> memref<80x128xi32, #tpu.memory_space<hbm>>
      %dma_start3A_101 = arith.constant 0 : i32
      %dma_start3A_102 = arith.constant 0 : i32
      %dma_start3A_103 = tpu.memref_slice %arg15[%dma_start3A_101, %dma_start3A_102] : memref<104x128xi32, #tpu.memory_space<vmem>> -> memref<80x128xi32, #tpu.memory_space<vmem>>
      %dma_start3A_104 = arith.constant 0 : i32
      %dma_start3A_105 = tpu.memref_slice %arg2[%mul3A_9, %dma_start3A_104] : memref<2560x128xi32, #tpu.memory_space<hbm>> -> memref<80x128xi32, #tpu.memory_space<hbm>>
      tpu.enqueue_dma source(%dma_start3A_105 : memref<80x128xi32, #tpu.memory_space<hbm>>) target(%dma_start3A_103 : memref<80x128xi32, #tpu.memory_space<vmem>>) target_semaphore(%run_scoped3A : memref<!tpu.dma_semaphore, #tpu.memory_space<semaphore_mem>>)
      %dma_wait3A = arith.constant 0 : i32
      %dma_wait3A_106 = arith.constant 0 : i32
      %dma_wait3A_107 = tpu.memref_slice %arg15[%dma_wait3A, %dma_wait3A_106] : memref<104x128xi32, #tpu.memory_space<vmem>> -> memref<80x128xi32, #tpu.memory_space<vmem>>
      %dma_wait3A_108 = arith.constant 0 : i32
      %dma_wait3A_109 = tpu.memref_slice %arg2[%mul3A_9, %dma_wait3A_108] : memref<2560x128xi32, #tpu.memory_space<hbm>> -> memref<80x128xi32, #tpu.memory_space<hbm>>
      %dma_wait3A_110 = arith.constant 0 : i32
      %dma_wait3A_111 = arith.constant 0 : i32
      %dma_wait3A_112 = tpu.memref_slice %arg15[%dma_wait3A_110, %dma_wait3A_111] : memref<104x128xi32, #tpu.memory_space<vmem>> -> memref<80x128xi32, #tpu.memory_space<vmem>>
      %dma_wait3A_113 = arith.constant 0 : i32
      %dma_wait3A_114 = tpu.memref_slice %arg2[%mul3A_9, %dma_wait3A_113] : memref<2560x128xi32, #tpu.memory_space<hbm>> -> memref<80x128xi32, #tpu.memory_space<hbm>>
      tpu.wait_dma2 semaphore(%run_scoped3A : memref<!tpu.dma_semaphore, #tpu.memory_space<semaphore_mem>>) src(%dma_wait3A_114 : memref<80x128xi32, #tpu.memory_space<hbm>>) dst(%dma_wait3A_112 : memref<80x128xi32, #tpu.memory_space<vmem>>)
      tpu.yield
    }) : () -> ()
    %scan3A_10 = arith.constant 0 : i32
    %scan3A_11 = arith.constant 0 : i32
    %scan3A_12 = arith.constant 640 : i32
    %scan3A_13 = arith.addi %scan3A_11, %scan3A_12 : i32
    %scan3A_14 = arith.constant 1 : i32
    %scan3A_15 = scf.for %scan3A_97 = %scan3A_11 to %scan3A_13 step %scan3A_14 iter_args(%scan3A_98 = %scan3A_10) -> (i32)  : i32 {
      %jit3A = arith.constant 8 : i32
      %div3A = arith.divsi %scan3A_97, %jit3A : i32
      %sign3A = arith.constant 0 : i32
      %sign3A_99 = arith.cmpi sgt, %scan3A_97, %sign3A : i32
      %sign3A_100 = arith.extui %sign3A_99 : i1 to i32
      %sign3A_101 = arith.constant 0 : i32
      %sign3A_102 = arith.cmpi slt, %scan3A_97, %sign3A_101 : i32
      %sign3A_103 = arith.extui %sign3A_102 : i1 to i32
      %sign3A_104 = arith.subi %sign3A_100, %sign3A_103 : i32
      %sign3A_105 = arith.constant 0 : i32
      %sign3A_106 = arith.cmpi sgt, %jit3A, %sign3A_105 : i32
      %sign3A_107 = arith.extui %sign3A_106 : i1 to i32
      %sign3A_108 = arith.constant 0 : i32
      %sign3A_109 = arith.cmpi slt, %jit3A, %sign3A_108 : i32
      %sign3A_110 = arith.extui %sign3A_109 : i1 to i32
      %sign3A_111 = arith.subi %sign3A_107, %sign3A_110 : i32
      %ne3A = arith.cmpi ne, %sign3A_104, %sign3A_111 : i32
      %rem3A = arith.remsi %scan3A_97, %jit3A : i32
      %ne3A_112 = arith.constant 0 : i32
      %ne3A_113 = arith.cmpi ne, %rem3A, %ne3A_112 : i32
      %and3A = arith.andi %ne3A, %ne3A_113 : i1
      %sub3A = arith.constant 1 : i32
      %sub3A_114 = arith.subi %div3A, %sub3A : i32
      %select_n3A = arith.select %and3A, %sub3A_114, %div3A : i32
      %rem3A_115 = arith.constant 8 : i32
      %rem3A_116 = arith.remsi %scan3A_97, %rem3A_115 : i32
      %mul3A_117 = arith.constant 16 : i32
      %mul3A_118 = arith.muli %rem3A_116, %mul3A_117 : i32
      %get3A = arith.index_cast %select_n3A : i32 to index
      %get3A_119 = arith.index_cast %mul3A_118 : i32 to index
      %get3A_120 = tpu.vector_load %arg15[%get3A, %get3A_119] {strides = array<i32>} : memref<104x128xi32, #tpu.memory_space<vmem>>, vector<16xi32>,
      tpu.vector_store_idx %arg14[%get3A_120], %broadcast_in_dim3A_1 {add = true} : memref<50176xf32, #tpu.memory_space<vmem>>[vector<16xi32>], vector<16xf32>,
      %scan3A_121 = arith.constant 0 : i32
      scf.yield %scan3A_121 : i32
    }
    %scan3A_16 = arith.constant 640 : i32
    "tpu.region"() ({
      %run_scoped3A = tpu.sem_alloc : memref<!tpu.dma_semaphore, #tpu.memory_space<semaphore_mem>>
      %dma_start3A = arith.constant 0 : i32
      %dma_start3A_97 = tpu.memref_slice %arg14[%dma_start3A] : memref<50176xf32, #tpu.memory_space<vmem>> -> memref<10240xf32, #tpu.memory_space<vmem>>
      %dma_start3A_98 = arith.constant 0 : i32
      %dma_start3A_99 = tpu.memref_slice %arg8[%add3A, %dma_start3A_98] : memref<32x10240xf32, #tpu.memory_space<hbm>> -> memref<1x10240xf32, #tpu.memory_space<hbm>>
      %dma_start3A_100 = tpu.memref_squeeze %dma_start3A_99 : memref<1x10240xf32, #tpu.memory_space<hbm>> -> memref<10240xf32, #tpu.memory_space<hbm>>
      %dma_start3A_101 = arith.constant 0 : i32
      %dma_start3A_102 = tpu.memref_slice %arg8[%add3A, %dma_start3A_101] : memref<32x10240xf32, #tpu.memory_space<hbm>> -> memref<1x10240xf32, #tpu.memory_space<hbm>>
      %dma_start3A_103 = tpu.memref_squeeze %dma_start3A_102 : memref<1x10240xf32, #tpu.memory_space<hbm>> -> memref<10240xf32, #tpu.memory_space<hbm>>
      %dma_start3A_104 = arith.constant 0 : i32
      %dma_start3A_105 = tpu.memref_slice %arg14[%dma_start3A_104] : memref<50176xf32, #tpu.memory_space<vmem>> -> memref<10240xf32, #tpu.memory_space<vmem>>
      tpu.enqueue_dma source(%dma_start3A_105 : memref<10240xf32, #tpu.memory_space<vmem>>) target(%dma_start3A_103 : memref<10240xf32, #tpu.memory_space<hbm>>) target_semaphore(%run_scoped3A : memref<!tpu.dma_semaphore, #tpu.memory_space<semaphore_mem>>)
      %dma_wait3A = arith.constant 0 : i32
      %dma_wait3A_106 = tpu.memref_slice %arg14[%dma_wait3A] : memref<50176xf32, #tpu.memory_space<vmem>> -> memref<10240xf32, #tpu.memory_space<vmem>>
      %dma_wait3A_107 = arith.constant 0 : i32
      %dma_wait3A_108 = tpu.memref_slice %arg8[%add3A, %dma_wait3A_107] : memref<32x10240xf32, #tpu.memory_space<hbm>> -> memref<1x10240xf32, #tpu.memory_space<hbm>>
      %dma_wait3A_109 = tpu.memref_squeeze %dma_wait3A_108 : memref<1x10240xf32, #tpu.memory_space<hbm>> -> memref<10240xf32, #tpu.memory_space<hbm>>
      %dma_wait3A_110 = arith.constant 0 : i32
      %dma_wait3A_111 = tpu.memref_slice %arg8[%add3A, %dma_wait3A_110] : memref<32x10240xf32, #tpu.memory_space<hbm>> -> memref<1x10240xf32, #tpu.memory_space<hbm>>
      %dma_wait3A_112 = tpu.memref_squeeze %dma_wait3A_111 : memref<1x10240xf32, #tpu.memory_space<hbm>> -> memref<10240xf32, #tpu.memory_space<hbm>>
      %dma_wait3A_113 = arith.constant 0 : i32
      %dma_wait3A_114 = tpu.memref_slice %arg14[%dma_wait3A_113] : memref<50176xf32, #tpu.memory_space<vmem>> -> memref<10240xf32, #tpu.memory_space<vmem>>
      tpu.wait_dma2 semaphore(%run_scoped3A : memref<!tpu.dma_semaphore, #tpu.memory_space<semaphore_mem>>) src(%dma_wait3A_114 : memref<10240xf32, #tpu.memory_space<vmem>>) dst(%dma_wait3A_112 : memref<10240xf32, #tpu.memory_space<hbm>>)
      tpu.yield
    }) : () -> ()
    %scan3A_17 = arith.constant 0 : i32
    %scan3A_18 = arith.constant 0 : i32
    %scan3A_19 = arith.constant 640 : i32
    %scan3A_20 = arith.addi %scan3A_18, %scan3A_19 : i32
    %scan3A_21 = arith.constant 1 : i32
    %scan3A_22 = scf.for %scan3A_97 = %scan3A_18 to %scan3A_20 step %scan3A_21 iter_args(%scan3A_98 = %scan3A_17) -> (i32)  : i32 {
      %broadcast_in_dim3A_99 = arith.constant 0.000000e+00 : f32
      %broadcast_in_dim3A_100 = vector.broadcast %broadcast_in_dim3A_99 : f32 to vector<16xf32>
      %mul3A_101 = arith.constant 16 : i32
      %mul3A_102 = arith.muli %scan3A_97, %mul3A_101 : i32
      %swap3A = arith.index_cast %mul3A_102 : i32 to index
      %swap3A_103 = tpu.vector_load %arg14[%swap3A] {strides = array<i32>} : memref<50176xf32, #tpu.memory_space<vmem>>, vector<16xf32>,
      tpu.vector_store %arg14[%swap3A], %broadcast_in_dim3A_100 {strides = array<i32>} : memref<50176xf32, #tpu.memory_space<vmem>>, vector<16xf32>,
      %scan3A_104 = arith.constant 0 : i32
      scf.yield %scan3A_104 : i32
    }
    %scan3A_23 = arith.constant 640 : i32
    %mul3A_24 = arith.constant 80 : i32
    %mul3A_25 = arith.muli %add3A, %mul3A_24 : i32
    "tpu.region"() ({
      %run_scoped3A = tpu.sem_alloc : memref<!tpu.dma_semaphore, #tpu.memory_space<semaphore_mem>>
      %dma_start3A = arith.constant 0 : i32
      %dma_start3A_97 = arith.constant 0 : i32
      %dma_start3A_98 = tpu.memref_slice %arg15[%dma_start3A, %dma_start3A_97] : memref<104x128xi32, #tpu.memory_space<vmem>> -> memref<80x128xi32, #tpu.memory_space<vmem>>
      %dma_start3A_99 = arith.constant 0 : i32
      %dma_start3A_100 = tpu.memref_slice %arg3[%mul3A_25, %dma_start3A_99] : memref<2560x128xi32, #tpu.memory_space<hbm>> -> memref<80x128xi32, #tpu.memory_space<hbm>>
      %dma_start3A_101 = arith.constant 0 : i32
      %dma_start3A_102 = arith.constant 0 : i32
      %dma_start3A_103 = tpu.memref_slice %arg15[%dma_start3A_101, %dma_start3A_102] : memref<104x128xi32, #tpu.memory_space<vmem>> -> memref<80x128xi32, #tpu.memory_space<vmem>>
      %dma_start3A_104 = arith.constant 0 : i32
      %dma_start3A_105 = tpu.memref_slice %arg3[%mul3A_25, %dma_start3A_104] : memref<2560x128xi32, #tpu.memory_space<hbm>> -> memref<80x128xi32, #tpu.memory_space<hbm>>
      tpu.enqueue_dma source(%dma_start3A_105 : memref<80x128xi32, #tpu.memory_space<hbm>>) target(%dma_start3A_103 : memref<80x128xi32, #tpu.memory_space<vmem>>) target_semaphore(%run_scoped3A : memref<!tpu.dma_semaphore, #tpu.memory_space<semaphore_mem>>)
      %dma_wait3A = arith.constant 0 : i32
      %dma_wait3A_106 = arith.constant 0 : i32
      %dma_wait3A_107 = tpu.memref_slice %arg15[%dma_wait3A, %dma_wait3A_106] : memref<104x128xi32, #tpu.memory_space<vmem>> -> memref<80x128xi32, #tpu.memory_space<vmem>>
      %dma_wait3A_108 = arith.constant 0 : i32
      %dma_wait3A_109 = tpu.memref_slice %arg3[%mul3A_25, %dma_wait3A_108] : memref<2560x128xi32, #tpu.memory_space<hbm>> -> memref<80x128xi32, #tpu.memory_space<hbm>>
      %dma_wait3A_110 = arith.constant 0 : i32
      %dma_wait3A_111 = arith.constant 0 : i32
      %dma_wait3A_112 = tpu.memref_slice %arg15[%dma_wait3A_110, %dma_wait3A_111] : memref<104x128xi32, #tpu.memory_space<vmem>> -> memref<80x128xi32, #tpu.memory_space<vmem>>
      %dma_wait3A_113 = arith.constant 0 : i32
      %dma_wait3A_114 = tpu.memref_slice %arg3[%mul3A_25, %dma_wait3A_113] : memref<2560x128xi32, #tpu.memory_space<hbm>> -> memref<80x128xi32, #tpu.memory_space<hbm>>
      tpu.wait_dma2 semaphore(%run_scoped3A : memref<!tpu.dma_semaphore, #tpu.memory_space<semaphore_mem>>) src(%dma_wait3A_114 : memref<80x128xi32, #tpu.memory_space<hbm>>) dst(%dma_wait3A_112 : memref<80x128xi32, #tpu.memory_space<vmem>>)
      tpu.yield
    }) : () -> ()
    %scan3A_26 = arith.constant 0 : i32
    %scan3A_27 = arith.constant 0 : i32
    %scan3A_28 = arith.constant 640 : i32
    %scan3A_29 = arith.addi %scan3A_27, %scan3A_28 : i32
    %scan3A_30 = arith.constant 1 : i32
    %scan3A_31 = scf.for %scan3A_97 = %scan3A_27 to %scan3A_29 step %scan3A_30 iter_args(%scan3A_98 = %scan3A_26) -> (i32)  : i32 {
      %jit3A = arith.constant 8 : i32
      %div3A = arith.divsi %scan3A_97, %jit3A : i32
      %sign3A = arith.constant 0 : i32
      %sign3A_99 = arith.cmpi sgt, %scan3A_97, %sign3A : i32
      %sign3A_100 = arith.extui %sign3A_99 : i1 to i32
      %sign3A_101 = arith.constant 0 : i32
      %sign3A_102 = arith.cmpi slt, %scan3A_97, %sign3A_101 : i32
      %sign3A_103 = arith.extui %sign3A_102 : i1 to i32
      %sign3A_104 = arith.subi %sign3A_100, %sign3A_103 : i32
      %sign3A_105 = arith.constant 0 : i32
      %sign3A_106 = arith.cmpi sgt, %jit3A, %sign3A_105 : i32
      %sign3A_107 = arith.extui %sign3A_106 : i1 to i32
      %sign3A_108 = arith.constant 0 : i32
      %sign3A_109 = arith.cmpi slt, %jit3A, %sign3A_108 : i32
      %sign3A_110 = arith.extui %sign3A_109 : i1 to i32
      %sign3A_111 = arith.subi %sign3A_107, %sign3A_110 : i32
      %ne3A = arith.cmpi ne, %sign3A_104, %sign3A_111 : i32
      %rem3A = arith.remsi %scan3A_97, %jit3A : i32
      %ne3A_112 = arith.constant 0 : i32
      %ne3A_113 = arith.cmpi ne, %rem3A, %ne3A_112 : i32
      %and3A = arith.andi %ne3A, %ne3A_113 : i1
      %sub3A = arith.constant 1 : i32
      %sub3A_114 = arith.subi %div3A, %sub3A : i32
      %select_n3A = arith.select %and3A, %sub3A_114, %div3A : i32
      %rem3A_115 = arith.constant 8 : i32
      %rem3A_116 = arith.remsi %scan3A_97, %rem3A_115 : i32
      %mul3A_117 = arith.constant 16 : i32
      %mul3A_118 = arith.muli %rem3A_116, %mul3A_117 : i32
      %get3A = arith.index_cast %select_n3A : i32 to index
      %get3A_119 = arith.index_cast %mul3A_118 : i32 to index
      %get3A_120 = tpu.vector_load %arg15[%get3A, %get3A_119] {strides = array<i32>} : memref<104x128xi32, #tpu.memory_space<vmem>>, vector<16xi32>,
      tpu.vector_store_idx %arg14[%get3A_120], %broadcast_in_dim3A_1 {add = true} : memref<50176xf32, #tpu.memory_space<vmem>>[vector<16xi32>], vector<16xf32>,
      %scan3A_121 = arith.constant 0 : i32
      scf.yield %scan3A_121 : i32
    }
    %scan3A_32 = arith.constant 640 : i32
    "tpu.region"() ({
      %run_scoped3A = tpu.sem_alloc : memref<!tpu.dma_semaphore, #tpu.memory_space<semaphore_mem>>
      %dma_start3A = arith.constant 0 : i32
      %dma_start3A_97 = tpu.memref_slice %arg14[%dma_start3A] : memref<50176xf32, #tpu.memory_space<vmem>> -> memref<10240xf32, #tpu.memory_space<vmem>>
      %dma_start3A_98 = arith.constant 0 : i32
      %dma_start3A_99 = tpu.memref_slice %arg9[%add3A, %dma_start3A_98] : memref<32x10240xf32, #tpu.memory_space<hbm>> -> memref<1x10240xf32, #tpu.memory_space<hbm>>
      %dma_start3A_100 = tpu.memref_squeeze %dma_start3A_99 : memref<1x10240xf32, #tpu.memory_space<hbm>> -> memref<10240xf32, #tpu.memory_space<hbm>>
      %dma_start3A_101 = arith.constant 0 : i32
      %dma_start3A_102 = tpu.memref_slice %arg9[%add3A, %dma_start3A_101] : memref<32x10240xf32, #tpu.memory_space<hbm>> -> memref<1x10240xf32, #tpu.memory_space<hbm>>
      %dma_start3A_103 = tpu.memref_squeeze %dma_start3A_102 : memref<1x10240xf32, #tpu.memory_space<hbm>> -> memref<10240xf32, #tpu.memory_space<hbm>>
      %dma_start3A_104 = arith.constant 0 : i32
      %dma_start3A_105 = tpu.memref_slice %arg14[%dma_start3A_104] : memref<50176xf32, #tpu.memory_space<vmem>> -> memref<10240xf32, #tpu.memory_space<vmem>>
      tpu.enqueue_dma source(%dma_start3A_105 : memref<10240xf32, #tpu.memory_space<vmem>>) target(%dma_start3A_103 : memref<10240xf32, #tpu.memory_space<hbm>>) target_semaphore(%run_scoped3A : memref<!tpu.dma_semaphore, #tpu.memory_space<semaphore_mem>>)
      %dma_wait3A = arith.constant 0 : i32
      %dma_wait3A_106 = tpu.memref_slice %arg14[%dma_wait3A] : memref<50176xf32, #tpu.memory_space<vmem>> -> memref<10240xf32, #tpu.memory_space<vmem>>
      %dma_wait3A_107 = arith.constant 0 : i32
      %dma_wait3A_108 = tpu.memref_slice %arg9[%add3A, %dma_wait3A_107] : memref<32x10240xf32, #tpu.memory_space<hbm>> -> memref<1x10240xf32, #tpu.memory_space<hbm>>
      %dma_wait3A_109 = tpu.memref_squeeze %dma_wait3A_108 : memref<1x10240xf32, #tpu.memory_space<hbm>> -> memref<10240xf32, #tpu.memory_space<hbm>>
      %dma_wait3A_110 = arith.constant 0 : i32
      %dma_wait3A_111 = tpu.memref_slice %arg9[%add3A, %dma_wait3A_110] : memref<32x10240xf32, #tpu.memory_space<hbm>> -> memref<1x10240xf32, #tpu.memory_space<hbm>>
      %dma_wait3A_112 = tpu.memref_squeeze %dma_wait3A_111 : memref<1x10240xf32, #tpu.memory_space<hbm>> -> memref<10240xf32, #tpu.memory_space<hbm>>
      %dma_wait3A_113 = arith.constant 0 : i32
      %dma_wait3A_114 = tpu.memref_slice %arg14[%dma_wait3A_113] : memref<50176xf32, #tpu.memory_space<vmem>> -> memref<10240xf32, #tpu.memory_space<vmem>>
      tpu.wait_dma2 semaphore(%run_scoped3A : memref<!tpu.dma_semaphore, #tpu.memory_space<semaphore_mem>>) src(%dma_wait3A_114 : memref<10240xf32, #tpu.memory_space<vmem>>) dst(%dma_wait3A_112 : memref<10240xf32, #tpu.memory_space<hbm>>)
      tpu.yield
    }) : () -> ()
    %scan3A_33 = arith.constant 0 : i32
    %scan3A_34 = arith.constant 0 : i32
    %scan3A_35 = arith.constant 3136 : i32
    %scan3A_36 = arith.addi %scan3A_34, %scan3A_35 : i32
    %scan3A_37 = arith.constant 1 : i32
    %scan3A_38 = scf.for %scan3A_97 = %scan3A_34 to %scan3A_36 step %scan3A_37 iter_args(%scan3A_98 = %scan3A_33) -> (i32)  : i32 {
      %broadcast_in_dim3A_99 = arith.constant 0.000000e+00 : f32
      %broadcast_in_dim3A_100 = vector.broadcast %broadcast_in_dim3A_99 : f32 to vector<16xf32>
      %mul3A_101 = arith.constant 16 : i32
      %mul3A_102 = arith.muli %scan3A_97, %mul3A_101 : i32
      %swap3A = arith.index_cast %mul3A_102 : i32 to index
      %swap3A_103 = tpu.vector_load %arg14[%swap3A] {strides = array<i32>} : memref<50176xf32, #tpu.memory_space<vmem>>, vector<16xf32>,
      tpu.vector_store %arg14[%swap3A], %broadcast_in_dim3A_100 {strides = array<i32>} : memref<50176xf32, #tpu.memory_space<vmem>>, vector<16xf32>,
      %scan3A_104 = arith.constant 0 : i32
      scf.yield %scan3A_104 : i32
    }
    %scan3A_39 = arith.constant 3136 : i32
    %mul3A_40 = arith.constant 104 : i32
    %mul3A_41 = arith.muli %add3A, %mul3A_40 : i32
    "tpu.region"() ({
      %run_scoped3A = tpu.sem_alloc : memref<!tpu.dma_semaphore, #tpu.memory_space<semaphore_mem>>
      %dma_start3A = arith.constant 0 : i32
      %dma_start3A_97 = arith.constant 0 : i32
      %dma_start3A_98 = tpu.memref_slice %arg15[%dma_start3A, %dma_start3A_97] : memref<104x128xi32, #tpu.memory_space<vmem>> -> memref<104x128xi32, #tpu.memory_space<vmem>>
      %dma_start3A_99 = arith.constant 0 : i32
      %dma_start3A_100 = tpu.memref_slice %arg4[%mul3A_41, %dma_start3A_99] : memref<3328x128xi32, #tpu.memory_space<hbm>> -> memref<104x128xi32, #tpu.memory_space<hbm>>
      %dma_start3A_101 = arith.constant 0 : i32
      %dma_start3A_102 = arith.constant 0 : i32
      %dma_start3A_103 = tpu.memref_slice %arg15[%dma_start3A_101, %dma_start3A_102] : memref<104x128xi32, #tpu.memory_space<vmem>> -> memref<104x128xi32, #tpu.memory_space<vmem>>
      %dma_start3A_104 = arith.constant 0 : i32
      %dma_start3A_105 = tpu.memref_slice %arg4[%mul3A_41, %dma_start3A_104] : memref<3328x128xi32, #tpu.memory_space<hbm>> -> memref<104x128xi32, #tpu.memory_space<hbm>>
      tpu.enqueue_dma source(%dma_start3A_105 : memref<104x128xi32, #tpu.memory_space<hbm>>) target(%dma_start3A_103 : memref<104x128xi32, #tpu.memory_space<vmem>>) target_semaphore(%run_scoped3A : memref<!tpu.dma_semaphore, #tpu.memory_space<semaphore_mem>>)
      %dma_wait3A = arith.constant 0 : i32
      %dma_wait3A_106 = arith.constant 0 : i32
      %dma_wait3A_107 = tpu.memref_slice %arg15[%dma_wait3A, %dma_wait3A_106] : memref<104x128xi32, #tpu.memory_space<vmem>> -> memref<104x128xi32, #tpu.memory_space<vmem>>
      %dma_wait3A_108 = arith.constant 0 : i32
      %dma_wait3A_109 = tpu.memref_slice %arg4[%mul3A_41, %dma_wait3A_108] : memref<3328x128xi32, #tpu.memory_space<hbm>> -> memref<104x128xi32, #tpu.memory_space<hbm>>
      %dma_wait3A_110 = arith.constant 0 : i32
      %dma_wait3A_111 = arith.constant 0 : i32
      %dma_wait3A_112 = tpu.memref_slice %arg15[%dma_wait3A_110, %dma_wait3A_111] : memref<104x128xi32, #tpu.memory_space<vmem>> -> memref<104x128xi32, #tpu.memory_space<vmem>>
      %dma_wait3A_113 = arith.constant 0 : i32
      %dma_wait3A_114 = tpu.memref_slice %arg4[%mul3A_41, %dma_wait3A_113] : memref<3328x128xi32, #tpu.memory_space<hbm>> -> memref<104x128xi32, #tpu.memory_space<hbm>>
      tpu.wait_dma2 semaphore(%run_scoped3A : memref<!tpu.dma_semaphore, #tpu.memory_space<semaphore_mem>>) src(%dma_wait3A_114 : memref<104x128xi32, #tpu.memory_space<hbm>>) dst(%dma_wait3A_112 : memref<104x128xi32, #tpu.memory_space<vmem>>)
      tpu.yield
    }) : () -> ()
    %scan3A_42 = arith.constant 0 : i32
    %scan3A_43 = arith.constant 0 : i32
    %scan3A_44 = arith.constant 832 : i32
    %scan3A_45 = arith.addi %scan3A_43, %scan3A_44 : i32
    %scan3A_46 = arith.constant 1 : i32
    %scan3A_47 = scf.for %scan3A_97 = %scan3A_43 to %scan3A_45 step %scan3A_46 iter_args(%scan3A_98 = %scan3A_42) -> (i32)  : i32 {
      %jit3A = arith.constant 8 : i32
      %div3A = arith.divsi %scan3A_97, %jit3A : i32
      %sign3A = arith.constant 0 : i32
      %sign3A_99 = arith.cmpi sgt, %scan3A_97, %sign3A : i32
      %sign3A_100 = arith.extui %sign3A_99 : i1 to i32
      %sign3A_101 = arith.constant 0 : i32
      %sign3A_102 = arith.cmpi slt, %scan3A_97, %sign3A_101 : i32
      %sign3A_103 = arith.extui %sign3A_102 : i1 to i32
      %sign3A_104 = arith.subi %sign3A_100, %sign3A_103 : i32
      %sign3A_105 = arith.constant 0 : i32
      %sign3A_106 = arith.cmpi sgt, %jit3A, %sign3A_105 : i32
      %sign3A_107 = arith.extui %sign3A_106 : i1 to i32
      %sign3A_108 = arith.constant 0 : i32
      %sign3A_109 = arith.cmpi slt, %jit3A, %sign3A_108 : i32
      %sign3A_110 = arith.extui %sign3A_109 : i1 to i32
      %sign3A_111 = arith.subi %sign3A_107, %sign3A_110 : i32
      %ne3A = arith.cmpi ne, %sign3A_104, %sign3A_111 : i32
      %rem3A = arith.remsi %scan3A_97, %jit3A : i32
      %ne3A_112 = arith.constant 0 : i32
      %ne3A_113 = arith.cmpi ne, %rem3A, %ne3A_112 : i32
      %and3A = arith.andi %ne3A, %ne3A_113 : i1
      %sub3A = arith.constant 1 : i32
      %sub3A_114 = arith.subi %div3A, %sub3A : i32
      %select_n3A = arith.select %and3A, %sub3A_114, %div3A : i32
      %rem3A_115 = arith.constant 8 : i32
      %rem3A_116 = arith.remsi %scan3A_97, %rem3A_115 : i32
      %mul3A_117 = arith.constant 16 : i32
      %mul3A_118 = arith.muli %rem3A_116, %mul3A_117 : i32
      %get3A = arith.index_cast %select_n3A : i32 to index
      %get3A_119 = arith.index_cast %mul3A_118 : i32 to index
      %get3A_120 = tpu.vector_load %arg15[%get3A, %get3A_119] {strides = array<i32>} : memref<104x128xi32, #tpu.memory_space<vmem>>, vector<16xi32>,
      tpu.vector_store_idx %arg14[%get3A_120], %broadcast_in_dim3A_1 {add = true} : memref<50176xf32, #tpu.memory_space<vmem>>[vector<16xi32>], vector<16xf32>,
      %scan3A_121 = arith.constant 0 : i32
      scf.yield %scan3A_121 : i32
    }
    %scan3A_48 = arith.constant 832 : i32
    "tpu.region"() ({
      %run_scoped3A = tpu.sem_alloc : memref<!tpu.dma_semaphore, #tpu.memory_space<semaphore_mem>>
      %dma_start3A = arith.constant 0 : i32
      %dma_start3A_97 = tpu.memref_slice %arg14[%dma_start3A] : memref<50176xf32, #tpu.memory_space<vmem>> -> memref<50176xf32, #tpu.memory_space<vmem>>
      %dma_start3A_98 = arith.constant 0 : i32
      %dma_start3A_99 = tpu.memref_slice %arg10[%add3A, %dma_start3A_98] : memref<32x50176xf32, #tpu.memory_space<hbm>> -> memref<1x50176xf32, #tpu.memory_space<hbm>>
      %dma_start3A_100 = tpu.memref_squeeze %dma_start3A_99 : memref<1x50176xf32, #tpu.memory_space<hbm>> -> memref<50176xf32, #tpu.memory_space<hbm>>
      %dma_start3A_101 = arith.constant 0 : i32
      %dma_start3A_102 = tpu.memref_slice %arg10[%add3A, %dma_start3A_101] : memref<32x50176xf32, #tpu.memory_space<hbm>> -> memref<1x50176xf32, #tpu.memory_space<hbm>>
      %dma_start3A_103 = tpu.memref_squeeze %dma_start3A_102 : memref<1x50176xf32, #tpu.memory_space<hbm>> -> memref<50176xf32, #tpu.memory_space<hbm>>
      %dma_start3A_104 = arith.constant 0 : i32
      %dma_start3A_105 = tpu.memref_slice %arg14[%dma_start3A_104] : memref<50176xf32, #tpu.memory_space<vmem>> -> memref<50176xf32, #tpu.memory_space<vmem>>
      tpu.enqueue_dma source(%dma_start3A_105 : memref<50176xf32, #tpu.memory_space<vmem>>) target(%dma_start3A_103 : memref<50176xf32, #tpu.memory_space<hbm>>) target_semaphore(%run_scoped3A : memref<!tpu.dma_semaphore, #tpu.memory_space<semaphore_mem>>)
      %dma_wait3A = arith.constant 0 : i32
      %dma_wait3A_106 = tpu.memref_slice %arg14[%dma_wait3A] : memref<50176xf32, #tpu.memory_space<vmem>> -> memref<50176xf32, #tpu.memory_space<vmem>>
      %dma_wait3A_107 = arith.constant 0 : i32
      %dma_wait3A_108 = tpu.memref_slice %arg10[%add3A, %dma_wait3A_107] : memref<32x50176xf32, #tpu.memory_space<hbm>> -> memref<1x50176xf32, #tpu.memory_space<hbm>>
      %dma_wait3A_109 = tpu.memref_squeeze %dma_wait3A_108 : memref<1x50176xf32, #tpu.memory_space<hbm>> -> memref<50176xf32, #tpu.memory_space<hbm>>
      %dma_wait3A_110 = arith.constant 0 : i32
      %dma_wait3A_111 = tpu.memref_slice %arg10[%add3A, %dma_wait3A_110] : memref<32x50176xf32, #tpu.memory_space<hbm>> -> memref<1x50176xf32, #tpu.memory_space<hbm>>
      %dma_wait3A_112 = tpu.memref_squeeze %dma_wait3A_111 : memref<1x50176xf32, #tpu.memory_space<hbm>> -> memref<50176xf32, #tpu.memory_space<hbm>>
      %dma_wait3A_113 = arith.constant 0 : i32
      %dma_wait3A_114 = tpu.memref_slice %arg14[%dma_wait3A_113] : memref<50176xf32, #tpu.memory_space<vmem>> -> memref<50176xf32, #tpu.memory_space<vmem>>
      tpu.wait_dma2 semaphore(%run_scoped3A : memref<!tpu.dma_semaphore, #tpu.memory_space<semaphore_mem>>) src(%dma_wait3A_114 : memref<50176xf32, #tpu.memory_space<vmem>>) dst(%dma_wait3A_112 : memref<50176xf32, #tpu.memory_space<hbm>>)
      tpu.yield
    }) : () -> ()
    %scan3A_49 = arith.constant 0 : i32
    %scan3A_50 = arith.constant 0 : i32
    %scan3A_51 = arith.constant 320 : i32
    %scan3A_52 = arith.addi %scan3A_50, %scan3A_51 : i32
    %scan3A_53 = arith.constant 1 : i32
    %scan3A_54 = scf.for %scan3A_97 = %scan3A_50 to %scan3A_52 step %scan3A_53 iter_args(%scan3A_98 = %scan3A_49) -> (i32)  : i32 {
      %broadcast_in_dim3A_99 = arith.constant 0.000000e+00 : f32
      %broadcast_in_dim3A_100 = vector.broadcast %broadcast_in_dim3A_99 : f32 to vector<16xf32>
      %mul3A_101 = arith.constant 16 : i32
      %mul3A_102 = arith.muli %scan3A_97, %mul3A_101 : i32
      %swap3A = arith.index_cast %mul3A_102 : i32 to index
      %swap3A_103 = tpu.vector_load %arg14[%swap3A] {strides = array<i32>} : memref<50176xf32, #tpu.memory_space<vmem>>, vector<16xf32>,
      tpu.vector_store %arg14[%swap3A], %broadcast_in_dim3A_100 {strides = array<i32>} : memref<50176xf32, #tpu.memory_space<vmem>>, vector<16xf32>,
      %scan3A_104 = arith.constant 0 : i32
      scf.yield %scan3A_104 : i32
    }
    %scan3A_55 = arith.constant 320 : i32
    %mul3A_56 = arith.constant 104 : i32
    %mul3A_57 = arith.muli %add3A, %mul3A_56 : i32
    "tpu.region"() ({
      %run_scoped3A = tpu.sem_alloc : memref<!tpu.dma_semaphore, #tpu.memory_space<semaphore_mem>>
      %dma_start3A = arith.constant 0 : i32
      %dma_start3A_97 = arith.constant 0 : i32
      %dma_start3A_98 = tpu.memref_slice %arg15[%dma_start3A, %dma_start3A_97] : memref<104x128xi32, #tpu.memory_space<vmem>> -> memref<104x128xi32, #tpu.memory_space<vmem>>
      %dma_start3A_99 = arith.constant 0 : i32
      %dma_start3A_100 = tpu.memref_slice %arg5[%mul3A_57, %dma_start3A_99] : memref<3328x128xi32, #tpu.memory_space<hbm>> -> memref<104x128xi32, #tpu.memory_space<hbm>>
      %dma_start3A_101 = arith.constant 0 : i32
      %dma_start3A_102 = arith.constant 0 : i32
      %dma_start3A_103 = tpu.memref_slice %arg15[%dma_start3A_101, %dma_start3A_102] : memref<104x128xi32, #tpu.memory_space<vmem>> -> memref<104x128xi32, #tpu.memory_space<vmem>>
      %dma_start3A_104 = arith.constant 0 : i32
      %dma_start3A_105 = tpu.memref_slice %arg5[%mul3A_57, %dma_start3A_104] : memref<3328x128xi32, #tpu.memory_space<hbm>> -> memref<104x128xi32, #tpu.memory_space<hbm>>
      tpu.enqueue_dma source(%dma_start3A_105 : memref<104x128xi32, #tpu.memory_space<hbm>>) target(%dma_start3A_103 : memref<104x128xi32, #tpu.memory_space<vmem>>) target_semaphore(%run_scoped3A : memref<!tpu.dma_semaphore, #tpu.memory_space<semaphore_mem>>)
      %dma_wait3A = arith.constant 0 : i32
      %dma_wait3A_106 = arith.constant 0 : i32
      %dma_wait3A_107 = tpu.memref_slice %arg15[%dma_wait3A, %dma_wait3A_106] : memref<104x128xi32, #tpu.memory_space<vmem>> -> memref<104x128xi32, #tpu.memory_space<vmem>>
      %dma_wait3A_108 = arith.constant 0 : i32
      %dma_wait3A_109 = tpu.memref_slice %arg5[%mul3A_57, %dma_wait3A_108] : memref<3328x128xi32, #tpu.memory_space<hbm>> -> memref<104x128xi32, #tpu.memory_space<hbm>>
      %dma_wait3A_110 = arith.constant 0 : i32
      %dma_wait3A_111 = arith.constant 0 : i32
      %dma_wait3A_112 = tpu.memref_slice %arg15[%dma_wait3A_110, %dma_wait3A_111] : memref<104x128xi32, #tpu.memory_space<vmem>> -> memref<104x128xi32, #tpu.memory_space<vmem>>
      %dma_wait3A_113 = arith.constant 0 : i32
      %dma_wait3A_114 = tpu.memref_slice %arg5[%mul3A_57, %dma_wait3A_113] : memref<3328x128xi32, #tpu.memory_space<hbm>> -> memref<104x128xi32, #tpu.memory_space<hbm>>
      tpu.wait_dma2 semaphore(%run_scoped3A : memref<!tpu.dma_semaphore, #tpu.memory_space<semaphore_mem>>) src(%dma_wait3A_114 : memref<104x128xi32, #tpu.memory_space<hbm>>) dst(%dma_wait3A_112 : memref<104x128xi32, #tpu.memory_space<vmem>>)
      tpu.yield
    }) : () -> ()
    %scan3A_58 = arith.constant 0 : i32
    %scan3A_59 = arith.constant 0 : i32
    %scan3A_60 = arith.constant 832 : i32
    %scan3A_61 = arith.addi %scan3A_59, %scan3A_60 : i32
    %scan3A_62 = arith.constant 1 : i32
    %scan3A_63 = scf.for %scan3A_97 = %scan3A_59 to %scan3A_61 step %scan3A_62 iter_args(%scan3A_98 = %scan3A_58) -> (i32)  : i32 {
      %jit3A = arith.constant 8 : i32
      %div3A = arith.divsi %scan3A_97, %jit3A : i32
      %sign3A = arith.constant 0 : i32
      %sign3A_99 = arith.cmpi sgt, %scan3A_97, %sign3A : i32
      %sign3A_100 = arith.extui %sign3A_99 : i1 to i32
      %sign3A_101 = arith.constant 0 : i32
      %sign3A_102 = arith.cmpi slt, %scan3A_97, %sign3A_101 : i32
      %sign3A_103 = arith.extui %sign3A_102 : i1 to i32
      %sign3A_104 = arith.subi %sign3A_100, %sign3A_103 : i32
      %sign3A_105 = arith.constant 0 : i32
      %sign3A_106 = arith.cmpi sgt, %jit3A, %sign3A_105 : i32
      %sign3A_107 = arith.extui %sign3A_106 : i1 to i32
      %sign3A_108 = arith.constant 0 : i32
      %sign3A_109 = arith.cmpi slt, %jit3A, %sign3A_108 : i32
      %sign3A_110 = arith.extui %sign3A_109 : i1 to i32
      %sign3A_111 = arith.subi %sign3A_107, %sign3A_110 : i32
      %ne3A = arith.cmpi ne, %sign3A_104, %sign3A_111 : i32
      %rem3A = arith.remsi %scan3A_97, %jit3A : i32
      %ne3A_112 = arith.constant 0 : i32
      %ne3A_113 = arith.cmpi ne, %rem3A, %ne3A_112 : i32
      %and3A = arith.andi %ne3A, %ne3A_113 : i1
      %sub3A = arith.constant 1 : i32
      %sub3A_114 = arith.subi %div3A, %sub3A : i32
      %select_n3A = arith.select %and3A, %sub3A_114, %div3A : i32
      %rem3A_115 = arith.constant 8 : i32
      %rem3A_116 = arith.remsi %scan3A_97, %rem3A_115 : i32
      %mul3A_117 = arith.constant 16 : i32
      %mul3A_118 = arith.muli %rem3A_116, %mul3A_117 : i32
      %get3A = arith.index_cast %select_n3A : i32 to index
      %get3A_119 = arith.index_cast %mul3A_118 : i32 to index
      %get3A_120 = tpu.vector_load %arg15[%get3A, %get3A_119] {strides = array<i32>} : memref<104x128xi32, #tpu.memory_space<vmem>>, vector<16xi32>,
      tpu.vector_store_idx %arg14[%get3A_120], %broadcast_in_dim3A_1 {add = true} : memref<50176xf32, #tpu.memory_space<vmem>>[vector<16xi32>], vector<16xf32>,
      %scan3A_121 = arith.constant 0 : i32
      scf.yield %scan3A_121 : i32
    }
    %scan3A_64 = arith.constant 832 : i32
    "tpu.region"() ({
      %run_scoped3A = tpu.sem_alloc : memref<!tpu.dma_semaphore, #tpu.memory_space<semaphore_mem>>
      %dma_start3A = arith.constant 0 : i32
      %dma_start3A_97 = tpu.memref_slice %arg14[%dma_start3A] : memref<50176xf32, #tpu.memory_space<vmem>> -> memref<5120xf32, #tpu.memory_space<vmem>>
      %dma_start3A_98 = arith.constant 0 : i32
      %dma_start3A_99 = tpu.memref_slice %arg11[%add3A, %dma_start3A_98] : memref<32x5120xf32, #tpu.memory_space<hbm>> -> memref<1x5120xf32, #tpu.memory_space<hbm>>
      %dma_start3A_100 = tpu.memref_squeeze %dma_start3A_99 : memref<1x5120xf32, #tpu.memory_space<hbm>> -> memref<5120xf32, #tpu.memory_space<hbm>>
      %dma_start3A_101 = arith.constant 0 : i32
      %dma_start3A_102 = tpu.memref_slice %arg11[%add3A, %dma_start3A_101] : memref<32x5120xf32, #tpu.memory_space<hbm>> -> memref<1x5120xf32, #tpu.memory_space<hbm>>
      %dma_start3A_103 = tpu.memref_squeeze %dma_start3A_102 : memref<1x5120xf32, #tpu.memory_space<hbm>> -> memref<5120xf32, #tpu.memory_space<hbm>>
      %dma_start3A_104 = arith.constant 0 : i32
      %dma_start3A_105 = tpu.memref_slice %arg14[%dma_start3A_104] : memref<50176xf32, #tpu.memory_space<vmem>> -> memref<5120xf32, #tpu.memory_space<vmem>>
      tpu.enqueue_dma source(%dma_start3A_105 : memref<5120xf32, #tpu.memory_space<vmem>>) target(%dma_start3A_103 : memref<5120xf32, #tpu.memory_space<hbm>>) target_semaphore(%run_scoped3A : memref<!tpu.dma_semaphore, #tpu.memory_space<semaphore_mem>>)
      %dma_wait3A = arith.constant 0 : i32
      %dma_wait3A_106 = tpu.memref_slice %arg14[%dma_wait3A] : memref<50176xf32, #tpu.memory_space<vmem>> -> memref<5120xf32, #tpu.memory_space<vmem>>
      %dma_wait3A_107 = arith.constant 0 : i32
      %dma_wait3A_108 = tpu.memref_slice %arg11[%add3A, %dma_wait3A_107] : memref<32x5120xf32, #tpu.memory_space<hbm>> -> memref<1x5120xf32, #tpu.memory_space<hbm>>
      %dma_wait3A_109 = tpu.memref_squeeze %dma_wait3A_108 : memref<1x5120xf32, #tpu.memory_space<hbm>> -> memref<5120xf32, #tpu.memory_space<hbm>>
      %dma_wait3A_110 = arith.constant 0 : i32
      %dma_wait3A_111 = tpu.memref_slice %arg11[%add3A, %dma_wait3A_110] : memref<32x5120xf32, #tpu.memory_space<hbm>> -> memref<1x5120xf32, #tpu.memory_space<hbm>>
      %dma_wait3A_112 = tpu.memref_squeeze %dma_wait3A_111 : memref<1x5120xf32, #tpu.memory_space<hbm>> -> memref<5120xf32, #tpu.memory_space<hbm>>
      %dma_wait3A_113 = arith.constant 0 : i32
      %dma_wait3A_114 = tpu.memref_slice %arg14[%dma_wait3A_113] : memref<50176xf32, #tpu.memory_space<vmem>> -> memref<5120xf32, #tpu.memory_space<vmem>>
      tpu.wait_dma2 semaphore(%run_scoped3A : memref<!tpu.dma_semaphore, #tpu.memory_space<semaphore_mem>>) src(%dma_wait3A_114 : memref<5120xf32, #tpu.memory_space<vmem>>) dst(%dma_wait3A_112 : memref<5120xf32, #tpu.memory_space<hbm>>)
      tpu.yield
    }) : () -> ()
    %scan3A_65 = arith.constant 0 : i32
    %scan3A_66 = arith.constant 0 : i32
    %scan3A_67 = arith.constant 320 : i32
    %scan3A_68 = arith.addi %scan3A_66, %scan3A_67 : i32
    %scan3A_69 = arith.constant 1 : i32
    %scan3A_70 = scf.for %scan3A_97 = %scan3A_66 to %scan3A_68 step %scan3A_69 iter_args(%scan3A_98 = %scan3A_65) -> (i32)  : i32 {
      %broadcast_in_dim3A_99 = arith.constant 0.000000e+00 : f32
      %broadcast_in_dim3A_100 = vector.broadcast %broadcast_in_dim3A_99 : f32 to vector<16xf32>
      %mul3A_101 = arith.constant 16 : i32
      %mul3A_102 = arith.muli %scan3A_97, %mul3A_101 : i32
      %swap3A = arith.index_cast %mul3A_102 : i32 to index
      %swap3A_103 = tpu.vector_load %arg14[%swap3A] {strides = array<i32>} : memref<50176xf32, #tpu.memory_space<vmem>>, vector<16xf32>,
      tpu.vector_store %arg14[%swap3A], %broadcast_in_dim3A_100 {strides = array<i32>} : memref<50176xf32, #tpu.memory_space<vmem>>, vector<16xf32>,
      %scan3A_104 = arith.constant 0 : i32
      scf.yield %scan3A_104 : i32
    }
    %scan3A_71 = arith.constant 320 : i32
    %mul3A_72 = arith.constant 104 : i32
    %mul3A_73 = arith.muli %add3A, %mul3A_72 : i32
    "tpu.region"() ({
      %run_scoped3A = tpu.sem_alloc : memref<!tpu.dma_semaphore, #tpu.memory_space<semaphore_mem>>
      %dma_start3A = arith.constant 0 : i32
      %dma_start3A_97 = arith.constant 0 : i32
      %dma_start3A_98 = tpu.memref_slice %arg15[%dma_start3A, %dma_start3A_97] : memref<104x128xi32, #tpu.memory_space<vmem>> -> memref<104x128xi32, #tpu.memory_space<vmem>>
      %dma_start3A_99 = arith.constant 0 : i32
      %dma_start3A_100 = tpu.memref_slice %arg6[%mul3A_73, %dma_start3A_99] : memref<3328x128xi32, #tpu.memory_space<hbm>> -> memref<104x128xi32, #tpu.memory_space<hbm>>
      %dma_start3A_101 = arith.constant 0 : i32
      %dma_start3A_102 = arith.constant 0 : i32
      %dma_start3A_103 = tpu.memref_slice %arg15[%dma_start3A_101, %dma_start3A_102] : memref<104x128xi32, #tpu.memory_space<vmem>> -> memref<104x128xi32, #tpu.memory_space<vmem>>
      %dma_start3A_104 = arith.constant 0 : i32
      %dma_start3A_105 = tpu.memref_slice %arg6[%mul3A_73, %dma_start3A_104] : memref<3328x128xi32, #tpu.memory_space<hbm>> -> memref<104x128xi32, #tpu.memory_space<hbm>>
      tpu.enqueue_dma source(%dma_start3A_105 : memref<104x128xi32, #tpu.memory_space<hbm>>) target(%dma_start3A_103 : memref<104x128xi32, #tpu.memory_space<vmem>>) target_semaphore(%run_scoped3A : memref<!tpu.dma_semaphore, #tpu.memory_space<semaphore_mem>>)
      %dma_wait3A = arith.constant 0 : i32
      %dma_wait3A_106 = arith.constant 0 : i32
      %dma_wait3A_107 = tpu.memref_slice %arg15[%dma_wait3A, %dma_wait3A_106] : memref<104x128xi32, #tpu.memory_space<vmem>> -> memref<104x128xi32, #tpu.memory_space<vmem>>
      %dma_wait3A_108 = arith.constant 0 : i32
      %dma_wait3A_109 = tpu.memref_slice %arg6[%mul3A_73, %dma_wait3A_108] : memref<3328x128xi32, #tpu.memory_space<hbm>> -> memref<104x128xi32, #tpu.memory_space<hbm>>
      %dma_wait3A_110 = arith.constant 0 : i32
      %dma_wait3A_111 = arith.constant 0 : i32
      %dma_wait3A_112 = tpu.memref_slice %arg15[%dma_wait3A_110, %dma_wait3A_111] : memref<104x128xi32, #tpu.memory_space<vmem>> -> memref<104x128xi32, #tpu.memory_space<vmem>>
      %dma_wait3A_113 = arith.constant 0 : i32
      %dma_wait3A_114 = tpu.memref_slice %arg6[%mul3A_73, %dma_wait3A_113] : memref<3328x128xi32, #tpu.memory_space<hbm>> -> memref<104x128xi32, #tpu.memory_space<hbm>>
      tpu.wait_dma2 semaphore(%run_scoped3A : memref<!tpu.dma_semaphore, #tpu.memory_space<semaphore_mem>>) src(%dma_wait3A_114 : memref<104x128xi32, #tpu.memory_space<hbm>>) dst(%dma_wait3A_112 : memref<104x128xi32, #tpu.memory_space<vmem>>)
      tpu.yield
    }) : () -> ()
    %scan3A_74 = arith.constant 0 : i32
    %scan3A_75 = arith.constant 0 : i32
    %scan3A_76 = arith.constant 832 : i32
    %scan3A_77 = arith.addi %scan3A_75, %scan3A_76 : i32
    %scan3A_78 = arith.constant 1 : i32
    %scan3A_79 = scf.for %scan3A_97 = %scan3A_75 to %scan3A_77 step %scan3A_78 iter_args(%scan3A_98 = %scan3A_74) -> (i32)  : i32 {
      %jit3A = arith.constant 8 : i32
      %div3A = arith.divsi %scan3A_97, %jit3A : i32
      %sign3A = arith.constant 0 : i32
      %sign3A_99 = arith.cmpi sgt, %scan3A_97, %sign3A : i32
      %sign3A_100 = arith.extui %sign3A_99 : i1 to i32
      %sign3A_101 = arith.constant 0 : i32
      %sign3A_102 = arith.cmpi slt, %scan3A_97, %sign3A_101 : i32
      %sign3A_103 = arith.extui %sign3A_102 : i1 to i32
      %sign3A_104 = arith.subi %sign3A_100, %sign3A_103 : i32
      %sign3A_105 = arith.constant 0 : i32
      %sign3A_106 = arith.cmpi sgt, %jit3A, %sign3A_105 : i32
      %sign3A_107 = arith.extui %sign3A_106 : i1 to i32
      %sign3A_108 = arith.constant 0 : i32
      %sign3A_109 = arith.cmpi slt, %jit3A, %sign3A_108 : i32
      %sign3A_110 = arith.extui %sign3A_109 : i1 to i32
      %sign3A_111 = arith.subi %sign3A_107, %sign3A_110 : i32
      %ne3A = arith.cmpi ne, %sign3A_104, %sign3A_111 : i32
      %rem3A = arith.remsi %scan3A_97, %jit3A : i32
      %ne3A_112 = arith.constant 0 : i32
      %ne3A_113 = arith.cmpi ne, %rem3A, %ne3A_112 : i32
      %and3A = arith.andi %ne3A, %ne3A_113 : i1
      %sub3A = arith.constant 1 : i32
      %sub3A_114 = arith.subi %div3A, %sub3A : i32
      %select_n3A = arith.select %and3A, %sub3A_114, %div3A : i32
      %rem3A_115 = arith.constant 8 : i32
      %rem3A_116 = arith.remsi %scan3A_97, %rem3A_115 : i32
      %mul3A_117 = arith.constant 16 : i32
      %mul3A_118 = arith.muli %rem3A_116, %mul3A_117 : i32
      %get3A = arith.index_cast %select_n3A : i32 to index
      %get3A_119 = arith.index_cast %mul3A_118 : i32 to index
      %get3A_120 = tpu.vector_load %arg15[%get3A, %get3A_119] {strides = array<i32>} : memref<104x128xi32, #tpu.memory_space<vmem>>, vector<16xi32>,
      tpu.vector_store_idx %arg14[%get3A_120], %broadcast_in_dim3A_1 {add = true} : memref<50176xf32, #tpu.memory_space<vmem>>[vector<16xi32>], vector<16xf32>,
      %scan3A_121 = arith.constant 0 : i32
      scf.yield %scan3A_121 : i32
    }
    %scan3A_80 = arith.constant 832 : i32
    "tpu.region"() ({
      %run_scoped3A = tpu.sem_alloc : memref<!tpu.dma_semaphore, #tpu.memory_space<semaphore_mem>>
      %dma_start3A = arith.constant 0 : i32
      %dma_start3A_97 = tpu.memref_slice %arg14[%dma_start3A] : memref<50176xf32, #tpu.memory_space<vmem>> -> memref<5120xf32, #tpu.memory_space<vmem>>
      %dma_start3A_98 = arith.constant 0 : i32
      %dma_start3A_99 = tpu.memref_slice %arg12[%add3A, %dma_start3A_98] : memref<32x5120xf32, #tpu.memory_space<hbm>> -> memref<1x5120xf32, #tpu.memory_space<hbm>>
      %dma_start3A_100 = tpu.memref_squeeze %dma_start3A_99 : memref<1x5120xf32, #tpu.memory_space<hbm>> -> memref<5120xf32, #tpu.memory_space<hbm>>
      %dma_start3A_101 = arith.constant 0 : i32
      %dma_start3A_102 = tpu.memref_slice %arg12[%add3A, %dma_start3A_101] : memref<32x5120xf32, #tpu.memory_space<hbm>> -> memref<1x5120xf32, #tpu.memory_space<hbm>>
      %dma_start3A_103 = tpu.memref_squeeze %dma_start3A_102 : memref<1x5120xf32, #tpu.memory_space<hbm>> -> memref<5120xf32, #tpu.memory_space<hbm>>
      %dma_start3A_104 = arith.constant 0 : i32
      %dma_start3A_105 = tpu.memref_slice %arg14[%dma_start3A_104] : memref<50176xf32, #tpu.memory_space<vmem>> -> memref<5120xf32, #tpu.memory_space<vmem>>
      tpu.enqueue_dma source(%dma_start3A_105 : memref<5120xf32, #tpu.memory_space<vmem>>) target(%dma_start3A_103 : memref<5120xf32, #tpu.memory_space<hbm>>) target_semaphore(%run_scoped3A : memref<!tpu.dma_semaphore, #tpu.memory_space<semaphore_mem>>)
      %dma_wait3A = arith.constant 0 : i32
      %dma_wait3A_106 = tpu.memref_slice %arg14[%dma_wait3A] : memref<50176xf32, #tpu.memory_space<vmem>> -> memref<5120xf32, #tpu.memory_space<vmem>>
      %dma_wait3A_107 = arith.constant 0 : i32
      %dma_wait3A_108 = tpu.memref_slice %arg12[%add3A, %dma_wait3A_107] : memref<32x5120xf32, #tpu.memory_space<hbm>> -> memref<1x5120xf32, #tpu.memory_space<hbm>>
      %dma_wait3A_109 = tpu.memref_squeeze %dma_wait3A_108 : memref<1x5120xf32, #tpu.memory_space<hbm>> -> memref<5120xf32, #tpu.memory_space<hbm>>
      %dma_wait3A_110 = arith.constant 0 : i32
      %dma_wait3A_111 = tpu.memref_slice %arg12[%add3A, %dma_wait3A_110] : memref<32x5120xf32, #tpu.memory_space<hbm>> -> memref<1x5120xf32, #tpu.memory_space<hbm>>
      %dma_wait3A_112 = tpu.memref_squeeze %dma_wait3A_111 : memref<1x5120xf32, #tpu.memory_space<hbm>> -> memref<5120xf32, #tpu.memory_space<hbm>>
      %dma_wait3A_113 = arith.constant 0 : i32
      %dma_wait3A_114 = tpu.memref_slice %arg14[%dma_wait3A_113] : memref<50176xf32, #tpu.memory_space<vmem>> -> memref<5120xf32, #tpu.memory_space<vmem>>
      tpu.wait_dma2 semaphore(%run_scoped3A : memref<!tpu.dma_semaphore, #tpu.memory_space<semaphore_mem>>) src(%dma_wait3A_114 : memref<5120xf32, #tpu.memory_space<vmem>>) dst(%dma_wait3A_112 : memref<5120xf32, #tpu.memory_space<hbm>>)
      tpu.yield
    }) : () -> ()
    %scan3A_81 = arith.constant 0 : i32
    %scan3A_82 = arith.constant 0 : i32
    %scan3A_83 = arith.constant 3136 : i32
    %scan3A_84 = arith.addi %scan3A_82, %scan3A_83 : i32
    %scan3A_85 = arith.constant 1 : i32
    %scan3A_86 = scf.for %scan3A_97 = %scan3A_82 to %scan3A_84 step %scan3A_85 iter_args(%scan3A_98 = %scan3A_81) -> (i32)  : i32 {
      %broadcast_in_dim3A_99 = arith.constant 0.000000e+00 : f32
      %broadcast_in_dim3A_100 = vector.broadcast %broadcast_in_dim3A_99 : f32 to vector<16xf32>
      %mul3A_101 = arith.constant 16 : i32
      %mul3A_102 = arith.muli %scan3A_97, %mul3A_101 : i32
      %swap3A = arith.index_cast %mul3A_102 : i32 to index
      %swap3A_103 = tpu.vector_load %arg14[%swap3A] {strides = array<i32>} : memref<50176xf32, #tpu.memory_space<vmem>>, vector<16xf32>,
      tpu.vector_store %arg14[%swap3A], %broadcast_in_dim3A_100 {strides = array<i32>} : memref<50176xf32, #tpu.memory_space<vmem>>, vector<16xf32>,
      %scan3A_104 = arith.constant 0 : i32
      scf.yield %scan3A_104 : i32
    }
    %scan3A_87 = arith.constant 3136 : i32
    %mul3A_88 = arith.constant 104 : i32
    %mul3A_89 = arith.muli %add3A, %mul3A_88 : i32
    "tpu.region"() ({
      %run_scoped3A = tpu.sem_alloc : memref<!tpu.dma_semaphore, #tpu.memory_space<semaphore_mem>>
      %dma_start3A = arith.constant 0 : i32
      %dma_start3A_97 = arith.constant 0 : i32
      %dma_start3A_98 = tpu.memref_slice %arg15[%dma_start3A, %dma_start3A_97] : memref<104x128xi32, #tpu.memory_space<vmem>> -> memref<104x128xi32, #tpu.memory_space<vmem>>
      %dma_start3A_99 = arith.constant 0 : i32
      %dma_start3A_100 = tpu.memref_slice %arg7[%mul3A_89, %dma_start3A_99] : memref<3328x128xi32, #tpu.memory_space<hbm>> -> memref<104x128xi32, #tpu.memory_space<hbm>>
      %dma_start3A_101 = arith.constant 0 : i32
      %dma_start3A_102 = arith.constant 0 : i32
      %dma_start3A_103 = tpu.memref_slice %arg15[%dma_start3A_101, %dma_start3A_102] : memref<104x128xi32, #tpu.memory_space<vmem>> -> memref<104x128xi32, #tpu.memory_space<vmem>>
      %dma_start3A_104 = arith.constant 0 : i32
      %dma_start3A_105 = tpu.memref_slice %arg7[%mul3A_89, %dma_start3A_104] : memref<3328x128xi32, #tpu.memory_space<hbm>> -> memref<104x128xi32, #tpu.memory_space<hbm>>
      tpu.enqueue_dma source(%dma_start3A_105 : memref<104x128xi32, #tpu.memory_space<hbm>>) target(%dma_start3A_103 : memref<104x128xi32, #tpu.memory_space<vmem>>) target_semaphore(%run_scoped3A : memref<!tpu.dma_semaphore, #tpu.memory_space<semaphore_mem>>)
      %dma_wait3A = arith.constant 0 : i32
      %dma_wait3A_106 = arith.constant 0 : i32
      %dma_wait3A_107 = tpu.memref_slice %arg15[%dma_wait3A, %dma_wait3A_106] : memref<104x128xi32, #tpu.memory_space<vmem>> -> memref<104x128xi32, #tpu.memory_space<vmem>>
      %dma_wait3A_108 = arith.constant 0 : i32
      %dma_wait3A_109 = tpu.memref_slice %arg7[%mul3A_89, %dma_wait3A_108] : memref<3328x128xi32, #tpu.memory_space<hbm>> -> memref<104x128xi32, #tpu.memory_space<hbm>>
      %dma_wait3A_110 = arith.constant 0 : i32
      %dma_wait3A_111 = arith.constant 0 : i32
      %dma_wait3A_112 = tpu.memref_slice %arg15[%dma_wait3A_110, %dma_wait3A_111] : memref<104x128xi32, #tpu.memory_space<vmem>> -> memref<104x128xi32, #tpu.memory_space<vmem>>
      %dma_wait3A_113 = arith.constant 0 : i32
      %dma_wait3A_114 = tpu.memref_slice %arg7[%mul3A_89, %dma_wait3A_113] : memref<3328x128xi32, #tpu.memory_space<hbm>> -> memref<104x128xi32, #tpu.memory_space<hbm>>
      tpu.wait_dma2 semaphore(%run_scoped3A : memref<!tpu.dma_semaphore, #tpu.memory_space<semaphore_mem>>) src(%dma_wait3A_114 : memref<104x128xi32, #tpu.memory_space<hbm>>) dst(%dma_wait3A_112 : memref<104x128xi32, #tpu.memory_space<vmem>>)
      tpu.yield
    }) : () -> ()
    %scan3A_90 = arith.constant 0 : i32
    %scan3A_91 = arith.constant 0 : i32
    %scan3A_92 = arith.constant 832 : i32
    %scan3A_93 = arith.addi %scan3A_91, %scan3A_92 : i32
    %scan3A_94 = arith.constant 1 : i32
    %scan3A_95 = scf.for %scan3A_97 = %scan3A_91 to %scan3A_93 step %scan3A_94 iter_args(%scan3A_98 = %scan3A_90) -> (i32)  : i32 {
      %jit3A = arith.constant 8 : i32
      %div3A = arith.divsi %scan3A_97, %jit3A : i32
      %sign3A = arith.constant 0 : i32
      %sign3A_99 = arith.cmpi sgt, %scan3A_97, %sign3A : i32
      %sign3A_100 = arith.extui %sign3A_99 : i1 to i32
      %sign3A_101 = arith.constant 0 : i32
      %sign3A_102 = arith.cmpi slt, %scan3A_97, %sign3A_101 : i32
      %sign3A_103 = arith.extui %sign3A_102 : i1 to i32
      %sign3A_104 = arith.subi %sign3A_100, %sign3A_103 : i32
      %sign3A_105 = arith.constant 0 : i32
      %sign3A_106 = arith.cmpi sgt, %jit3A, %sign3A_105 : i32
      %sign3A_107 = arith.extui %sign3A_106 : i1 to i32
      %sign3A_108 = arith.constant 0 : i32
      %sign3A_109 = arith.cmpi slt, %jit3A, %sign3A_108 : i32
      %sign3A_110 = arith.extui %sign3A_109 : i1 to i32
      %sign3A_111 = arith.subi %sign3A_107, %sign3A_110 : i32
      %ne3A = arith.cmpi ne, %sign3A_104, %sign3A_111 : i32
      %rem3A = arith.remsi %scan3A_97, %jit3A : i32
      %ne3A_112 = arith.constant 0 : i32
      %ne3A_113 = arith.cmpi ne, %rem3A, %ne3A_112 : i32
      %and3A = arith.andi %ne3A, %ne3A_113 : i1
      %sub3A = arith.constant 1 : i32
      %sub3A_114 = arith.subi %div3A, %sub3A : i32
      %select_n3A = arith.select %and3A, %sub3A_114, %div3A : i32
      %rem3A_115 = arith.constant 8 : i32
      %rem3A_116 = arith.remsi %scan3A_97, %rem3A_115 : i32
      %mul3A_117 = arith.constant 16 : i32
      %mul3A_118 = arith.muli %rem3A_116, %mul3A_117 : i32
      %get3A = arith.index_cast %select_n3A : i32 to index
      %get3A_119 = arith.index_cast %mul3A_118 : i32 to index
      %get3A_120 = tpu.vector_load %arg15[%get3A, %get3A_119] {strides = array<i32>} : memref<104x128xi32, #tpu.memory_space<vmem>>, vector<16xi32>,
      tpu.vector_store_idx %arg14[%get3A_120], %broadcast_in_dim3A_1 {add = true} : memref<50176xf32, #tpu.memory_space<vmem>>[vector<16xi32>], vector<16xf32>,
      %scan3A_121 = arith.constant 0 : i32
      scf.yield %scan3A_121 : i32
    }
    %scan3A_96 = arith.constant 832 : i32
    "tpu.region"() ({
      %run_scoped3A = tpu.sem_alloc : memref<!tpu.dma_semaphore, #tpu.memory_space<semaphore_mem>>
      %dma_start3A = arith.constant 0 : i32
      %dma_start3A_97 = tpu.memref_slice %arg14[%dma_start3A] : memref<50176xf32, #tpu.memory_space<vmem>> -> memref<50176xf32, #tpu.memory_space<vmem>>
      %dma_start3A_98 = arith.constant 0 : i32
      %dma_start3A_99 = tpu.memref_slice %arg13[%add3A, %dma_start3A_98] : memref<32x50176xf32, #tpu.memory_space<hbm>> -> memref<1x50176xf32, #tpu.memory_space<hbm>>
      %dma_start3A_100 = tpu.memref_squeeze %dma_start3A_99 : memref<1x50176xf32, #tpu.memory_space<hbm>> -> memref<50176xf32, #tpu.memory_space<hbm>>
      %dma_start3A_101 = arith.constant 0 : i32
      %dma_start3A_102 = tpu.memref_slice %arg13[%add3A, %dma_start3A_101] : memref<32x50176xf32, #tpu.memory_space<hbm>> -> memref<1x50176xf32, #tpu.memory_space<hbm>>
      %dma_start3A_103 = tpu.memref_squeeze %dma_start3A_102 : memref<1x50176xf32, #tpu.memory_space<hbm>> -> memref<50176xf32, #tpu.memory_space<hbm>>
      %dma_start3A_104 = arith.constant 0 : i32
      %dma_start3A_105 = tpu.memref_slice %arg14[%dma_start3A_104] : memref<50176xf32, #tpu.memory_space<vmem>> -> memref<50176xf32, #tpu.memory_space<vmem>>
      tpu.enqueue_dma source(%dma_start3A_105 : memref<50176xf32, #tpu.memory_space<vmem>>) target(%dma_start3A_103 : memref<50176xf32, #tpu.memory_space<hbm>>) target_semaphore(%run_scoped3A : memref<!tpu.dma_semaphore, #tpu.memory_space<semaphore_mem>>)
      %dma_wait3A = arith.constant 0 : i32
      %dma_wait3A_106 = tpu.memref_slice %arg14[%dma_wait3A] : memref<50176xf32, #tpu.memory_space<vmem>> -> memref<50176xf32, #tpu.memory_space<vmem>>
      %dma_wait3A_107 = arith.constant 0 : i32
      %dma_wait3A_108 = tpu.memref_slice %arg13[%add3A, %dma_wait3A_107] : memref<32x50176xf32, #tpu.memory_space<hbm>> -> memref<1x50176xf32, #tpu.memory_space<hbm>>
      %dma_wait3A_109 = tpu.memref_squeeze %dma_wait3A_108 : memref<1x50176xf32, #tpu.memory_space<hbm>> -> memref<50176xf32, #tpu.memory_space<hbm>>
      %dma_wait3A_110 = arith.constant 0 : i32
      %dma_wait3A_111 = tpu.memref_slice %arg13[%add3A, %dma_wait3A_110] : memref<32x50176xf32, #tpu.memory_space<hbm>> -> memref<1x50176xf32, #tpu.memory_space<hbm>>
      %dma_wait3A_112 = tpu.memref_squeeze %dma_wait3A_111 : memref<1x50176xf32, #tpu.memory_space<hbm>> -> memref<50176xf32, #tpu.memory_space<hbm>>
      %dma_wait3A_113 = arith.constant 0 : i32
      %dma_wait3A_114 = tpu.memref_slice %arg14[%dma_wait3A_113] : memref<50176xf32, #tpu.memory_space<vmem>> -> memref<50176xf32, #tpu.memory_space<vmem>>
      tpu.wait_dma2 semaphore(%run_scoped3A : memref<!tpu.dma_semaphore, #tpu.memory_space<semaphore_mem>>) src(%dma_wait3A_114 : memref<50176xf32, #tpu.memory_space<vmem>>) dst(%dma_wait3A_112 : memref<50176xf32, #tpu.memory_space<hbm>>)
      tpu.yield
    }) : () -> ()
    return
  }
}

#map = affine_map<(d0, d1) -> (0, 0)>
#map1 = affine_map<(d0, d1) -> (0, 0, 0, 0)>
module attributes {stable_mosaic.version = 14 : i64} {
  func.func @body(%arg0: i32, %arg1: i32, %arg2: memref<163840x32xbf16, #tpu.memory_space<hbm>>, %arg3: memref<3328x128xi32, #tpu.memory_space<hbm>>, %arg4: memref<3328x128xi32, #tpu.memory_space<hbm>>, %arg5: memref<2x32x50176x32xbf16, #tpu.memory_space<hbm>>, %arg6: memref<104x128xi32, #tpu.memory_space<vmem>>, %arg7: memref<104x128xi32, #tpu.memory_space<vmem>>, %arg8: memref<128x32xbf16, #tpu.memory_space<vmem>>, %arg9: memref<128x32xbf16, #tpu.memory_space<vmem>>, %arg10: memref<128x32xbf16, #tpu.memory_space<vmem>>, %arg11: memref<128x32xbf16, #tpu.memory_space<vmem>>, %arg12: memref<64x32xbf16, #tpu.memory_space<vmem>>, %arg13: memref<50176x32xbf16, #tpu.memory_space<vmem_shared>>, %arg14: memref<!tpu.dma_semaphore, #tpu.memory_space<semaphore_mem>>, %arg15: memref<!tpu.dma_semaphore, #tpu.memory_space<semaphore_mem>>, %arg16: memref<!tpu.dma_semaphore, #tpu.memory_space<semaphore_mem>>, %arg17: memref<!tpu.dma_semaphore, #tpu.memory_space<semaphore_mem>>) attributes {dimension_semantics = [#tpu.dimension_semantics<core_parallel>, #tpu.dimension_semantics<subcore_parallel>], iteration_bounds = array<i64: 2, 16>, scalar_prefetch = 0 : i64, scratch_operands = 12 : i64, tpu.core_type = #tpu.core_type<sc_vector_subcore>, window_params = [{transform_indices = #map}, {transform_indices = #map}, {transform_indices = #map}, {transform_indices = #map1}]} {
    %mul3A = arith.constant 16 : i32
    %mul3A_0 = arith.muli %arg0, %mul3A : i32
    %add3A = arith.addi %mul3A_0, %arg1 : i32
    %mul3A_1 = arith.constant 104 : i32
    %mul3A_2 = arith.muli %add3A, %mul3A_1 : i32
    %scan3A = arith.constant 0 : i32
    %scan3A_3 = arith.constant 0 : i32
    %scan3A_4 = arith.constant 64 : i32
    %scan3A_5 = arith.addi %scan3A_3, %scan3A_4 : i32
    %scan3A_6 = arith.constant 1 : i32
    %scan3A_7 = scf.for %scan3A_16 = %scan3A_3 to %scan3A_5 step %scan3A_6 iter_args(%scan3A_17 = %scan3A) -> (i32)  : i32 {
      %broadcast_in_dim3A = arith.constant 0.000000e+00 : bf16
      %broadcast_in_dim3A_18 = vector.broadcast %broadcast_in_dim3A : bf16 to vector<32xbf16>
      %swap3A = arith.index_cast %scan3A_16 : i32 to index
      %swap3A_19 = arith.constant 0 : index
      %swap3A_20 = tpu.vector_load %arg12[%swap3A, %swap3A_19] {strides = array<i32>} : memref<64x32xbf16, #tpu.memory_space<vmem>>, vector<32xbf16>,
      tpu.vector_store %arg12[%swap3A, %swap3A_19], %broadcast_in_dim3A_18 {strides = array<i32>} : memref<64x32xbf16, #tpu.memory_space<vmem>>, vector<32xbf16>,
      %scan3A_21 = arith.constant 0 : i32
      scf.yield %scan3A_21 : i32
    }
    %scan3A_8 = arith.constant 64 : i32
    "tpu.region"() ({
      %run_scoped3A = tpu.sem_alloc : memref<!tpu.dma_semaphore, #tpu.memory_space<semaphore_mem>>
      %dma_start3A = arith.constant 0 : i32
      %dma_start3A_16 = tpu.memref_slice %arg3[%mul3A_2, %dma_start3A] : memref<3328x128xi32, #tpu.memory_space<hbm>> -> memref<104x128xi32, #tpu.memory_space<hbm>>
      %dma_start3A_17 = arith.constant 0 : i32
      %dma_start3A_18 = tpu.memref_slice %arg3[%mul3A_2, %dma_start3A_17] : memref<3328x128xi32, #tpu.memory_space<hbm>> -> memref<104x128xi32, #tpu.memory_space<hbm>>
      tpu.enqueue_dma source(%dma_start3A_18 : memref<104x128xi32, #tpu.memory_space<hbm>>) target(%arg6 : memref<104x128xi32, #tpu.memory_space<vmem>>) target_semaphore(%run_scoped3A : memref<!tpu.dma_semaphore, #tpu.memory_space<semaphore_mem>>)
      %dma_wait3A = arith.constant 0 : i32
      %dma_wait3A_19 = tpu.memref_slice %arg3[%mul3A_2, %dma_wait3A] : memref<3328x128xi32, #tpu.memory_space<hbm>> -> memref<104x128xi32, #tpu.memory_space<hbm>>
      %dma_wait3A_20 = arith.constant 0 : i32
      %dma_wait3A_21 = tpu.memref_slice %arg3[%mul3A_2, %dma_wait3A_20] : memref<3328x128xi32, #tpu.memory_space<hbm>> -> memref<104x128xi32, #tpu.memory_space<hbm>>
      tpu.wait_dma2 semaphore(%run_scoped3A : memref<!tpu.dma_semaphore, #tpu.memory_space<semaphore_mem>>) src(%dma_wait3A_21 : memref<104x128xi32, #tpu.memory_space<hbm>>) dst(%arg6 : memref<104x128xi32, #tpu.memory_space<vmem>>)
      tpu.yield
    }) : () -> ()
    "tpu.region"() ({
      %run_scoped3A = tpu.sem_alloc : memref<!tpu.dma_semaphore, #tpu.memory_space<semaphore_mem>>
      %dma_start3A = arith.constant 0 : i32
      %dma_start3A_16 = tpu.memref_slice %arg4[%mul3A_2, %dma_start3A] : memref<3328x128xi32, #tpu.memory_space<hbm>> -> memref<104x128xi32, #tpu.memory_space<hbm>>
      %dma_start3A_17 = arith.constant 0 : i32
      %dma_start3A_18 = tpu.memref_slice %arg4[%mul3A_2, %dma_start3A_17] : memref<3328x128xi32, #tpu.memory_space<hbm>> -> memref<104x128xi32, #tpu.memory_space<hbm>>
      tpu.enqueue_dma source(%dma_start3A_18 : memref<104x128xi32, #tpu.memory_space<hbm>>) target(%arg7 : memref<104x128xi32, #tpu.memory_space<vmem>>) target_semaphore(%run_scoped3A : memref<!tpu.dma_semaphore, #tpu.memory_space<semaphore_mem>>)
      %dma_wait3A = arith.constant 0 : i32
      %dma_wait3A_19 = tpu.memref_slice %arg4[%mul3A_2, %dma_wait3A] : memref<3328x128xi32, #tpu.memory_space<hbm>> -> memref<104x128xi32, #tpu.memory_space<hbm>>
      %dma_wait3A_20 = arith.constant 0 : i32
      %dma_wait3A_21 = tpu.memref_slice %arg4[%mul3A_2, %dma_wait3A_20] : memref<3328x128xi32, #tpu.memory_space<hbm>> -> memref<104x128xi32, #tpu.memory_space<hbm>>
      tpu.wait_dma2 semaphore(%run_scoped3A : memref<!tpu.dma_semaphore, #tpu.memory_space<semaphore_mem>>) src(%dma_wait3A_21 : memref<104x128xi32, #tpu.memory_space<hbm>>) dst(%arg7 : memref<104x128xi32, #tpu.memory_space<vmem>>)
      tpu.yield
    }) : () -> ()
    %scan3A_9 = arith.constant 0 : i32
    %scan3A_10 = arith.constant 0 : i32
    %scan3A_11 = arith.constant 32 : i32
    %scan3A_12 = arith.addi %scan3A_10, %scan3A_11 : i32
    %scan3A_13 = arith.constant 1 : i32
    %scan3A_14 = scf.for %scan3A_16 = %scan3A_10 to %scan3A_12 step %scan3A_13 iter_args(%scan3A_17 = %scan3A_9) -> (i32)  : i32 {
      %gt3A = arith.constant 0 : i32
      %gt3A_18 = arith.cmpi sgt, %scan3A_16, %gt3A : i32
      %convert_element_type3A = arith.extui %gt3A_18 : i1 to i32
      %cond3A = arith.constant 0 : i32
      %cond3A_19 = arith.cmpi ne, %convert_element_type3A, %cond3A : i32
      scf.if %cond3A_19 {
        %scan3A_60 = arith.constant 0 : i32
        %scan3A_61 = arith.constant 0 : i32
        %scan3A_62 = arith.constant 832 : i32
        %scan3A_63 = arith.addi %scan3A_61, %scan3A_62 : i32
        %scan3A_64 = arith.constant 1 : i32
        %scan3A_65 = scf.for %scan3A_67 = %scan3A_61 to %scan3A_63 step %scan3A_64 iter_args(%scan3A_68 = %scan3A_60) -> (i32)  : i32 {
          %jit3A = arith.constant 8 : i32
          %div3A = arith.divsi %scan3A_67, %jit3A : i32
          %sign3A = arith.constant 0 : i32
          %sign3A_69 = arith.cmpi sgt, %scan3A_67, %sign3A : i32
          %sign3A_70 = arith.extui %sign3A_69 : i1 to i32
          %sign3A_71 = arith.constant 0 : i32
          %sign3A_72 = arith.cmpi slt, %scan3A_67, %sign3A_71 : i32
          %sign3A_73 = arith.extui %sign3A_72 : i1 to i32
          %sign3A_74 = arith.subi %sign3A_70, %sign3A_73 : i32
          %sign3A_75 = arith.constant 0 : i32
          %sign3A_76 = arith.cmpi sgt, %jit3A, %sign3A_75 : i32
          %sign3A_77 = arith.extui %sign3A_76 : i1 to i32
          %sign3A_78 = arith.constant 0 : i32
          %sign3A_79 = arith.cmpi slt, %jit3A, %sign3A_78 : i32
          %sign3A_80 = arith.extui %sign3A_79 : i1 to i32
          %sign3A_81 = arith.subi %sign3A_77, %sign3A_80 : i32
          %ne3A = arith.cmpi ne, %sign3A_74, %sign3A_81 : i32
          %rem3A = arith.remsi %scan3A_67, %jit3A : i32
          %ne3A_82 = arith.constant 0 : i32
          %ne3A_83 = arith.cmpi ne, %rem3A, %ne3A_82 : i32
          %and3A = arith.andi %ne3A, %ne3A_83 : i1
          %sub3A = arith.constant 1 : i32
          %sub3A_84 = arith.subi %div3A, %sub3A : i32
          %select_n3A = arith.select %and3A, %sub3A_84, %div3A : i32
          %rem3A_85 = arith.constant 8 : i32
          %rem3A_86 = arith.remsi %scan3A_67, %rem3A_85 : i32
          %mul3A_87 = arith.constant 16 : i32
          %mul3A_88 = arith.muli %rem3A_86, %mul3A_87 : i32
          %get3A = arith.index_cast %select_n3A : i32 to index
          %get3A_89 = arith.index_cast %mul3A_88 : i32 to index
          %get3A_90 = tpu.vector_load %arg6[%get3A, %get3A_89] {strides = array<i32>} : memref<104x128xi32, #tpu.memory_space<vmem>>, vector<16xi32>,
          %add3A_91 = arith.constant 5120 : i32
          %add3A_92 = vector.broadcast %add3A_91 : i32 to vector<16xi32>
          %add3A_93 = arith.addi %get3A_90, %add3A_92 : vector<16xi32>
          %mul3A_94 = arith.constant 16 : i32
          %mul3A_95 = arith.muli %rem3A_86, %mul3A_94 : i32
          %swap3A = arith.index_cast %select_n3A : i32 to index
          %swap3A_96 = arith.index_cast %mul3A_95 : i32 to index
          %swap3A_97 = tpu.vector_load %arg6[%swap3A, %swap3A_96] {strides = array<i32>} : memref<104x128xi32, #tpu.memory_space<vmem>>, vector<16xi32>,
          tpu.vector_store %arg6[%swap3A, %swap3A_96], %add3A_93 {strides = array<i32>} : memref<104x128xi32, #tpu.memory_space<vmem>>, vector<16xi32>,
          %scan3A_98 = arith.constant 0 : i32
          scf.yield %scan3A_98 : i32
        }
        %scan3A_66 = arith.constant 832 : i32
      } else {
      }
      %scan3A_20 = arith.constant 0 : i32
      %scan3A_21 = arith.constant 0 : i32
      %scan3A_22 = arith.constant 49 : i32
      %scan3A_23 = arith.addi %scan3A_21, %scan3A_22 : i32
      %scan3A_24 = arith.constant 1 : i32
      %scan3A_25 = scf.for %scan3A_60 = %scan3A_21 to %scan3A_23 step %scan3A_24 iter_args(%scan3A_61 = %scan3A_20) -> (i32)  : i32 {
        %mul3A_62 = arith.constant 3136 : i32
        %mul3A_63 = arith.muli %arg1, %mul3A_62 : i32
        %mul3A_64 = arith.constant 64 : i32
        %mul3A_65 = arith.muli %scan3A_60, %mul3A_64 : i32
        %add3A_66 = arith.addi %mul3A_63, %mul3A_65 : i32
        "tpu.region"() ({
          %run_scoped3A = tpu.sem_alloc : memref<!tpu.dma_semaphore, #tpu.memory_space<semaphore_mem>>
          %dma_start3A_68 = arith.constant 0 : i32
          %dma_start3A_69 = tpu.memref_slice %arg13[%add3A_66, %dma_start3A_68] : memref<50176x32xbf16, #tpu.memory_space<vmem_shared>> -> memref<64x32xbf16, #tpu.memory_space<vmem_shared>>
          %dma_start3A_70 = arith.constant 0 : i32
          %dma_start3A_71 = tpu.memref_slice %arg13[%add3A_66, %dma_start3A_70] : memref<50176x32xbf16, #tpu.memory_space<vmem_shared>> -> memref<64x32xbf16, #tpu.memory_space<vmem_shared>>
          tpu.enqueue_dma source(%arg12 : memref<64x32xbf16, #tpu.memory_space<vmem>>) target(%dma_start3A_71 : memref<64x32xbf16, #tpu.memory_space<vmem_shared>>) target_semaphore(%run_scoped3A : memref<!tpu.dma_semaphore, #tpu.memory_space<semaphore_mem>>)
          %dma_wait3A = arith.constant 0 : i32
          %dma_wait3A_72 = tpu.memref_slice %arg13[%add3A_66, %dma_wait3A] : memref<50176x32xbf16, #tpu.memory_space<vmem_shared>> -> memref<64x32xbf16, #tpu.memory_space<vmem_shared>>
          %dma_wait3A_73 = arith.constant 0 : i32
          %dma_wait3A_74 = tpu.memref_slice %arg13[%add3A_66, %dma_wait3A_73] : memref<50176x32xbf16, #tpu.memory_space<vmem_shared>> -> memref<64x32xbf16, #tpu.memory_space<vmem_shared>>
          tpu.wait_dma2 semaphore(%run_scoped3A : memref<!tpu.dma_semaphore, #tpu.memory_space<semaphore_mem>>) src(%arg12 : memref<64x32xbf16, #tpu.memory_space<vmem>>) dst(%dma_wait3A_74 : memref<64x32xbf16, #tpu.memory_space<vmem_shared>>)
          tpu.yield
        }) : () -> ()
        %scan3A_67 = arith.constant 0 : i32
        scf.yield %scan3A_67 : i32
      }
      %scan3A_26 = arith.constant 49 : i32
      %barrier3A = arith.constant 0 : index
      tpu.barrier barrier_id(%barrier3A)
      %dma_start3A = arith.constant 0 : i32
      %dma_start3A_27 = arith.constant 0 : i32
      %dma_start3A_28 = tpu.memref_slice %arg6[%dma_start3A, %dma_start3A_27] : memref<104x128xi32, #tpu.memory_space<vmem>> -> memref<1x128xi32, #tpu.memory_space<vmem>>
      %dma_start3A_29 = tpu.memref_squeeze %dma_start3A_28 : memref<1x128xi32, #tpu.memory_space<vmem>> -> memref<128xi32, #tpu.memory_space<vmem>>
      %dma_start3A_30 = arith.constant 0 : i32
      %dma_start3A_31 = arith.constant 0 : i32
      %dma_start3A_32 = tpu.memref_slice %arg2[%dma_start3A_30, %dma_start3A_31] : memref<163840x32xbf16, #tpu.memory_space<hbm>> -> memref<163840x32xbf16, #tpu.memory_space<hbm>>
      tpu.enqueue_indirect_dma source(%dma_start3A_32 : memref<163840x32xbf16, #tpu.memory_space<hbm>>) target(%arg8 : memref<128x32xbf16, #tpu.memory_space<vmem>>) offsets(%dma_start3A_29 : memref<128xi32, #tpu.memory_space<vmem>>) semaphore(%arg14 : memref<!tpu.dma_semaphore, #tpu.memory_space<semaphore_mem>>)
      %dma_start3A_33 = arith.constant 1 : i32
      %dma_start3A_34 = arith.constant 0 : i32
      %dma_start3A_35 = tpu.memref_slice %arg6[%dma_start3A_33, %dma_start3A_34] : memref<104x128xi32, #tpu.memory_space<vmem>> -> memref<1x128xi32, #tpu.memory_space<vmem>>
      %dma_start3A_36 = tpu.memref_squeeze %dma_start3A_35 : memref<1x128xi32, #tpu.memory_space<vmem>> -> memref<128xi32, #tpu.memory_space<vmem>>
      %dma_start3A_37 = arith.constant 0 : i32
      %dma_start3A_38 = arith.constant 0 : i32
      %dma_start3A_39 = tpu.memref_slice %arg2[%dma_start3A_37, %dma_start3A_38] : memref<163840x32xbf16, #tpu.memory_space<hbm>> -> memref<163840x32xbf16, #tpu.memory_space<hbm>>
      tpu.enqueue_indirect_dma source(%dma_start3A_39 : memref<163840x32xbf16, #tpu.memory_space<hbm>>) target(%arg9 : memref<128x32xbf16, #tpu.memory_space<vmem>>) offsets(%dma_start3A_36 : memref<128xi32, #tpu.memory_space<vmem>>) semaphore(%arg15 : memref<!tpu.dma_semaphore, #tpu.memory_space<semaphore_mem>>)
      %dma_start3A_40 = arith.constant 2 : i32
      %dma_start3A_41 = arith.constant 0 : i32
      %dma_start3A_42 = tpu.memref_slice %arg6[%dma_start3A_40, %dma_start3A_41] : memref<104x128xi32, #tpu.memory_space<vmem>> -> memref<1x128xi32, #tpu.memory_space<vmem>>
      %dma_start3A_43 = tpu.memref_squeeze %dma_start3A_42 : memref<1x128xi32, #tpu.memory_space<vmem>> -> memref<128xi32, #tpu.memory_space<vmem>>
      %dma_start3A_44 = arith.constant 0 : i32
      %dma_start3A_45 = arith.constant 0 : i32
      %dma_start3A_46 = tpu.memref_slice %arg2[%dma_start3A_44, %dma_start3A_45] : memref<163840x32xbf16, #tpu.memory_space<hbm>> -> memref<163840x32xbf16, #tpu.memory_space<hbm>>
      tpu.enqueue_indirect_dma source(%dma_start3A_46 : memref<163840x32xbf16, #tpu.memory_space<hbm>>) target(%arg10 : memref<128x32xbf16, #tpu.memory_space<vmem>>) offsets(%dma_start3A_43 : memref<128xi32, #tpu.memory_space<vmem>>) semaphore(%arg16 : memref<!tpu.dma_semaphore, #tpu.memory_space<semaphore_mem>>)
      %scan3A_47 = arith.constant 0 : i32
      %scan3A_48 = arith.constant 0 : i32
      %scan3A_49 = arith.constant 26 : i32
      %scan3A_50 = arith.addi %scan3A_48, %scan3A_49 : i32
      %scan3A_51 = arith.constant 1 : i32
      %scan3A_52 = scf.for %scan3A_60 = %scan3A_48 to %scan3A_50 step %scan3A_51 iter_args(%scan3A_61 = %scan3A_47) -> (i32)  : i32 {
        %mul3A_62 = arith.constant 4 : i32
        %mul3A_63 = arith.muli %mul3A_62, %scan3A_60 : i32
        %add3A_64 = arith.constant 0 : i32
        %add3A_65 = arith.addi %mul3A_63, %add3A_64 : i32
        %add3A_66 = arith.constant 3 : i32
        %add3A_67 = arith.addi %add3A_65, %add3A_66 : i32
        %lt3A = arith.constant 104 : i32
        %lt3A_68 = arith.cmpi slt, %add3A_67, %lt3A : i32
        %convert_element_type3A_69 = arith.extui %lt3A_68 : i1 to i32
        %cond3A_70 = arith.constant 0 : i32
        %cond3A_71 = arith.cmpi ne, %convert_element_type3A_69, %cond3A_70 : i32
        scf.if %cond3A_71 {
          %add3A_123 = arith.constant 3 : i32
          %add3A_124 = arith.addi %add3A_65, %add3A_123 : i32
          %dma_start3A_125 = arith.constant 0 : i32
          %dma_start3A_126 = tpu.memref_slice %arg6[%add3A_124, %dma_start3A_125] : memref<104x128xi32, #tpu.memory_space<vmem>> -> memref<1x128xi32, #tpu.memory_space<vmem>>
          %dma_start3A_127 = tpu.memref_squeeze %dma_start3A_126 : memref<1x128xi32, #tpu.memory_space<vmem>> -> memref<128xi32, #tpu.memory_space<vmem>>
          %dma_start3A_128 = arith.constant 0 : i32
          %dma_start3A_129 = arith.constant 0 : i32
          %dma_start3A_130 = tpu.memref_slice %arg2[%dma_start3A_128, %dma_start3A_129] : memref<163840x32xbf16, #tpu.memory_space<hbm>> -> memref<163840x32xbf16, #tpu.memory_space<hbm>>
          tpu.enqueue_indirect_dma source(%dma_start3A_130 : memref<163840x32xbf16, #tpu.memory_space<hbm>>) target(%arg11 : memref<128x32xbf16, #tpu.memory_space<vmem>>) offsets(%dma_start3A_127 : memref<128xi32, #tpu.memory_space<vmem>>) semaphore(%arg17 : memref<!tpu.dma_semaphore, #tpu.memory_space<semaphore_mem>>)
        } else {
        }
        %dma_wait3A = arith.constant 0 : i32
        %dma_wait3A_72 = tpu.memref_slice %arg6[%add3A_65, %dma_wait3A] : memref<104x128xi32, #tpu.memory_space<vmem>> -> memref<1x128xi32, #tpu.memory_space<vmem>>
        %dma_wait3A_73 = tpu.memref_squeeze %dma_wait3A_72 : memref<1x128xi32, #tpu.memory_space<vmem>> -> memref<128xi32, #tpu.memory_space<vmem>>
        %dma_wait3A_74 = arith.constant 0 : i32
        %dma_wait3A_75 = arith.constant 0 : i32
        %dma_wait3A_76 = tpu.memref_slice %arg2[%dma_wait3A_74, %dma_wait3A_75] : memref<163840x32xbf16, #tpu.memory_space<hbm>> -> memref<163840x32xbf16, #tpu.memory_space<hbm>>
        tpu.wait_indirect_dma semaphore(%arg14 : memref<!tpu.dma_semaphore, #tpu.memory_space<semaphore_mem>>) src(%dma_wait3A_76 : memref<163840x32xbf16, #tpu.memory_space<hbm>>) dst(%arg8 : memref<128x32xbf16, #tpu.memory_space<vmem>>)
        "tpu.region"() ({
          %run_scoped3A = tpu.sem_alloc : memref<!tpu.dma_semaphore, #tpu.memory_space<semaphore_mem>>
          %dma_start3A_123 = arith.constant 0 : i32
          %dma_start3A_124 = tpu.memref_slice %arg7[%add3A_65, %dma_start3A_123] : memref<104x128xi32, #tpu.memory_space<vmem>> -> memref<1x128xi32, #tpu.memory_space<vmem>>
          %dma_start3A_125 = tpu.memref_squeeze %dma_start3A_124 : memref<1x128xi32, #tpu.memory_space<vmem>> -> memref<128xi32, #tpu.memory_space<vmem>>
          %dma_start3A_126 = arith.constant 0 : i32
          %dma_start3A_127 = arith.constant 0 : i32
          %dma_start3A_128 = tpu.memref_slice %arg13[%dma_start3A_126, %dma_start3A_127] : memref<50176x32xbf16, #tpu.memory_space<vmem_shared>> -> memref<50176x32xbf16, #tpu.memory_space<vmem_shared>>
          tpu.enqueue_indirect_dma source(%arg8 : memref<128x32xbf16, #tpu.memory_space<vmem>>) target(%dma_start3A_128 : memref<50176x32xbf16, #tpu.memory_space<vmem_shared>>) offsets(%dma_start3A_125 : memref<128xi32, #tpu.memory_space<vmem>>) semaphore(%run_scoped3A : memref<!tpu.dma_semaphore, #tpu.memory_space<semaphore_mem>>) {add = true}
          %dma_wait3A_129 = arith.constant 0 : i32
          %dma_wait3A_130 = tpu.memref_slice %arg7[%add3A_65, %dma_wait3A_129] : memref<104x128xi32, #tpu.memory_space<vmem>> -> memref<1x128xi32, #tpu.memory_space<vmem>>
          %dma_wait3A_131 = tpu.memref_squeeze %dma_wait3A_130 : memref<1x128xi32, #tpu.memory_space<vmem>> -> memref<128xi32, #tpu.memory_space<vmem>>
          %dma_wait3A_132 = arith.constant 0 : i32
          %dma_wait3A_133 = arith.constant 0 : i32
          %dma_wait3A_134 = tpu.memref_slice %arg13[%dma_wait3A_132, %dma_wait3A_133] : memref<50176x32xbf16, #tpu.memory_space<vmem_shared>> -> memref<50176x32xbf16, #tpu.memory_space<vmem_shared>>
          tpu.wait_indirect_dma semaphore(%run_scoped3A : memref<!tpu.dma_semaphore, #tpu.memory_space<semaphore_mem>>) src(%arg8 : memref<128x32xbf16, #tpu.memory_space<vmem>>) dst(%dma_wait3A_134 : memref<50176x32xbf16, #tpu.memory_space<vmem_shared>>)
          tpu.yield
        }) : () -> ()
        %add3A_77 = arith.constant 1 : i32
        %add3A_78 = arith.addi %mul3A_63, %add3A_77 : i32
        %add3A_79 = arith.constant 3 : i32
        %add3A_80 = arith.addi %add3A_78, %add3A_79 : i32
        %lt3A_81 = arith.constant 104 : i32
        %lt3A_82 = arith.cmpi slt, %add3A_80, %lt3A_81 : i32
        %convert_element_type3A_83 = arith.extui %lt3A_82 : i1 to i32
        %cond3A_84 = arith.constant 0 : i32
        %cond3A_85 = arith.cmpi ne, %convert_element_type3A_83, %cond3A_84 : i32
        scf.if %cond3A_85 {
          %add3A_123 = arith.constant 3 : i32
          %add3A_124 = arith.addi %add3A_78, %add3A_123 : i32
          %dma_start3A_125 = arith.constant 0 : i32
          %dma_start3A_126 = tpu.memref_slice %arg6[%add3A_124, %dma_start3A_125] : memref<104x128xi32, #tpu.memory_space<vmem>> -> memref<1x128xi32, #tpu.memory_space<vmem>>
          %dma_start3A_127 = tpu.memref_squeeze %dma_start3A_126 : memref<1x128xi32, #tpu.memory_space<vmem>> -> memref<128xi32, #tpu.memory_space<vmem>>
          %dma_start3A_128 = arith.constant 0 : i32
          %dma_start3A_129 = arith.constant 0 : i32
          %dma_start3A_130 = tpu.memref_slice %arg2[%dma_start3A_128, %dma_start3A_129] : memref<163840x32xbf16, #tpu.memory_space<hbm>> -> memref<163840x32xbf16, #tpu.memory_space<hbm>>
          tpu.enqueue_indirect_dma source(%dma_start3A_130 : memref<163840x32xbf16, #tpu.memory_space<hbm>>) target(%arg8 : memref<128x32xbf16, #tpu.memory_space<vmem>>) offsets(%dma_start3A_127 : memref<128xi32, #tpu.memory_space<vmem>>) semaphore(%arg14 : memref<!tpu.dma_semaphore, #tpu.memory_space<semaphore_mem>>)
        } else {
        }
        %dma_wait3A_86 = arith.constant 0 : i32
        %dma_wait3A_87 = tpu.memref_slice %arg6[%add3A_78, %dma_wait3A_86] : memref<104x128xi32, #tpu.memory_space<vmem>> -> memref<1x128xi32, #tpu.memory_space<vmem>>
        %dma_wait3A_88 = tpu.memref_squeeze %dma_wait3A_87 : memref<1x128xi32, #tpu.memory_space<vmem>> -> memref<128xi32, #tpu.memory_space<vmem>>
        %dma_wait3A_89 = arith.constant 0 : i32
        %dma_wait3A_90 = arith.constant 0 : i32
        %dma_wait3A_91 = tpu.memref_slice %arg2[%dma_wait3A_89, %dma_wait3A_90] : memref<163840x32xbf16, #tpu.memory_space<hbm>> -> memref<163840x32xbf16, #tpu.memory_space<hbm>>
        tpu.wait_indirect_dma semaphore(%arg15 : memref<!tpu.dma_semaphore, #tpu.memory_space<semaphore_mem>>) src(%dma_wait3A_91 : memref<163840x32xbf16, #tpu.memory_space<hbm>>) dst(%arg9 : memref<128x32xbf16, #tpu.memory_space<vmem>>)
        "tpu.region"() ({
          %run_scoped3A = tpu.sem_alloc : memref<!tpu.dma_semaphore, #tpu.memory_space<semaphore_mem>>
          %dma_start3A_123 = arith.constant 0 : i32
          %dma_start3A_124 = tpu.memref_slice %arg7[%add3A_78, %dma_start3A_123] : memref<104x128xi32, #tpu.memory_space<vmem>> -> memref<1x128xi32, #tpu.memory_space<vmem>>
          %dma_start3A_125 = tpu.memref_squeeze %dma_start3A_124 : memref<1x128xi32, #tpu.memory_space<vmem>> -> memref<128xi32, #tpu.memory_space<vmem>>
          %dma_start3A_126 = arith.constant 0 : i32
          %dma_start3A_127 = arith.constant 0 : i32
          %dma_start3A_128 = tpu.memref_slice %arg13[%dma_start3A_126, %dma_start3A_127] : memref<50176x32xbf16, #tpu.memory_space<vmem_shared>> -> memref<50176x32xbf16, #tpu.memory_space<vmem_shared>>
          tpu.enqueue_indirect_dma source(%arg9 : memref<128x32xbf16, #tpu.memory_space<vmem>>) target(%dma_start3A_128 : memref<50176x32xbf16, #tpu.memory_space<vmem_shared>>) offsets(%dma_start3A_125 : memref<128xi32, #tpu.memory_space<vmem>>) semaphore(%run_scoped3A : memref<!tpu.dma_semaphore, #tpu.memory_space<semaphore_mem>>) {add = true}
          %dma_wait3A_129 = arith.constant 0 : i32
          %dma_wait3A_130 = tpu.memref_slice %arg7[%add3A_78, %dma_wait3A_129] : memref<104x128xi32, #tpu.memory_space<vmem>> -> memref<1x128xi32, #tpu.memory_space<vmem>>
          %dma_wait3A_131 = tpu.memref_squeeze %dma_wait3A_130 : memref<1x128xi32, #tpu.memory_space<vmem>> -> memref<128xi32, #tpu.memory_space<vmem>>
          %dma_wait3A_132 = arith.constant 0 : i32
          %dma_wait3A_133 = arith.constant 0 : i32
          %dma_wait3A_134 = tpu.memref_slice %arg13[%dma_wait3A_132, %dma_wait3A_133] : memref<50176x32xbf16, #tpu.memory_space<vmem_shared>> -> memref<50176x32xbf16, #tpu.memory_space<vmem_shared>>
          tpu.wait_indirect_dma semaphore(%run_scoped3A : memref<!tpu.dma_semaphore, #tpu.memory_space<semaphore_mem>>) src(%arg9 : memref<128x32xbf16, #tpu.memory_space<vmem>>) dst(%dma_wait3A_134 : memref<50176x32xbf16, #tpu.memory_space<vmem_shared>>)
          tpu.yield
        }) : () -> ()
        %add3A_92 = arith.constant 2 : i32
        %add3A_93 = arith.addi %mul3A_63, %add3A_92 : i32
        %add3A_94 = arith.constant 3 : i32
        %add3A_95 = arith.addi %add3A_93, %add3A_94 : i32
        %lt3A_96 = arith.constant 104 : i32
        %lt3A_97 = arith.cmpi slt, %add3A_95, %lt3A_96 : i32
        %convert_element_type3A_98 = arith.extui %lt3A_97 : i1 to i32
        %cond3A_99 = arith.constant 0 : i32
        %cond3A_100 = arith.cmpi ne, %convert_element_type3A_98, %cond3A_99 : i32
        scf.if %cond3A_100 {
          %add3A_123 = arith.constant 3 : i32
          %add3A_124 = arith.addi %add3A_93, %add3A_123 : i32
          %dma_start3A_125 = arith.constant 0 : i32
          %dma_start3A_126 = tpu.memref_slice %arg6[%add3A_124, %dma_start3A_125] : memref<104x128xi32, #tpu.memory_space<vmem>> -> memref<1x128xi32, #tpu.memory_space<vmem>>
          %dma_start3A_127 = tpu.memref_squeeze %dma_start3A_126 : memref<1x128xi32, #tpu.memory_space<vmem>> -> memref<128xi32, #tpu.memory_space<vmem>>
          %dma_start3A_128 = arith.constant 0 : i32
          %dma_start3A_129 = arith.constant 0 : i32
          %dma_start3A_130 = tpu.memref_slice %arg2[%dma_start3A_128, %dma_start3A_129] : memref<163840x32xbf16, #tpu.memory_space<hbm>> -> memref<163840x32xbf16, #tpu.memory_space<hbm>>
          tpu.enqueue_indirect_dma source(%dma_start3A_130 : memref<163840x32xbf16, #tpu.memory_space<hbm>>) target(%arg9 : memref<128x32xbf16, #tpu.memory_space<vmem>>) offsets(%dma_start3A_127 : memref<128xi32, #tpu.memory_space<vmem>>) semaphore(%arg15 : memref<!tpu.dma_semaphore, #tpu.memory_space<semaphore_mem>>)
        } else {
        }
        %dma_wait3A_101 = arith.constant 0 : i32
        %dma_wait3A_102 = tpu.memref_slice %arg6[%add3A_93, %dma_wait3A_101] : memref<104x128xi32, #tpu.memory_space<vmem>> -> memref<1x128xi32, #tpu.memory_space<vmem>>
        %dma_wait3A_103 = tpu.memref_squeeze %dma_wait3A_102 : memref<1x128xi32, #tpu.memory_space<vmem>> -> memref<128xi32, #tpu.memory_space<vmem>>
        %dma_wait3A_104 = arith.constant 0 : i32
        %dma_wait3A_105 = arith.constant 0 : i32
        %dma_wait3A_106 = tpu.memref_slice %arg2[%dma_wait3A_104, %dma_wait3A_105] : memref<163840x32xbf16, #tpu.memory_space<hbm>> -> memref<163840x32xbf16, #tpu.memory_space<hbm>>
        tpu.wait_indirect_dma semaphore(%arg16 : memref<!tpu.dma_semaphore, #tpu.memory_space<semaphore_mem>>) src(%dma_wait3A_106 : memref<163840x32xbf16, #tpu.memory_space<hbm>>) dst(%arg10 : memref<128x32xbf16, #tpu.memory_space<vmem>>)
        "tpu.region"() ({
          %run_scoped3A = tpu.sem_alloc : memref<!tpu.dma_semaphore, #tpu.memory_space<semaphore_mem>>
          %dma_start3A_123 = arith.constant 0 : i32
          %dma_start3A_124 = tpu.memref_slice %arg7[%add3A_93, %dma_start3A_123] : memref<104x128xi32, #tpu.memory_space<vmem>> -> memref<1x128xi32, #tpu.memory_space<vmem>>
          %dma_start3A_125 = tpu.memref_squeeze %dma_start3A_124 : memref<1x128xi32, #tpu.memory_space<vmem>> -> memref<128xi32, #tpu.memory_space<vmem>>
          %dma_start3A_126 = arith.constant 0 : i32
          %dma_start3A_127 = arith.constant 0 : i32
          %dma_start3A_128 = tpu.memref_slice %arg13[%dma_start3A_126, %dma_start3A_127] : memref<50176x32xbf16, #tpu.memory_space<vmem_shared>> -> memref<50176x32xbf16, #tpu.memory_space<vmem_shared>>
          tpu.enqueue_indirect_dma source(%arg10 : memref<128x32xbf16, #tpu.memory_space<vmem>>) target(%dma_start3A_128 : memref<50176x32xbf16, #tpu.memory_space<vmem_shared>>) offsets(%dma_start3A_125 : memref<128xi32, #tpu.memory_space<vmem>>) semaphore(%run_scoped3A : memref<!tpu.dma_semaphore, #tpu.memory_space<semaphore_mem>>) {add = true}
          %dma_wait3A_129 = arith.constant 0 : i32
          %dma_wait3A_130 = tpu.memref_slice %arg7[%add3A_93, %dma_wait3A_129] : memref<104x128xi32, #tpu.memory_space<vmem>> -> memref<1x128xi32, #tpu.memory_space<vmem>>
          %dma_wait3A_131 = tpu.memref_squeeze %dma_wait3A_130 : memref<1x128xi32, #tpu.memory_space<vmem>> -> memref<128xi32, #tpu.memory_space<vmem>>
          %dma_wait3A_132 = arith.constant 0 : i32
          %dma_wait3A_133 = arith.constant 0 : i32
          %dma_wait3A_134 = tpu.memref_slice %arg13[%dma_wait3A_132, %dma_wait3A_133] : memref<50176x32xbf16, #tpu.memory_space<vmem_shared>> -> memref<50176x32xbf16, #tpu.memory_space<vmem_shared>>
          tpu.wait_indirect_dma semaphore(%run_scoped3A : memref<!tpu.dma_semaphore, #tpu.memory_space<semaphore_mem>>) src(%arg10 : memref<128x32xbf16, #tpu.memory_space<vmem>>) dst(%dma_wait3A_134 : memref<50176x32xbf16, #tpu.memory_space<vmem_shared>>)
          tpu.yield
        }) : () -> ()
        %add3A_107 = arith.constant 3 : i32
        %add3A_108 = arith.addi %mul3A_63, %add3A_107 : i32
        %add3A_109 = arith.constant 3 : i32
        %add3A_110 = arith.addi %add3A_108, %add3A_109 : i32
        %lt3A_111 = arith.constant 104 : i32
        %lt3A_112 = arith.cmpi slt, %add3A_110, %lt3A_111 : i32
        %convert_element_type3A_113 = arith.extui %lt3A_112 : i1 to i32
        %cond3A_114 = arith.constant 0 : i32
        %cond3A_115 = arith.cmpi ne, %convert_element_type3A_113, %cond3A_114 : i32
        scf.if %cond3A_115 {
          %add3A_123 = arith.constant 3 : i32
          %add3A_124 = arith.addi %add3A_108, %add3A_123 : i32
          %dma_start3A_125 = arith.constant 0 : i32
          %dma_start3A_126 = tpu.memref_slice %arg6[%add3A_124, %dma_start3A_125] : memref<104x128xi32, #tpu.memory_space<vmem>> -> memref<1x128xi32, #tpu.memory_space<vmem>>
          %dma_start3A_127 = tpu.memref_squeeze %dma_start3A_126 : memref<1x128xi32, #tpu.memory_space<vmem>> -> memref<128xi32, #tpu.memory_space<vmem>>
          %dma_start3A_128 = arith.constant 0 : i32
          %dma_start3A_129 = arith.constant 0 : i32
          %dma_start3A_130 = tpu.memref_slice %arg2[%dma_start3A_128, %dma_start3A_129] : memref<163840x32xbf16, #tpu.memory_space<hbm>> -> memref<163840x32xbf16, #tpu.memory_space<hbm>>
          tpu.enqueue_indirect_dma source(%dma_start3A_130 : memref<163840x32xbf16, #tpu.memory_space<hbm>>) target(%arg10 : memref<128x32xbf16, #tpu.memory_space<vmem>>) offsets(%dma_start3A_127 : memref<128xi32, #tpu.memory_space<vmem>>) semaphore(%arg16 : memref<!tpu.dma_semaphore, #tpu.memory_space<semaphore_mem>>)
        } else {
        }
        %dma_wait3A_116 = arith.constant 0 : i32
        %dma_wait3A_117 = tpu.memref_slice %arg6[%add3A_108, %dma_wait3A_116] : memref<104x128xi32, #tpu.memory_space<vmem>> -> memref<1x128xi32, #tpu.memory_space<vmem>>
        %dma_wait3A_118 = tpu.memref_squeeze %dma_wait3A_117 : memref<1x128xi32, #tpu.memory_space<vmem>> -> memref<128xi32, #tpu.memory_space<vmem>>
        %dma_wait3A_119 = arith.constant 0 : i32
        %dma_wait3A_120 = arith.constant 0 : i32
        %dma_wait3A_121 = tpu.memref_slice %arg2[%dma_wait3A_119, %dma_wait3A_120] : memref<163840x32xbf16, #tpu.memory_space<hbm>> -> memref<163840x32xbf16, #tpu.memory_space<hbm>>
        tpu.wait_indirect_dma semaphore(%arg17 : memref<!tpu.dma_semaphore, #tpu.memory_space<semaphore_mem>>) src(%dma_wait3A_121 : memref<163840x32xbf16, #tpu.memory_space<hbm>>) dst(%arg11 : memref<128x32xbf16, #tpu.memory_space<vmem>>)
        "tpu.region"() ({
          %run_scoped3A = tpu.sem_alloc : memref<!tpu.dma_semaphore, #tpu.memory_space<semaphore_mem>>
          %dma_start3A_123 = arith.constant 0 : i32
          %dma_start3A_124 = tpu.memref_slice %arg7[%add3A_108, %dma_start3A_123] : memref<104x128xi32, #tpu.memory_space<vmem>> -> memref<1x128xi32, #tpu.memory_space<vmem>>
          %dma_start3A_125 = tpu.memref_squeeze %dma_start3A_124 : memref<1x128xi32, #tpu.memory_space<vmem>> -> memref<128xi32, #tpu.memory_space<vmem>>
          %dma_start3A_126 = arith.constant 0 : i32
          %dma_start3A_127 = arith.constant 0 : i32
          %dma_start3A_128 = tpu.memref_slice %arg13[%dma_start3A_126, %dma_start3A_127] : memref<50176x32xbf16, #tpu.memory_space<vmem_shared>> -> memref<50176x32xbf16, #tpu.memory_space<vmem_shared>>
          tpu.enqueue_indirect_dma source(%arg11 : memref<128x32xbf16, #tpu.memory_space<vmem>>) target(%dma_start3A_128 : memref<50176x32xbf16, #tpu.memory_space<vmem_shared>>) offsets(%dma_start3A_125 : memref<128xi32, #tpu.memory_space<vmem>>) semaphore(%run_scoped3A : memref<!tpu.dma_semaphore, #tpu.memory_space<semaphore_mem>>) {add = true}
          %dma_wait3A_129 = arith.constant 0 : i32
          %dma_wait3A_130 = tpu.memref_slice %arg7[%add3A_108, %dma_wait3A_129] : memref<104x128xi32, #tpu.memory_space<vmem>> -> memref<1x128xi32, #tpu.memory_space<vmem>>
          %dma_wait3A_131 = tpu.memref_squeeze %dma_wait3A_130 : memref<1x128xi32, #tpu.memory_space<vmem>> -> memref<128xi32, #tpu.memory_space<vmem>>
          %dma_wait3A_132 = arith.constant 0 : i32
          %dma_wait3A_133 = arith.constant 0 : i32
          %dma_wait3A_134 = tpu.memref_slice %arg13[%dma_wait3A_132, %dma_wait3A_133] : memref<50176x32xbf16, #tpu.memory_space<vmem_shared>> -> memref<50176x32xbf16, #tpu.memory_space<vmem_shared>>
          tpu.wait_indirect_dma semaphore(%run_scoped3A : memref<!tpu.dma_semaphore, #tpu.memory_space<semaphore_mem>>) src(%arg11 : memref<128x32xbf16, #tpu.memory_space<vmem>>) dst(%dma_wait3A_134 : memref<50176x32xbf16, #tpu.memory_space<vmem_shared>>)
          tpu.yield
        }) : () -> ()
        %scan3A_122 = arith.constant 0 : i32
        scf.yield %scan3A_122 : i32
      }
      %scan3A_53 = arith.constant 26 : i32
      %barrier3A_54 = arith.constant 0 : index
      tpu.barrier barrier_id(%barrier3A_54)
      %mul3A_55 = arith.constant 3136 : i32
      %mul3A_56 = arith.muli %arg1, %mul3A_55 : i32
      %mul3A_57 = arith.constant 3136 : i32
      %mul3A_58 = arith.muli %arg1, %mul3A_57 : i32
      "tpu.region"() ({
        %run_scoped3A = tpu.sem_alloc : memref<!tpu.dma_semaphore, #tpu.memory_space<semaphore_mem>>
        %dma_start3A_60 = arith.constant 0 : i32
        %dma_start3A_61 = tpu.memref_slice %arg5[%arg0, %scan3A_16, %mul3A_58, %dma_start3A_60] : memref<2x32x50176x32xbf16, #tpu.memory_space<hbm>> -> memref<1x1x3136x32xbf16, #tpu.memory_space<hbm>>
        %dma_start3A_62 = tpu.memref_squeeze %dma_start3A_61 : memref<1x1x3136x32xbf16, #tpu.memory_space<hbm>> -> memref<3136x32xbf16, #tpu.memory_space<hbm>>
        %dma_start3A_63 = arith.constant 0 : i32
        %dma_start3A_64 = tpu.memref_slice %arg13[%mul3A_56, %dma_start3A_63] : memref<50176x32xbf16, #tpu.memory_space<vmem_shared>> -> memref<3136x32xbf16, #tpu.memory_space<vmem_shared>>
        tpu.enqueue_dma source(%dma_start3A_64 : memref<3136x32xbf16, #tpu.memory_space<vmem_shared>>) target(%dma_start3A_62 : memref<3136x32xbf16, #tpu.memory_space<hbm>>) target_semaphore(%run_scoped3A : memref<!tpu.dma_semaphore, #tpu.memory_space<semaphore_mem>>)
        %dma_wait3A = arith.constant 0 : i32
        %dma_wait3A_65 = tpu.memref_slice %arg5[%arg0, %scan3A_16, %mul3A_58, %dma_wait3A] : memref<2x32x50176x32xbf16, #tpu.memory_space<hbm>> -> memref<1x1x3136x32xbf16, #tpu.memory_space<hbm>>
        %dma_wait3A_66 = tpu.memref_squeeze %dma_wait3A_65 : memref<1x1x3136x32xbf16, #tpu.memory_space<hbm>> -> memref<3136x32xbf16, #tpu.memory_space<hbm>>
        %dma_wait3A_67 = arith.constant 0 : i32
        %dma_wait3A_68 = tpu.memref_slice %arg13[%mul3A_56, %dma_wait3A_67] : memref<50176x32xbf16, #tpu.memory_space<vmem_shared>> -> memref<3136x32xbf16, #tpu.memory_space<vmem_shared>>
        tpu.wait_dma2 semaphore(%run_scoped3A : memref<!tpu.dma_semaphore, #tpu.memory_space<semaphore_mem>>) src(%dma_wait3A_68 : memref<3136x32xbf16, #tpu.memory_space<vmem_shared>>) dst(%dma_wait3A_66 : memref<3136x32xbf16, #tpu.memory_space<hbm>>)
        tpu.yield
      }) : () -> ()
      %scan3A_59 = arith.constant 0 : i32
      scf.yield %scan3A_59 : i32
    }
    %scan3A_15 = arith.constant 32 : i32
    return
  }
}

#map = affine_map<(d0, d1) -> (0, 0)>
#map1 = affine_map<(d0, d1) -> (0, 0, 0, 0)>
module attributes {stable_mosaic.version = 14 : i64} {
  func.func @body(%arg0: i32, %arg1: i32, %arg2: memref<81920x128xbf16, #tpu.memory_space<hbm>>, %arg3: memref<2560x128xi32, #tpu.memory_space<hbm>>, %arg4: memref<2560x128xi32, #tpu.memory_space<hbm>>, %arg5: memref<2x8x10240x128xbf16, #tpu.memory_space<hbm>>, %arg6: memref<80x128xi32, #tpu.memory_space<vmem>>, %arg7: memref<80x128xi32, #tpu.memory_space<vmem>>, %arg8: memref<128x128xbf16, #tpu.memory_space<vmem>>, %arg9: memref<128x128xbf16, #tpu.memory_space<vmem>>, %arg10: memref<128x128xbf16, #tpu.memory_space<vmem>>, %arg11: memref<128x128xbf16, #tpu.memory_space<vmem>>, %arg12: memref<64x128xbf16, #tpu.memory_space<vmem>>, %arg13: memref<10240x128xbf16, #tpu.memory_space<vmem_shared>>, %arg14: memref<!tpu.dma_semaphore, #tpu.memory_space<semaphore_mem>>, %arg15: memref<!tpu.dma_semaphore, #tpu.memory_space<semaphore_mem>>, %arg16: memref<!tpu.dma_semaphore, #tpu.memory_space<semaphore_mem>>, %arg17: memref<!tpu.dma_semaphore, #tpu.memory_space<semaphore_mem>>) attributes {dimension_semantics = [#tpu.dimension_semantics<core_parallel>, #tpu.dimension_semantics<subcore_parallel>], iteration_bounds = array<i64: 2, 16>, scalar_prefetch = 0 : i64, scratch_operands = 12 : i64, tpu.core_type = #tpu.core_type<sc_vector_subcore>, window_params = [{transform_indices = #map}, {transform_indices = #map}, {transform_indices = #map}, {transform_indices = #map1}]} {
    %mul3A = arith.constant 16 : i32
    %mul3A_0 = arith.muli %arg0, %mul3A : i32
    %add3A = arith.addi %mul3A_0, %arg1 : i32
    %mul3A_1 = arith.constant 80 : i32
    %mul3A_2 = arith.muli %add3A, %mul3A_1 : i32
    %scan3A = arith.constant 0 : i32
    %scan3A_3 = arith.constant 0 : i32
    %scan3A_4 = arith.constant 64 : i32
    %scan3A_5 = arith.addi %scan3A_3, %scan3A_4 : i32
    %scan3A_6 = arith.constant 1 : i32
    %scan3A_7 = scf.for %scan3A_16 = %scan3A_3 to %scan3A_5 step %scan3A_6 iter_args(%scan3A_17 = %scan3A) -> (i32)  : i32 {
      %broadcast_in_dim3A = arith.constant 0.000000e+00 : bf16
      %broadcast_in_dim3A_18 = vector.broadcast %broadcast_in_dim3A : bf16 to vector<32xbf16>
      %swap3A = arith.index_cast %scan3A_16 : i32 to index
      %swap3A_19 = arith.constant 0 : index
      %swap3A_20 = tpu.vector_load %arg12[%swap3A, %swap3A_19] {strides = array<i32>} : memref<64x128xbf16, #tpu.memory_space<vmem>>, vector<32xbf16>,
      tpu.vector_store %arg12[%swap3A, %swap3A_19], %broadcast_in_dim3A_18 {strides = array<i32>} : memref<64x128xbf16, #tpu.memory_space<vmem>>, vector<32xbf16>,
      %broadcast_in_dim3A_21 = arith.constant 0.000000e+00 : bf16
      %broadcast_in_dim3A_22 = vector.broadcast %broadcast_in_dim3A_21 : bf16 to vector<32xbf16>
      %swap3A_23 = arith.index_cast %scan3A_16 : i32 to index
      %swap3A_24 = arith.constant 32 : index
      %swap3A_25 = tpu.vector_load %arg12[%swap3A_23, %swap3A_24] {strides = array<i32>} : memref<64x128xbf16, #tpu.memory_space<vmem>>, vector<32xbf16>,
      tpu.vector_store %arg12[%swap3A_23, %swap3A_24], %broadcast_in_dim3A_22 {strides = array<i32>} : memref<64x128xbf16, #tpu.memory_space<vmem>>, vector<32xbf16>,
      %broadcast_in_dim3A_26 = arith.constant 0.000000e+00 : bf16
      %broadcast_in_dim3A_27 = vector.broadcast %broadcast_in_dim3A_26 : bf16 to vector<32xbf16>
      %swap3A_28 = arith.index_cast %scan3A_16 : i32 to index
      %swap3A_29 = arith.constant 64 : index
      %swap3A_30 = tpu.vector_load %arg12[%swap3A_28, %swap3A_29] {strides = array<i32>} : memref<64x128xbf16, #tpu.memory_space<vmem>>, vector<32xbf16>,
      tpu.vector_store %arg12[%swap3A_28, %swap3A_29], %broadcast_in_dim3A_27 {strides = array<i32>} : memref<64x128xbf16, #tpu.memory_space<vmem>>, vector<32xbf16>,
      %broadcast_in_dim3A_31 = arith.constant 0.000000e+00 : bf16
      %broadcast_in_dim3A_32 = vector.broadcast %broadcast_in_dim3A_31 : bf16 to vector<32xbf16>
      %swap3A_33 = arith.index_cast %scan3A_16 : i32 to index
      %swap3A_34 = arith.constant 96 : index
      %swap3A_35 = tpu.vector_load %arg12[%swap3A_33, %swap3A_34] {strides = array<i32>} : memref<64x128xbf16, #tpu.memory_space<vmem>>, vector<32xbf16>,
      tpu.vector_store %arg12[%swap3A_33, %swap3A_34], %broadcast_in_dim3A_32 {strides = array<i32>} : memref<64x128xbf16, #tpu.memory_space<vmem>>, vector<32xbf16>,
      %scan3A_36 = arith.constant 0 : i32
      scf.yield %scan3A_36 : i32
    }
    %scan3A_8 = arith.constant 64 : i32
    "tpu.region"() ({
      %run_scoped3A = tpu.sem_alloc : memref<!tpu.dma_semaphore, #tpu.memory_space<semaphore_mem>>
      %dma_start3A = arith.constant 0 : i32
      %dma_start3A_16 = tpu.memref_slice %arg3[%mul3A_2, %dma_start3A] : memref<2560x128xi32, #tpu.memory_space<hbm>> -> memref<80x128xi32, #tpu.memory_space<hbm>>
      %dma_start3A_17 = arith.constant 0 : i32
      %dma_start3A_18 = tpu.memref_slice %arg3[%mul3A_2, %dma_start3A_17] : memref<2560x128xi32, #tpu.memory_space<hbm>> -> memref<80x128xi32, #tpu.memory_space<hbm>>
      tpu.enqueue_dma source(%dma_start3A_18 : memref<80x128xi32, #tpu.memory_space<hbm>>) target(%arg6 : memref<80x128xi32, #tpu.memory_space<vmem>>) target_semaphore(%run_scoped3A : memref<!tpu.dma_semaphore, #tpu.memory_space<semaphore_mem>>)
      %dma_wait3A = arith.constant 0 : i32
      %dma_wait3A_19 = tpu.memref_slice %arg3[%mul3A_2, %dma_wait3A] : memref<2560x128xi32, #tpu.memory_space<hbm>> -> memref<80x128xi32, #tpu.memory_space<hbm>>
      %dma_wait3A_20 = arith.constant 0 : i32
      %dma_wait3A_21 = tpu.memref_slice %arg3[%mul3A_2, %dma_wait3A_20] : memref<2560x128xi32, #tpu.memory_space<hbm>> -> memref<80x128xi32, #tpu.memory_space<hbm>>
      tpu.wait_dma2 semaphore(%run_scoped3A : memref<!tpu.dma_semaphore, #tpu.memory_space<semaphore_mem>>) src(%dma_wait3A_21 : memref<80x128xi32, #tpu.memory_space<hbm>>) dst(%arg6 : memref<80x128xi32, #tpu.memory_space<vmem>>)
      tpu.yield
    }) : () -> ()
    "tpu.region"() ({
      %run_scoped3A = tpu.sem_alloc : memref<!tpu.dma_semaphore, #tpu.memory_space<semaphore_mem>>
      %dma_start3A = arith.constant 0 : i32
      %dma_start3A_16 = tpu.memref_slice %arg4[%mul3A_2, %dma_start3A] : memref<2560x128xi32, #tpu.memory_space<hbm>> -> memref<80x128xi32, #tpu.memory_space<hbm>>
      %dma_start3A_17 = arith.constant 0 : i32
      %dma_start3A_18 = tpu.memref_slice %arg4[%mul3A_2, %dma_start3A_17] : memref<2560x128xi32, #tpu.memory_space<hbm>> -> memref<80x128xi32, #tpu.memory_space<hbm>>
      tpu.enqueue_dma source(%dma_start3A_18 : memref<80x128xi32, #tpu.memory_space<hbm>>) target(%arg7 : memref<80x128xi32, #tpu.memory_space<vmem>>) target_semaphore(%run_scoped3A : memref<!tpu.dma_semaphore, #tpu.memory_space<semaphore_mem>>)
      %dma_wait3A = arith.constant 0 : i32
      %dma_wait3A_19 = tpu.memref_slice %arg4[%mul3A_2, %dma_wait3A] : memref<2560x128xi32, #tpu.memory_space<hbm>> -> memref<80x128xi32, #tpu.memory_space<hbm>>
      %dma_wait3A_20 = arith.constant 0 : i32
      %dma_wait3A_21 = tpu.memref_slice %arg4[%mul3A_2, %dma_wait3A_20] : memref<2560x128xi32, #tpu.memory_space<hbm>> -> memref<80x128xi32, #tpu.memory_space<hbm>>
      tpu.wait_dma2 semaphore(%run_scoped3A : memref<!tpu.dma_semaphore, #tpu.memory_space<semaphore_mem>>) src(%dma_wait3A_21 : memref<80x128xi32, #tpu.memory_space<hbm>>) dst(%arg7 : memref<80x128xi32, #tpu.memory_space<vmem>>)
      tpu.yield
    }) : () -> ()
    %scan3A_9 = arith.constant 0 : i32
    %scan3A_10 = arith.constant 0 : i32
    %scan3A_11 = arith.constant 8 : i32
    %scan3A_12 = arith.addi %scan3A_10, %scan3A_11 : i32
    %scan3A_13 = arith.constant 1 : i32
    %scan3A_14 = scf.for %scan3A_16 = %scan3A_10 to %scan3A_12 step %scan3A_13 iter_args(%scan3A_17 = %scan3A_9) -> (i32)  : i32 {
      %gt3A = arith.constant 0 : i32
      %gt3A_18 = arith.cmpi sgt, %scan3A_16, %gt3A : i32
      %convert_element_type3A = arith.extui %gt3A_18 : i1 to i32
      %cond3A = arith.constant 0 : i32
      %cond3A_19 = arith.cmpi ne, %convert_element_type3A, %cond3A : i32
      scf.if %cond3A_19 {
        %scan3A_60 = arith.constant 0 : i32
        %scan3A_61 = arith.constant 0 : i32
        %scan3A_62 = arith.constant 640 : i32
        %scan3A_63 = arith.addi %scan3A_61, %scan3A_62 : i32
        %scan3A_64 = arith.constant 1 : i32
        %scan3A_65 = scf.for %scan3A_67 = %scan3A_61 to %scan3A_63 step %scan3A_64 iter_args(%scan3A_68 = %scan3A_60) -> (i32)  : i32 {
          %jit3A = arith.constant 8 : i32
          %div3A = arith.divsi %scan3A_67, %jit3A : i32
          %sign3A = arith.constant 0 : i32
          %sign3A_69 = arith.cmpi sgt, %scan3A_67, %sign3A : i32
          %sign3A_70 = arith.extui %sign3A_69 : i1 to i32
          %sign3A_71 = arith.constant 0 : i32
          %sign3A_72 = arith.cmpi slt, %scan3A_67, %sign3A_71 : i32
          %sign3A_73 = arith.extui %sign3A_72 : i1 to i32
          %sign3A_74 = arith.subi %sign3A_70, %sign3A_73 : i32
          %sign3A_75 = arith.constant 0 : i32
          %sign3A_76 = arith.cmpi sgt, %jit3A, %sign3A_75 : i32
          %sign3A_77 = arith.extui %sign3A_76 : i1 to i32
          %sign3A_78 = arith.constant 0 : i32
          %sign3A_79 = arith.cmpi slt, %jit3A, %sign3A_78 : i32
          %sign3A_80 = arith.extui %sign3A_79 : i1 to i32
          %sign3A_81 = arith.subi %sign3A_77, %sign3A_80 : i32
          %ne3A = arith.cmpi ne, %sign3A_74, %sign3A_81 : i32
          %rem3A = arith.remsi %scan3A_67, %jit3A : i32
          %ne3A_82 = arith.constant 0 : i32
          %ne3A_83 = arith.cmpi ne, %rem3A, %ne3A_82 : i32
          %and3A = arith.andi %ne3A, %ne3A_83 : i1
          %sub3A = arith.constant 1 : i32
          %sub3A_84 = arith.subi %div3A, %sub3A : i32
          %select_n3A = arith.select %and3A, %sub3A_84, %div3A : i32
          %rem3A_85 = arith.constant 8 : i32
          %rem3A_86 = arith.remsi %scan3A_67, %rem3A_85 : i32
          %mul3A_87 = arith.constant 16 : i32
          %mul3A_88 = arith.muli %rem3A_86, %mul3A_87 : i32
          %get3A = arith.index_cast %select_n3A : i32 to index
          %get3A_89 = arith.index_cast %mul3A_88 : i32 to index
          %get3A_90 = tpu.vector_load %arg6[%get3A, %get3A_89] {strides = array<i32>} : memref<80x128xi32, #tpu.memory_space<vmem>>, vector<16xi32>,
          %add3A_91 = arith.constant 10240 : i32
          %add3A_92 = vector.broadcast %add3A_91 : i32 to vector<16xi32>
          %add3A_93 = arith.addi %get3A_90, %add3A_92 : vector<16xi32>
          %mul3A_94 = arith.constant 16 : i32
          %mul3A_95 = arith.muli %rem3A_86, %mul3A_94 : i32
          %swap3A = arith.index_cast %select_n3A : i32 to index
          %swap3A_96 = arith.index_cast %mul3A_95 : i32 to index
          %swap3A_97 = tpu.vector_load %arg6[%swap3A, %swap3A_96] {strides = array<i32>} : memref<80x128xi32, #tpu.memory_space<vmem>>, vector<16xi32>,
          tpu.vector_store %arg6[%swap3A, %swap3A_96], %add3A_93 {strides = array<i32>} : memref<80x128xi32, #tpu.memory_space<vmem>>, vector<16xi32>,
          %scan3A_98 = arith.constant 0 : i32
          scf.yield %scan3A_98 : i32
        }
        %scan3A_66 = arith.constant 640 : i32
      } else {
      }
      %scan3A_20 = arith.constant 0 : i32
      %scan3A_21 = arith.constant 0 : i32
      %scan3A_22 = arith.constant 10 : i32
      %scan3A_23 = arith.addi %scan3A_21, %scan3A_22 : i32
      %scan3A_24 = arith.constant 1 : i32
      %scan3A_25 = scf.for %scan3A_60 = %scan3A_21 to %scan3A_23 step %scan3A_24 iter_args(%scan3A_61 = %scan3A_20) -> (i32)  : i32 {
        %mul3A_62 = arith.constant 640 : i32
        %mul3A_63 = arith.muli %arg1, %mul3A_62 : i32
        %mul3A_64 = arith.constant 64 : i32
        %mul3A_65 = arith.muli %scan3A_60, %mul3A_64 : i32
        %add3A_66 = arith.addi %mul3A_63, %mul3A_65 : i32
        "tpu.region"() ({
          %run_scoped3A = tpu.sem_alloc : memref<!tpu.dma_semaphore, #tpu.memory_space<semaphore_mem>>
          %dma_start3A_68 = arith.constant 0 : i32
          %dma_start3A_69 = tpu.memref_slice %arg13[%add3A_66, %dma_start3A_68] : memref<10240x128xbf16, #tpu.memory_space<vmem_shared>> -> memref<64x128xbf16, #tpu.memory_space<vmem_shared>>
          %dma_start3A_70 = arith.constant 0 : i32
          %dma_start3A_71 = tpu.memref_slice %arg13[%add3A_66, %dma_start3A_70] : memref<10240x128xbf16, #tpu.memory_space<vmem_shared>> -> memref<64x128xbf16, #tpu.memory_space<vmem_shared>>
          tpu.enqueue_dma source(%arg12 : memref<64x128xbf16, #tpu.memory_space<vmem>>) target(%dma_start3A_71 : memref<64x128xbf16, #tpu.memory_space<vmem_shared>>) target_semaphore(%run_scoped3A : memref<!tpu.dma_semaphore, #tpu.memory_space<semaphore_mem>>)
          %dma_wait3A = arith.constant 0 : i32
          %dma_wait3A_72 = tpu.memref_slice %arg13[%add3A_66, %dma_wait3A] : memref<10240x128xbf16, #tpu.memory_space<vmem_shared>> -> memref<64x128xbf16, #tpu.memory_space<vmem_shared>>
          %dma_wait3A_73 = arith.constant 0 : i32
          %dma_wait3A_74 = tpu.memref_slice %arg13[%add3A_66, %dma_wait3A_73] : memref<10240x128xbf16, #tpu.memory_space<vmem_shared>> -> memref<64x128xbf16, #tpu.memory_space<vmem_shared>>
          tpu.wait_dma2 semaphore(%run_scoped3A : memref<!tpu.dma_semaphore, #tpu.memory_space<semaphore_mem>>) src(%arg12 : memref<64x128xbf16, #tpu.memory_space<vmem>>) dst(%dma_wait3A_74 : memref<64x128xbf16, #tpu.memory_space<vmem_shared>>)
          tpu.yield
        }) : () -> ()
        %scan3A_67 = arith.constant 0 : i32
        scf.yield %scan3A_67 : i32
      }
      %scan3A_26 = arith.constant 10 : i32
      %barrier3A = arith.constant 0 : index
      tpu.barrier barrier_id(%barrier3A)
      %dma_start3A = arith.constant 0 : i32
      %dma_start3A_27 = arith.constant 0 : i32
      %dma_start3A_28 = tpu.memref_slice %arg6[%dma_start3A, %dma_start3A_27] : memref<80x128xi32, #tpu.memory_space<vmem>> -> memref<1x128xi32, #tpu.memory_space<vmem>>
      %dma_start3A_29 = tpu.memref_squeeze %dma_start3A_28 : memref<1x128xi32, #tpu.memory_space<vmem>> -> memref<128xi32, #tpu.memory_space<vmem>>
      %dma_start3A_30 = arith.constant 0 : i32
      %dma_start3A_31 = arith.constant 0 : i32
      %dma_start3A_32 = tpu.memref_slice %arg2[%dma_start3A_30, %dma_start3A_31] : memref<81920x128xbf16, #tpu.memory_space<hbm>> -> memref<81920x128xbf16, #tpu.memory_space<hbm>>
      tpu.enqueue_indirect_dma source(%dma_start3A_32 : memref<81920x128xbf16, #tpu.memory_space<hbm>>) target(%arg8 : memref<128x128xbf16, #tpu.memory_space<vmem>>) offsets(%dma_start3A_29 : memref<128xi32, #tpu.memory_space<vmem>>) semaphore(%arg14 : memref<!tpu.dma_semaphore, #tpu.memory_space<semaphore_mem>>)
      %dma_start3A_33 = arith.constant 1 : i32
      %dma_start3A_34 = arith.constant 0 : i32
      %dma_start3A_35 = tpu.memref_slice %arg6[%dma_start3A_33, %dma_start3A_34] : memref<80x128xi32, #tpu.memory_space<vmem>> -> memref<1x128xi32, #tpu.memory_space<vmem>>
      %dma_start3A_36 = tpu.memref_squeeze %dma_start3A_35 : memref<1x128xi32, #tpu.memory_space<vmem>> -> memref<128xi32, #tpu.memory_space<vmem>>
      %dma_start3A_37 = arith.constant 0 : i32
      %dma_start3A_38 = arith.constant 0 : i32
      %dma_start3A_39 = tpu.memref_slice %arg2[%dma_start3A_37, %dma_start3A_38] : memref<81920x128xbf16, #tpu.memory_space<hbm>> -> memref<81920x128xbf16, #tpu.memory_space<hbm>>
      tpu.enqueue_indirect_dma source(%dma_start3A_39 : memref<81920x128xbf16, #tpu.memory_space<hbm>>) target(%arg9 : memref<128x128xbf16, #tpu.memory_space<vmem>>) offsets(%dma_start3A_36 : memref<128xi32, #tpu.memory_space<vmem>>) semaphore(%arg15 : memref<!tpu.dma_semaphore, #tpu.memory_space<semaphore_mem>>)
      %dma_start3A_40 = arith.constant 2 : i32
      %dma_start3A_41 = arith.constant 0 : i32
      %dma_start3A_42 = tpu.memref_slice %arg6[%dma_start3A_40, %dma_start3A_41] : memref<80x128xi32, #tpu.memory_space<vmem>> -> memref<1x128xi32, #tpu.memory_space<vmem>>
      %dma_start3A_43 = tpu.memref_squeeze %dma_start3A_42 : memref<1x128xi32, #tpu.memory_space<vmem>> -> memref<128xi32, #tpu.memory_space<vmem>>
      %dma_start3A_44 = arith.constant 0 : i32
      %dma_start3A_45 = arith.constant 0 : i32
      %dma_start3A_46 = tpu.memref_slice %arg2[%dma_start3A_44, %dma_start3A_45] : memref<81920x128xbf16, #tpu.memory_space<hbm>> -> memref<81920x128xbf16, #tpu.memory_space<hbm>>
      tpu.enqueue_indirect_dma source(%dma_start3A_46 : memref<81920x128xbf16, #tpu.memory_space<hbm>>) target(%arg10 : memref<128x128xbf16, #tpu.memory_space<vmem>>) offsets(%dma_start3A_43 : memref<128xi32, #tpu.memory_space<vmem>>) semaphore(%arg16 : memref<!tpu.dma_semaphore, #tpu.memory_space<semaphore_mem>>)
      %scan3A_47 = arith.constant 0 : i32
      %scan3A_48 = arith.constant 0 : i32
      %scan3A_49 = arith.constant 20 : i32
      %scan3A_50 = arith.addi %scan3A_48, %scan3A_49 : i32
      %scan3A_51 = arith.constant 1 : i32
      %scan3A_52 = scf.for %scan3A_60 = %scan3A_48 to %scan3A_50 step %scan3A_51 iter_args(%scan3A_61 = %scan3A_47) -> (i32)  : i32 {
        %mul3A_62 = arith.constant 4 : i32
        %mul3A_63 = arith.muli %mul3A_62, %scan3A_60 : i32
        %add3A_64 = arith.constant 0 : i32
        %add3A_65 = arith.addi %mul3A_63, %add3A_64 : i32
        %add3A_66 = arith.constant 3 : i32
        %add3A_67 = arith.addi %add3A_65, %add3A_66 : i32
        %lt3A = arith.constant 80 : i32
        %lt3A_68 = arith.cmpi slt, %add3A_67, %lt3A : i32
        %convert_element_type3A_69 = arith.extui %lt3A_68 : i1 to i32
        %cond3A_70 = arith.constant 0 : i32
        %cond3A_71 = arith.cmpi ne, %convert_element_type3A_69, %cond3A_70 : i32
        scf.if %cond3A_71 {
          %add3A_123 = arith.constant 3 : i32
          %add3A_124 = arith.addi %add3A_65, %add3A_123 : i32
          %dma_start3A_125 = arith.constant 0 : i32
          %dma_start3A_126 = tpu.memref_slice %arg6[%add3A_124, %dma_start3A_125] : memref<80x128xi32, #tpu.memory_space<vmem>> -> memref<1x128xi32, #tpu.memory_space<vmem>>
          %dma_start3A_127 = tpu.memref_squeeze %dma_start3A_126 : memref<1x128xi32, #tpu.memory_space<vmem>> -> memref<128xi32, #tpu.memory_space<vmem>>
          %dma_start3A_128 = arith.constant 0 : i32
          %dma_start3A_129 = arith.constant 0 : i32
          %dma_start3A_130 = tpu.memref_slice %arg2[%dma_start3A_128, %dma_start3A_129] : memref<81920x128xbf16, #tpu.memory_space<hbm>> -> memref<81920x128xbf16, #tpu.memory_space<hbm>>
          tpu.enqueue_indirect_dma source(%dma_start3A_130 : memref<81920x128xbf16, #tpu.memory_space<hbm>>) target(%arg11 : memref<128x128xbf16, #tpu.memory_space<vmem>>) offsets(%dma_start3A_127 : memref<128xi32, #tpu.memory_space<vmem>>) semaphore(%arg17 : memref<!tpu.dma_semaphore, #tpu.memory_space<semaphore_mem>>)
        } else {
        }
        %dma_wait3A = arith.constant 0 : i32
        %dma_wait3A_72 = tpu.memref_slice %arg6[%add3A_65, %dma_wait3A] : memref<80x128xi32, #tpu.memory_space<vmem>> -> memref<1x128xi32, #tpu.memory_space<vmem>>
        %dma_wait3A_73 = tpu.memref_squeeze %dma_wait3A_72 : memref<1x128xi32, #tpu.memory_space<vmem>> -> memref<128xi32, #tpu.memory_space<vmem>>
        %dma_wait3A_74 = arith.constant 0 : i32
        %dma_wait3A_75 = arith.constant 0 : i32
        %dma_wait3A_76 = tpu.memref_slice %arg2[%dma_wait3A_74, %dma_wait3A_75] : memref<81920x128xbf16, #tpu.memory_space<hbm>> -> memref<81920x128xbf16, #tpu.memory_space<hbm>>
        tpu.wait_indirect_dma semaphore(%arg14 : memref<!tpu.dma_semaphore, #tpu.memory_space<semaphore_mem>>) src(%dma_wait3A_76 : memref<81920x128xbf16, #tpu.memory_space<hbm>>) dst(%arg8 : memref<128x128xbf16, #tpu.memory_space<vmem>>)
        "tpu.region"() ({
          %run_scoped3A = tpu.sem_alloc : memref<!tpu.dma_semaphore, #tpu.memory_space<semaphore_mem>>
          %dma_start3A_123 = arith.constant 0 : i32
          %dma_start3A_124 = tpu.memref_slice %arg7[%add3A_65, %dma_start3A_123] : memref<80x128xi32, #tpu.memory_space<vmem>> -> memref<1x128xi32, #tpu.memory_space<vmem>>
          %dma_start3A_125 = tpu.memref_squeeze %dma_start3A_124 : memref<1x128xi32, #tpu.memory_space<vmem>> -> memref<128xi32, #tpu.memory_space<vmem>>
          %dma_start3A_126 = arith.constant 0 : i32
          %dma_start3A_127 = arith.constant 0 : i32
          %dma_start3A_128 = tpu.memref_slice %arg13[%dma_start3A_126, %dma_start3A_127] : memref<10240x128xbf16, #tpu.memory_space<vmem_shared>> -> memref<10240x128xbf16, #tpu.memory_space<vmem_shared>>
          tpu.enqueue_indirect_dma source(%arg8 : memref<128x128xbf16, #tpu.memory_space<vmem>>) target(%dma_start3A_128 : memref<10240x128xbf16, #tpu.memory_space<vmem_shared>>) offsets(%dma_start3A_125 : memref<128xi32, #tpu.memory_space<vmem>>) semaphore(%run_scoped3A : memref<!tpu.dma_semaphore, #tpu.memory_space<semaphore_mem>>) {add = true}
          %dma_wait3A_129 = arith.constant 0 : i32
          %dma_wait3A_130 = tpu.memref_slice %arg7[%add3A_65, %dma_wait3A_129] : memref<80x128xi32, #tpu.memory_space<vmem>> -> memref<1x128xi32, #tpu.memory_space<vmem>>
          %dma_wait3A_131 = tpu.memref_squeeze %dma_wait3A_130 : memref<1x128xi32, #tpu.memory_space<vmem>> -> memref<128xi32, #tpu.memory_space<vmem>>
          %dma_wait3A_132 = arith.constant 0 : i32
          %dma_wait3A_133 = arith.constant 0 : i32
          %dma_wait3A_134 = tpu.memref_slice %arg13[%dma_wait3A_132, %dma_wait3A_133] : memref<10240x128xbf16, #tpu.memory_space<vmem_shared>> -> memref<10240x128xbf16, #tpu.memory_space<vmem_shared>>
          tpu.wait_indirect_dma semaphore(%run_scoped3A : memref<!tpu.dma_semaphore, #tpu.memory_space<semaphore_mem>>) src(%arg8 : memref<128x128xbf16, #tpu.memory_space<vmem>>) dst(%dma_wait3A_134 : memref<10240x128xbf16, #tpu.memory_space<vmem_shared>>)
          tpu.yield
        }) : () -> ()
        %add3A_77 = arith.constant 1 : i32
        %add3A_78 = arith.addi %mul3A_63, %add3A_77 : i32
        %add3A_79 = arith.constant 3 : i32
        %add3A_80 = arith.addi %add3A_78, %add3A_79 : i32
        %lt3A_81 = arith.constant 80 : i32
        %lt3A_82 = arith.cmpi slt, %add3A_80, %lt3A_81 : i32
        %convert_element_type3A_83 = arith.extui %lt3A_82 : i1 to i32
        %cond3A_84 = arith.constant 0 : i32
        %cond3A_85 = arith.cmpi ne, %convert_element_type3A_83, %cond3A_84 : i32
        scf.if %cond3A_85 {
          %add3A_123 = arith.constant 3 : i32
          %add3A_124 = arith.addi %add3A_78, %add3A_123 : i32
          %dma_start3A_125 = arith.constant 0 : i32
          %dma_start3A_126 = tpu.memref_slice %arg6[%add3A_124, %dma_start3A_125] : memref<80x128xi32, #tpu.memory_space<vmem>> -> memref<1x128xi32, #tpu.memory_space<vmem>>
          %dma_start3A_127 = tpu.memref_squeeze %dma_start3A_126 : memref<1x128xi32, #tpu.memory_space<vmem>> -> memref<128xi32, #tpu.memory_space<vmem>>
          %dma_start3A_128 = arith.constant 0 : i32
          %dma_start3A_129 = arith.constant 0 : i32
          %dma_start3A_130 = tpu.memref_slice %arg2[%dma_start3A_128, %dma_start3A_129] : memref<81920x128xbf16, #tpu.memory_space<hbm>> -> memref<81920x128xbf16, #tpu.memory_space<hbm>>
          tpu.enqueue_indirect_dma source(%dma_start3A_130 : memref<81920x128xbf16, #tpu.memory_space<hbm>>) target(%arg8 : memref<128x128xbf16, #tpu.memory_space<vmem>>) offsets(%dma_start3A_127 : memref<128xi32, #tpu.memory_space<vmem>>) semaphore(%arg14 : memref<!tpu.dma_semaphore, #tpu.memory_space<semaphore_mem>>)
        } else {
        }
        %dma_wait3A_86 = arith.constant 0 : i32
        %dma_wait3A_87 = tpu.memref_slice %arg6[%add3A_78, %dma_wait3A_86] : memref<80x128xi32, #tpu.memory_space<vmem>> -> memref<1x128xi32, #tpu.memory_space<vmem>>
        %dma_wait3A_88 = tpu.memref_squeeze %dma_wait3A_87 : memref<1x128xi32, #tpu.memory_space<vmem>> -> memref<128xi32, #tpu.memory_space<vmem>>
        %dma_wait3A_89 = arith.constant 0 : i32
        %dma_wait3A_90 = arith.constant 0 : i32
        %dma_wait3A_91 = tpu.memref_slice %arg2[%dma_wait3A_89, %dma_wait3A_90] : memref<81920x128xbf16, #tpu.memory_space<hbm>> -> memref<81920x128xbf16, #tpu.memory_space<hbm>>
        tpu.wait_indirect_dma semaphore(%arg15 : memref<!tpu.dma_semaphore, #tpu.memory_space<semaphore_mem>>) src(%dma_wait3A_91 : memref<81920x128xbf16, #tpu.memory_space<hbm>>) dst(%arg9 : memref<128x128xbf16, #tpu.memory_space<vmem>>)
        "tpu.region"() ({
          %run_scoped3A = tpu.sem_alloc : memref<!tpu.dma_semaphore, #tpu.memory_space<semaphore_mem>>
          %dma_start3A_123 = arith.constant 0 : i32
          %dma_start3A_124 = tpu.memref_slice %arg7[%add3A_78, %dma_start3A_123] : memref<80x128xi32, #tpu.memory_space<vmem>> -> memref<1x128xi32, #tpu.memory_space<vmem>>
          %dma_start3A_125 = tpu.memref_squeeze %dma_start3A_124 : memref<1x128xi32, #tpu.memory_space<vmem>> -> memref<128xi32, #tpu.memory_space<vmem>>
          %dma_start3A_126 = arith.constant 0 : i32
          %dma_start3A_127 = arith.constant 0 : i32
          %dma_start3A_128 = tpu.memref_slice %arg13[%dma_start3A_126, %dma_start3A_127] : memref<10240x128xbf16, #tpu.memory_space<vmem_shared>> -> memref<10240x128xbf16, #tpu.memory_space<vmem_shared>>
          tpu.enqueue_indirect_dma source(%arg9 : memref<128x128xbf16, #tpu.memory_space<vmem>>) target(%dma_start3A_128 : memref<10240x128xbf16, #tpu.memory_space<vmem_shared>>) offsets(%dma_start3A_125 : memref<128xi32, #tpu.memory_space<vmem>>) semaphore(%run_scoped3A : memref<!tpu.dma_semaphore, #tpu.memory_space<semaphore_mem>>) {add = true}
          %dma_wait3A_129 = arith.constant 0 : i32
          %dma_wait3A_130 = tpu.memref_slice %arg7[%add3A_78, %dma_wait3A_129] : memref<80x128xi32, #tpu.memory_space<vmem>> -> memref<1x128xi32, #tpu.memory_space<vmem>>
          %dma_wait3A_131 = tpu.memref_squeeze %dma_wait3A_130 : memref<1x128xi32, #tpu.memory_space<vmem>> -> memref<128xi32, #tpu.memory_space<vmem>>
          %dma_wait3A_132 = arith.constant 0 : i32
          %dma_wait3A_133 = arith.constant 0 : i32
          %dma_wait3A_134 = tpu.memref_slice %arg13[%dma_wait3A_132, %dma_wait3A_133] : memref<10240x128xbf16, #tpu.memory_space<vmem_shared>> -> memref<10240x128xbf16, #tpu.memory_space<vmem_shared>>
          tpu.wait_indirect_dma semaphore(%run_scoped3A : memref<!tpu.dma_semaphore, #tpu.memory_space<semaphore_mem>>) src(%arg9 : memref<128x128xbf16, #tpu.memory_space<vmem>>) dst(%dma_wait3A_134 : memref<10240x128xbf16, #tpu.memory_space<vmem_shared>>)
          tpu.yield
        }) : () -> ()
        %add3A_92 = arith.constant 2 : i32
        %add3A_93 = arith.addi %mul3A_63, %add3A_92 : i32
        %add3A_94 = arith.constant 3 : i32
        %add3A_95 = arith.addi %add3A_93, %add3A_94 : i32
        %lt3A_96 = arith.constant 80 : i32
        %lt3A_97 = arith.cmpi slt, %add3A_95, %lt3A_96 : i32
        %convert_element_type3A_98 = arith.extui %lt3A_97 : i1 to i32
        %cond3A_99 = arith.constant 0 : i32
        %cond3A_100 = arith.cmpi ne, %convert_element_type3A_98, %cond3A_99 : i32
        scf.if %cond3A_100 {
          %add3A_123 = arith.constant 3 : i32
          %add3A_124 = arith.addi %add3A_93, %add3A_123 : i32
          %dma_start3A_125 = arith.constant 0 : i32
          %dma_start3A_126 = tpu.memref_slice %arg6[%add3A_124, %dma_start3A_125] : memref<80x128xi32, #tpu.memory_space<vmem>> -> memref<1x128xi32, #tpu.memory_space<vmem>>
          %dma_start3A_127 = tpu.memref_squeeze %dma_start3A_126 : memref<1x128xi32, #tpu.memory_space<vmem>> -> memref<128xi32, #tpu.memory_space<vmem>>
          %dma_start3A_128 = arith.constant 0 : i32
          %dma_start3A_129 = arith.constant 0 : i32
          %dma_start3A_130 = tpu.memref_slice %arg2[%dma_start3A_128, %dma_start3A_129] : memref<81920x128xbf16, #tpu.memory_space<hbm>> -> memref<81920x128xbf16, #tpu.memory_space<hbm>>
          tpu.enqueue_indirect_dma source(%dma_start3A_130 : memref<81920x128xbf16, #tpu.memory_space<hbm>>) target(%arg9 : memref<128x128xbf16, #tpu.memory_space<vmem>>) offsets(%dma_start3A_127 : memref<128xi32, #tpu.memory_space<vmem>>) semaphore(%arg15 : memref<!tpu.dma_semaphore, #tpu.memory_space<semaphore_mem>>)
        } else {
        }
        %dma_wait3A_101 = arith.constant 0 : i32
        %dma_wait3A_102 = tpu.memref_slice %arg6[%add3A_93, %dma_wait3A_101] : memref<80x128xi32, #tpu.memory_space<vmem>> -> memref<1x128xi32, #tpu.memory_space<vmem>>
        %dma_wait3A_103 = tpu.memref_squeeze %dma_wait3A_102 : memref<1x128xi32, #tpu.memory_space<vmem>> -> memref<128xi32, #tpu.memory_space<vmem>>
        %dma_wait3A_104 = arith.constant 0 : i32
        %dma_wait3A_105 = arith.constant 0 : i32
        %dma_wait3A_106 = tpu.memref_slice %arg2[%dma_wait3A_104, %dma_wait3A_105] : memref<81920x128xbf16, #tpu.memory_space<hbm>> -> memref<81920x128xbf16, #tpu.memory_space<hbm>>
        tpu.wait_indirect_dma semaphore(%arg16 : memref<!tpu.dma_semaphore, #tpu.memory_space<semaphore_mem>>) src(%dma_wait3A_106 : memref<81920x128xbf16, #tpu.memory_space<hbm>>) dst(%arg10 : memref<128x128xbf16, #tpu.memory_space<vmem>>)
        "tpu.region"() ({
          %run_scoped3A = tpu.sem_alloc : memref<!tpu.dma_semaphore, #tpu.memory_space<semaphore_mem>>
          %dma_start3A_123 = arith.constant 0 : i32
          %dma_start3A_124 = tpu.memref_slice %arg7[%add3A_93, %dma_start3A_123] : memref<80x128xi32, #tpu.memory_space<vmem>> -> memref<1x128xi32, #tpu.memory_space<vmem>>
          %dma_start3A_125 = tpu.memref_squeeze %dma_start3A_124 : memref<1x128xi32, #tpu.memory_space<vmem>> -> memref<128xi32, #tpu.memory_space<vmem>>
          %dma_start3A_126 = arith.constant 0 : i32
          %dma_start3A_127 = arith.constant 0 : i32
          %dma_start3A_128 = tpu.memref_slice %arg13[%dma_start3A_126, %dma_start3A_127] : memref<10240x128xbf16, #tpu.memory_space<vmem_shared>> -> memref<10240x128xbf16, #tpu.memory_space<vmem_shared>>
          tpu.enqueue_indirect_dma source(%arg10 : memref<128x128xbf16, #tpu.memory_space<vmem>>) target(%dma_start3A_128 : memref<10240x128xbf16, #tpu.memory_space<vmem_shared>>) offsets(%dma_start3A_125 : memref<128xi32, #tpu.memory_space<vmem>>) semaphore(%run_scoped3A : memref<!tpu.dma_semaphore, #tpu.memory_space<semaphore_mem>>) {add = true}
          %dma_wait3A_129 = arith.constant 0 : i32
          %dma_wait3A_130 = tpu.memref_slice %arg7[%add3A_93, %dma_wait3A_129] : memref<80x128xi32, #tpu.memory_space<vmem>> -> memref<1x128xi32, #tpu.memory_space<vmem>>
          %dma_wait3A_131 = tpu.memref_squeeze %dma_wait3A_130 : memref<1x128xi32, #tpu.memory_space<vmem>> -> memref<128xi32, #tpu.memory_space<vmem>>
          %dma_wait3A_132 = arith.constant 0 : i32
          %dma_wait3A_133 = arith.constant 0 : i32
          %dma_wait3A_134 = tpu.memref_slice %arg13[%dma_wait3A_132, %dma_wait3A_133] : memref<10240x128xbf16, #tpu.memory_space<vmem_shared>> -> memref<10240x128xbf16, #tpu.memory_space<vmem_shared>>
          tpu.wait_indirect_dma semaphore(%run_scoped3A : memref<!tpu.dma_semaphore, #tpu.memory_space<semaphore_mem>>) src(%arg10 : memref<128x128xbf16, #tpu.memory_space<vmem>>) dst(%dma_wait3A_134 : memref<10240x128xbf16, #tpu.memory_space<vmem_shared>>)
          tpu.yield
        }) : () -> ()
        %add3A_107 = arith.constant 3 : i32
        %add3A_108 = arith.addi %mul3A_63, %add3A_107 : i32
        %add3A_109 = arith.constant 3 : i32
        %add3A_110 = arith.addi %add3A_108, %add3A_109 : i32
        %lt3A_111 = arith.constant 80 : i32
        %lt3A_112 = arith.cmpi slt, %add3A_110, %lt3A_111 : i32
        %convert_element_type3A_113 = arith.extui %lt3A_112 : i1 to i32
        %cond3A_114 = arith.constant 0 : i32
        %cond3A_115 = arith.cmpi ne, %convert_element_type3A_113, %cond3A_114 : i32
        scf.if %cond3A_115 {
          %add3A_123 = arith.constant 3 : i32
          %add3A_124 = arith.addi %add3A_108, %add3A_123 : i32
          %dma_start3A_125 = arith.constant 0 : i32
          %dma_start3A_126 = tpu.memref_slice %arg6[%add3A_124, %dma_start3A_125] : memref<80x128xi32, #tpu.memory_space<vmem>> -> memref<1x128xi32, #tpu.memory_space<vmem>>
          %dma_start3A_127 = tpu.memref_squeeze %dma_start3A_126 : memref<1x128xi32, #tpu.memory_space<vmem>> -> memref<128xi32, #tpu.memory_space<vmem>>
          %dma_start3A_128 = arith.constant 0 : i32
          %dma_start3A_129 = arith.constant 0 : i32
          %dma_start3A_130 = tpu.memref_slice %arg2[%dma_start3A_128, %dma_start3A_129] : memref<81920x128xbf16, #tpu.memory_space<hbm>> -> memref<81920x128xbf16, #tpu.memory_space<hbm>>
          tpu.enqueue_indirect_dma source(%dma_start3A_130 : memref<81920x128xbf16, #tpu.memory_space<hbm>>) target(%arg10 : memref<128x128xbf16, #tpu.memory_space<vmem>>) offsets(%dma_start3A_127 : memref<128xi32, #tpu.memory_space<vmem>>) semaphore(%arg16 : memref<!tpu.dma_semaphore, #tpu.memory_space<semaphore_mem>>)
        } else {
        }
        %dma_wait3A_116 = arith.constant 0 : i32
        %dma_wait3A_117 = tpu.memref_slice %arg6[%add3A_108, %dma_wait3A_116] : memref<80x128xi32, #tpu.memory_space<vmem>> -> memref<1x128xi32, #tpu.memory_space<vmem>>
        %dma_wait3A_118 = tpu.memref_squeeze %dma_wait3A_117 : memref<1x128xi32, #tpu.memory_space<vmem>> -> memref<128xi32, #tpu.memory_space<vmem>>
        %dma_wait3A_119 = arith.constant 0 : i32
        %dma_wait3A_120 = arith.constant 0 : i32
        %dma_wait3A_121 = tpu.memref_slice %arg2[%dma_wait3A_119, %dma_wait3A_120] : memref<81920x128xbf16, #tpu.memory_space<hbm>> -> memref<81920x128xbf16, #tpu.memory_space<hbm>>
        tpu.wait_indirect_dma semaphore(%arg17 : memref<!tpu.dma_semaphore, #tpu.memory_space<semaphore_mem>>) src(%dma_wait3A_121 : memref<81920x128xbf16, #tpu.memory_space<hbm>>) dst(%arg11 : memref<128x128xbf16, #tpu.memory_space<vmem>>)
        "tpu.region"() ({
          %run_scoped3A = tpu.sem_alloc : memref<!tpu.dma_semaphore, #tpu.memory_space<semaphore_mem>>
          %dma_start3A_123 = arith.constant 0 : i32
          %dma_start3A_124 = tpu.memref_slice %arg7[%add3A_108, %dma_start3A_123] : memref<80x128xi32, #tpu.memory_space<vmem>> -> memref<1x128xi32, #tpu.memory_space<vmem>>
          %dma_start3A_125 = tpu.memref_squeeze %dma_start3A_124 : memref<1x128xi32, #tpu.memory_space<vmem>> -> memref<128xi32, #tpu.memory_space<vmem>>
          %dma_start3A_126 = arith.constant 0 : i32
          %dma_start3A_127 = arith.constant 0 : i32
          %dma_start3A_128 = tpu.memref_slice %arg13[%dma_start3A_126, %dma_start3A_127] : memref<10240x128xbf16, #tpu.memory_space<vmem_shared>> -> memref<10240x128xbf16, #tpu.memory_space<vmem_shared>>
          tpu.enqueue_indirect_dma source(%arg11 : memref<128x128xbf16, #tpu.memory_space<vmem>>) target(%dma_start3A_128 : memref<10240x128xbf16, #tpu.memory_space<vmem_shared>>) offsets(%dma_start3A_125 : memref<128xi32, #tpu.memory_space<vmem>>) semaphore(%run_scoped3A : memref<!tpu.dma_semaphore, #tpu.memory_space<semaphore_mem>>) {add = true}
          %dma_wait3A_129 = arith.constant 0 : i32
          %dma_wait3A_130 = tpu.memref_slice %arg7[%add3A_108, %dma_wait3A_129] : memref<80x128xi32, #tpu.memory_space<vmem>> -> memref<1x128xi32, #tpu.memory_space<vmem>>
          %dma_wait3A_131 = tpu.memref_squeeze %dma_wait3A_130 : memref<1x128xi32, #tpu.memory_space<vmem>> -> memref<128xi32, #tpu.memory_space<vmem>>
          %dma_wait3A_132 = arith.constant 0 : i32
          %dma_wait3A_133 = arith.constant 0 : i32
          %dma_wait3A_134 = tpu.memref_slice %arg13[%dma_wait3A_132, %dma_wait3A_133] : memref<10240x128xbf16, #tpu.memory_space<vmem_shared>> -> memref<10240x128xbf16, #tpu.memory_space<vmem_shared>>
          tpu.wait_indirect_dma semaphore(%run_scoped3A : memref<!tpu.dma_semaphore, #tpu.memory_space<semaphore_mem>>) src(%arg11 : memref<128x128xbf16, #tpu.memory_space<vmem>>) dst(%dma_wait3A_134 : memref<10240x128xbf16, #tpu.memory_space<vmem_shared>>)
          tpu.yield
        }) : () -> ()
        %scan3A_122 = arith.constant 0 : i32
        scf.yield %scan3A_122 : i32
      }
      %scan3A_53 = arith.constant 20 : i32
      %barrier3A_54 = arith.constant 0 : index
      tpu.barrier barrier_id(%barrier3A_54)
      %mul3A_55 = arith.constant 640 : i32
      %mul3A_56 = arith.muli %arg1, %mul3A_55 : i32
      %mul3A_57 = arith.constant 640 : i32
      %mul3A_58 = arith.muli %arg1, %mul3A_57 : i32
      "tpu.region"() ({
        %run_scoped3A = tpu.sem_alloc : memref<!tpu.dma_semaphore, #tpu.memory_space<semaphore_mem>>
        %dma_start3A_60 = arith.constant 0 : i32
        %dma_start3A_61 = tpu.memref_slice %arg5[%arg0, %scan3A_16, %mul3A_58, %dma_start3A_60] : memref<2x8x10240x128xbf16, #tpu.memory_space<hbm>> -> memref<1x1x640x128xbf16, #tpu.memory_space<hbm>>
        %dma_start3A_62 = tpu.memref_squeeze %dma_start3A_61 : memref<1x1x640x128xbf16, #tpu.memory_space<hbm>> -> memref<640x128xbf16, #tpu.memory_space<hbm>>
        %dma_start3A_63 = arith.constant 0 : i32
        %dma_start3A_64 = tpu.memref_slice %arg13[%mul3A_56, %dma_start3A_63] : memref<10240x128xbf16, #tpu.memory_space<vmem_shared>> -> memref<640x128xbf16, #tpu.memory_space<vmem_shared>>
        tpu.enqueue_dma source(%dma_start3A_64 : memref<640x128xbf16, #tpu.memory_space<vmem_shared>>) target(%dma_start3A_62 : memref<640x128xbf16, #tpu.memory_space<hbm>>) target_semaphore(%run_scoped3A : memref<!tpu.dma_semaphore, #tpu.memory_space<semaphore_mem>>)
        %dma_wait3A = arith.constant 0 : i32
        %dma_wait3A_65 = tpu.memref_slice %arg5[%arg0, %scan3A_16, %mul3A_58, %dma_wait3A] : memref<2x8x10240x128xbf16, #tpu.memory_space<hbm>> -> memref<1x1x640x128xbf16, #tpu.memory_space<hbm>>
        %dma_wait3A_66 = tpu.memref_squeeze %dma_wait3A_65 : memref<1x1x640x128xbf16, #tpu.memory_space<hbm>> -> memref<640x128xbf16, #tpu.memory_space<hbm>>
        %dma_wait3A_67 = arith.constant 0 : i32
        %dma_wait3A_68 = tpu.memref_slice %arg13[%mul3A_56, %dma_wait3A_67] : memref<10240x128xbf16, #tpu.memory_space<vmem_shared>> -> memref<640x128xbf16, #tpu.memory_space<vmem_shared>>
        tpu.wait_dma2 semaphore(%run_scoped3A : memref<!tpu.dma_semaphore, #tpu.memory_space<semaphore_mem>>) src(%dma_wait3A_68 : memref<640x128xbf16, #tpu.memory_space<vmem_shared>>) dst(%dma_wait3A_66 : memref<640x128xbf16, #tpu.memory_space<hbm>>)
        tpu.yield
      }) : () -> ()
      %scan3A_59 = arith.constant 0 : i32
      scf.yield %scan3A_59 : i32
    }
    %scan3A_15 = arith.constant 8 : i32
    return
  }
}

#map = affine_map<(d0, d1) -> (0, 0)>
#map1 = affine_map<(d0, d1) -> (0, 0, 0, 0)>
module attributes {stable_mosaic.version = 14 : i64} {
  func.func @body(%arg0: i32, %arg1: i32, %arg2: memref<401408x128xbf16, #tpu.memory_space<hbm>>, %arg3: memref<3328x128xi32, #tpu.memory_space<hbm>>, %arg4: memref<3328x128xi32, #tpu.memory_space<hbm>>, %arg5: memref<2x8x5120x128xbf16, #tpu.memory_space<hbm>>, %arg6: memref<104x128xi32, #tpu.memory_space<vmem>>, %arg7: memref<104x128xi32, #tpu.memory_space<vmem>>, %arg8: memref<128x128xbf16, #tpu.memory_space<vmem>>, %arg9: memref<128x128xbf16, #tpu.memory_space<vmem>>, %arg10: memref<128x128xbf16, #tpu.memory_space<vmem>>, %arg11: memref<128x128xbf16, #tpu.memory_space<vmem>>, %arg12: memref<64x128xbf16, #tpu.memory_space<vmem>>, %arg13: memref<5120x128xbf16, #tpu.memory_space<vmem_shared>>, %arg14: memref<!tpu.dma_semaphore, #tpu.memory_space<semaphore_mem>>, %arg15: memref<!tpu.dma_semaphore, #tpu.memory_space<semaphore_mem>>, %arg16: memref<!tpu.dma_semaphore, #tpu.memory_space<semaphore_mem>>, %arg17: memref<!tpu.dma_semaphore, #tpu.memory_space<semaphore_mem>>) attributes {dimension_semantics = [#tpu.dimension_semantics<core_parallel>, #tpu.dimension_semantics<subcore_parallel>], iteration_bounds = array<i64: 2, 16>, scalar_prefetch = 0 : i64, scratch_operands = 12 : i64, tpu.core_type = #tpu.core_type<sc_vector_subcore>, window_params = [{transform_indices = #map}, {transform_indices = #map}, {transform_indices = #map}, {transform_indices = #map1}]} {
    %mul3A = arith.constant 16 : i32
    %mul3A_0 = arith.muli %arg0, %mul3A : i32
    %add3A = arith.addi %mul3A_0, %arg1 : i32
    %mul3A_1 = arith.constant 104 : i32
    %mul3A_2 = arith.muli %add3A, %mul3A_1 : i32
    %scan3A = arith.constant 0 : i32
    %scan3A_3 = arith.constant 0 : i32
    %scan3A_4 = arith.constant 64 : i32
    %scan3A_5 = arith.addi %scan3A_3, %scan3A_4 : i32
    %scan3A_6 = arith.constant 1 : i32
    %scan3A_7 = scf.for %scan3A_16 = %scan3A_3 to %scan3A_5 step %scan3A_6 iter_args(%scan3A_17 = %scan3A) -> (i32)  : i32 {
      %broadcast_in_dim3A = arith.constant 0.000000e+00 : bf16
      %broadcast_in_dim3A_18 = vector.broadcast %broadcast_in_dim3A : bf16 to vector<32xbf16>
      %swap3A = arith.index_cast %scan3A_16 : i32 to index
      %swap3A_19 = arith.constant 0 : index
      %swap3A_20 = tpu.vector_load %arg12[%swap3A, %swap3A_19] {strides = array<i32>} : memref<64x128xbf16, #tpu.memory_space<vmem>>, vector<32xbf16>,
      tpu.vector_store %arg12[%swap3A, %swap3A_19], %broadcast_in_dim3A_18 {strides = array<i32>} : memref<64x128xbf16, #tpu.memory_space<vmem>>, vector<32xbf16>,
      %broadcast_in_dim3A_21 = arith.constant 0.000000e+00 : bf16
      %broadcast_in_dim3A_22 = vector.broadcast %broadcast_in_dim3A_21 : bf16 to vector<32xbf16>
      %swap3A_23 = arith.index_cast %scan3A_16 : i32 to index
      %swap3A_24 = arith.constant 32 : index
      %swap3A_25 = tpu.vector_load %arg12[%swap3A_23, %swap3A_24] {strides = array<i32>} : memref<64x128xbf16, #tpu.memory_space<vmem>>, vector<32xbf16>,
      tpu.vector_store %arg12[%swap3A_23, %swap3A_24], %broadcast_in_dim3A_22 {strides = array<i32>} : memref<64x128xbf16, #tpu.memory_space<vmem>>, vector<32xbf16>,
      %broadcast_in_dim3A_26 = arith.constant 0.000000e+00 : bf16
      %broadcast_in_dim3A_27 = vector.broadcast %broadcast_in_dim3A_26 : bf16 to vector<32xbf16>
      %swap3A_28 = arith.index_cast %scan3A_16 : i32 to index
      %swap3A_29 = arith.constant 64 : index
      %swap3A_30 = tpu.vector_load %arg12[%swap3A_28, %swap3A_29] {strides = array<i32>} : memref<64x128xbf16, #tpu.memory_space<vmem>>, vector<32xbf16>,
      tpu.vector_store %arg12[%swap3A_28, %swap3A_29], %broadcast_in_dim3A_27 {strides = array<i32>} : memref<64x128xbf16, #tpu.memory_space<vmem>>, vector<32xbf16>,
      %broadcast_in_dim3A_31 = arith.constant 0.000000e+00 : bf16
      %broadcast_in_dim3A_32 = vector.broadcast %broadcast_in_dim3A_31 : bf16 to vector<32xbf16>
      %swap3A_33 = arith.index_cast %scan3A_16 : i32 to index
      %swap3A_34 = arith.constant 96 : index
      %swap3A_35 = tpu.vector_load %arg12[%swap3A_33, %swap3A_34] {strides = array<i32>} : memref<64x128xbf16, #tpu.memory_space<vmem>>, vector<32xbf16>,
      tpu.vector_store %arg12[%swap3A_33, %swap3A_34], %broadcast_in_dim3A_32 {strides = array<i32>} : memref<64x128xbf16, #tpu.memory_space<vmem>>, vector<32xbf16>,
      %scan3A_36 = arith.constant 0 : i32
      scf.yield %scan3A_36 : i32
    }
    %scan3A_8 = arith.constant 64 : i32
    "tpu.region"() ({
      %run_scoped3A = tpu.sem_alloc : memref<!tpu.dma_semaphore, #tpu.memory_space<semaphore_mem>>
      %dma_start3A = arith.constant 0 : i32
      %dma_start3A_16 = tpu.memref_slice %arg3[%mul3A_2, %dma_start3A] : memref<3328x128xi32, #tpu.memory_space<hbm>> -> memref<104x128xi32, #tpu.memory_space<hbm>>
      %dma_start3A_17 = arith.constant 0 : i32
      %dma_start3A_18 = tpu.memref_slice %arg3[%mul3A_2, %dma_start3A_17] : memref<3328x128xi32, #tpu.memory_space<hbm>> -> memref<104x128xi32, #tpu.memory_space<hbm>>
      tpu.enqueue_dma source(%dma_start3A_18 : memref<104x128xi32, #tpu.memory_space<hbm>>) target(%arg6 : memref<104x128xi32, #tpu.memory_space<vmem>>) target_semaphore(%run_scoped3A : memref<!tpu.dma_semaphore, #tpu.memory_space<semaphore_mem>>)
      %dma_wait3A = arith.constant 0 : i32
      %dma_wait3A_19 = tpu.memref_slice %arg3[%mul3A_2, %dma_wait3A] : memref<3328x128xi32, #tpu.memory_space<hbm>> -> memref<104x128xi32, #tpu.memory_space<hbm>>
      %dma_wait3A_20 = arith.constant 0 : i32
      %dma_wait3A_21 = tpu.memref_slice %arg3[%mul3A_2, %dma_wait3A_20] : memref<3328x128xi32, #tpu.memory_space<hbm>> -> memref<104x128xi32, #tpu.memory_space<hbm>>
      tpu.wait_dma2 semaphore(%run_scoped3A : memref<!tpu.dma_semaphore, #tpu.memory_space<semaphore_mem>>) src(%dma_wait3A_21 : memref<104x128xi32, #tpu.memory_space<hbm>>) dst(%arg6 : memref<104x128xi32, #tpu.memory_space<vmem>>)
      tpu.yield
    }) : () -> ()
    "tpu.region"() ({
      %run_scoped3A = tpu.sem_alloc : memref<!tpu.dma_semaphore, #tpu.memory_space<semaphore_mem>>
      %dma_start3A = arith.constant 0 : i32
      %dma_start3A_16 = tpu.memref_slice %arg4[%mul3A_2, %dma_start3A] : memref<3328x128xi32, #tpu.memory_space<hbm>> -> memref<104x128xi32, #tpu.memory_space<hbm>>
      %dma_start3A_17 = arith.constant 0 : i32
      %dma_start3A_18 = tpu.memref_slice %arg4[%mul3A_2, %dma_start3A_17] : memref<3328x128xi32, #tpu.memory_space<hbm>> -> memref<104x128xi32, #tpu.memory_space<hbm>>
      tpu.enqueue_dma source(%dma_start3A_18 : memref<104x128xi32, #tpu.memory_space<hbm>>) target(%arg7 : memref<104x128xi32, #tpu.memory_space<vmem>>) target_semaphore(%run_scoped3A : memref<!tpu.dma_semaphore, #tpu.memory_space<semaphore_mem>>)
      %dma_wait3A = arith.constant 0 : i32
      %dma_wait3A_19 = tpu.memref_slice %arg4[%mul3A_2, %dma_wait3A] : memref<3328x128xi32, #tpu.memory_space<hbm>> -> memref<104x128xi32, #tpu.memory_space<hbm>>
      %dma_wait3A_20 = arith.constant 0 : i32
      %dma_wait3A_21 = tpu.memref_slice %arg4[%mul3A_2, %dma_wait3A_20] : memref<3328x128xi32, #tpu.memory_space<hbm>> -> memref<104x128xi32, #tpu.memory_space<hbm>>
      tpu.wait_dma2 semaphore(%run_scoped3A : memref<!tpu.dma_semaphore, #tpu.memory_space<semaphore_mem>>) src(%dma_wait3A_21 : memref<104x128xi32, #tpu.memory_space<hbm>>) dst(%arg7 : memref<104x128xi32, #tpu.memory_space<vmem>>)
      tpu.yield
    }) : () -> ()
    %scan3A_9 = arith.constant 0 : i32
    %scan3A_10 = arith.constant 0 : i32
    %scan3A_11 = arith.constant 8 : i32
    %scan3A_12 = arith.addi %scan3A_10, %scan3A_11 : i32
    %scan3A_13 = arith.constant 1 : i32
    %scan3A_14 = scf.for %scan3A_16 = %scan3A_10 to %scan3A_12 step %scan3A_13 iter_args(%scan3A_17 = %scan3A_9) -> (i32)  : i32 {
      %gt3A = arith.constant 0 : i32
      %gt3A_18 = arith.cmpi sgt, %scan3A_16, %gt3A : i32
      %convert_element_type3A = arith.extui %gt3A_18 : i1 to i32
      %cond3A = arith.constant 0 : i32
      %cond3A_19 = arith.cmpi ne, %convert_element_type3A, %cond3A : i32
      scf.if %cond3A_19 {
        %scan3A_60 = arith.constant 0 : i32
        %scan3A_61 = arith.constant 0 : i32
        %scan3A_62 = arith.constant 832 : i32
        %scan3A_63 = arith.addi %scan3A_61, %scan3A_62 : i32
        %scan3A_64 = arith.constant 1 : i32
        %scan3A_65 = scf.for %scan3A_67 = %scan3A_61 to %scan3A_63 step %scan3A_64 iter_args(%scan3A_68 = %scan3A_60) -> (i32)  : i32 {
          %jit3A = arith.constant 8 : i32
          %div3A = arith.divsi %scan3A_67, %jit3A : i32
          %sign3A = arith.constant 0 : i32
          %sign3A_69 = arith.cmpi sgt, %scan3A_67, %sign3A : i32
          %sign3A_70 = arith.extui %sign3A_69 : i1 to i32
          %sign3A_71 = arith.constant 0 : i32
          %sign3A_72 = arith.cmpi slt, %scan3A_67, %sign3A_71 : i32
          %sign3A_73 = arith.extui %sign3A_72 : i1 to i32
          %sign3A_74 = arith.subi %sign3A_70, %sign3A_73 : i32
          %sign3A_75 = arith.constant 0 : i32
          %sign3A_76 = arith.cmpi sgt, %jit3A, %sign3A_75 : i32
          %sign3A_77 = arith.extui %sign3A_76 : i1 to i32
          %sign3A_78 = arith.constant 0 : i32
          %sign3A_79 = arith.cmpi slt, %jit3A, %sign3A_78 : i32
          %sign3A_80 = arith.extui %sign3A_79 : i1 to i32
          %sign3A_81 = arith.subi %sign3A_77, %sign3A_80 : i32
          %ne3A = arith.cmpi ne, %sign3A_74, %sign3A_81 : i32
          %rem3A = arith.remsi %scan3A_67, %jit3A : i32
          %ne3A_82 = arith.constant 0 : i32
          %ne3A_83 = arith.cmpi ne, %rem3A, %ne3A_82 : i32
          %and3A = arith.andi %ne3A, %ne3A_83 : i1
          %sub3A = arith.constant 1 : i32
          %sub3A_84 = arith.subi %div3A, %sub3A : i32
          %select_n3A = arith.select %and3A, %sub3A_84, %div3A : i32
          %rem3A_85 = arith.constant 8 : i32
          %rem3A_86 = arith.remsi %scan3A_67, %rem3A_85 : i32
          %mul3A_87 = arith.constant 16 : i32
          %mul3A_88 = arith.muli %rem3A_86, %mul3A_87 : i32
          %get3A = arith.index_cast %select_n3A : i32 to index
          %get3A_89 = arith.index_cast %mul3A_88 : i32 to index
          %get3A_90 = tpu.vector_load %arg6[%get3A, %get3A_89] {strides = array<i32>} : memref<104x128xi32, #tpu.memory_space<vmem>>, vector<16xi32>,
          %add3A_91 = arith.constant 50176 : i32
          %add3A_92 = vector.broadcast %add3A_91 : i32 to vector<16xi32>
          %add3A_93 = arith.addi %get3A_90, %add3A_92 : vector<16xi32>
          %mul3A_94 = arith.constant 16 : i32
          %mul3A_95 = arith.muli %rem3A_86, %mul3A_94 : i32
          %swap3A = arith.index_cast %select_n3A : i32 to index
          %swap3A_96 = arith.index_cast %mul3A_95 : i32 to index
          %swap3A_97 = tpu.vector_load %arg6[%swap3A, %swap3A_96] {strides = array<i32>} : memref<104x128xi32, #tpu.memory_space<vmem>>, vector<16xi32>,
          tpu.vector_store %arg6[%swap3A, %swap3A_96], %add3A_93 {strides = array<i32>} : memref<104x128xi32, #tpu.memory_space<vmem>>, vector<16xi32>,
          %scan3A_98 = arith.constant 0 : i32
          scf.yield %scan3A_98 : i32
        }
        %scan3A_66 = arith.constant 832 : i32
      } else {
      }
      %scan3A_20 = arith.constant 0 : i32
      %scan3A_21 = arith.constant 0 : i32
      %scan3A_22 = arith.constant 5 : i32
      %scan3A_23 = arith.addi %scan3A_21, %scan3A_22 : i32
      %scan3A_24 = arith.constant 1 : i32
      %scan3A_25 = scf.for %scan3A_60 = %scan3A_21 to %scan3A_23 step %scan3A_24 iter_args(%scan3A_61 = %scan3A_20) -> (i32)  : i32 {
        %mul3A_62 = arith.constant 320 : i32
        %mul3A_63 = arith.muli %arg1, %mul3A_62 : i32
        %mul3A_64 = arith.constant 64 : i32
        %mul3A_65 = arith.muli %scan3A_60, %mul3A_64 : i32
        %add3A_66 = arith.addi %mul3A_63, %mul3A_65 : i32
        "tpu.region"() ({
          %run_scoped3A = tpu.sem_alloc : memref<!tpu.dma_semaphore, #tpu.memory_space<semaphore_mem>>
          %dma_start3A_68 = arith.constant 0 : i32
          %dma_start3A_69 = tpu.memref_slice %arg13[%add3A_66, %dma_start3A_68] : memref<5120x128xbf16, #tpu.memory_space<vmem_shared>> -> memref<64x128xbf16, #tpu.memory_space<vmem_shared>>
          %dma_start3A_70 = arith.constant 0 : i32
          %dma_start3A_71 = tpu.memref_slice %arg13[%add3A_66, %dma_start3A_70] : memref<5120x128xbf16, #tpu.memory_space<vmem_shared>> -> memref<64x128xbf16, #tpu.memory_space<vmem_shared>>
          tpu.enqueue_dma source(%arg12 : memref<64x128xbf16, #tpu.memory_space<vmem>>) target(%dma_start3A_71 : memref<64x128xbf16, #tpu.memory_space<vmem_shared>>) target_semaphore(%run_scoped3A : memref<!tpu.dma_semaphore, #tpu.memory_space<semaphore_mem>>)
          %dma_wait3A = arith.constant 0 : i32
          %dma_wait3A_72 = tpu.memref_slice %arg13[%add3A_66, %dma_wait3A] : memref<5120x128xbf16, #tpu.memory_space<vmem_shared>> -> memref<64x128xbf16, #tpu.memory_space<vmem_shared>>
          %dma_wait3A_73 = arith.constant 0 : i32
          %dma_wait3A_74 = tpu.memref_slice %arg13[%add3A_66, %dma_wait3A_73] : memref<5120x128xbf16, #tpu.memory_space<vmem_shared>> -> memref<64x128xbf16, #tpu.memory_space<vmem_shared>>
          tpu.wait_dma2 semaphore(%run_scoped3A : memref<!tpu.dma_semaphore, #tpu.memory_space<semaphore_mem>>) src(%arg12 : memref<64x128xbf16, #tpu.memory_space<vmem>>) dst(%dma_wait3A_74 : memref<64x128xbf16, #tpu.memory_space<vmem_shared>>)
          tpu.yield
        }) : () -> ()
        %scan3A_67 = arith.constant 0 : i32
        scf.yield %scan3A_67 : i32
      }
      %scan3A_26 = arith.constant 5 : i32
      %barrier3A = arith.constant 0 : index
      tpu.barrier barrier_id(%barrier3A)
      %dma_start3A = arith.constant 0 : i32
      %dma_start3A_27 = arith.constant 0 : i32
      %dma_start3A_28 = tpu.memref_slice %arg6[%dma_start3A, %dma_start3A_27] : memref<104x128xi32, #tpu.memory_space<vmem>> -> memref<1x128xi32, #tpu.memory_space<vmem>>
      %dma_start3A_29 = tpu.memref_squeeze %dma_start3A_28 : memref<1x128xi32, #tpu.memory_space<vmem>> -> memref<128xi32, #tpu.memory_space<vmem>>
      %dma_start3A_30 = arith.constant 0 : i32
      %dma_start3A_31 = arith.constant 0 : i32
      %dma_start3A_32 = tpu.memref_slice %arg2[%dma_start3A_30, %dma_start3A_31] : memref<401408x128xbf16, #tpu.memory_space<hbm>> -> memref<401408x128xbf16, #tpu.memory_space<hbm>>
      tpu.enqueue_indirect_dma source(%dma_start3A_32 : memref<401408x128xbf16, #tpu.memory_space<hbm>>) target(%arg8 : memref<128x128xbf16, #tpu.memory_space<vmem>>) offsets(%dma_start3A_29 : memref<128xi32, #tpu.memory_space<vmem>>) semaphore(%arg14 : memref<!tpu.dma_semaphore, #tpu.memory_space<semaphore_mem>>)
      %dma_start3A_33 = arith.constant 1 : i32
      %dma_start3A_34 = arith.constant 0 : i32
      %dma_start3A_35 = tpu.memref_slice %arg6[%dma_start3A_33, %dma_start3A_34] : memref<104x128xi32, #tpu.memory_space<vmem>> -> memref<1x128xi32, #tpu.memory_space<vmem>>
      %dma_start3A_36 = tpu.memref_squeeze %dma_start3A_35 : memref<1x128xi32, #tpu.memory_space<vmem>> -> memref<128xi32, #tpu.memory_space<vmem>>
      %dma_start3A_37 = arith.constant 0 : i32
      %dma_start3A_38 = arith.constant 0 : i32
      %dma_start3A_39 = tpu.memref_slice %arg2[%dma_start3A_37, %dma_start3A_38] : memref<401408x128xbf16, #tpu.memory_space<hbm>> -> memref<401408x128xbf16, #tpu.memory_space<hbm>>
      tpu.enqueue_indirect_dma source(%dma_start3A_39 : memref<401408x128xbf16, #tpu.memory_space<hbm>>) target(%arg9 : memref<128x128xbf16, #tpu.memory_space<vmem>>) offsets(%dma_start3A_36 : memref<128xi32, #tpu.memory_space<vmem>>) semaphore(%arg15 : memref<!tpu.dma_semaphore, #tpu.memory_space<semaphore_mem>>)
      %dma_start3A_40 = arith.constant 2 : i32
      %dma_start3A_41 = arith.constant 0 : i32
      %dma_start3A_42 = tpu.memref_slice %arg6[%dma_start3A_40, %dma_start3A_41] : memref<104x128xi32, #tpu.memory_space<vmem>> -> memref<1x128xi32, #tpu.memory_space<vmem>>
      %dma_start3A_43 = tpu.memref_squeeze %dma_start3A_42 : memref<1x128xi32, #tpu.memory_space<vmem>> -> memref<128xi32, #tpu.memory_space<vmem>>
      %dma_start3A_44 = arith.constant 0 : i32
      %dma_start3A_45 = arith.constant 0 : i32
      %dma_start3A_46 = tpu.memref_slice %arg2[%dma_start3A_44, %dma_start3A_45] : memref<401408x128xbf16, #tpu.memory_space<hbm>> -> memref<401408x128xbf16, #tpu.memory_space<hbm>>
      tpu.enqueue_indirect_dma source(%dma_start3A_46 : memref<401408x128xbf16, #tpu.memory_space<hbm>>) target(%arg10 : memref<128x128xbf16, #tpu.memory_space<vmem>>) offsets(%dma_start3A_43 : memref<128xi32, #tpu.memory_space<vmem>>) semaphore(%arg16 : memref<!tpu.dma_semaphore, #tpu.memory_space<semaphore_mem>>)
      %scan3A_47 = arith.constant 0 : i32
      %scan3A_48 = arith.constant 0 : i32
      %scan3A_49 = arith.constant 26 : i32
      %scan3A_50 = arith.addi %scan3A_48, %scan3A_49 : i32
      %scan3A_51 = arith.constant 1 : i32
      %scan3A_52 = scf.for %scan3A_60 = %scan3A_48 to %scan3A_50 step %scan3A_51 iter_args(%scan3A_61 = %scan3A_47) -> (i32)  : i32 {
        %mul3A_62 = arith.constant 4 : i32
        %mul3A_63 = arith.muli %mul3A_62, %scan3A_60 : i32
        %add3A_64 = arith.constant 0 : i32
        %add3A_65 = arith.addi %mul3A_63, %add3A_64 : i32
        %add3A_66 = arith.constant 3 : i32
        %add3A_67 = arith.addi %add3A_65, %add3A_66 : i32
        %lt3A = arith.constant 104 : i32
        %lt3A_68 = arith.cmpi slt, %add3A_67, %lt3A : i32
        %convert_element_type3A_69 = arith.extui %lt3A_68 : i1 to i32
        %cond3A_70 = arith.constant 0 : i32
        %cond3A_71 = arith.cmpi ne, %convert_element_type3A_69, %cond3A_70 : i32
        scf.if %cond3A_71 {
          %add3A_123 = arith.constant 3 : i32
          %add3A_124 = arith.addi %add3A_65, %add3A_123 : i32
          %dma_start3A_125 = arith.constant 0 : i32
          %dma_start3A_126 = tpu.memref_slice %arg6[%add3A_124, %dma_start3A_125] : memref<104x128xi32, #tpu.memory_space<vmem>> -> memref<1x128xi32, #tpu.memory_space<vmem>>
          %dma_start3A_127 = tpu.memref_squeeze %dma_start3A_126 : memref<1x128xi32, #tpu.memory_space<vmem>> -> memref<128xi32, #tpu.memory_space<vmem>>
          %dma_start3A_128 = arith.constant 0 : i32
          %dma_start3A_129 = arith.constant 0 : i32
          %dma_start3A_130 = tpu.memref_slice %arg2[%dma_start3A_128, %dma_start3A_129] : memref<401408x128xbf16, #tpu.memory_space<hbm>> -> memref<401408x128xbf16, #tpu.memory_space<hbm>>
          tpu.enqueue_indirect_dma source(%dma_start3A_130 : memref<401408x128xbf16, #tpu.memory_space<hbm>>) target(%arg11 : memref<128x128xbf16, #tpu.memory_space<vmem>>) offsets(%dma_start3A_127 : memref<128xi32, #tpu.memory_space<vmem>>) semaphore(%arg17 : memref<!tpu.dma_semaphore, #tpu.memory_space<semaphore_mem>>)
        } else {
        }
        %dma_wait3A = arith.constant 0 : i32
        %dma_wait3A_72 = tpu.memref_slice %arg6[%add3A_65, %dma_wait3A] : memref<104x128xi32, #tpu.memory_space<vmem>> -> memref<1x128xi32, #tpu.memory_space<vmem>>
        %dma_wait3A_73 = tpu.memref_squeeze %dma_wait3A_72 : memref<1x128xi32, #tpu.memory_space<vmem>> -> memref<128xi32, #tpu.memory_space<vmem>>
        %dma_wait3A_74 = arith.constant 0 : i32
        %dma_wait3A_75 = arith.constant 0 : i32
        %dma_wait3A_76 = tpu.memref_slice %arg2[%dma_wait3A_74, %dma_wait3A_75] : memref<401408x128xbf16, #tpu.memory_space<hbm>> -> memref<401408x128xbf16, #tpu.memory_space<hbm>>
        tpu.wait_indirect_dma semaphore(%arg14 : memref<!tpu.dma_semaphore, #tpu.memory_space<semaphore_mem>>) src(%dma_wait3A_76 : memref<401408x128xbf16, #tpu.memory_space<hbm>>) dst(%arg8 : memref<128x128xbf16, #tpu.memory_space<vmem>>)
        "tpu.region"() ({
          %run_scoped3A = tpu.sem_alloc : memref<!tpu.dma_semaphore, #tpu.memory_space<semaphore_mem>>
          %dma_start3A_123 = arith.constant 0 : i32
          %dma_start3A_124 = tpu.memref_slice %arg7[%add3A_65, %dma_start3A_123] : memref<104x128xi32, #tpu.memory_space<vmem>> -> memref<1x128xi32, #tpu.memory_space<vmem>>
          %dma_start3A_125 = tpu.memref_squeeze %dma_start3A_124 : memref<1x128xi32, #tpu.memory_space<vmem>> -> memref<128xi32, #tpu.memory_space<vmem>>
          %dma_start3A_126 = arith.constant 0 : i32
          %dma_start3A_127 = arith.constant 0 : i32
          %dma_start3A_128 = tpu.memref_slice %arg13[%dma_start3A_126, %dma_start3A_127] : memref<5120x128xbf16, #tpu.memory_space<vmem_shared>> -> memref<5120x128xbf16, #tpu.memory_space<vmem_shared>>
          tpu.enqueue_indirect_dma source(%arg8 : memref<128x128xbf16, #tpu.memory_space<vmem>>) target(%dma_start3A_128 : memref<5120x128xbf16, #tpu.memory_space<vmem_shared>>) offsets(%dma_start3A_125 : memref<128xi32, #tpu.memory_space<vmem>>) semaphore(%run_scoped3A : memref<!tpu.dma_semaphore, #tpu.memory_space<semaphore_mem>>) {add = true}
          %dma_wait3A_129 = arith.constant 0 : i32
          %dma_wait3A_130 = tpu.memref_slice %arg7[%add3A_65, %dma_wait3A_129] : memref<104x128xi32, #tpu.memory_space<vmem>> -> memref<1x128xi32, #tpu.memory_space<vmem>>
          %dma_wait3A_131 = tpu.memref_squeeze %dma_wait3A_130 : memref<1x128xi32, #tpu.memory_space<vmem>> -> memref<128xi32, #tpu.memory_space<vmem>>
          %dma_wait3A_132 = arith.constant 0 : i32
          %dma_wait3A_133 = arith.constant 0 : i32
          %dma_wait3A_134 = tpu.memref_slice %arg13[%dma_wait3A_132, %dma_wait3A_133] : memref<5120x128xbf16, #tpu.memory_space<vmem_shared>> -> memref<5120x128xbf16, #tpu.memory_space<vmem_shared>>
          tpu.wait_indirect_dma semaphore(%run_scoped3A : memref<!tpu.dma_semaphore, #tpu.memory_space<semaphore_mem>>) src(%arg8 : memref<128x128xbf16, #tpu.memory_space<vmem>>) dst(%dma_wait3A_134 : memref<5120x128xbf16, #tpu.memory_space<vmem_shared>>)
          tpu.yield
        }) : () -> ()
        %add3A_77 = arith.constant 1 : i32
        %add3A_78 = arith.addi %mul3A_63, %add3A_77 : i32
        %add3A_79 = arith.constant 3 : i32
        %add3A_80 = arith.addi %add3A_78, %add3A_79 : i32
        %lt3A_81 = arith.constant 104 : i32
        %lt3A_82 = arith.cmpi slt, %add3A_80, %lt3A_81 : i32
        %convert_element_type3A_83 = arith.extui %lt3A_82 : i1 to i32
        %cond3A_84 = arith.constant 0 : i32
        %cond3A_85 = arith.cmpi ne, %convert_element_type3A_83, %cond3A_84 : i32
        scf.if %cond3A_85 {
          %add3A_123 = arith.constant 3 : i32
          %add3A_124 = arith.addi %add3A_78, %add3A_123 : i32
          %dma_start3A_125 = arith.constant 0 : i32
          %dma_start3A_126 = tpu.memref_slice %arg6[%add3A_124, %dma_start3A_125] : memref<104x128xi32, #tpu.memory_space<vmem>> -> memref<1x128xi32, #tpu.memory_space<vmem>>
          %dma_start3A_127 = tpu.memref_squeeze %dma_start3A_126 : memref<1x128xi32, #tpu.memory_space<vmem>> -> memref<128xi32, #tpu.memory_space<vmem>>
          %dma_start3A_128 = arith.constant 0 : i32
          %dma_start3A_129 = arith.constant 0 : i32
          %dma_start3A_130 = tpu.memref_slice %arg2[%dma_start3A_128, %dma_start3A_129] : memref<401408x128xbf16, #tpu.memory_space<hbm>> -> memref<401408x128xbf16, #tpu.memory_space<hbm>>
          tpu.enqueue_indirect_dma source(%dma_start3A_130 : memref<401408x128xbf16, #tpu.memory_space<hbm>>) target(%arg8 : memref<128x128xbf16, #tpu.memory_space<vmem>>) offsets(%dma_start3A_127 : memref<128xi32, #tpu.memory_space<vmem>>) semaphore(%arg14 : memref<!tpu.dma_semaphore, #tpu.memory_space<semaphore_mem>>)
        } else {
        }
        %dma_wait3A_86 = arith.constant 0 : i32
        %dma_wait3A_87 = tpu.memref_slice %arg6[%add3A_78, %dma_wait3A_86] : memref<104x128xi32, #tpu.memory_space<vmem>> -> memref<1x128xi32, #tpu.memory_space<vmem>>
        %dma_wait3A_88 = tpu.memref_squeeze %dma_wait3A_87 : memref<1x128xi32, #tpu.memory_space<vmem>> -> memref<128xi32, #tpu.memory_space<vmem>>
        %dma_wait3A_89 = arith.constant 0 : i32
        %dma_wait3A_90 = arith.constant 0 : i32
        %dma_wait3A_91 = tpu.memref_slice %arg2[%dma_wait3A_89, %dma_wait3A_90] : memref<401408x128xbf16, #tpu.memory_space<hbm>> -> memref<401408x128xbf16, #tpu.memory_space<hbm>>
        tpu.wait_indirect_dma semaphore(%arg15 : memref<!tpu.dma_semaphore, #tpu.memory_space<semaphore_mem>>) src(%dma_wait3A_91 : memref<401408x128xbf16, #tpu.memory_space<hbm>>) dst(%arg9 : memref<128x128xbf16, #tpu.memory_space<vmem>>)
        "tpu.region"() ({
          %run_scoped3A = tpu.sem_alloc : memref<!tpu.dma_semaphore, #tpu.memory_space<semaphore_mem>>
          %dma_start3A_123 = arith.constant 0 : i32
          %dma_start3A_124 = tpu.memref_slice %arg7[%add3A_78, %dma_start3A_123] : memref<104x128xi32, #tpu.memory_space<vmem>> -> memref<1x128xi32, #tpu.memory_space<vmem>>
          %dma_start3A_125 = tpu.memref_squeeze %dma_start3A_124 : memref<1x128xi32, #tpu.memory_space<vmem>> -> memref<128xi32, #tpu.memory_space<vmem>>
          %dma_start3A_126 = arith.constant 0 : i32
          %dma_start3A_127 = arith.constant 0 : i32
          %dma_start3A_128 = tpu.memref_slice %arg13[%dma_start3A_126, %dma_start3A_127] : memref<5120x128xbf16, #tpu.memory_space<vmem_shared>> -> memref<5120x128xbf16, #tpu.memory_space<vmem_shared>>
          tpu.enqueue_indirect_dma source(%arg9 : memref<128x128xbf16, #tpu.memory_space<vmem>>) target(%dma_start3A_128 : memref<5120x128xbf16, #tpu.memory_space<vmem_shared>>) offsets(%dma_start3A_125 : memref<128xi32, #tpu.memory_space<vmem>>) semaphore(%run_scoped3A : memref<!tpu.dma_semaphore, #tpu.memory_space<semaphore_mem>>) {add = true}
          %dma_wait3A_129 = arith.constant 0 : i32
          %dma_wait3A_130 = tpu.memref_slice %arg7[%add3A_78, %dma_wait3A_129] : memref<104x128xi32, #tpu.memory_space<vmem>> -> memref<1x128xi32, #tpu.memory_space<vmem>>
          %dma_wait3A_131 = tpu.memref_squeeze %dma_wait3A_130 : memref<1x128xi32, #tpu.memory_space<vmem>> -> memref<128xi32, #tpu.memory_space<vmem>>
          %dma_wait3A_132 = arith.constant 0 : i32
          %dma_wait3A_133 = arith.constant 0 : i32
          %dma_wait3A_134 = tpu.memref_slice %arg13[%dma_wait3A_132, %dma_wait3A_133] : memref<5120x128xbf16, #tpu.memory_space<vmem_shared>> -> memref<5120x128xbf16, #tpu.memory_space<vmem_shared>>
          tpu.wait_indirect_dma semaphore(%run_scoped3A : memref<!tpu.dma_semaphore, #tpu.memory_space<semaphore_mem>>) src(%arg9 : memref<128x128xbf16, #tpu.memory_space<vmem>>) dst(%dma_wait3A_134 : memref<5120x128xbf16, #tpu.memory_space<vmem_shared>>)
          tpu.yield
        }) : () -> ()
        %add3A_92 = arith.constant 2 : i32
        %add3A_93 = arith.addi %mul3A_63, %add3A_92 : i32
        %add3A_94 = arith.constant 3 : i32
        %add3A_95 = arith.addi %add3A_93, %add3A_94 : i32
        %lt3A_96 = arith.constant 104 : i32
        %lt3A_97 = arith.cmpi slt, %add3A_95, %lt3A_96 : i32
        %convert_element_type3A_98 = arith.extui %lt3A_97 : i1 to i32
        %cond3A_99 = arith.constant 0 : i32
        %cond3A_100 = arith.cmpi ne, %convert_element_type3A_98, %cond3A_99 : i32
        scf.if %cond3A_100 {
          %add3A_123 = arith.constant 3 : i32
          %add3A_124 = arith.addi %add3A_93, %add3A_123 : i32
          %dma_start3A_125 = arith.constant 0 : i32
          %dma_start3A_126 = tpu.memref_slice %arg6[%add3A_124, %dma_start3A_125] : memref<104x128xi32, #tpu.memory_space<vmem>> -> memref<1x128xi32, #tpu.memory_space<vmem>>
          %dma_start3A_127 = tpu.memref_squeeze %dma_start3A_126 : memref<1x128xi32, #tpu.memory_space<vmem>> -> memref<128xi32, #tpu.memory_space<vmem>>
          %dma_start3A_128 = arith.constant 0 : i32
          %dma_start3A_129 = arith.constant 0 : i32
          %dma_start3A_130 = tpu.memref_slice %arg2[%dma_start3A_128, %dma_start3A_129] : memref<401408x128xbf16, #tpu.memory_space<hbm>> -> memref<401408x128xbf16, #tpu.memory_space<hbm>>
          tpu.enqueue_indirect_dma source(%dma_start3A_130 : memref<401408x128xbf16, #tpu.memory_space<hbm>>) target(%arg9 : memref<128x128xbf16, #tpu.memory_space<vmem>>) offsets(%dma_start3A_127 : memref<128xi32, #tpu.memory_space<vmem>>) semaphore(%arg15 : memref<!tpu.dma_semaphore, #tpu.memory_space<semaphore_mem>>)
        } else {
        }
        %dma_wait3A_101 = arith.constant 0 : i32
        %dma_wait3A_102 = tpu.memref_slice %arg6[%add3A_93, %dma_wait3A_101] : memref<104x128xi32, #tpu.memory_space<vmem>> -> memref<1x128xi32, #tpu.memory_space<vmem>>
        %dma_wait3A_103 = tpu.memref_squeeze %dma_wait3A_102 : memref<1x128xi32, #tpu.memory_space<vmem>> -> memref<128xi32, #tpu.memory_space<vmem>>
        %dma_wait3A_104 = arith.constant 0 : i32
        %dma_wait3A_105 = arith.constant 0 : i32
        %dma_wait3A_106 = tpu.memref_slice %arg2[%dma_wait3A_104, %dma_wait3A_105] : memref<401408x128xbf16, #tpu.memory_space<hbm>> -> memref<401408x128xbf16, #tpu.memory_space<hbm>>
        tpu.wait_indirect_dma semaphore(%arg16 : memref<!tpu.dma_semaphore, #tpu.memory_space<semaphore_mem>>) src(%dma_wait3A_106 : memref<401408x128xbf16, #tpu.memory_space<hbm>>) dst(%arg10 : memref<128x128xbf16, #tpu.memory_space<vmem>>)
        "tpu.region"() ({
          %run_scoped3A = tpu.sem_alloc : memref<!tpu.dma_semaphore, #tpu.memory_space<semaphore_mem>>
          %dma_start3A_123 = arith.constant 0 : i32
          %dma_start3A_124 = tpu.memref_slice %arg7[%add3A_93, %dma_start3A_123] : memref<104x128xi32, #tpu.memory_space<vmem>> -> memref<1x128xi32, #tpu.memory_space<vmem>>
          %dma_start3A_125 = tpu.memref_squeeze %dma_start3A_124 : memref<1x128xi32, #tpu.memory_space<vmem>> -> memref<128xi32, #tpu.memory_space<vmem>>
          %dma_start3A_126 = arith.constant 0 : i32
          %dma_start3A_127 = arith.constant 0 : i32
          %dma_start3A_128 = tpu.memref_slice %arg13[%dma_start3A_126, %dma_start3A_127] : memref<5120x128xbf16, #tpu.memory_space<vmem_shared>> -> memref<5120x128xbf16, #tpu.memory_space<vmem_shared>>
          tpu.enqueue_indirect_dma source(%arg10 : memref<128x128xbf16, #tpu.memory_space<vmem>>) target(%dma_start3A_128 : memref<5120x128xbf16, #tpu.memory_space<vmem_shared>>) offsets(%dma_start3A_125 : memref<128xi32, #tpu.memory_space<vmem>>) semaphore(%run_scoped3A : memref<!tpu.dma_semaphore, #tpu.memory_space<semaphore_mem>>) {add = true}
          %dma_wait3A_129 = arith.constant 0 : i32
          %dma_wait3A_130 = tpu.memref_slice %arg7[%add3A_93, %dma_wait3A_129] : memref<104x128xi32, #tpu.memory_space<vmem>> -> memref<1x128xi32, #tpu.memory_space<vmem>>
          %dma_wait3A_131 = tpu.memref_squeeze %dma_wait3A_130 : memref<1x128xi32, #tpu.memory_space<vmem>> -> memref<128xi32, #tpu.memory_space<vmem>>
          %dma_wait3A_132 = arith.constant 0 : i32
          %dma_wait3A_133 = arith.constant 0 : i32
          %dma_wait3A_134 = tpu.memref_slice %arg13[%dma_wait3A_132, %dma_wait3A_133] : memref<5120x128xbf16, #tpu.memory_space<vmem_shared>> -> memref<5120x128xbf16, #tpu.memory_space<vmem_shared>>
          tpu.wait_indirect_dma semaphore(%run_scoped3A : memref<!tpu.dma_semaphore, #tpu.memory_space<semaphore_mem>>) src(%arg10 : memref<128x128xbf16, #tpu.memory_space<vmem>>) dst(%dma_wait3A_134 : memref<5120x128xbf16, #tpu.memory_space<vmem_shared>>)
          tpu.yield
        }) : () -> ()
        %add3A_107 = arith.constant 3 : i32
        %add3A_108 = arith.addi %mul3A_63, %add3A_107 : i32
        %add3A_109 = arith.constant 3 : i32
        %add3A_110 = arith.addi %add3A_108, %add3A_109 : i32
        %lt3A_111 = arith.constant 104 : i32
        %lt3A_112 = arith.cmpi slt, %add3A_110, %lt3A_111 : i32
        %convert_element_type3A_113 = arith.extui %lt3A_112 : i1 to i32
        %cond3A_114 = arith.constant 0 : i32
        %cond3A_115 = arith.cmpi ne, %convert_element_type3A_113, %cond3A_114 : i32
        scf.if %cond3A_115 {
          %add3A_123 = arith.constant 3 : i32
          %add3A_124 = arith.addi %add3A_108, %add3A_123 : i32
          %dma_start3A_125 = arith.constant 0 : i32
          %dma_start3A_126 = tpu.memref_slice %arg6[%add3A_124, %dma_start3A_125] : memref<104x128xi32, #tpu.memory_space<vmem>> -> memref<1x128xi32, #tpu.memory_space<vmem>>
          %dma_start3A_127 = tpu.memref_squeeze %dma_start3A_126 : memref<1x128xi32, #tpu.memory_space<vmem>> -> memref<128xi32, #tpu.memory_space<vmem>>
          %dma_start3A_128 = arith.constant 0 : i32
          %dma_start3A_129 = arith.constant 0 : i32
          %dma_start3A_130 = tpu.memref_slice %arg2[%dma_start3A_128, %dma_start3A_129] : memref<401408x128xbf16, #tpu.memory_space<hbm>> -> memref<401408x128xbf16, #tpu.memory_space<hbm>>
          tpu.enqueue_indirect_dma source(%dma_start3A_130 : memref<401408x128xbf16, #tpu.memory_space<hbm>>) target(%arg10 : memref<128x128xbf16, #tpu.memory_space<vmem>>) offsets(%dma_start3A_127 : memref<128xi32, #tpu.memory_space<vmem>>) semaphore(%arg16 : memref<!tpu.dma_semaphore, #tpu.memory_space<semaphore_mem>>)
        } else {
        }
        %dma_wait3A_116 = arith.constant 0 : i32
        %dma_wait3A_117 = tpu.memref_slice %arg6[%add3A_108, %dma_wait3A_116] : memref<104x128xi32, #tpu.memory_space<vmem>> -> memref<1x128xi32, #tpu.memory_space<vmem>>
        %dma_wait3A_118 = tpu.memref_squeeze %dma_wait3A_117 : memref<1x128xi32, #tpu.memory_space<vmem>> -> memref<128xi32, #tpu.memory_space<vmem>>
        %dma_wait3A_119 = arith.constant 0 : i32
        %dma_wait3A_120 = arith.constant 0 : i32
        %dma_wait3A_121 = tpu.memref_slice %arg2[%dma_wait3A_119, %dma_wait3A_120] : memref<401408x128xbf16, #tpu.memory_space<hbm>> -> memref<401408x128xbf16, #tpu.memory_space<hbm>>
        tpu.wait_indirect_dma semaphore(%arg17 : memref<!tpu.dma_semaphore, #tpu.memory_space<semaphore_mem>>) src(%dma_wait3A_121 : memref<401408x128xbf16, #tpu.memory_space<hbm>>) dst(%arg11 : memref<128x128xbf16, #tpu.memory_space<vmem>>)
        "tpu.region"() ({
          %run_scoped3A = tpu.sem_alloc : memref<!tpu.dma_semaphore, #tpu.memory_space<semaphore_mem>>
          %dma_start3A_123 = arith.constant 0 : i32
          %dma_start3A_124 = tpu.memref_slice %arg7[%add3A_108, %dma_start3A_123] : memref<104x128xi32, #tpu.memory_space<vmem>> -> memref<1x128xi32, #tpu.memory_space<vmem>>
          %dma_start3A_125 = tpu.memref_squeeze %dma_start3A_124 : memref<1x128xi32, #tpu.memory_space<vmem>> -> memref<128xi32, #tpu.memory_space<vmem>>
          %dma_start3A_126 = arith.constant 0 : i32
          %dma_start3A_127 = arith.constant 0 : i32
          %dma_start3A_128 = tpu.memref_slice %arg13[%dma_start3A_126, %dma_start3A_127] : memref<5120x128xbf16, #tpu.memory_space<vmem_shared>> -> memref<5120x128xbf16, #tpu.memory_space<vmem_shared>>
          tpu.enqueue_indirect_dma source(%arg11 : memref<128x128xbf16, #tpu.memory_space<vmem>>) target(%dma_start3A_128 : memref<5120x128xbf16, #tpu.memory_space<vmem_shared>>) offsets(%dma_start3A_125 : memref<128xi32, #tpu.memory_space<vmem>>) semaphore(%run_scoped3A : memref<!tpu.dma_semaphore, #tpu.memory_space<semaphore_mem>>) {add = true}
          %dma_wait3A_129 = arith.constant 0 : i32
          %dma_wait3A_130 = tpu.memref_slice %arg7[%add3A_108, %dma_wait3A_129] : memref<104x128xi32, #tpu.memory_space<vmem>> -> memref<1x128xi32, #tpu.memory_space<vmem>>
          %dma_wait3A_131 = tpu.memref_squeeze %dma_wait3A_130 : memref<1x128xi32, #tpu.memory_space<vmem>> -> memref<128xi32, #tpu.memory_space<vmem>>
          %dma_wait3A_132 = arith.constant 0 : i32
          %dma_wait3A_133 = arith.constant 0 : i32
          %dma_wait3A_134 = tpu.memref_slice %arg13[%dma_wait3A_132, %dma_wait3A_133] : memref<5120x128xbf16, #tpu.memory_space<vmem_shared>> -> memref<5120x128xbf16, #tpu.memory_space<vmem_shared>>
          tpu.wait_indirect_dma semaphore(%run_scoped3A : memref<!tpu.dma_semaphore, #tpu.memory_space<semaphore_mem>>) src(%arg11 : memref<128x128xbf16, #tpu.memory_space<vmem>>) dst(%dma_wait3A_134 : memref<5120x128xbf16, #tpu.memory_space<vmem_shared>>)
          tpu.yield
        }) : () -> ()
        %scan3A_122 = arith.constant 0 : i32
        scf.yield %scan3A_122 : i32
      }
      %scan3A_53 = arith.constant 26 : i32
      %barrier3A_54 = arith.constant 0 : index
      tpu.barrier barrier_id(%barrier3A_54)
      %mul3A_55 = arith.constant 320 : i32
      %mul3A_56 = arith.muli %arg1, %mul3A_55 : i32
      %mul3A_57 = arith.constant 320 : i32
      %mul3A_58 = arith.muli %arg1, %mul3A_57 : i32
      "tpu.region"() ({
        %run_scoped3A = tpu.sem_alloc : memref<!tpu.dma_semaphore, #tpu.memory_space<semaphore_mem>>
        %dma_start3A_60 = arith.constant 0 : i32
        %dma_start3A_61 = tpu.memref_slice %arg5[%arg0, %scan3A_16, %mul3A_58, %dma_start3A_60] : memref<2x8x5120x128xbf16, #tpu.memory_space<hbm>> -> memref<1x1x320x128xbf16, #tpu.memory_space<hbm>>
        %dma_start3A_62 = tpu.memref_squeeze %dma_start3A_61 : memref<1x1x320x128xbf16, #tpu.memory_space<hbm>> -> memref<320x128xbf16, #tpu.memory_space<hbm>>
        %dma_start3A_63 = arith.constant 0 : i32
        %dma_start3A_64 = tpu.memref_slice %arg13[%mul3A_56, %dma_start3A_63] : memref<5120x128xbf16, #tpu.memory_space<vmem_shared>> -> memref<320x128xbf16, #tpu.memory_space<vmem_shared>>
        tpu.enqueue_dma source(%dma_start3A_64 : memref<320x128xbf16, #tpu.memory_space<vmem_shared>>) target(%dma_start3A_62 : memref<320x128xbf16, #tpu.memory_space<hbm>>) target_semaphore(%run_scoped3A : memref<!tpu.dma_semaphore, #tpu.memory_space<semaphore_mem>>)
        %dma_wait3A = arith.constant 0 : i32
        %dma_wait3A_65 = tpu.memref_slice %arg5[%arg0, %scan3A_16, %mul3A_58, %dma_wait3A] : memref<2x8x5120x128xbf16, #tpu.memory_space<hbm>> -> memref<1x1x320x128xbf16, #tpu.memory_space<hbm>>
        %dma_wait3A_66 = tpu.memref_squeeze %dma_wait3A_65 : memref<1x1x320x128xbf16, #tpu.memory_space<hbm>> -> memref<320x128xbf16, #tpu.memory_space<hbm>>
        %dma_wait3A_67 = arith.constant 0 : i32
        %dma_wait3A_68 = tpu.memref_slice %arg13[%mul3A_56, %dma_wait3A_67] : memref<5120x128xbf16, #tpu.memory_space<vmem_shared>> -> memref<320x128xbf16, #tpu.memory_space<vmem_shared>>
        tpu.wait_dma2 semaphore(%run_scoped3A : memref<!tpu.dma_semaphore, #tpu.memory_space<semaphore_mem>>) src(%dma_wait3A_68 : memref<320x128xbf16, #tpu.memory_space<vmem_shared>>) dst(%dma_wait3A_66 : memref<320x128xbf16, #tpu.memory_space<hbm>>)
        tpu.yield
      }) : () -> ()
      %scan3A_59 = arith.constant 0 : i32
      scf.yield %scan3A_59 : i32
    }
    %scan3A_15 = arith.constant 8 : i32
    return
  }
}

module attributes {stable_mosaic.version = 14 : i64} {
  func.func @body(%arg0: i32, %arg1: memref<512x1024xf32, #tpu.memory_space<vmem>>, %arg2: memref<512x8xf32, #tpu.memory_space<vmem>>, %arg3: memref<8x1x512x128xbf16, #tpu.memory_space<vmem>>) attributes {dimension_semantics = [#tpu.dimension_semantics<arbitrary>], iteration_bounds = array<i64: 98>, scalar_prefetch = 0 : i64, scratch_operands = 0 : i64, tpu.core_type = #tpu.core_type<tc>, window_params = [{transform_indices = @transform_0, window_bounds = array<i64: 512, 1024>}, {transform_indices = @transform_1, window_bounds = array<i64: 512, 8>}, {transform_indices = @transform_2, window_bounds = array<i64: 8, 1, 512, 128>}]} {
    %get3A = arith.constant 0 : index
    %get3A_0 = arith.constant 0 : index
    %get3A_1 = vector.load %arg1[%get3A, %get3A_0] : memref<512x1024xf32, #tpu.memory_space<vmem>>, vector<512x1024xf32>
    %get3A_2 = arith.constant 0 : index
    %get3A_3 = arith.constant 0 : index
    %get3A_4 = vector.load %arg2[%get3A_2, %get3A_3] : memref<512x8xf32, #tpu.memory_space<vmem>>, vector<512x1xf32>
    %mul3A = vector.broadcast %get3A_4 : vector<512x1xf32> to vector<512x1024xf32>
    %mul3A_5 = arith.mulf %get3A_1, %mul3A : vector<512x1024xf32>
    %convert_element_type3A = arith.truncf %mul3A_5 : vector<512x1024xf32> to vector<512x1024xbf16>
    %slice3A = vector.extract_strided_slice %convert_element_type3A {offsets = [0, 0], sizes = [512, 128], strides = [1, 1]} : vector<512x1024xbf16> to vector<512x128xbf16>
    %swap3A = arith.constant 0 : index
    %swap3A_6 = arith.constant 0 : index
    %swap3A_7 = arith.constant 0 : index
    %swap3A_8 = arith.constant 0 : index
    %swap3A_9 = vector.load %arg3[%swap3A, %swap3A_6, %swap3A_7, %swap3A_8] : memref<8x1x512x128xbf16, #tpu.memory_space<vmem>>, vector<1x1x512x128xbf16>
    %swap3A_10 = vector.shape_cast %swap3A_9 : vector<1x1x512x128xbf16> to vector<512x128xbf16>
    %swap3A_11 = vector.shape_cast %slice3A : vector<512x128xbf16> to vector<1x1x512x128xbf16>
    tpu.vector_store %arg3[%swap3A, %swap3A_6, %swap3A_7, %swap3A_8], %swap3A_11 {strides = array<i32>} : memref<8x1x512x128xbf16, #tpu.memory_space<vmem>>, vector<1x1x512x128xbf16>,
    %slice3A_12 = vector.extract_strided_slice %convert_element_type3A {offsets = [0, 128], sizes = [512, 128], strides = [1, 1]} : vector<512x1024xbf16> to vector<512x128xbf16>
    %swap3A_13 = arith.constant 1 : index
    %swap3A_14 = arith.constant 0 : index
    %swap3A_15 = arith.constant 0 : index
    %swap3A_16 = arith.constant 0 : index
    %swap3A_17 = vector.load %arg3[%swap3A_13, %swap3A_14, %swap3A_15, %swap3A_16] : memref<8x1x512x128xbf16, #tpu.memory_space<vmem>>, vector<1x1x512x128xbf16>
    %swap3A_18 = vector.shape_cast %swap3A_17 : vector<1x1x512x128xbf16> to vector<512x128xbf16>
    %swap3A_19 = vector.shape_cast %slice3A_12 : vector<512x128xbf16> to vector<1x1x512x128xbf16>
    tpu.vector_store %arg3[%swap3A_13, %swap3A_14, %swap3A_15, %swap3A_16], %swap3A_19 {strides = array<i32>} : memref<8x1x512x128xbf16, #tpu.memory_space<vmem>>, vector<1x1x512x128xbf16>,
    %slice3A_20 = vector.extract_strided_slice %convert_element_type3A {offsets = [0, 256], sizes = [512, 128], strides = [1, 1]} : vector<512x1024xbf16> to vector<512x128xbf16>
    %swap3A_21 = arith.constant 2 : index
    %swap3A_22 = arith.constant 0 : index
    %swap3A_23 = arith.constant 0 : index
    %swap3A_24 = arith.constant 0 : index
    %swap3A_25 = vector.load %arg3[%swap3A_21, %swap3A_22, %swap3A_23, %swap3A_24] : memref<8x1x512x128xbf16, #tpu.memory_space<vmem>>, vector<1x1x512x128xbf16>
    %swap3A_26 = vector.shape_cast %swap3A_25 : vector<1x1x512x128xbf16> to vector<512x128xbf16>
    %swap3A_27 = vector.shape_cast %slice3A_20 : vector<512x128xbf16> to vector<1x1x512x128xbf16>
    tpu.vector_store %arg3[%swap3A_21, %swap3A_22, %swap3A_23, %swap3A_24], %swap3A_27 {strides = array<i32>} : memref<8x1x512x128xbf16, #tpu.memory_space<vmem>>, vector<1x1x512x128xbf16>,
    %slice3A_28 = vector.extract_strided_slice %convert_element_type3A {offsets = [0, 384], sizes = [512, 128], strides = [1, 1]} : vector<512x1024xbf16> to vector<512x128xbf16>
    %swap3A_29 = arith.constant 3 : index
    %swap3A_30 = arith.constant 0 : index
    %swap3A_31 = arith.constant 0 : index
    %swap3A_32 = arith.constant 0 : index
    %swap3A_33 = vector.load %arg3[%swap3A_29, %swap3A_30, %swap3A_31, %swap3A_32] : memref<8x1x512x128xbf16, #tpu.memory_space<vmem>>, vector<1x1x512x128xbf16>
    %swap3A_34 = vector.shape_cast %swap3A_33 : vector<1x1x512x128xbf16> to vector<512x128xbf16>
    %swap3A_35 = vector.shape_cast %slice3A_28 : vector<512x128xbf16> to vector<1x1x512x128xbf16>
    tpu.vector_store %arg3[%swap3A_29, %swap3A_30, %swap3A_31, %swap3A_32], %swap3A_35 {strides = array<i32>} : memref<8x1x512x128xbf16, #tpu.memory_space<vmem>>, vector<1x1x512x128xbf16>,
    %slice3A_36 = vector.extract_strided_slice %convert_element_type3A {offsets = [0, 512], sizes = [512, 128], strides = [1, 1]} : vector<512x1024xbf16> to vector<512x128xbf16>
    %swap3A_37 = arith.constant 4 : index
    %swap3A_38 = arith.constant 0 : index
    %swap3A_39 = arith.constant 0 : index
    %swap3A_40 = arith.constant 0 : index
    %swap3A_41 = vector.load %arg3[%swap3A_37, %swap3A_38, %swap3A_39, %swap3A_40] : memref<8x1x512x128xbf16, #tpu.memory_space<vmem>>, vector<1x1x512x128xbf16>
    %swap3A_42 = vector.shape_cast %swap3A_41 : vector<1x1x512x128xbf16> to vector<512x128xbf16>
    %swap3A_43 = vector.shape_cast %slice3A_36 : vector<512x128xbf16> to vector<1x1x512x128xbf16>
    tpu.vector_store %arg3[%swap3A_37, %swap3A_38, %swap3A_39, %swap3A_40], %swap3A_43 {strides = array<i32>} : memref<8x1x512x128xbf16, #tpu.memory_space<vmem>>, vector<1x1x512x128xbf16>,
    %slice3A_44 = vector.extract_strided_slice %convert_element_type3A {offsets = [0, 640], sizes = [512, 128], strides = [1, 1]} : vector<512x1024xbf16> to vector<512x128xbf16>
    %swap3A_45 = arith.constant 5 : index
    %swap3A_46 = arith.constant 0 : index
    %swap3A_47 = arith.constant 0 : index
    %swap3A_48 = arith.constant 0 : index
    %swap3A_49 = vector.load %arg3[%swap3A_45, %swap3A_46, %swap3A_47, %swap3A_48] : memref<8x1x512x128xbf16, #tpu.memory_space<vmem>>, vector<1x1x512x128xbf16>
    %swap3A_50 = vector.shape_cast %swap3A_49 : vector<1x1x512x128xbf16> to vector<512x128xbf16>
    %swap3A_51 = vector.shape_cast %slice3A_44 : vector<512x128xbf16> to vector<1x1x512x128xbf16>
    tpu.vector_store %arg3[%swap3A_45, %swap3A_46, %swap3A_47, %swap3A_48], %swap3A_51 {strides = array<i32>} : memref<8x1x512x128xbf16, #tpu.memory_space<vmem>>, vector<1x1x512x128xbf16>,
    %slice3A_52 = vector.extract_strided_slice %convert_element_type3A {offsets = [0, 768], sizes = [512, 128], strides = [1, 1]} : vector<512x1024xbf16> to vector<512x128xbf16>
    %swap3A_53 = arith.constant 6 : index
    %swap3A_54 = arith.constant 0 : index
    %swap3A_55 = arith.constant 0 : index
    %swap3A_56 = arith.constant 0 : index
    %swap3A_57 = vector.load %arg3[%swap3A_53, %swap3A_54, %swap3A_55, %swap3A_56] : memref<8x1x512x128xbf16, #tpu.memory_space<vmem>>, vector<1x1x512x128xbf16>
    %swap3A_58 = vector.shape_cast %swap3A_57 : vector<1x1x512x128xbf16> to vector<512x128xbf16>
    %swap3A_59 = vector.shape_cast %slice3A_52 : vector<512x128xbf16> to vector<1x1x512x128xbf16>
    tpu.vector_store %arg3[%swap3A_53, %swap3A_54, %swap3A_55, %swap3A_56], %swap3A_59 {strides = array<i32>} : memref<8x1x512x128xbf16, #tpu.memory_space<vmem>>, vector<1x1x512x128xbf16>,
    %slice3A_60 = vector.extract_strided_slice %convert_element_type3A {offsets = [0, 896], sizes = [512, 128], strides = [1, 1]} : vector<512x1024xbf16> to vector<512x128xbf16>
    %swap3A_61 = arith.constant 7 : index
    %swap3A_62 = arith.constant 0 : index
    %swap3A_63 = arith.constant 0 : index
    %swap3A_64 = arith.constant 0 : index
    %swap3A_65 = vector.load %arg3[%swap3A_61, %swap3A_62, %swap3A_63, %swap3A_64] : memref<8x1x512x128xbf16, #tpu.memory_space<vmem>>, vector<1x1x512x128xbf16>
    %swap3A_66 = vector.shape_cast %swap3A_65 : vector<1x1x512x128xbf16> to vector<512x128xbf16>
    %swap3A_67 = vector.shape_cast %slice3A_60 : vector<512x128xbf16> to vector<1x1x512x128xbf16>
    tpu.vector_store %arg3[%swap3A_61, %swap3A_62, %swap3A_63, %swap3A_64], %swap3A_67 {strides = array<i32>} : memref<8x1x512x128xbf16, #tpu.memory_space<vmem>>, vector<1x1x512x128xbf16>,
    return
  }
  func.func @transform_0(%arg0: i32) -> (i32, i32) {
    %c0_i32 = arith.constant 0 : i32
    %c0_i32_0 = arith.constant 0 : i32
    return %arg0, %c0_i32 : i32, i32
  }
  func.func @transform_1(%arg0: i32) -> (i32, i32) {
    %c0_i32 = arith.constant 0 : i32
    %c0_i32_0 = arith.constant 0 : i32
    return %arg0, %c0_i32 : i32, i32
  }
  func.func @transform_2(%arg0: i32) -> (i32, i32, i32, i32) {
    %c0_i32 = arith.constant 0 : i32
    %c0_i32_0 = arith.constant 0 : i32
    %c0_i32_1 = arith.constant 0 : i32
    %c0_i32_2 = arith.constant 0 : i32
    return %c0_i32, %c0_i32_0, %arg0, %c0_i32_1 : i32, i32, i32, i32
  }
}

module attributes {stable_mosaic.version = 14 : i64} {
  func.func @body(%arg0: i32, %arg1: memref<32x512xf32, #tpu.memory_space<vmem>>, %arg2: memref<32x512xf32, #tpu.memory_space<vmem>>, %arg3: memref<512x8xf32, #tpu.memory_space<vmem>>, %arg4: memref<512x8xf32, #tpu.memory_space<vmem>>) attributes {dimension_semantics = [#tpu.dimension_semantics<arbitrary>], iteration_bounds = array<i64: 98>, scalar_prefetch = 0 : i64, scratch_operands = 0 : i64, tpu.core_type = #tpu.core_type<tc>, window_params = [{transform_indices = @transform_0, window_bounds = array<i64: 32, 512>}, {transform_indices = @transform_1, window_bounds = array<i64: 32, 512>}, {transform_indices = @transform_2, window_bounds = array<i64: 512, 8>}, {transform_indices = @transform_3, window_bounds = array<i64: 512, 8>}]} {
    %iota3A = tpu.iota {dimensions = array<i32: 1>} : vector<1x512xi32>
    %iota3A_0 = vector.shape_cast %iota3A : vector<1x512xi32> to vector<512xi32>
    %lt3A = arith.constant 128 : i32
    %lt3A_1 = vector.broadcast %lt3A : i32 to vector<512xi32>
    %lt3A_2 = arith.cmpi slt, %iota3A_0, %lt3A_1 : vector<512xi32>
    %eq3A = arith.constant 0 : i32
    %eq3A_3 = arith.cmpi eq, %arg0, %eq3A : i32
    %and3A = vector.broadcast %eq3A_3 : i1 to vector<512xi1>
    %and3A_4 = arith.andi %lt3A_2, %and3A : vector<512xi1>
    %get3A = arith.constant 0 : index
    %get3A_5 = arith.constant 0 : index
    %get3A_6 = vector.load %arg1[%get3A, %get3A_5] : memref<32x512xf32, #tpu.memory_space<vmem>>, vector<32x512xf32>
    %reduce_sum3A = arith.constant dense<0.000000e+00> : vector<512xf32>
    %reduce_sum3A_7 = vector.multi_reduction <add>, %get3A_6, %reduce_sum3A [0] : vector<32x512xf32> to vector<512xf32>
    %jit3A = arith.constant 2.030000e+02 : f32
    %jit3A_8 = arith.constant 0.000000e+00 : f32
    %broadcast_in_dim3A = vector.broadcast %jit3A : f32 to vector<512xf32>
    %broadcast_in_dim3A_9 = vector.broadcast %jit3A_8 : f32 to vector<512xf32>
    %select_n3A = arith.select %and3A_4, %broadcast_in_dim3A, %broadcast_in_dim3A_9 : vector<512xi1>, vector<512xf32>
    %sub3A = arith.subf %reduce_sum3A_7, %select_n3A : vector<512xf32>
    %max3A = arith.constant 1.000000e+00 : f32
    %max3A_10 = vector.broadcast %max3A : f32 to vector<512xf32>
    %max3A_11 = arith.maximumf %sub3A, %max3A_10 : vector<512xf32>
    %get3A_12 = arith.constant 0 : index
    %get3A_13 = arith.constant 0 : index
    %get3A_14 = vector.load %arg2[%get3A_12, %get3A_13] : memref<32x512xf32, #tpu.memory_space<vmem>>, vector<32x512xf32>
    %reduce_sum3A_15 = arith.constant dense<0.000000e+00> : vector<512xf32>
    %reduce_sum3A_16 = vector.multi_reduction <add>, %get3A_14, %reduce_sum3A_15 [0] : vector<32x512xf32> to vector<512xf32>
    %max3A_17 = arith.constant 1.000000e+00 : f32
    %max3A_18 = vector.broadcast %max3A_17 : f32 to vector<512xf32>
    %max3A_19 = arith.maximumf %reduce_sum3A_16, %max3A_18 : vector<512xf32>
    %rsqrt3A = math.rsqrt %max3A_11 : vector<512xf32>
    %broadcast_in_dim3A_20 = vector.shape_cast %rsqrt3A : vector<512xf32> to vector<512x1xf32>
    %broadcast_in_dim3A_21 = vector.shape_cast %broadcast_in_dim3A_20 : vector<512x1xf32> to vector<512x1xf32>
    %broadcast_in_dim3A_22 = vector.broadcast %broadcast_in_dim3A_21 : vector<512x1xf32> to vector<512x8xf32>
    %swap3A = arith.constant 0 : index
    %swap3A_23 = arith.constant 0 : index
    %swap3A_24 = vector.load %arg3[%swap3A, %swap3A_23] : memref<512x8xf32, #tpu.memory_space<vmem>>, vector<512x8xf32>
    tpu.vector_store %arg3[%swap3A, %swap3A_23], %broadcast_in_dim3A_22 {strides = array<i32>} : memref<512x8xf32, #tpu.memory_space<vmem>>, vector<512x8xf32>,
    %rsqrt3A_25 = math.rsqrt %max3A_19 : vector<512xf32>
    %broadcast_in_dim3A_26 = vector.shape_cast %rsqrt3A_25 : vector<512xf32> to vector<512x1xf32>
    %broadcast_in_dim3A_27 = vector.shape_cast %broadcast_in_dim3A_26 : vector<512x1xf32> to vector<512x1xf32>
    %broadcast_in_dim3A_28 = vector.broadcast %broadcast_in_dim3A_27 : vector<512x1xf32> to vector<512x8xf32>
    %swap3A_29 = arith.constant 0 : index
    %swap3A_30 = arith.constant 0 : index
    %swap3A_31 = vector.load %arg4[%swap3A_29, %swap3A_30] : memref<512x8xf32, #tpu.memory_space<vmem>>, vector<512x8xf32>
    tpu.vector_store %arg4[%swap3A_29, %swap3A_30], %broadcast_in_dim3A_28 {strides = array<i32>} : memref<512x8xf32, #tpu.memory_space<vmem>>, vector<512x8xf32>,
    return
  }
  func.func @transform_0(%arg0: i32) -> (i32, i32) {
    %c0_i32 = arith.constant 0 : i32
    %c0_i32_0 = arith.constant 0 : i32
    return %c0_i32, %arg0 : i32, i32
  }
  func.func @transform_1(%arg0: i32) -> (i32, i32) {
    %c0_i32 = arith.constant 0 : i32
    %c0_i32_0 = arith.constant 0 : i32
    return %c0_i32, %arg0 : i32, i32
  }
  func.func @transform_2(%arg0: i32) -> (i32, i32) {
    %c0_i32 = arith.constant 0 : i32
    %c0_i32_0 = arith.constant 0 : i32
    return %arg0, %c0_i32 : i32, i32
  }
  func.func @transform_3(%arg0: i32) -> (i32, i32) {
    %c0_i32 = arith.constant 0 : i32
    %c0_i32_0 = arith.constant 0 : i32
    return %arg0, %c0_i32 : i32, i32
  }
}

module attributes {stable_mosaic.version = 14 : i64} {
  func.func @body(%arg0: i32, %arg1: memref<32x512xf32, #tpu.memory_space<vmem>>, %arg2: memref<32x512xf32, #tpu.memory_space<vmem>>, %arg3: memref<512x8xf32, #tpu.memory_space<vmem>>, %arg4: memref<512x8xf32, #tpu.memory_space<vmem>>) attributes {dimension_semantics = [#tpu.dimension_semantics<arbitrary>], iteration_bounds = array<i64: 10>, scalar_prefetch = 0 : i64, scratch_operands = 0 : i64, tpu.core_type = #tpu.core_type<tc>, window_params = [{transform_indices = @transform_0, window_bounds = array<i64: 32, 512>}, {transform_indices = @transform_1, window_bounds = array<i64: 32, 512>}, {transform_indices = @transform_2, window_bounds = array<i64: 512, 8>}, {transform_indices = @transform_3, window_bounds = array<i64: 512, 8>}]} {
    %iota3A = tpu.iota {dimensions = array<i32: 1>} : vector<1x512xi32>
    %iota3A_0 = vector.shape_cast %iota3A : vector<1x512xi32> to vector<512xi32>
    %lt3A = arith.constant 128 : i32
    %lt3A_1 = vector.broadcast %lt3A : i32 to vector<512xi32>
    %lt3A_2 = arith.cmpi slt, %iota3A_0, %lt3A_1 : vector<512xi32>
    %eq3A = arith.constant 0 : i32
    %eq3A_3 = arith.cmpi eq, %arg0, %eq3A : i32
    %and3A = vector.broadcast %eq3A_3 : i1 to vector<512xi1>
    %and3A_4 = arith.andi %lt3A_2, %and3A : vector<512xi1>
    %get3A = arith.constant 0 : index
    %get3A_5 = arith.constant 0 : index
    %get3A_6 = vector.load %arg1[%get3A, %get3A_5] : memref<32x512xf32, #tpu.memory_space<vmem>>, vector<32x512xf32>
    %reduce_sum3A = arith.constant dense<0.000000e+00> : vector<512xf32>
    %reduce_sum3A_7 = vector.multi_reduction <add>, %get3A_6, %reduce_sum3A [0] : vector<32x512xf32> to vector<512xf32>
    %jit3A = arith.constant 2.030000e+02 : f32
    %jit3A_8 = arith.constant 0.000000e+00 : f32
    %broadcast_in_dim3A = vector.broadcast %jit3A : f32 to vector<512xf32>
    %broadcast_in_dim3A_9 = vector.broadcast %jit3A_8 : f32 to vector<512xf32>
    %select_n3A = arith.select %and3A_4, %broadcast_in_dim3A, %broadcast_in_dim3A_9 : vector<512xi1>, vector<512xf32>
    %sub3A = arith.subf %reduce_sum3A_7, %select_n3A : vector<512xf32>
    %max3A = arith.constant 1.000000e+00 : f32
    %max3A_10 = vector.broadcast %max3A : f32 to vector<512xf32>
    %max3A_11 = arith.maximumf %sub3A, %max3A_10 : vector<512xf32>
    %get3A_12 = arith.constant 0 : index
    %get3A_13 = arith.constant 0 : index
    %get3A_14 = vector.load %arg2[%get3A_12, %get3A_13] : memref<32x512xf32, #tpu.memory_space<vmem>>, vector<32x512xf32>
    %reduce_sum3A_15 = arith.constant dense<0.000000e+00> : vector<512xf32>
    %reduce_sum3A_16 = vector.multi_reduction <add>, %get3A_14, %reduce_sum3A_15 [0] : vector<32x512xf32> to vector<512xf32>
    %max3A_17 = arith.constant 1.000000e+00 : f32
    %max3A_18 = vector.broadcast %max3A_17 : f32 to vector<512xf32>
    %max3A_19 = arith.maximumf %reduce_sum3A_16, %max3A_18 : vector<512xf32>
    %rsqrt3A = math.rsqrt %max3A_11 : vector<512xf32>
    %broadcast_in_dim3A_20 = vector.shape_cast %rsqrt3A : vector<512xf32> to vector<512x1xf32>
    %broadcast_in_dim3A_21 = vector.shape_cast %broadcast_in_dim3A_20 : vector<512x1xf32> to vector<512x1xf32>
    %broadcast_in_dim3A_22 = vector.broadcast %broadcast_in_dim3A_21 : vector<512x1xf32> to vector<512x8xf32>
    %swap3A = arith.constant 0 : index
    %swap3A_23 = arith.constant 0 : index
    %swap3A_24 = vector.load %arg3[%swap3A, %swap3A_23] : memref<512x8xf32, #tpu.memory_space<vmem>>, vector<512x8xf32>
    tpu.vector_store %arg3[%swap3A, %swap3A_23], %broadcast_in_dim3A_22 {strides = array<i32>} : memref<512x8xf32, #tpu.memory_space<vmem>>, vector<512x8xf32>,
    %rsqrt3A_25 = math.rsqrt %max3A_19 : vector<512xf32>
    %broadcast_in_dim3A_26 = vector.shape_cast %rsqrt3A_25 : vector<512xf32> to vector<512x1xf32>
    %broadcast_in_dim3A_27 = vector.shape_cast %broadcast_in_dim3A_26 : vector<512x1xf32> to vector<512x1xf32>
    %broadcast_in_dim3A_28 = vector.broadcast %broadcast_in_dim3A_27 : vector<512x1xf32> to vector<512x8xf32>
    %swap3A_29 = arith.constant 0 : index
    %swap3A_30 = arith.constant 0 : index
    %swap3A_31 = vector.load %arg4[%swap3A_29, %swap3A_30] : memref<512x8xf32, #tpu.memory_space<vmem>>, vector<512x8xf32>
    tpu.vector_store %arg4[%swap3A_29, %swap3A_30], %broadcast_in_dim3A_28 {strides = array<i32>} : memref<512x8xf32, #tpu.memory_space<vmem>>, vector<512x8xf32>,
    return
  }
  func.func @transform_0(%arg0: i32) -> (i32, i32) {
    %c0_i32 = arith.constant 0 : i32
    %c0_i32_0 = arith.constant 0 : i32
    return %c0_i32, %arg0 : i32, i32
  }
  func.func @transform_1(%arg0: i32) -> (i32, i32) {
    %c0_i32 = arith.constant 0 : i32
    %c0_i32_0 = arith.constant 0 : i32
    return %c0_i32, %arg0 : i32, i32
  }
  func.func @transform_2(%arg0: i32) -> (i32, i32) {
    %c0_i32 = arith.constant 0 : i32
    %c0_i32_0 = arith.constant 0 : i32
    return %arg0, %c0_i32 : i32, i32
  }
  func.func @transform_3(%arg0: i32) -> (i32, i32) {
    %c0_i32 = arith.constant 0 : i32
    %c0_i32_0 = arith.constant 0 : i32
    return %arg0, %c0_i32 : i32, i32
  }
}

module attributes {stable_mosaic.version = 14 : i64} {
  func.func @body(%arg0: i32, %arg1: memref<512x1024xf32, #tpu.memory_space<vmem>>, %arg2: memref<512x8xf32, #tpu.memory_space<vmem>>, %arg3: memref<8x4x512x32xbf16, #tpu.memory_space<vmem>>) attributes {dimension_semantics = [#tpu.dimension_semantics<arbitrary>], iteration_bounds = array<i64: 10>, scalar_prefetch = 0 : i64, scratch_operands = 0 : i64, tpu.core_type = #tpu.core_type<tc>, window_params = [{transform_indices = @transform_0, window_bounds = array<i64: 512, 1024>}, {transform_indices = @transform_1, window_bounds = array<i64: 512, 8>}, {transform_indices = @transform_2, window_bounds = array<i64: 8, 4, 512, 32>}]} {
    %get3A = arith.constant 0 : index
    %get3A_0 = arith.constant 0 : index
    %get3A_1 = vector.load %arg1[%get3A, %get3A_0] : memref<512x1024xf32, #tpu.memory_space<vmem>>, vector<512x1024xf32>
    %get3A_2 = arith.constant 0 : index
    %get3A_3 = arith.constant 0 : index
    %get3A_4 = vector.load %arg2[%get3A_2, %get3A_3] : memref<512x8xf32, #tpu.memory_space<vmem>>, vector<512x1xf32>
    %mul3A = vector.broadcast %get3A_4 : vector<512x1xf32> to vector<512x1024xf32>
    %mul3A_5 = arith.mulf %get3A_1, %mul3A : vector<512x1024xf32>
    %convert_element_type3A = arith.truncf %mul3A_5 : vector<512x1024xf32> to vector<512x1024xbf16>
    %slice3A = vector.extract_strided_slice %convert_element_type3A {offsets = [0, 0], sizes = [512, 32], strides = [1, 1]} : vector<512x1024xbf16> to vector<512x32xbf16>
    %swap3A = arith.constant 0 : index
    %swap3A_6 = arith.constant 0 : index
    %swap3A_7 = arith.constant 0 : index
    %swap3A_8 = arith.constant 0 : index
    %swap3A_9 = vector.load %arg3[%swap3A, %swap3A_6, %swap3A_7, %swap3A_8] : memref<8x4x512x32xbf16, #tpu.memory_space<vmem>>, vector<1x1x512x32xbf16>
    %swap3A_10 = vector.shape_cast %swap3A_9 : vector<1x1x512x32xbf16> to vector<512x32xbf16>
    %swap3A_11 = vector.shape_cast %slice3A : vector<512x32xbf16> to vector<1x1x512x32xbf16>
    tpu.vector_store %arg3[%swap3A, %swap3A_6, %swap3A_7, %swap3A_8], %swap3A_11 {strides = array<i32>} : memref<8x4x512x32xbf16, #tpu.memory_space<vmem>>, vector<1x1x512x32xbf16>,
    %slice3A_12 = vector.extract_strided_slice %convert_element_type3A {offsets = [0, 32], sizes = [512, 32], strides = [1, 1]} : vector<512x1024xbf16> to vector<512x32xbf16>
    %swap3A_13 = arith.constant 0 : index
    %swap3A_14 = arith.constant 1 : index
    %swap3A_15 = arith.constant 0 : index
    %swap3A_16 = arith.constant 0 : index
    %swap3A_17 = vector.load %arg3[%swap3A_13, %swap3A_14, %swap3A_15, %swap3A_16] : memref<8x4x512x32xbf16, #tpu.memory_space<vmem>>, vector<1x1x512x32xbf16>
    %swap3A_18 = vector.shape_cast %swap3A_17 : vector<1x1x512x32xbf16> to vector<512x32xbf16>
    %swap3A_19 = vector.shape_cast %slice3A_12 : vector<512x32xbf16> to vector<1x1x512x32xbf16>
    tpu.vector_store %arg3[%swap3A_13, %swap3A_14, %swap3A_15, %swap3A_16], %swap3A_19 {strides = array<i32>} : memref<8x4x512x32xbf16, #tpu.memory_space<vmem>>, vector<1x1x512x32xbf16>,
    %slice3A_20 = vector.extract_strided_slice %convert_element_type3A {offsets = [0, 64], sizes = [512, 32], strides = [1, 1]} : vector<512x1024xbf16> to vector<512x32xbf16>
    %swap3A_21 = arith.constant 0 : index
    %swap3A_22 = arith.constant 2 : index
    %swap3A_23 = arith.constant 0 : index
    %swap3A_24 = arith.constant 0 : index
    %swap3A_25 = vector.load %arg3[%swap3A_21, %swap3A_22, %swap3A_23, %swap3A_24] : memref<8x4x512x32xbf16, #tpu.memory_space<vmem>>, vector<1x1x512x32xbf16>
    %swap3A_26 = vector.shape_cast %swap3A_25 : vector<1x1x512x32xbf16> to vector<512x32xbf16>
    %swap3A_27 = vector.shape_cast %slice3A_20 : vector<512x32xbf16> to vector<1x1x512x32xbf16>
    tpu.vector_store %arg3[%swap3A_21, %swap3A_22, %swap3A_23, %swap3A_24], %swap3A_27 {strides = array<i32>} : memref<8x4x512x32xbf16, #tpu.memory_space<vmem>>, vector<1x1x512x32xbf16>,
    %slice3A_28 = vector.extract_strided_slice %convert_element_type3A {offsets = [0, 96], sizes = [512, 32], strides = [1, 1]} : vector<512x1024xbf16> to vector<512x32xbf16>
    %swap3A_29 = arith.constant 0 : index
    %swap3A_30 = arith.constant 3 : index
    %swap3A_31 = arith.constant 0 : index
    %swap3A_32 = arith.constant 0 : index
    %swap3A_33 = vector.load %arg3[%swap3A_29, %swap3A_30, %swap3A_31, %swap3A_32] : memref<8x4x512x32xbf16, #tpu.memory_space<vmem>>, vector<1x1x512x32xbf16>
    %swap3A_34 = vector.shape_cast %swap3A_33 : vector<1x1x512x32xbf16> to vector<512x32xbf16>
    %swap3A_35 = vector.shape_cast %slice3A_28 : vector<512x32xbf16> to vector<1x1x512x32xbf16>
    tpu.vector_store %arg3[%swap3A_29, %swap3A_30, %swap3A_31, %swap3A_32], %swap3A_35 {strides = array<i32>} : memref<8x4x512x32xbf16, #tpu.memory_space<vmem>>, vector<1x1x512x32xbf16>,
    %slice3A_36 = vector.extract_strided_slice %convert_element_type3A {offsets = [0, 128], sizes = [512, 32], strides = [1, 1]} : vector<512x1024xbf16> to vector<512x32xbf16>
    %swap3A_37 = arith.constant 1 : index
    %swap3A_38 = arith.constant 0 : index
    %swap3A_39 = arith.constant 0 : index
    %swap3A_40 = arith.constant 0 : index
    %swap3A_41 = vector.load %arg3[%swap3A_37, %swap3A_38, %swap3A_39, %swap3A_40] : memref<8x4x512x32xbf16, #tpu.memory_space<vmem>>, vector<1x1x512x32xbf16>
    %swap3A_42 = vector.shape_cast %swap3A_41 : vector<1x1x512x32xbf16> to vector<512x32xbf16>
    %swap3A_43 = vector.shape_cast %slice3A_36 : vector<512x32xbf16> to vector<1x1x512x32xbf16>
    tpu.vector_store %arg3[%swap3A_37, %swap3A_38, %swap3A_39, %swap3A_40], %swap3A_43 {strides = array<i32>} : memref<8x4x512x32xbf16, #tpu.memory_space<vmem>>, vector<1x1x512x32xbf16>,
    %slice3A_44 = vector.extract_strided_slice %convert_element_type3A {offsets = [0, 160], sizes = [512, 32], strides = [1, 1]} : vector<512x1024xbf16> to vector<512x32xbf16>
    %swap3A_45 = arith.constant 1 : index
    %swap3A_46 = arith.constant 1 : index
    %swap3A_47 = arith.constant 0 : index
    %swap3A_48 = arith.constant 0 : index
    %swap3A_49 = vector.load %arg3[%swap3A_45, %swap3A_46, %swap3A_47, %swap3A_48] : memref<8x4x512x32xbf16, #tpu.memory_space<vmem>>, vector<1x1x512x32xbf16>
    %swap3A_50 = vector.shape_cast %swap3A_49 : vector<1x1x512x32xbf16> to vector<512x32xbf16>
    %swap3A_51 = vector.shape_cast %slice3A_44 : vector<512x32xbf16> to vector<1x1x512x32xbf16>
    tpu.vector_store %arg3[%swap3A_45, %swap3A_46, %swap3A_47, %swap3A_48], %swap3A_51 {strides = array<i32>} : memref<8x4x512x32xbf16, #tpu.memory_space<vmem>>, vector<1x1x512x32xbf16>,
    %slice3A_52 = vector.extract_strided_slice %convert_element_type3A {offsets = [0, 192], sizes = [512, 32], strides = [1, 1]} : vector<512x1024xbf16> to vector<512x32xbf16>
    %swap3A_53 = arith.constant 1 : index
    %swap3A_54 = arith.constant 2 : index
    %swap3A_55 = arith.constant 0 : index
    %swap3A_56 = arith.constant 0 : index
    %swap3A_57 = vector.load %arg3[%swap3A_53, %swap3A_54, %swap3A_55, %swap3A_56] : memref<8x4x512x32xbf16, #tpu.memory_space<vmem>>, vector<1x1x512x32xbf16>
    %swap3A_58 = vector.shape_cast %swap3A_57 : vector<1x1x512x32xbf16> to vector<512x32xbf16>
    %swap3A_59 = vector.shape_cast %slice3A_52 : vector<512x32xbf16> to vector<1x1x512x32xbf16>
    tpu.vector_store %arg3[%swap3A_53, %swap3A_54, %swap3A_55, %swap3A_56], %swap3A_59 {strides = array<i32>} : memref<8x4x512x32xbf16, #tpu.memory_space<vmem>>, vector<1x1x512x32xbf16>,
    %slice3A_60 = vector.extract_strided_slice %convert_element_type3A {offsets = [0, 224], sizes = [512, 32], strides = [1, 1]} : vector<512x1024xbf16> to vector<512x32xbf16>
    %swap3A_61 = arith.constant 1 : index
    %swap3A_62 = arith.constant 3 : index
    %swap3A_63 = arith.constant 0 : index
    %swap3A_64 = arith.constant 0 : index
    %swap3A_65 = vector.load %arg3[%swap3A_61, %swap3A_62, %swap3A_63, %swap3A_64] : memref<8x4x512x32xbf16, #tpu.memory_space<vmem>>, vector<1x1x512x32xbf16>
    %swap3A_66 = vector.shape_cast %swap3A_65 : vector<1x1x512x32xbf16> to vector<512x32xbf16>
    %swap3A_67 = vector.shape_cast %slice3A_60 : vector<512x32xbf16> to vector<1x1x512x32xbf16>
    tpu.vector_store %arg3[%swap3A_61, %swap3A_62, %swap3A_63, %swap3A_64], %swap3A_67 {strides = array<i32>} : memref<8x4x512x32xbf16, #tpu.memory_space<vmem>>, vector<1x1x512x32xbf16>,
    %slice3A_68 = vector.extract_strided_slice %convert_element_type3A {offsets = [0, 256], sizes = [512, 32], strides = [1, 1]} : vector<512x1024xbf16> to vector<512x32xbf16>
    %swap3A_69 = arith.constant 2 : index
    %swap3A_70 = arith.constant 0 : index
    %swap3A_71 = arith.constant 0 : index
    %swap3A_72 = arith.constant 0 : index
    %swap3A_73 = vector.load %arg3[%swap3A_69, %swap3A_70, %swap3A_71, %swap3A_72] : memref<8x4x512x32xbf16, #tpu.memory_space<vmem>>, vector<1x1x512x32xbf16>
    %swap3A_74 = vector.shape_cast %swap3A_73 : vector<1x1x512x32xbf16> to vector<512x32xbf16>
    %swap3A_75 = vector.shape_cast %slice3A_68 : vector<512x32xbf16> to vector<1x1x512x32xbf16>
    tpu.vector_store %arg3[%swap3A_69, %swap3A_70, %swap3A_71, %swap3A_72], %swap3A_75 {strides = array<i32>} : memref<8x4x512x32xbf16, #tpu.memory_space<vmem>>, vector<1x1x512x32xbf16>,
    %slice3A_76 = vector.extract_strided_slice %convert_element_type3A {offsets = [0, 288], sizes = [512, 32], strides = [1, 1]} : vector<512x1024xbf16> to vector<512x32xbf16>
    %swap3A_77 = arith.constant 2 : index
    %swap3A_78 = arith.constant 1 : index
    %swap3A_79 = arith.constant 0 : index
    %swap3A_80 = arith.constant 0 : index
    %swap3A_81 = vector.load %arg3[%swap3A_77, %swap3A_78, %swap3A_79, %swap3A_80] : memref<8x4x512x32xbf16, #tpu.memory_space<vmem>>, vector<1x1x512x32xbf16>
    %swap3A_82 = vector.shape_cast %swap3A_81 : vector<1x1x512x32xbf16> to vector<512x32xbf16>
    %swap3A_83 = vector.shape_cast %slice3A_76 : vector<512x32xbf16> to vector<1x1x512x32xbf16>
    tpu.vector_store %arg3[%swap3A_77, %swap3A_78, %swap3A_79, %swap3A_80], %swap3A_83 {strides = array<i32>} : memref<8x4x512x32xbf16, #tpu.memory_space<vmem>>, vector<1x1x512x32xbf16>,
    %slice3A_84 = vector.extract_strided_slice %convert_element_type3A {offsets = [0, 320], sizes = [512, 32], strides = [1, 1]} : vector<512x1024xbf16> to vector<512x32xbf16>
    %swap3A_85 = arith.constant 2 : index
    %swap3A_86 = arith.constant 2 : index
    %swap3A_87 = arith.constant 0 : index
    %swap3A_88 = arith.constant 0 : index
    %swap3A_89 = vector.load %arg3[%swap3A_85, %swap3A_86, %swap3A_87, %swap3A_88] : memref<8x4x512x32xbf16, #tpu.memory_space<vmem>>, vector<1x1x512x32xbf16>
    %swap3A_90 = vector.shape_cast %swap3A_89 : vector<1x1x512x32xbf16> to vector<512x32xbf16>
    %swap3A_91 = vector.shape_cast %slice3A_84 : vector<512x32xbf16> to vector<1x1x512x32xbf16>
    tpu.vector_store %arg3[%swap3A_85, %swap3A_86, %swap3A_87, %swap3A_88], %swap3A_91 {strides = array<i32>} : memref<8x4x512x32xbf16, #tpu.memory_space<vmem>>, vector<1x1x512x32xbf16>,
    %slice3A_92 = vector.extract_strided_slice %convert_element_type3A {offsets = [0, 352], sizes = [512, 32], strides = [1, 1]} : vector<512x1024xbf16> to vector<512x32xbf16>
    %swap3A_93 = arith.constant 2 : index
    %swap3A_94 = arith.constant 3 : index
    %swap3A_95 = arith.constant 0 : index
    %swap3A_96 = arith.constant 0 : index
    %swap3A_97 = vector.load %arg3[%swap3A_93, %swap3A_94, %swap3A_95, %swap3A_96] : memref<8x4x512x32xbf16, #tpu.memory_space<vmem>>, vector<1x1x512x32xbf16>
    %swap3A_98 = vector.shape_cast %swap3A_97 : vector<1x1x512x32xbf16> to vector<512x32xbf16>
    %swap3A_99 = vector.shape_cast %slice3A_92 : vector<512x32xbf16> to vector<1x1x512x32xbf16>
    tpu.vector_store %arg3[%swap3A_93, %swap3A_94, %swap3A_95, %swap3A_96], %swap3A_99 {strides = array<i32>} : memref<8x4x512x32xbf16, #tpu.memory_space<vmem>>, vector<1x1x512x32xbf16>,
    %slice3A_100 = vector.extract_strided_slice %convert_element_type3A {offsets = [0, 384], sizes = [512, 32], strides = [1, 1]} : vector<512x1024xbf16> to vector<512x32xbf16>
    %swap3A_101 = arith.constant 3 : index
    %swap3A_102 = arith.constant 0 : index
    %swap3A_103 = arith.constant 0 : index
    %swap3A_104 = arith.constant 0 : index
    %swap3A_105 = vector.load %arg3[%swap3A_101, %swap3A_102, %swap3A_103, %swap3A_104] : memref<8x4x512x32xbf16, #tpu.memory_space<vmem>>, vector<1x1x512x32xbf16>
    %swap3A_106 = vector.shape_cast %swap3A_105 : vector<1x1x512x32xbf16> to vector<512x32xbf16>
    %swap3A_107 = vector.shape_cast %slice3A_100 : vector<512x32xbf16> to vector<1x1x512x32xbf16>
    tpu.vector_store %arg3[%swap3A_101, %swap3A_102, %swap3A_103, %swap3A_104], %swap3A_107 {strides = array<i32>} : memref<8x4x512x32xbf16, #tpu.memory_space<vmem>>, vector<1x1x512x32xbf16>,
    %slice3A_108 = vector.extract_strided_slice %convert_element_type3A {offsets = [0, 416], sizes = [512, 32], strides = [1, 1]} : vector<512x1024xbf16> to vector<512x32xbf16>
    %swap3A_109 = arith.constant 3 : index
    %swap3A_110 = arith.constant 1 : index
    %swap3A_111 = arith.constant 0 : index
    %swap3A_112 = arith.constant 0 : index
    %swap3A_113 = vector.load %arg3[%swap3A_109, %swap3A_110, %swap3A_111, %swap3A_112] : memref<8x4x512x32xbf16, #tpu.memory_space<vmem>>, vector<1x1x512x32xbf16>
    %swap3A_114 = vector.shape_cast %swap3A_113 : vector<1x1x512x32xbf16> to vector<512x32xbf16>
    %swap3A_115 = vector.shape_cast %slice3A_108 : vector<512x32xbf16> to vector<1x1x512x32xbf16>
    tpu.vector_store %arg3[%swap3A_109, %swap3A_110, %swap3A_111, %swap3A_112], %swap3A_115 {strides = array<i32>} : memref<8x4x512x32xbf16, #tpu.memory_space<vmem>>, vector<1x1x512x32xbf16>,
    %slice3A_116 = vector.extract_strided_slice %convert_element_type3A {offsets = [0, 448], sizes = [512, 32], strides = [1, 1]} : vector<512x1024xbf16> to vector<512x32xbf16>
    %swap3A_117 = arith.constant 3 : index
    %swap3A_118 = arith.constant 2 : index
    %swap3A_119 = arith.constant 0 : index
    %swap3A_120 = arith.constant 0 : index
    %swap3A_121 = vector.load %arg3[%swap3A_117, %swap3A_118, %swap3A_119, %swap3A_120] : memref<8x4x512x32xbf16, #tpu.memory_space<vmem>>, vector<1x1x512x32xbf16>
    %swap3A_122 = vector.shape_cast %swap3A_121 : vector<1x1x512x32xbf16> to vector<512x32xbf16>
    %swap3A_123 = vector.shape_cast %slice3A_116 : vector<512x32xbf16> to vector<1x1x512x32xbf16>
    tpu.vector_store %arg3[%swap3A_117, %swap3A_118, %swap3A_119, %swap3A_120], %swap3A_123 {strides = array<i32>} : memref<8x4x512x32xbf16, #tpu.memory_space<vmem>>, vector<1x1x512x32xbf16>,
    %slice3A_124 = vector.extract_strided_slice %convert_element_type3A {offsets = [0, 480], sizes = [512, 32], strides = [1, 1]} : vector<512x1024xbf16> to vector<512x32xbf16>
    %swap3A_125 = arith.constant 3 : index
    %swap3A_126 = arith.constant 3 : index
    %swap3A_127 = arith.constant 0 : index
    %swap3A_128 = arith.constant 0 : index
    %swap3A_129 = vector.load %arg3[%swap3A_125, %swap3A_126, %swap3A_127, %swap3A_128] : memref<8x4x512x32xbf16, #tpu.memory_space<vmem>>, vector<1x1x512x32xbf16>
    %swap3A_130 = vector.shape_cast %swap3A_129 : vector<1x1x512x32xbf16> to vector<512x32xbf16>
    %swap3A_131 = vector.shape_cast %slice3A_124 : vector<512x32xbf16> to vector<1x1x512x32xbf16>
    tpu.vector_store %arg3[%swap3A_125, %swap3A_126, %swap3A_127, %swap3A_128], %swap3A_131 {strides = array<i32>} : memref<8x4x512x32xbf16, #tpu.memory_space<vmem>>, vector<1x1x512x32xbf16>,
    %slice3A_132 = vector.extract_strided_slice %convert_element_type3A {offsets = [0, 512], sizes = [512, 32], strides = [1, 1]} : vector<512x1024xbf16> to vector<512x32xbf16>
    %swap3A_133 = arith.constant 4 : index
    %swap3A_134 = arith.constant 0 : index
    %swap3A_135 = arith.constant 0 : index
    %swap3A_136 = arith.constant 0 : index
    %swap3A_137 = vector.load %arg3[%swap3A_133, %swap3A_134, %swap3A_135, %swap3A_136] : memref<8x4x512x32xbf16, #tpu.memory_space<vmem>>, vector<1x1x512x32xbf16>
    %swap3A_138 = vector.shape_cast %swap3A_137 : vector<1x1x512x32xbf16> to vector<512x32xbf16>
    %swap3A_139 = vector.shape_cast %slice3A_132 : vector<512x32xbf16> to vector<1x1x512x32xbf16>
    tpu.vector_store %arg3[%swap3A_133, %swap3A_134, %swap3A_135, %swap3A_136], %swap3A_139 {strides = array<i32>} : memref<8x4x512x32xbf16, #tpu.memory_space<vmem>>, vector<1x1x512x32xbf16>,
    %slice3A_140 = vector.extract_strided_slice %convert_element_type3A {offsets = [0, 544], sizes = [512, 32], strides = [1, 1]} : vector<512x1024xbf16> to vector<512x32xbf16>
    %swap3A_141 = arith.constant 4 : index
    %swap3A_142 = arith.constant 1 : index
    %swap3A_143 = arith.constant 0 : index
    %swap3A_144 = arith.constant 0 : index
    %swap3A_145 = vector.load %arg3[%swap3A_141, %swap3A_142, %swap3A_143, %swap3A_144] : memref<8x4x512x32xbf16, #tpu.memory_space<vmem>>, vector<1x1x512x32xbf16>
    %swap3A_146 = vector.shape_cast %swap3A_145 : vector<1x1x512x32xbf16> to vector<512x32xbf16>
    %swap3A_147 = vector.shape_cast %slice3A_140 : vector<512x32xbf16> to vector<1x1x512x32xbf16>
    tpu.vector_store %arg3[%swap3A_141, %swap3A_142, %swap3A_143, %swap3A_144], %swap3A_147 {strides = array<i32>} : memref<8x4x512x32xbf16, #tpu.memory_space<vmem>>, vector<1x1x512x32xbf16>,
    %slice3A_148 = vector.extract_strided_slice %convert_element_type3A {offsets = [0, 576], sizes = [512, 32], strides = [1, 1]} : vector<512x1024xbf16> to vector<512x32xbf16>
    %swap3A_149 = arith.constant 4 : index
    %swap3A_150 = arith.constant 2 : index
    %swap3A_151 = arith.constant 0 : index
    %swap3A_152 = arith.constant 0 : index
    %swap3A_153 = vector.load %arg3[%swap3A_149, %swap3A_150, %swap3A_151, %swap3A_152] : memref<8x4x512x32xbf16, #tpu.memory_space<vmem>>, vector<1x1x512x32xbf16>
    %swap3A_154 = vector.shape_cast %swap3A_153 : vector<1x1x512x32xbf16> to vector<512x32xbf16>
    %swap3A_155 = vector.shape_cast %slice3A_148 : vector<512x32xbf16> to vector<1x1x512x32xbf16>
    tpu.vector_store %arg3[%swap3A_149, %swap3A_150, %swap3A_151, %swap3A_152], %swap3A_155 {strides = array<i32>} : memref<8x4x512x32xbf16, #tpu.memory_space<vmem>>, vector<1x1x512x32xbf16>,
    %slice3A_156 = vector.extract_strided_slice %convert_element_type3A {offsets = [0, 608], sizes = [512, 32], strides = [1, 1]} : vector<512x1024xbf16> to vector<512x32xbf16>
    %swap3A_157 = arith.constant 4 : index
    %swap3A_158 = arith.constant 3 : index
    %swap3A_159 = arith.constant 0 : index
    %swap3A_160 = arith.constant 0 : index
    %swap3A_161 = vector.load %arg3[%swap3A_157, %swap3A_158, %swap3A_159, %swap3A_160] : memref<8x4x512x32xbf16, #tpu.memory_space<vmem>>, vector<1x1x512x32xbf16>
    %swap3A_162 = vector.shape_cast %swap3A_161 : vector<1x1x512x32xbf16> to vector<512x32xbf16>
    %swap3A_163 = vector.shape_cast %slice3A_156 : vector<512x32xbf16> to vector<1x1x512x32xbf16>
    tpu.vector_store %arg3[%swap3A_157, %swap3A_158, %swap3A_159, %swap3A_160], %swap3A_163 {strides = array<i32>} : memref<8x4x512x32xbf16, #tpu.memory_space<vmem>>, vector<1x1x512x32xbf16>,
    %slice3A_164 = vector.extract_strided_slice %convert_element_type3A {offsets = [0, 640], sizes = [512, 32], strides = [1, 1]} : vector<512x1024xbf16> to vector<512x32xbf16>
    %swap3A_165 = arith.constant 5 : index
    %swap3A_166 = arith.constant 0 : index
    %swap3A_167 = arith.constant 0 : index
    %swap3A_168 = arith.constant 0 : index
    %swap3A_169 = vector.load %arg3[%swap3A_165, %swap3A_166, %swap3A_167, %swap3A_168] : memref<8x4x512x32xbf16, #tpu.memory_space<vmem>>, vector<1x1x512x32xbf16>
    %swap3A_170 = vector.shape_cast %swap3A_169 : vector<1x1x512x32xbf16> to vector<512x32xbf16>
    %swap3A_171 = vector.shape_cast %slice3A_164 : vector<512x32xbf16> to vector<1x1x512x32xbf16>
    tpu.vector_store %arg3[%swap3A_165, %swap3A_166, %swap3A_167, %swap3A_168], %swap3A_171 {strides = array<i32>} : memref<8x4x512x32xbf16, #tpu.memory_space<vmem>>, vector<1x1x512x32xbf16>,
    %slice3A_172 = vector.extract_strided_slice %convert_element_type3A {offsets = [0, 672], sizes = [512, 32], strides = [1, 1]} : vector<512x1024xbf16> to vector<512x32xbf16>
    %swap3A_173 = arith.constant 5 : index
    %swap3A_174 = arith.constant 1 : index
    %swap3A_175 = arith.constant 0 : index
    %swap3A_176 = arith.constant 0 : index
    %swap3A_177 = vector.load %arg3[%swap3A_173, %swap3A_174, %swap3A_175, %swap3A_176] : memref<8x4x512x32xbf16, #tpu.memory_space<vmem>>, vector<1x1x512x32xbf16>
    %swap3A_178 = vector.shape_cast %swap3A_177 : vector<1x1x512x32xbf16> to vector<512x32xbf16>
    %swap3A_179 = vector.shape_cast %slice3A_172 : vector<512x32xbf16> to vector<1x1x512x32xbf16>
    tpu.vector_store %arg3[%swap3A_173, %swap3A_174, %swap3A_175, %swap3A_176], %swap3A_179 {strides = array<i32>} : memref<8x4x512x32xbf16, #tpu.memory_space<vmem>>, vector<1x1x512x32xbf16>,
    %slice3A_180 = vector.extract_strided_slice %convert_element_type3A {offsets = [0, 704], sizes = [512, 32], strides = [1, 1]} : vector<512x1024xbf16> to vector<512x32xbf16>
    %swap3A_181 = arith.constant 5 : index
    %swap3A_182 = arith.constant 2 : index
    %swap3A_183 = arith.constant 0 : index
    %swap3A_184 = arith.constant 0 : index
    %swap3A_185 = vector.load %arg3[%swap3A_181, %swap3A_182, %swap3A_183, %swap3A_184] : memref<8x4x512x32xbf16, #tpu.memory_space<vmem>>, vector<1x1x512x32xbf16>
    %swap3A_186 = vector.shape_cast %swap3A_185 : vector<1x1x512x32xbf16> to vector<512x32xbf16>
    %swap3A_187 = vector.shape_cast %slice3A_180 : vector<512x32xbf16> to vector<1x1x512x32xbf16>
    tpu.vector_store %arg3[%swap3A_181, %swap3A_182, %swap3A_183, %swap3A_184], %swap3A_187 {strides = array<i32>} : memref<8x4x512x32xbf16, #tpu.memory_space<vmem>>, vector<1x1x512x32xbf16>,
    %slice3A_188 = vector.extract_strided_slice %convert_element_type3A {offsets = [0, 736], sizes = [512, 32], strides = [1, 1]} : vector<512x1024xbf16> to vector<512x32xbf16>
    %swap3A_189 = arith.constant 5 : index
    %swap3A_190 = arith.constant 3 : index
    %swap3A_191 = arith.constant 0 : index
    %swap3A_192 = arith.constant 0 : index
    %swap3A_193 = vector.load %arg3[%swap3A_189, %swap3A_190, %swap3A_191, %swap3A_192] : memref<8x4x512x32xbf16, #tpu.memory_space<vmem>>, vector<1x1x512x32xbf16>
    %swap3A_194 = vector.shape_cast %swap3A_193 : vector<1x1x512x32xbf16> to vector<512x32xbf16>
    %swap3A_195 = vector.shape_cast %slice3A_188 : vector<512x32xbf16> to vector<1x1x512x32xbf16>
    tpu.vector_store %arg3[%swap3A_189, %swap3A_190, %swap3A_191, %swap3A_192], %swap3A_195 {strides = array<i32>} : memref<8x4x512x32xbf16, #tpu.memory_space<vmem>>, vector<1x1x512x32xbf16>,
    %slice3A_196 = vector.extract_strided_slice %convert_element_type3A {offsets = [0, 768], sizes = [512, 32], strides = [1, 1]} : vector<512x1024xbf16> to vector<512x32xbf16>
    %swap3A_197 = arith.constant 6 : index
    %swap3A_198 = arith.constant 0 : index
    %swap3A_199 = arith.constant 0 : index
    %swap3A_200 = arith.constant 0 : index
    %swap3A_201 = vector.load %arg3[%swap3A_197, %swap3A_198, %swap3A_199, %swap3A_200] : memref<8x4x512x32xbf16, #tpu.memory_space<vmem>>, vector<1x1x512x32xbf16>
    %swap3A_202 = vector.shape_cast %swap3A_201 : vector<1x1x512x32xbf16> to vector<512x32xbf16>
    %swap3A_203 = vector.shape_cast %slice3A_196 : vector<512x32xbf16> to vector<1x1x512x32xbf16>
    tpu.vector_store %arg3[%swap3A_197, %swap3A_198, %swap3A_199, %swap3A_200], %swap3A_203 {strides = array<i32>} : memref<8x4x512x32xbf16, #tpu.memory_space<vmem>>, vector<1x1x512x32xbf16>,
    %slice3A_204 = vector.extract_strided_slice %convert_element_type3A {offsets = [0, 800], sizes = [512, 32], strides = [1, 1]} : vector<512x1024xbf16> to vector<512x32xbf16>
    %swap3A_205 = arith.constant 6 : index
    %swap3A_206 = arith.constant 1 : index
    %swap3A_207 = arith.constant 0 : index
    %swap3A_208 = arith.constant 0 : index
    %swap3A_209 = vector.load %arg3[%swap3A_205, %swap3A_206, %swap3A_207, %swap3A_208] : memref<8x4x512x32xbf16, #tpu.memory_space<vmem>>, vector<1x1x512x32xbf16>
    %swap3A_210 = vector.shape_cast %swap3A_209 : vector<1x1x512x32xbf16> to vector<512x32xbf16>
    %swap3A_211 = vector.shape_cast %slice3A_204 : vector<512x32xbf16> to vector<1x1x512x32xbf16>
    tpu.vector_store %arg3[%swap3A_205, %swap3A_206, %swap3A_207, %swap3A_208], %swap3A_211 {strides = array<i32>} : memref<8x4x512x32xbf16, #tpu.memory_space<vmem>>, vector<1x1x512x32xbf16>,
    %slice3A_212 = vector.extract_strided_slice %convert_element_type3A {offsets = [0, 832], sizes = [512, 32], strides = [1, 1]} : vector<512x1024xbf16> to vector<512x32xbf16>
    %swap3A_213 = arith.constant 6 : index
    %swap3A_214 = arith.constant 2 : index
    %swap3A_215 = arith.constant 0 : index
    %swap3A_216 = arith.constant 0 : index
    %swap3A_217 = vector.load %arg3[%swap3A_213, %swap3A_214, %swap3A_215, %swap3A_216] : memref<8x4x512x32xbf16, #tpu.memory_space<vmem>>, vector<1x1x512x32xbf16>
    %swap3A_218 = vector.shape_cast %swap3A_217 : vector<1x1x512x32xbf16> to vector<512x32xbf16>
    %swap3A_219 = vector.shape_cast %slice3A_212 : vector<512x32xbf16> to vector<1x1x512x32xbf16>
    tpu.vector_store %arg3[%swap3A_213, %swap3A_214, %swap3A_215, %swap3A_216], %swap3A_219 {strides = array<i32>} : memref<8x4x512x32xbf16, #tpu.memory_space<vmem>>, vector<1x1x512x32xbf16>,
    %slice3A_220 = vector.extract_strided_slice %convert_element_type3A {offsets = [0, 864], sizes = [512, 32], strides = [1, 1]} : vector<512x1024xbf16> to vector<512x32xbf16>
    %swap3A_221 = arith.constant 6 : index
    %swap3A_222 = arith.constant 3 : index
    %swap3A_223 = arith.constant 0 : index
    %swap3A_224 = arith.constant 0 : index
    %swap3A_225 = vector.load %arg3[%swap3A_221, %swap3A_222, %swap3A_223, %swap3A_224] : memref<8x4x512x32xbf16, #tpu.memory_space<vmem>>, vector<1x1x512x32xbf16>
    %swap3A_226 = vector.shape_cast %swap3A_225 : vector<1x1x512x32xbf16> to vector<512x32xbf16>
    %swap3A_227 = vector.shape_cast %slice3A_220 : vector<512x32xbf16> to vector<1x1x512x32xbf16>
    tpu.vector_store %arg3[%swap3A_221, %swap3A_222, %swap3A_223, %swap3A_224], %swap3A_227 {strides = array<i32>} : memref<8x4x512x32xbf16, #tpu.memory_space<vmem>>, vector<1x1x512x32xbf16>,
    %slice3A_228 = vector.extract_strided_slice %convert_element_type3A {offsets = [0, 896], sizes = [512, 32], strides = [1, 1]} : vector<512x1024xbf16> to vector<512x32xbf16>
    %swap3A_229 = arith.constant 7 : index
    %swap3A_230 = arith.constant 0 : index
    %swap3A_231 = arith.constant 0 : index
    %swap3A_232 = arith.constant 0 : index
    %swap3A_233 = vector.load %arg3[%swap3A_229, %swap3A_230, %swap3A_231, %swap3A_232] : memref<8x4x512x32xbf16, #tpu.memory_space<vmem>>, vector<1x1x512x32xbf16>
    %swap3A_234 = vector.shape_cast %swap3A_233 : vector<1x1x512x32xbf16> to vector<512x32xbf16>
    %swap3A_235 = vector.shape_cast %slice3A_228 : vector<512x32xbf16> to vector<1x1x512x32xbf16>
    tpu.vector_store %arg3[%swap3A_229, %swap3A_230, %swap3A_231, %swap3A_232], %swap3A_235 {strides = array<i32>} : memref<8x4x512x32xbf16, #tpu.memory_space<vmem>>, vector<1x1x512x32xbf16>,
    %slice3A_236 = vector.extract_strided_slice %convert_element_type3A {offsets = [0, 928], sizes = [512, 32], strides = [1, 1]} : vector<512x1024xbf16> to vector<512x32xbf16>
    %swap3A_237 = arith.constant 7 : index
    %swap3A_238 = arith.constant 1 : index
    %swap3A_239 = arith.constant 0 : index
    %swap3A_240 = arith.constant 0 : index
    %swap3A_241 = vector.load %arg3[%swap3A_237, %swap3A_238, %swap3A_239, %swap3A_240] : memref<8x4x512x32xbf16, #tpu.memory_space<vmem>>, vector<1x1x512x32xbf16>
    %swap3A_242 = vector.shape_cast %swap3A_241 : vector<1x1x512x32xbf16> to vector<512x32xbf16>
    %swap3A_243 = vector.shape_cast %slice3A_236 : vector<512x32xbf16> to vector<1x1x512x32xbf16>
    tpu.vector_store %arg3[%swap3A_237, %swap3A_238, %swap3A_239, %swap3A_240], %swap3A_243 {strides = array<i32>} : memref<8x4x512x32xbf16, #tpu.memory_space<vmem>>, vector<1x1x512x32xbf16>,
    %slice3A_244 = vector.extract_strided_slice %convert_element_type3A {offsets = [0, 960], sizes = [512, 32], strides = [1, 1]} : vector<512x1024xbf16> to vector<512x32xbf16>
    %swap3A_245 = arith.constant 7 : index
    %swap3A_246 = arith.constant 2 : index
    %swap3A_247 = arith.constant 0 : index
    %swap3A_248 = arith.constant 0 : index
    %swap3A_249 = vector.load %arg3[%swap3A_245, %swap3A_246, %swap3A_247, %swap3A_248] : memref<8x4x512x32xbf16, #tpu.memory_space<vmem>>, vector<1x1x512x32xbf16>
    %swap3A_250 = vector.shape_cast %swap3A_249 : vector<1x1x512x32xbf16> to vector<512x32xbf16>
    %swap3A_251 = vector.shape_cast %slice3A_244 : vector<512x32xbf16> to vector<1x1x512x32xbf16>
    tpu.vector_store %arg3[%swap3A_245, %swap3A_246, %swap3A_247, %swap3A_248], %swap3A_251 {strides = array<i32>} : memref<8x4x512x32xbf16, #tpu.memory_space<vmem>>, vector<1x1x512x32xbf16>,
    %slice3A_252 = vector.extract_strided_slice %convert_element_type3A {offsets = [0, 992], sizes = [512, 32], strides = [1, 1]} : vector<512x1024xbf16> to vector<512x32xbf16>
    %swap3A_253 = arith.constant 7 : index
    %swap3A_254 = arith.constant 3 : index
    %swap3A_255 = arith.constant 0 : index
    %swap3A_256 = arith.constant 0 : index
    %swap3A_257 = vector.load %arg3[%swap3A_253, %swap3A_254, %swap3A_255, %swap3A_256] : memref<8x4x512x32xbf16, #tpu.memory_space<vmem>>, vector<1x1x512x32xbf16>
    %swap3A_258 = vector.shape_cast %swap3A_257 : vector<1x1x512x32xbf16> to vector<512x32xbf16>
    %swap3A_259 = vector.shape_cast %slice3A_252 : vector<512x32xbf16> to vector<1x1x512x32xbf16>
    tpu.vector_store %arg3[%swap3A_253, %swap3A_254, %swap3A_255, %swap3A_256], %swap3A_259 {strides = array<i32>} : memref<8x4x512x32xbf16, #tpu.memory_space<vmem>>, vector<1x1x512x32xbf16>,
    return
  }
  func.func @transform_0(%arg0: i32) -> (i32, i32) {
    %c0_i32 = arith.constant 0 : i32
    %c0_i32_0 = arith.constant 0 : i32
    return %arg0, %c0_i32 : i32, i32
  }
  func.func @transform_1(%arg0: i32) -> (i32, i32) {
    %c0_i32 = arith.constant 0 : i32
    %c0_i32_0 = arith.constant 0 : i32
    return %arg0, %c0_i32 : i32, i32
  }
  func.func @transform_2(%arg0: i32) -> (i32, i32, i32, i32) {
    %c0_i32 = arith.constant 0 : i32
    %c0_i32_0 = arith.constant 0 : i32
    %c0_i32_1 = arith.constant 0 : i32
    %c0_i32_2 = arith.constant 0 : i32
    return %c0_i32, %c0_i32_0, %arg0, %c0_i32_1 : i32, i32, i32, i32
  }
}

module attributes {stable_mosaic.version = 14 : i64} {
  func.func @body(%arg0: i32, %arg1: memref<32x512xf32, #tpu.memory_space<vmem>>, %arg2: memref<32x512xf32, #tpu.memory_space<vmem>>, %arg3: memref<512x8xf32, #tpu.memory_space<vmem>>, %arg4: memref<512x8xf32, #tpu.memory_space<vmem>>) attributes {dimension_semantics = [#tpu.dimension_semantics<arbitrary>], iteration_bounds = array<i64: 20>, scalar_prefetch = 0 : i64, scratch_operands = 0 : i64, tpu.core_type = #tpu.core_type<tc>, window_params = [{transform_indices = @transform_0, window_bounds = array<i64: 32, 512>}, {transform_indices = @transform_1, window_bounds = array<i64: 32, 512>}, {transform_indices = @transform_2, window_bounds = array<i64: 512, 8>}, {transform_indices = @transform_3, window_bounds = array<i64: 512, 8>}]} {
    %iota3A = tpu.iota {dimensions = array<i32: 1>} : vector<1x512xi32>
    %iota3A_0 = vector.shape_cast %iota3A : vector<1x512xi32> to vector<512xi32>
    %lt3A = arith.constant 128 : i32
    %lt3A_1 = vector.broadcast %lt3A : i32 to vector<512xi32>
    %lt3A_2 = arith.cmpi slt, %iota3A_0, %lt3A_1 : vector<512xi32>
    %eq3A = arith.constant 0 : i32
    %eq3A_3 = arith.cmpi eq, %arg0, %eq3A : i32
    %and3A = vector.broadcast %eq3A_3 : i1 to vector<512xi1>
    %and3A_4 = arith.andi %lt3A_2, %and3A : vector<512xi1>
    %get3A = arith.constant 0 : index
    %get3A_5 = arith.constant 0 : index
    %get3A_6 = vector.load %arg1[%get3A, %get3A_5] : memref<32x512xf32, #tpu.memory_space<vmem>>, vector<32x512xf32>
    %reduce_sum3A = arith.constant dense<0.000000e+00> : vector<512xf32>
    %reduce_sum3A_7 = vector.multi_reduction <add>, %get3A_6, %reduce_sum3A [0] : vector<32x512xf32> to vector<512xf32>
    %jit3A = arith.constant 6.000000e+01 : f32
    %jit3A_8 = arith.constant 0.000000e+00 : f32
    %broadcast_in_dim3A = vector.broadcast %jit3A : f32 to vector<512xf32>
    %broadcast_in_dim3A_9 = vector.broadcast %jit3A_8 : f32 to vector<512xf32>
    %select_n3A = arith.select %and3A_4, %broadcast_in_dim3A, %broadcast_in_dim3A_9 : vector<512xi1>, vector<512xf32>
    %sub3A = arith.subf %reduce_sum3A_7, %select_n3A : vector<512xf32>
    %max3A = arith.constant 1.000000e+00 : f32
    %max3A_10 = vector.broadcast %max3A : f32 to vector<512xf32>
    %max3A_11 = arith.maximumf %sub3A, %max3A_10 : vector<512xf32>
    %get3A_12 = arith.constant 0 : index
    %get3A_13 = arith.constant 0 : index
    %get3A_14 = vector.load %arg2[%get3A_12, %get3A_13] : memref<32x512xf32, #tpu.memory_space<vmem>>, vector<32x512xf32>
    %reduce_sum3A_15 = arith.constant dense<0.000000e+00> : vector<512xf32>
    %reduce_sum3A_16 = vector.multi_reduction <add>, %get3A_14, %reduce_sum3A_15 [0] : vector<32x512xf32> to vector<512xf32>
    %max3A_17 = arith.constant 1.000000e+00 : f32
    %max3A_18 = vector.broadcast %max3A_17 : f32 to vector<512xf32>
    %max3A_19 = arith.maximumf %reduce_sum3A_16, %max3A_18 : vector<512xf32>
    %rsqrt3A = math.rsqrt %max3A_11 : vector<512xf32>
    %broadcast_in_dim3A_20 = vector.shape_cast %rsqrt3A : vector<512xf32> to vector<512x1xf32>
    %broadcast_in_dim3A_21 = vector.shape_cast %broadcast_in_dim3A_20 : vector<512x1xf32> to vector<512x1xf32>
    %broadcast_in_dim3A_22 = vector.broadcast %broadcast_in_dim3A_21 : vector<512x1xf32> to vector<512x8xf32>
    %swap3A = arith.constant 0 : index
    %swap3A_23 = arith.constant 0 : index
    %swap3A_24 = vector.load %arg3[%swap3A, %swap3A_23] : memref<512x8xf32, #tpu.memory_space<vmem>>, vector<512x8xf32>
    tpu.vector_store %arg3[%swap3A, %swap3A_23], %broadcast_in_dim3A_22 {strides = array<i32>} : memref<512x8xf32, #tpu.memory_space<vmem>>, vector<512x8xf32>,
    %rsqrt3A_25 = math.rsqrt %max3A_19 : vector<512xf32>
    %broadcast_in_dim3A_26 = vector.shape_cast %rsqrt3A_25 : vector<512xf32> to vector<512x1xf32>
    %broadcast_in_dim3A_27 = vector.shape_cast %broadcast_in_dim3A_26 : vector<512x1xf32> to vector<512x1xf32>
    %broadcast_in_dim3A_28 = vector.broadcast %broadcast_in_dim3A_27 : vector<512x1xf32> to vector<512x8xf32>
    %swap3A_29 = arith.constant 0 : index
    %swap3A_30 = arith.constant 0 : index
    %swap3A_31 = vector.load %arg4[%swap3A_29, %swap3A_30] : memref<512x8xf32, #tpu.memory_space<vmem>>, vector<512x8xf32>
    tpu.vector_store %arg4[%swap3A_29, %swap3A_30], %broadcast_in_dim3A_28 {strides = array<i32>} : memref<512x8xf32, #tpu.memory_space<vmem>>, vector<512x8xf32>,
    return
  }
  func.func @transform_0(%arg0: i32) -> (i32, i32) {
    %c0_i32 = arith.constant 0 : i32
    %c0_i32_0 = arith.constant 0 : i32
    return %c0_i32, %arg0 : i32, i32
  }
  func.func @transform_1(%arg0: i32) -> (i32, i32) {
    %c0_i32 = arith.constant 0 : i32
    %c0_i32_0 = arith.constant 0 : i32
    return %c0_i32, %arg0 : i32, i32
  }
  func.func @transform_2(%arg0: i32) -> (i32, i32) {
    %c0_i32 = arith.constant 0 : i32
    %c0_i32_0 = arith.constant 0 : i32
    return %arg0, %c0_i32 : i32, i32
  }
  func.func @transform_3(%arg0: i32) -> (i32, i32) {
    %c0_i32 = arith.constant 0 : i32
    %c0_i32_0 = arith.constant 0 : i32
    return %arg0, %c0_i32 : i32, i32
  }
}

module attributes {stable_mosaic.version = 14 : i64} {
  func.func @body(%arg0: i32, %arg1: memref<512x1024xf32, #tpu.memory_space<vmem>>, %arg2: memref<512x8xf32, #tpu.memory_space<vmem>>, %arg3: memref<8x1x512x128xbf16, #tpu.memory_space<vmem>>) attributes {dimension_semantics = [#tpu.dimension_semantics<arbitrary>], iteration_bounds = array<i64: 20>, scalar_prefetch = 0 : i64, scratch_operands = 0 : i64, tpu.core_type = #tpu.core_type<tc>, window_params = [{transform_indices = @transform_0, window_bounds = array<i64: 512, 1024>}, {transform_indices = @transform_1, window_bounds = array<i64: 512, 8>}, {transform_indices = @transform_2, window_bounds = array<i64: 8, 1, 512, 128>}]} {
    %get3A = arith.constant 0 : index
    %get3A_0 = arith.constant 0 : index
    %get3A_1 = vector.load %arg1[%get3A, %get3A_0] : memref<512x1024xf32, #tpu.memory_space<vmem>>, vector<512x1024xf32>
    %get3A_2 = arith.constant 0 : index
    %get3A_3 = arith.constant 0 : index
    %get3A_4 = vector.load %arg2[%get3A_2, %get3A_3] : memref<512x8xf32, #tpu.memory_space<vmem>>, vector<512x1xf32>
    %mul3A = vector.broadcast %get3A_4 : vector<512x1xf32> to vector<512x1024xf32>
    %mul3A_5 = arith.mulf %get3A_1, %mul3A : vector<512x1024xf32>
    %convert_element_type3A = arith.truncf %mul3A_5 : vector<512x1024xf32> to vector<512x1024xbf16>
    %slice3A = vector.extract_strided_slice %convert_element_type3A {offsets = [0, 0], sizes = [512, 128], strides = [1, 1]} : vector<512x1024xbf16> to vector<512x128xbf16>
    %swap3A = arith.constant 0 : index
    %swap3A_6 = arith.constant 0 : index
    %swap3A_7 = arith.constant 0 : index
    %swap3A_8 = arith.constant 0 : index
    %swap3A_9 = vector.load %arg3[%swap3A, %swap3A_6, %swap3A_7, %swap3A_8] : memref<8x1x512x128xbf16, #tpu.memory_space<vmem>>, vector<1x1x512x128xbf16>
    %swap3A_10 = vector.shape_cast %swap3A_9 : vector<1x1x512x128xbf16> to vector<512x128xbf16>
    %swap3A_11 = vector.shape_cast %slice3A : vector<512x128xbf16> to vector<1x1x512x128xbf16>
    tpu.vector_store %arg3[%swap3A, %swap3A_6, %swap3A_7, %swap3A_8], %swap3A_11 {strides = array<i32>} : memref<8x1x512x128xbf16, #tpu.memory_space<vmem>>, vector<1x1x512x128xbf16>,
    %slice3A_12 = vector.extract_strided_slice %convert_element_type3A {offsets = [0, 128], sizes = [512, 128], strides = [1, 1]} : vector<512x1024xbf16> to vector<512x128xbf16>
    %swap3A_13 = arith.constant 1 : index
    %swap3A_14 = arith.constant 0 : index
    %swap3A_15 = arith.constant 0 : index
    %swap3A_16 = arith.constant 0 : index
    %swap3A_17 = vector.load %arg3[%swap3A_13, %swap3A_14, %swap3A_15, %swap3A_16] : memref<8x1x512x128xbf16, #tpu.memory_space<vmem>>, vector<1x1x512x128xbf16>
    %swap3A_18 = vector.shape_cast %swap3A_17 : vector<1x1x512x128xbf16> to vector<512x128xbf16>
    %swap3A_19 = vector.shape_cast %slice3A_12 : vector<512x128xbf16> to vector<1x1x512x128xbf16>
    tpu.vector_store %arg3[%swap3A_13, %swap3A_14, %swap3A_15, %swap3A_16], %swap3A_19 {strides = array<i32>} : memref<8x1x512x128xbf16, #tpu.memory_space<vmem>>, vector<1x1x512x128xbf16>,
    %slice3A_20 = vector.extract_strided_slice %convert_element_type3A {offsets = [0, 256], sizes = [512, 128], strides = [1, 1]} : vector<512x1024xbf16> to vector<512x128xbf16>
    %swap3A_21 = arith.constant 2 : index
    %swap3A_22 = arith.constant 0 : index
    %swap3A_23 = arith.constant 0 : index
    %swap3A_24 = arith.constant 0 : index
    %swap3A_25 = vector.load %arg3[%swap3A_21, %swap3A_22, %swap3A_23, %swap3A_24] : memref<8x1x512x128xbf16, #tpu.memory_space<vmem>>, vector<1x1x512x128xbf16>
    %swap3A_26 = vector.shape_cast %swap3A_25 : vector<1x1x512x128xbf16> to vector<512x128xbf16>
    %swap3A_27 = vector.shape_cast %slice3A_20 : vector<512x128xbf16> to vector<1x1x512x128xbf16>
    tpu.vector_store %arg3[%swap3A_21, %swap3A_22, %swap3A_23, %swap3A_24], %swap3A_27 {strides = array<i32>} : memref<8x1x512x128xbf16, #tpu.memory_space<vmem>>, vector<1x1x512x128xbf16>,
    %slice3A_28 = vector.extract_strided_slice %convert_element_type3A {offsets = [0, 384], sizes = [512, 128], strides = [1, 1]} : vector<512x1024xbf16> to vector<512x128xbf16>
    %swap3A_29 = arith.constant 3 : index
    %swap3A_30 = arith.constant 0 : index
    %swap3A_31 = arith.constant 0 : index
    %swap3A_32 = arith.constant 0 : index
    %swap3A_33 = vector.load %arg3[%swap3A_29, %swap3A_30, %swap3A_31, %swap3A_32] : memref<8x1x512x128xbf16, #tpu.memory_space<vmem>>, vector<1x1x512x128xbf16>
    %swap3A_34 = vector.shape_cast %swap3A_33 : vector<1x1x512x128xbf16> to vector<512x128xbf16>
    %swap3A_35 = vector.shape_cast %slice3A_28 : vector<512x128xbf16> to vector<1x1x512x128xbf16>
    tpu.vector_store %arg3[%swap3A_29, %swap3A_30, %swap3A_31, %swap3A_32], %swap3A_35 {strides = array<i32>} : memref<8x1x512x128xbf16, #tpu.memory_space<vmem>>, vector<1x1x512x128xbf16>,
    %slice3A_36 = vector.extract_strided_slice %convert_element_type3A {offsets = [0, 512], sizes = [512, 128], strides = [1, 1]} : vector<512x1024xbf16> to vector<512x128xbf16>
    %swap3A_37 = arith.constant 4 : index
    %swap3A_38 = arith.constant 0 : index
    %swap3A_39 = arith.constant 0 : index
    %swap3A_40 = arith.constant 0 : index
    %swap3A_41 = vector.load %arg3[%swap3A_37, %swap3A_38, %swap3A_39, %swap3A_40] : memref<8x1x512x128xbf16, #tpu.memory_space<vmem>>, vector<1x1x512x128xbf16>
    %swap3A_42 = vector.shape_cast %swap3A_41 : vector<1x1x512x128xbf16> to vector<512x128xbf16>
    %swap3A_43 = vector.shape_cast %slice3A_36 : vector<512x128xbf16> to vector<1x1x512x128xbf16>
    tpu.vector_store %arg3[%swap3A_37, %swap3A_38, %swap3A_39, %swap3A_40], %swap3A_43 {strides = array<i32>} : memref<8x1x512x128xbf16, #tpu.memory_space<vmem>>, vector<1x1x512x128xbf16>,
    %slice3A_44 = vector.extract_strided_slice %convert_element_type3A {offsets = [0, 640], sizes = [512, 128], strides = [1, 1]} : vector<512x1024xbf16> to vector<512x128xbf16>
    %swap3A_45 = arith.constant 5 : index
    %swap3A_46 = arith.constant 0 : index
    %swap3A_47 = arith.constant 0 : index
    %swap3A_48 = arith.constant 0 : index
    %swap3A_49 = vector.load %arg3[%swap3A_45, %swap3A_46, %swap3A_47, %swap3A_48] : memref<8x1x512x128xbf16, #tpu.memory_space<vmem>>, vector<1x1x512x128xbf16>
    %swap3A_50 = vector.shape_cast %swap3A_49 : vector<1x1x512x128xbf16> to vector<512x128xbf16>
    %swap3A_51 = vector.shape_cast %slice3A_44 : vector<512x128xbf16> to vector<1x1x512x128xbf16>
    tpu.vector_store %arg3[%swap3A_45, %swap3A_46, %swap3A_47, %swap3A_48], %swap3A_51 {strides = array<i32>} : memref<8x1x512x128xbf16, #tpu.memory_space<vmem>>, vector<1x1x512x128xbf16>,
    %slice3A_52 = vector.extract_strided_slice %convert_element_type3A {offsets = [0, 768], sizes = [512, 128], strides = [1, 1]} : vector<512x1024xbf16> to vector<512x128xbf16>
    %swap3A_53 = arith.constant 6 : index
    %swap3A_54 = arith.constant 0 : index
    %swap3A_55 = arith.constant 0 : index
    %swap3A_56 = arith.constant 0 : index
    %swap3A_57 = vector.load %arg3[%swap3A_53, %swap3A_54, %swap3A_55, %swap3A_56] : memref<8x1x512x128xbf16, #tpu.memory_space<vmem>>, vector<1x1x512x128xbf16>
    %swap3A_58 = vector.shape_cast %swap3A_57 : vector<1x1x512x128xbf16> to vector<512x128xbf16>
    %swap3A_59 = vector.shape_cast %slice3A_52 : vector<512x128xbf16> to vector<1x1x512x128xbf16>
    tpu.vector_store %arg3[%swap3A_53, %swap3A_54, %swap3A_55, %swap3A_56], %swap3A_59 {strides = array<i32>} : memref<8x1x512x128xbf16, #tpu.memory_space<vmem>>, vector<1x1x512x128xbf16>,
    %slice3A_60 = vector.extract_strided_slice %convert_element_type3A {offsets = [0, 896], sizes = [512, 128], strides = [1, 1]} : vector<512x1024xbf16> to vector<512x128xbf16>
    %swap3A_61 = arith.constant 7 : index
    %swap3A_62 = arith.constant 0 : index
    %swap3A_63 = arith.constant 0 : index
    %swap3A_64 = arith.constant 0 : index
    %swap3A_65 = vector.load %arg3[%swap3A_61, %swap3A_62, %swap3A_63, %swap3A_64] : memref<8x1x512x128xbf16, #tpu.memory_space<vmem>>, vector<1x1x512x128xbf16>
    %swap3A_66 = vector.shape_cast %swap3A_65 : vector<1x1x512x128xbf16> to vector<512x128xbf16>
    %swap3A_67 = vector.shape_cast %slice3A_60 : vector<512x128xbf16> to vector<1x1x512x128xbf16>
    tpu.vector_store %arg3[%swap3A_61, %swap3A_62, %swap3A_63, %swap3A_64], %swap3A_67 {strides = array<i32>} : memref<8x1x512x128xbf16, #tpu.memory_space<vmem>>, vector<1x1x512x128xbf16>,
    return
  }
  func.func @transform_0(%arg0: i32) -> (i32, i32) {
    %c0_i32 = arith.constant 0 : i32
    %c0_i32_0 = arith.constant 0 : i32
    return %arg0, %c0_i32 : i32, i32
  }
  func.func @transform_1(%arg0: i32) -> (i32, i32) {
    %c0_i32 = arith.constant 0 : i32
    %c0_i32_0 = arith.constant 0 : i32
    return %arg0, %c0_i32 : i32, i32
  }
  func.func @transform_2(%arg0: i32) -> (i32, i32, i32, i32) {
    %c0_i32 = arith.constant 0 : i32
    %c0_i32_0 = arith.constant 0 : i32
    %c0_i32_1 = arith.constant 0 : i32
    %c0_i32_2 = arith.constant 0 : i32
    return %c0_i32, %c0_i32_0, %arg0, %c0_i32_1 : i32, i32, i32, i32
  }
}

module attributes {stable_mosaic.version = 14 : i64} {
  func.func @body(%arg0: i32, %arg1: i32, %arg2: i32, %arg3: memref<2x1x1x512x32xbf16, #tpu.memory_space<vmem>>, %arg4: memref<32x128xf32, #tpu.memory_space<vmem>>, %arg5: memref<1x128xf32, #tpu.memory_space<vmem>>, %arg6: memref<512x8xf32, #tpu.memory_space<vmem>>, %arg7: memref<1x8x128xf32, #tpu.memory_space<vmem>>, %arg8: memref<512x128xf32, #tpu.memory_space<vmem>>, %arg9: memref<1x128xf32, #tpu.memory_space<vmem>>) attributes {dimension_semantics = [#tpu.dimension_semantics<arbitrary>, #tpu.dimension_semantics<arbitrary>, #tpu.dimension_semantics<arbitrary>], iteration_bounds = array<i64: 8, 98, 4>, scalar_prefetch = 0 : i64, scratch_operands = 2 : i64, tpu.core_type = #tpu.core_type<tc>, window_params = [{transform_indices = @transform_0, window_bounds = array<i64: 2, 1, 1, 512, 32>}, {transform_indices = @transform_1, window_bounds = array<i64: 32, 128>}, {pipeline_mode = #tpu.pipeline_mode<synchronous>, transform_indices = @transform_2, window_bounds = array<i64: 1, 128>}, {transform_indices = @transform_3, window_bounds = array<i64: 512, 8>}, {transform_indices = @transform_4, window_bounds = array<i64: 1, 8, 128>}]} {
    %get3A = arith.constant 0 : index
    %get3A_0 = arith.constant 0 : index
    %get3A_1 = arith.constant 0 : index
    %get3A_2 = arith.constant 0 : index
    %get3A_3 = arith.constant 0 : index
    %get3A_4 = vector.load %arg3[%get3A, %get3A_0, %get3A_1, %get3A_2, %get3A_3] : memref<2x1x1x512x32xbf16, #tpu.memory_space<vmem>>, vector<1x1x1x512x32xbf16>
    %get3A_5 = vector.shape_cast %get3A_4 : vector<1x1x1x512x32xbf16> to vector<512x32xbf16>
    %convert_element_type3A = arith.extf %get3A_5 : vector<512x32xbf16> to vector<512x32xf32>
    %get3A_6 = arith.constant 1 : index
    %get3A_7 = arith.constant 0 : index
    %get3A_8 = arith.constant 0 : index
    %get3A_9 = arith.constant 0 : index
    %get3A_10 = arith.constant 0 : index
    %get3A_11 = vector.load %arg3[%get3A_6, %get3A_7, %get3A_8, %get3A_9, %get3A_10] : memref<2x1x1x512x32xbf16, #tpu.memory_space<vmem>>, vector<1x1x1x512x32xbf16>
    %get3A_12 = vector.shape_cast %get3A_11 : vector<1x1x1x512x32xbf16> to vector<512x32xbf16>
    %convert_element_type3A_13 = arith.extf %get3A_12 : vector<512x32xbf16> to vector<512x32xf32>
    %add3A = arith.addf %convert_element_type3A, %convert_element_type3A_13 : vector<512x32xf32>
    %get3A_14 = arith.constant 0 : index
    %get3A_15 = arith.constant 0 : index
    %get3A_16 = vector.load %arg4[%get3A_14, %get3A_15] : memref<32x128xf32, #tpu.memory_space<vmem>>, vector<32x128xf32>
    %dot_general3A = arith.constant dense<0.000000e+00> : vector<512x128xf32>
    %dot_general3A_17 = tpu.matmul %add3A, %get3A_16, %dot_general3A {dimension_numbers = #tpu.dot_dimension_numbers<[1], [0], [0], [1], [0, 0, 1, 1], [], []>, transpose_lhs_hint = false} : vector<512x32xf32>, vector<32x128xf32>, vector<512x128xf32> -> vector<512x128xf32>
    %eq3A = arith.constant 0 : i32
    %eq3A_18 = arith.cmpi eq, %arg2, %eq3A : i32
    %convert_element_type3A_19 = arith.extui %eq3A_18 : i1 to i32
    %cond3A = arith.constant 0 : i32
    %cond3A_20 = arith.cmpi ne, %convert_element_type3A_19, %cond3A : i32
    scf.if %cond3A_20 {
      %swap3A = arith.constant 0 : index
      %swap3A_45 = arith.constant 0 : index
      %swap3A_46 = vector.load %arg8[%swap3A, %swap3A_45] : memref<512x128xf32, #tpu.memory_space<vmem>>, vector<512x128xf32>
      tpu.vector_store %arg8[%swap3A, %swap3A_45], %dot_general3A_17 {strides = array<i32>} : memref<512x128xf32, #tpu.memory_space<vmem>>, vector<512x128xf32>,
    } else {
    }
    %gt3A = arith.constant 0 : i32
    %gt3A_21 = arith.cmpi sgt, %arg2, %gt3A : i32
    %convert_element_type3A_22 = arith.extui %gt3A_21 : i1 to i32
    %cond3A_23 = arith.constant 0 : i32
    %cond3A_24 = arith.cmpi ne, %convert_element_type3A_22, %cond3A_23 : i32
    scf.if %cond3A_24 {
      %get3A_45 = arith.constant 0 : index
      %get3A_46 = arith.constant 0 : index
      %get3A_47 = vector.load %arg8[%get3A_45, %get3A_46] : memref<512x128xf32, #tpu.memory_space<vmem>>, vector<512x128xf32>
      %add3A_48 = arith.addf %get3A_47, %dot_general3A_17 : vector<512x128xf32>
      %swap3A = arith.constant 0 : index
      %swap3A_49 = arith.constant 0 : index
      %swap3A_50 = vector.load %arg8[%swap3A, %swap3A_49] : memref<512x128xf32, #tpu.memory_space<vmem>>, vector<512x128xf32>
      tpu.vector_store %arg8[%swap3A, %swap3A_49], %add3A_48 {strides = array<i32>} : memref<512x128xf32, #tpu.memory_space<vmem>>, vector<512x128xf32>,
    } else {
    }
    %eq3A_25 = arith.constant 0 : i32
    %eq3A_26 = arith.cmpi eq, %arg1, %eq3A_25 : i32
    %eq3A_27 = arith.constant 0 : i32
    %eq3A_28 = arith.cmpi eq, %arg2, %eq3A_27 : i32
    %and3A = arith.andi %eq3A_26, %eq3A_28 : i1
    %convert_element_type3A_29 = arith.extui %and3A : i1 to i32
    %cond3A_30 = arith.constant 0 : i32
    %cond3A_31 = arith.cmpi ne, %convert_element_type3A_29, %cond3A_30 : i32
    scf.if %cond3A_31 {
      %broadcast_in_dim3A = arith.constant 0.000000e+00 : f32
      %broadcast_in_dim3A_45 = vector.broadcast %broadcast_in_dim3A : f32 to vector<1x128xf32>
      %swap3A = arith.constant 0 : index
      %swap3A_46 = arith.constant 0 : index
      %swap3A_47 = vector.load %arg9[%swap3A, %swap3A_46] : memref<1x128xf32, #tpu.memory_space<vmem>>, vector<1x128xf32>
      tpu.vector_store %arg9[%swap3A, %swap3A_46], %broadcast_in_dim3A_45 {strides = array<i32>} : memref<1x128xf32, #tpu.memory_space<vmem>>, vector<1x128xf32>,
    } else {
    }
    %eq3A_32 = arith.constant 3 : i32
    %eq3A_33 = arith.cmpi eq, %arg2, %eq3A_32 : i32
    %convert_element_type3A_34 = arith.extui %eq3A_33 : i1 to i32
    %cond3A_35 = arith.constant 0 : i32
    %cond3A_36 = arith.cmpi ne, %convert_element_type3A_34, %cond3A_35 : i32
    scf.if %cond3A_36 {
      %get3A_45 = arith.constant 0 : index
      %get3A_46 = arith.constant 0 : index
      %get3A_47 = vector.load %arg8[%get3A_45, %get3A_46] : memref<512x128xf32, #tpu.memory_space<vmem>>, vector<512x128xf32>
      %get3A_48 = arith.constant 0 : index
      %get3A_49 = arith.constant 0 : index
      %get3A_50 = vector.load %arg6[%get3A_48, %get3A_49] : memref<512x8xf32, #tpu.memory_space<vmem>>, vector<512x1xf32>
      %mul3A = vector.broadcast %get3A_50 : vector<512x1xf32> to vector<512x128xf32>
      %mul3A_51 = arith.mulf %get3A_47, %mul3A : vector<512x128xf32>
      %get3A_52 = arith.constant 0 : index
      %get3A_53 = arith.constant 0 : index
      %get3A_54 = vector.load %arg5[%get3A_52, %get3A_53] : memref<1x128xf32, #tpu.memory_space<vmem>>, vector<1x128xf32>
      %add3A_55 = vector.broadcast %get3A_54 : vector<1x128xf32> to vector<512x128xf32>
      %add3A_56 = arith.addf %mul3A_51, %add3A_55 : vector<512x128xf32>
      %gt3A_57 = arith.constant 0.000000e+00 : f32
      %gt3A_58 = vector.broadcast %gt3A_57 : f32 to vector<512x128xf32>
      %gt3A_59 = arith.cmpf ogt, %add3A_56, %gt3A_58 : vector<512x128xf32>
      %mul3A_60 = arith.constant 0.00999999977 : f32
      %mul3A_61 = vector.broadcast %mul3A_60 : f32 to vector<512x128xf32>
      %mul3A_62 = arith.mulf %mul3A_61, %add3A_56 : vector<512x128xf32>
      %select_n3A = arith.select %gt3A_59, %add3A_56, %mul3A_62 : vector<512x128xi1>, vector<512x128xf32>
      %iota3A = tpu.iota {dimensions = array<i32: 0>} : vector<512x1xi32>
      %mul3A_63 = arith.constant 512 : i32
      %mul3A_64 = arith.muli %arg1, %mul3A_63 : i32
      %add3A_65 = vector.broadcast %mul3A_64 : i32 to vector<512x1xi32>
      %add3A_66 = arith.addi %iota3A, %add3A_65 : vector<512x1xi32>
      %lt3A = arith.constant 50000 : i32
      %lt3A_67 = vector.broadcast %lt3A : i32 to vector<512x1xi32>
      %lt3A_68 = arith.cmpi slt, %add3A_66, %lt3A_67 : vector<512x1xi32>
      %jit3A = arith.constant 0.000000e+00 : f32
      %broadcast_in_dim3A = vector.shape_cast %lt3A_68 : vector<512x1xi1> to vector<512x1xi1>
      %broadcast_in_dim3A_69 = vector.broadcast %broadcast_in_dim3A : vector<512x1xi1> to vector<512x128xi1>
      %broadcast_in_dim3A_70 = vector.broadcast %jit3A : f32 to vector<512x128xf32>
      %select_n3A_71 = arith.select %broadcast_in_dim3A_69, %select_n3A, %broadcast_in_dim3A_70 : vector<512x128xi1>, vector<512x128xf32>
      %get3A_72 = arith.constant 0 : index
      %get3A_73 = arith.constant 0 : index
      %get3A_74 = vector.load %arg9[%get3A_72, %get3A_73] : memref<1x128xf32, #tpu.memory_space<vmem>>, vector<1x128xf32>
      %reduce_sum3A = arith.constant dense<0.000000e+00> : vector<128xf32>
      %reduce_sum3A_75 = vector.multi_reduction <add>, %select_n3A_71, %reduce_sum3A [0] : vector<512x128xf32> to vector<128xf32>
      %broadcast_in_dim3A_76 = vector.shape_cast %reduce_sum3A_75 : vector<128xf32> to vector<1x128xf32>
      %add3A_77 = arith.addf %get3A_74, %broadcast_in_dim3A_76 : vector<1x128xf32>
      %swap3A = arith.constant 0 : index
      %swap3A_78 = arith.constant 0 : index
      %swap3A_79 = vector.load %arg9[%swap3A, %swap3A_78] : memref<1x128xf32, #tpu.memory_space<vmem>>, vector<1x128xf32>
      tpu.vector_store %arg9[%swap3A, %swap3A_78], %add3A_77 {strides = array<i32>} : memref<1x128xf32, #tpu.memory_space<vmem>>, vector<1x128xf32>,
    } else {
    }
    %eq3A_37 = arith.constant 97 : i32
    %eq3A_38 = arith.cmpi eq, %arg1, %eq3A_37 : i32
    %eq3A_39 = arith.constant 3 : i32
    %eq3A_40 = arith.cmpi eq, %arg2, %eq3A_39 : i32
    %and3A_41 = arith.andi %eq3A_38, %eq3A_40 : i1
    %convert_element_type3A_42 = arith.extui %and3A_41 : i1 to i32
    %cond3A_43 = arith.constant 0 : i32
    %cond3A_44 = arith.cmpi ne, %convert_element_type3A_42, %cond3A_43 : i32
    scf.if %cond3A_44 {
      %get3A_45 = arith.constant 0 : index
      %get3A_46 = arith.constant 0 : index
      %get3A_47 = vector.load %arg9[%get3A_45, %get3A_46] : memref<1x128xf32, #tpu.memory_space<vmem>>, vector<1x128xf32>
      %broadcast_in_dim3A = vector.shape_cast %get3A_47 : vector<1x128xf32> to vector<1x1x128xf32>
      %mul3A = arith.constant 2.000000e-05 : f32
      %mul3A_48 = vector.broadcast %mul3A : f32 to vector<1x1x128xf32>
      %mul3A_49 = arith.mulf %broadcast_in_dim3A, %mul3A_48 : vector<1x1x128xf32>
      %broadcast_in_dim3A_50 = vector.shape_cast %mul3A_49 : vector<1x1x128xf32> to vector<1x1x128xf32>
      %broadcast_in_dim3A_51 = vector.broadcast %broadcast_in_dim3A_50 : vector<1x1x128xf32> to vector<1x8x128xf32>
      %swap3A = arith.constant 0 : index
      %swap3A_52 = arith.constant 0 : index
      %swap3A_53 = arith.constant 0 : index
      %swap3A_54 = vector.load %arg7[%swap3A, %swap3A_52, %swap3A_53] : memref<1x8x128xf32, #tpu.memory_space<vmem>>, vector<1x8x128xf32>
      tpu.vector_store %arg7[%swap3A, %swap3A_52, %swap3A_53], %broadcast_in_dim3A_51 {strides = array<i32>} : memref<1x8x128xf32, #tpu.memory_space<vmem>>, vector<1x8x128xf32>,
    } else {
    }
    return
  }
  func.func @transform_0(%arg0: i32, %arg1: i32, %arg2: i32) -> (i32, i32, i32, i32, i32) {
    %c0_i32 = arith.constant 0 : i32
    %c0_i32_0 = arith.constant 0 : i32
    %c0_i32_1 = arith.constant 0 : i32
    return %c0_i32, %arg0, %arg2, %arg1, %c0_i32_0 : i32, i32, i32, i32, i32
  }
  func.func @transform_1(%arg0: i32, %arg1: i32, %arg2: i32) -> (i32, i32) {
    %c0_i32 = arith.constant 0 : i32
    %c0_i32_0 = arith.constant 0 : i32
    return %arg2, %c0_i32 : i32, i32
  }
  func.func @transform_2(%arg0: i32, %arg1: i32, %arg2: i32) -> (i32, i32) {
    %c0_i32 = arith.constant 0 : i32
    %c0_i32_0 = arith.constant 0 : i32
    %c0_i32_1 = arith.constant 0 : i32
    return %c0_i32, %c0_i32_0 : i32, i32
  }
  func.func @transform_3(%arg0: i32, %arg1: i32, %arg2: i32) -> (i32, i32) {
    %c0_i32 = arith.constant 0 : i32
    %c0_i32_0 = arith.constant 0 : i32
    return %arg1, %c0_i32 : i32, i32
  }
  func.func @transform_4(%arg0: i32, %arg1: i32, %arg2: i32) -> (i32, i32, i32) {
    %c0_i32 = arith.constant 0 : i32
    %c0_i32_0 = arith.constant 0 : i32
    %c0_i32_1 = arith.constant 0 : i32
    return %arg0, %c0_i32, %c0_i32_0 : i32, i32, i32
  }
}

module attributes {stable_mosaic.version = 14 : i64} {
  func.func @body(%arg0: i32, %arg1: i32, %arg2: i32, %arg3: memref<2x1x1x512x128xbf16, #tpu.memory_space<vmem>>, %arg4: memref<128x128xf32, #tpu.memory_space<vmem>>, %arg5: memref<1x128xf32, #tpu.memory_space<vmem>>, %arg6: memref<512x8xf32, #tpu.memory_space<vmem>>, %arg7: memref<1x8x128xf32, #tpu.memory_space<vmem>>, %arg8: memref<512x128xf32, #tpu.memory_space<vmem>>, %arg9: memref<1x128xf32, #tpu.memory_space<vmem>>) attributes {dimension_semantics = [#tpu.dimension_semantics<arbitrary>, #tpu.dimension_semantics<arbitrary>, #tpu.dimension_semantics<arbitrary>], iteration_bounds = array<i64: 8, 20, 1>, scalar_prefetch = 0 : i64, scratch_operands = 2 : i64, tpu.core_type = #tpu.core_type<tc>, window_params = [{transform_indices = @transform_0, window_bounds = array<i64: 2, 1, 1, 512, 128>}, {transform_indices = @transform_1, window_bounds = array<i64: 128, 128>}, {pipeline_mode = #tpu.pipeline_mode<synchronous>, transform_indices = @transform_2, window_bounds = array<i64: 1, 128>}, {transform_indices = @transform_3, window_bounds = array<i64: 512, 8>}, {transform_indices = @transform_4, window_bounds = array<i64: 1, 8, 128>}]} {
    %get3A = arith.constant 0 : index
    %get3A_0 = arith.constant 0 : index
    %get3A_1 = arith.constant 0 : index
    %get3A_2 = arith.constant 0 : index
    %get3A_3 = arith.constant 0 : index
    %get3A_4 = vector.load %arg3[%get3A, %get3A_0, %get3A_1, %get3A_2, %get3A_3] : memref<2x1x1x512x128xbf16, #tpu.memory_space<vmem>>, vector<1x1x1x512x128xbf16>
    %get3A_5 = vector.shape_cast %get3A_4 : vector<1x1x1x512x128xbf16> to vector<512x128xbf16>
    %convert_element_type3A = arith.extf %get3A_5 : vector<512x128xbf16> to vector<512x128xf32>
    %get3A_6 = arith.constant 1 : index
    %get3A_7 = arith.constant 0 : index
    %get3A_8 = arith.constant 0 : index
    %get3A_9 = arith.constant 0 : index
    %get3A_10 = arith.constant 0 : index
    %get3A_11 = vector.load %arg3[%get3A_6, %get3A_7, %get3A_8, %get3A_9, %get3A_10] : memref<2x1x1x512x128xbf16, #tpu.memory_space<vmem>>, vector<1x1x1x512x128xbf16>
    %get3A_12 = vector.shape_cast %get3A_11 : vector<1x1x1x512x128xbf16> to vector<512x128xbf16>
    %convert_element_type3A_13 = arith.extf %get3A_12 : vector<512x128xbf16> to vector<512x128xf32>
    %add3A = arith.addf %convert_element_type3A, %convert_element_type3A_13 : vector<512x128xf32>
    %get3A_14 = arith.constant 0 : index
    %get3A_15 = arith.constant 0 : index
    %get3A_16 = vector.load %arg4[%get3A_14, %get3A_15] : memref<128x128xf32, #tpu.memory_space<vmem>>, vector<128x128xf32>
    %dot_general3A = arith.constant dense<0.000000e+00> : vector<512x128xf32>
    %dot_general3A_17 = tpu.matmul %add3A, %get3A_16, %dot_general3A {dimension_numbers = #tpu.dot_dimension_numbers<[1], [0], [0], [1], [0, 0, 1, 1], [], []>, transpose_lhs_hint = false} : vector<512x128xf32>, vector<128x128xf32>, vector<512x128xf32> -> vector<512x128xf32>
    %eq3A = arith.constant 0 : i32
    %eq3A_18 = arith.cmpi eq, %arg2, %eq3A : i32
    %convert_element_type3A_19 = arith.extui %eq3A_18 : i1 to i32
    %cond3A = arith.constant 0 : i32
    %cond3A_20 = arith.cmpi ne, %convert_element_type3A_19, %cond3A : i32
    scf.if %cond3A_20 {
      %swap3A = arith.constant 0 : index
      %swap3A_45 = arith.constant 0 : index
      %swap3A_46 = vector.load %arg8[%swap3A, %swap3A_45] : memref<512x128xf32, #tpu.memory_space<vmem>>, vector<512x128xf32>
      tpu.vector_store %arg8[%swap3A, %swap3A_45], %dot_general3A_17 {strides = array<i32>} : memref<512x128xf32, #tpu.memory_space<vmem>>, vector<512x128xf32>,
    } else {
    }
    %gt3A = arith.constant 0 : i32
    %gt3A_21 = arith.cmpi sgt, %arg2, %gt3A : i32
    %convert_element_type3A_22 = arith.extui %gt3A_21 : i1 to i32
    %cond3A_23 = arith.constant 0 : i32
    %cond3A_24 = arith.cmpi ne, %convert_element_type3A_22, %cond3A_23 : i32
    scf.if %cond3A_24 {
      %get3A_45 = arith.constant 0 : index
      %get3A_46 = arith.constant 0 : index
      %get3A_47 = vector.load %arg8[%get3A_45, %get3A_46] : memref<512x128xf32, #tpu.memory_space<vmem>>, vector<512x128xf32>
      %add3A_48 = arith.addf %get3A_47, %dot_general3A_17 : vector<512x128xf32>
      %swap3A = arith.constant 0 : index
      %swap3A_49 = arith.constant 0 : index
      %swap3A_50 = vector.load %arg8[%swap3A, %swap3A_49] : memref<512x128xf32, #tpu.memory_space<vmem>>, vector<512x128xf32>
      tpu.vector_store %arg8[%swap3A, %swap3A_49], %add3A_48 {strides = array<i32>} : memref<512x128xf32, #tpu.memory_space<vmem>>, vector<512x128xf32>,
    } else {
    }
    %eq3A_25 = arith.constant 0 : i32
    %eq3A_26 = arith.cmpi eq, %arg1, %eq3A_25 : i32
    %eq3A_27 = arith.constant 0 : i32
    %eq3A_28 = arith.cmpi eq, %arg2, %eq3A_27 : i32
    %and3A = arith.andi %eq3A_26, %eq3A_28 : i1
    %convert_element_type3A_29 = arith.extui %and3A : i1 to i32
    %cond3A_30 = arith.constant 0 : i32
    %cond3A_31 = arith.cmpi ne, %convert_element_type3A_29, %cond3A_30 : i32
    scf.if %cond3A_31 {
      %broadcast_in_dim3A = arith.constant 0.000000e+00 : f32
      %broadcast_in_dim3A_45 = vector.broadcast %broadcast_in_dim3A : f32 to vector<1x128xf32>
      %swap3A = arith.constant 0 : index
      %swap3A_46 = arith.constant 0 : index
      %swap3A_47 = vector.load %arg9[%swap3A, %swap3A_46] : memref<1x128xf32, #tpu.memory_space<vmem>>, vector<1x128xf32>
      tpu.vector_store %arg9[%swap3A, %swap3A_46], %broadcast_in_dim3A_45 {strides = array<i32>} : memref<1x128xf32, #tpu.memory_space<vmem>>, vector<1x128xf32>,
    } else {
    }
    %eq3A_32 = arith.constant 0 : i32
    %eq3A_33 = arith.cmpi eq, %arg2, %eq3A_32 : i32
    %convert_element_type3A_34 = arith.extui %eq3A_33 : i1 to i32
    %cond3A_35 = arith.constant 0 : i32
    %cond3A_36 = arith.cmpi ne, %convert_element_type3A_34, %cond3A_35 : i32
    scf.if %cond3A_36 {
      %get3A_45 = arith.constant 0 : index
      %get3A_46 = arith.constant 0 : index
      %get3A_47 = vector.load %arg8[%get3A_45, %get3A_46] : memref<512x128xf32, #tpu.memory_space<vmem>>, vector<512x128xf32>
      %get3A_48 = arith.constant 0 : index
      %get3A_49 = arith.constant 0 : index
      %get3A_50 = vector.load %arg6[%get3A_48, %get3A_49] : memref<512x8xf32, #tpu.memory_space<vmem>>, vector<512x1xf32>
      %mul3A = vector.broadcast %get3A_50 : vector<512x1xf32> to vector<512x128xf32>
      %mul3A_51 = arith.mulf %get3A_47, %mul3A : vector<512x128xf32>
      %get3A_52 = arith.constant 0 : index
      %get3A_53 = arith.constant 0 : index
      %get3A_54 = vector.load %arg5[%get3A_52, %get3A_53] : memref<1x128xf32, #tpu.memory_space<vmem>>, vector<1x128xf32>
      %add3A_55 = vector.broadcast %get3A_54 : vector<1x128xf32> to vector<512x128xf32>
      %add3A_56 = arith.addf %mul3A_51, %add3A_55 : vector<512x128xf32>
      %gt3A_57 = arith.constant 0.000000e+00 : f32
      %gt3A_58 = vector.broadcast %gt3A_57 : f32 to vector<512x128xf32>
      %gt3A_59 = arith.cmpf ogt, %add3A_56, %gt3A_58 : vector<512x128xf32>
      %mul3A_60 = arith.constant 0.00999999977 : f32
      %mul3A_61 = vector.broadcast %mul3A_60 : f32 to vector<512x128xf32>
      %mul3A_62 = arith.mulf %mul3A_61, %add3A_56 : vector<512x128xf32>
      %select_n3A = arith.select %gt3A_59, %add3A_56, %mul3A_62 : vector<512x128xi1>, vector<512x128xf32>
      %iota3A = tpu.iota {dimensions = array<i32: 0>} : vector<512x1xi32>
      %mul3A_63 = arith.constant 512 : i32
      %mul3A_64 = arith.muli %arg1, %mul3A_63 : i32
      %add3A_65 = vector.broadcast %mul3A_64 : i32 to vector<512x1xi32>
      %add3A_66 = arith.addi %iota3A, %add3A_65 : vector<512x1xi32>
      %lt3A = arith.constant 10000 : i32
      %lt3A_67 = vector.broadcast %lt3A : i32 to vector<512x1xi32>
      %lt3A_68 = arith.cmpi slt, %add3A_66, %lt3A_67 : vector<512x1xi32>
      %jit3A = arith.constant 0.000000e+00 : f32
      %broadcast_in_dim3A = vector.shape_cast %lt3A_68 : vector<512x1xi1> to vector<512x1xi1>
      %broadcast_in_dim3A_69 = vector.broadcast %broadcast_in_dim3A : vector<512x1xi1> to vector<512x128xi1>
      %broadcast_in_dim3A_70 = vector.broadcast %jit3A : f32 to vector<512x128xf32>
      %select_n3A_71 = arith.select %broadcast_in_dim3A_69, %select_n3A, %broadcast_in_dim3A_70 : vector<512x128xi1>, vector<512x128xf32>
      %get3A_72 = arith.constant 0 : index
      %get3A_73 = arith.constant 0 : index
      %get3A_74 = vector.load %arg9[%get3A_72, %get3A_73] : memref<1x128xf32, #tpu.memory_space<vmem>>, vector<1x128xf32>
      %reduce_sum3A = arith.constant dense<0.000000e+00> : vector<128xf32>
      %reduce_sum3A_75 = vector.multi_reduction <add>, %select_n3A_71, %reduce_sum3A [0] : vector<512x128xf32> to vector<128xf32>
      %broadcast_in_dim3A_76 = vector.shape_cast %reduce_sum3A_75 : vector<128xf32> to vector<1x128xf32>
      %add3A_77 = arith.addf %get3A_74, %broadcast_in_dim3A_76 : vector<1x128xf32>
      %swap3A = arith.constant 0 : index
      %swap3A_78 = arith.constant 0 : index
      %swap3A_79 = vector.load %arg9[%swap3A, %swap3A_78] : memref<1x128xf32, #tpu.memory_space<vmem>>, vector<1x128xf32>
      tpu.vector_store %arg9[%swap3A, %swap3A_78], %add3A_77 {strides = array<i32>} : memref<1x128xf32, #tpu.memory_space<vmem>>, vector<1x128xf32>,
    } else {
    }
    %eq3A_37 = arith.constant 19 : i32
    %eq3A_38 = arith.cmpi eq, %arg1, %eq3A_37 : i32
    %eq3A_39 = arith.constant 0 : i32
    %eq3A_40 = arith.cmpi eq, %arg2, %eq3A_39 : i32
    %and3A_41 = arith.andi %eq3A_38, %eq3A_40 : i1
    %convert_element_type3A_42 = arith.extui %and3A_41 : i1 to i32
    %cond3A_43 = arith.constant 0 : i32
    %cond3A_44 = arith.cmpi ne, %convert_element_type3A_42, %cond3A_43 : i32
    scf.if %cond3A_44 {
      %get3A_45 = arith.constant 0 : index
      %get3A_46 = arith.constant 0 : index
      %get3A_47 = vector.load %arg9[%get3A_45, %get3A_46] : memref<1x128xf32, #tpu.memory_space<vmem>>, vector<1x128xf32>
      %broadcast_in_dim3A = vector.shape_cast %get3A_47 : vector<1x128xf32> to vector<1x1x128xf32>
      %mul3A = arith.constant 9.99999974E-5 : f32
      %mul3A_48 = vector.broadcast %mul3A : f32 to vector<1x1x128xf32>
      %mul3A_49 = arith.mulf %broadcast_in_dim3A, %mul3A_48 : vector<1x1x128xf32>
      %broadcast_in_dim3A_50 = vector.shape_cast %mul3A_49 : vector<1x1x128xf32> to vector<1x1x128xf32>
      %broadcast_in_dim3A_51 = vector.broadcast %broadcast_in_dim3A_50 : vector<1x1x128xf32> to vector<1x8x128xf32>
      %swap3A = arith.constant 0 : index
      %swap3A_52 = arith.constant 0 : index
      %swap3A_53 = arith.constant 0 : index
      %swap3A_54 = vector.load %arg7[%swap3A, %swap3A_52, %swap3A_53] : memref<1x8x128xf32, #tpu.memory_space<vmem>>, vector<1x8x128xf32>
      tpu.vector_store %arg7[%swap3A, %swap3A_52, %swap3A_53], %broadcast_in_dim3A_51 {strides = array<i32>} : memref<1x8x128xf32, #tpu.memory_space<vmem>>, vector<1x8x128xf32>,
    } else {
    }
    return
  }
  func.func @transform_0(%arg0: i32, %arg1: i32, %arg2: i32) -> (i32, i32, i32, i32, i32) {
    %c0_i32 = arith.constant 0 : i32
    %c0_i32_0 = arith.constant 0 : i32
    %c0_i32_1 = arith.constant 0 : i32
    return %c0_i32, %arg0, %arg2, %arg1, %c0_i32_0 : i32, i32, i32, i32, i32
  }
  func.func @transform_1(%arg0: i32, %arg1: i32, %arg2: i32) -> (i32, i32) {
    %c0_i32 = arith.constant 0 : i32
    %c0_i32_0 = arith.constant 0 : i32
    return %arg2, %c0_i32 : i32, i32
  }
  func.func @transform_2(%arg0: i32, %arg1: i32, %arg2: i32) -> (i32, i32) {
    %c0_i32 = arith.constant 0 : i32
    %c0_i32_0 = arith.constant 0 : i32
    %c0_i32_1 = arith.constant 0 : i32
    return %c0_i32, %c0_i32_0 : i32, i32
  }
  func.func @transform_3(%arg0: i32, %arg1: i32, %arg2: i32) -> (i32, i32) {
    %c0_i32 = arith.constant 0 : i32
    %c0_i32_0 = arith.constant 0 : i32
    return %arg1, %c0_i32 : i32, i32
  }
  func.func @transform_4(%arg0: i32, %arg1: i32, %arg2: i32) -> (i32, i32, i32) {
    %c0_i32 = arith.constant 0 : i32
    %c0_i32_0 = arith.constant 0 : i32
    %c0_i32_1 = arith.constant 0 : i32
    return %arg0, %c0_i32, %c0_i32_0 : i32, i32, i32
  }
}

module attributes {stable_mosaic.version = 14 : i64} {
  func.func @body(%arg0: i32, %arg1: i32, %arg2: i32, %arg3: memref<2x1x1x512x128xbf16, #tpu.memory_space<vmem>>, %arg4: memref<128x128xf32, #tpu.memory_space<vmem>>, %arg5: memref<1x128xf32, #tpu.memory_space<vmem>>, %arg6: memref<512x8xf32, #tpu.memory_space<vmem>>, %arg7: memref<1x8x128xf32, #tpu.memory_space<vmem>>, %arg8: memref<512x128xf32, #tpu.memory_space<vmem>>, %arg9: memref<1x128xf32, #tpu.memory_space<vmem>>) attributes {dimension_semantics = [#tpu.dimension_semantics<arbitrary>, #tpu.dimension_semantics<arbitrary>, #tpu.dimension_semantics<arbitrary>], iteration_bounds = array<i64: 8, 10, 1>, scalar_prefetch = 0 : i64, scratch_operands = 2 : i64, tpu.core_type = #tpu.core_type<tc>, window_params = [{transform_indices = @transform_0, window_bounds = array<i64: 2, 1, 1, 512, 128>}, {transform_indices = @transform_1, window_bounds = array<i64: 128, 128>}, {pipeline_mode = #tpu.pipeline_mode<synchronous>, transform_indices = @transform_2, window_bounds = array<i64: 1, 128>}, {transform_indices = @transform_3, window_bounds = array<i64: 512, 8>}, {transform_indices = @transform_4, window_bounds = array<i64: 1, 8, 128>}]} {
    %get3A = arith.constant 0 : index
    %get3A_0 = arith.constant 0 : index
    %get3A_1 = arith.constant 0 : index
    %get3A_2 = arith.constant 0 : index
    %get3A_3 = arith.constant 0 : index
    %get3A_4 = vector.load %arg3[%get3A, %get3A_0, %get3A_1, %get3A_2, %get3A_3] : memref<2x1x1x512x128xbf16, #tpu.memory_space<vmem>>, vector<1x1x1x512x128xbf16>
    %get3A_5 = vector.shape_cast %get3A_4 : vector<1x1x1x512x128xbf16> to vector<512x128xbf16>
    %convert_element_type3A = arith.extf %get3A_5 : vector<512x128xbf16> to vector<512x128xf32>
    %get3A_6 = arith.constant 1 : index
    %get3A_7 = arith.constant 0 : index
    %get3A_8 = arith.constant 0 : index
    %get3A_9 = arith.constant 0 : index
    %get3A_10 = arith.constant 0 : index
    %get3A_11 = vector.load %arg3[%get3A_6, %get3A_7, %get3A_8, %get3A_9, %get3A_10] : memref<2x1x1x512x128xbf16, #tpu.memory_space<vmem>>, vector<1x1x1x512x128xbf16>
    %get3A_12 = vector.shape_cast %get3A_11 : vector<1x1x1x512x128xbf16> to vector<512x128xbf16>
    %convert_element_type3A_13 = arith.extf %get3A_12 : vector<512x128xbf16> to vector<512x128xf32>
    %add3A = arith.addf %convert_element_type3A, %convert_element_type3A_13 : vector<512x128xf32>
    %get3A_14 = arith.constant 0 : index
    %get3A_15 = arith.constant 0 : index
    %get3A_16 = vector.load %arg4[%get3A_14, %get3A_15] : memref<128x128xf32, #tpu.memory_space<vmem>>, vector<128x128xf32>
    %dot_general3A = arith.constant dense<0.000000e+00> : vector<512x128xf32>
    %dot_general3A_17 = tpu.matmul %add3A, %get3A_16, %dot_general3A {dimension_numbers = #tpu.dot_dimension_numbers<[1], [0], [0], [1], [0, 0, 1, 1], [], []>, transpose_lhs_hint = false} : vector<512x128xf32>, vector<128x128xf32>, vector<512x128xf32> -> vector<512x128xf32>
    %eq3A = arith.constant 0 : i32
    %eq3A_18 = arith.cmpi eq, %arg2, %eq3A : i32
    %convert_element_type3A_19 = arith.extui %eq3A_18 : i1 to i32
    %cond3A = arith.constant 0 : i32
    %cond3A_20 = arith.cmpi ne, %convert_element_type3A_19, %cond3A : i32
    scf.if %cond3A_20 {
      %swap3A = arith.constant 0 : index
      %swap3A_45 = arith.constant 0 : index
      %swap3A_46 = vector.load %arg8[%swap3A, %swap3A_45] : memref<512x128xf32, #tpu.memory_space<vmem>>, vector<512x128xf32>
      tpu.vector_store %arg8[%swap3A, %swap3A_45], %dot_general3A_17 {strides = array<i32>} : memref<512x128xf32, #tpu.memory_space<vmem>>, vector<512x128xf32>,
    } else {
    }
    %gt3A = arith.constant 0 : i32
    %gt3A_21 = arith.cmpi sgt, %arg2, %gt3A : i32
    %convert_element_type3A_22 = arith.extui %gt3A_21 : i1 to i32
    %cond3A_23 = arith.constant 0 : i32
    %cond3A_24 = arith.cmpi ne, %convert_element_type3A_22, %cond3A_23 : i32
    scf.if %cond3A_24 {
      %get3A_45 = arith.constant 0 : index
      %get3A_46 = arith.constant 0 : index
      %get3A_47 = vector.load %arg8[%get3A_45, %get3A_46] : memref<512x128xf32, #tpu.memory_space<vmem>>, vector<512x128xf32>
      %add3A_48 = arith.addf %get3A_47, %dot_general3A_17 : vector<512x128xf32>
      %swap3A = arith.constant 0 : index
      %swap3A_49 = arith.constant 0 : index
      %swap3A_50 = vector.load %arg8[%swap3A, %swap3A_49] : memref<512x128xf32, #tpu.memory_space<vmem>>, vector<512x128xf32>
      tpu.vector_store %arg8[%swap3A, %swap3A_49], %add3A_48 {strides = array<i32>} : memref<512x128xf32, #tpu.memory_space<vmem>>, vector<512x128xf32>,
    } else {
    }
    %eq3A_25 = arith.constant 0 : i32
    %eq3A_26 = arith.cmpi eq, %arg1, %eq3A_25 : i32
    %eq3A_27 = arith.constant 0 : i32
    %eq3A_28 = arith.cmpi eq, %arg2, %eq3A_27 : i32
    %and3A = arith.andi %eq3A_26, %eq3A_28 : i1
    %convert_element_type3A_29 = arith.extui %and3A : i1 to i32
    %cond3A_30 = arith.constant 0 : i32
    %cond3A_31 = arith.cmpi ne, %convert_element_type3A_29, %cond3A_30 : i32
    scf.if %cond3A_31 {
      %broadcast_in_dim3A = arith.constant 0.000000e+00 : f32
      %broadcast_in_dim3A_45 = vector.broadcast %broadcast_in_dim3A : f32 to vector<1x128xf32>
      %swap3A = arith.constant 0 : index
      %swap3A_46 = arith.constant 0 : index
      %swap3A_47 = vector.load %arg9[%swap3A, %swap3A_46] : memref<1x128xf32, #tpu.memory_space<vmem>>, vector<1x128xf32>
      tpu.vector_store %arg9[%swap3A, %swap3A_46], %broadcast_in_dim3A_45 {strides = array<i32>} : memref<1x128xf32, #tpu.memory_space<vmem>>, vector<1x128xf32>,
    } else {
    }
    %eq3A_32 = arith.constant 0 : i32
    %eq3A_33 = arith.cmpi eq, %arg2, %eq3A_32 : i32
    %convert_element_type3A_34 = arith.extui %eq3A_33 : i1 to i32
    %cond3A_35 = arith.constant 0 : i32
    %cond3A_36 = arith.cmpi ne, %convert_element_type3A_34, %cond3A_35 : i32
    scf.if %cond3A_36 {
      %get3A_45 = arith.constant 0 : index
      %get3A_46 = arith.constant 0 : index
      %get3A_47 = vector.load %arg8[%get3A_45, %get3A_46] : memref<512x128xf32, #tpu.memory_space<vmem>>, vector<512x128xf32>
      %get3A_48 = arith.constant 0 : index
      %get3A_49 = arith.constant 0 : index
      %get3A_50 = vector.load %arg6[%get3A_48, %get3A_49] : memref<512x8xf32, #tpu.memory_space<vmem>>, vector<512x1xf32>
      %mul3A = vector.broadcast %get3A_50 : vector<512x1xf32> to vector<512x128xf32>
      %mul3A_51 = arith.mulf %get3A_47, %mul3A : vector<512x128xf32>
      %get3A_52 = arith.constant 0 : index
      %get3A_53 = arith.constant 0 : index
      %get3A_54 = vector.load %arg5[%get3A_52, %get3A_53] : memref<1x128xf32, #tpu.memory_space<vmem>>, vector<1x128xf32>
      %add3A_55 = vector.broadcast %get3A_54 : vector<1x128xf32> to vector<512x128xf32>
      %add3A_56 = arith.addf %mul3A_51, %add3A_55 : vector<512x128xf32>
      %gt3A_57 = arith.constant 0.000000e+00 : f32
      %gt3A_58 = vector.broadcast %gt3A_57 : f32 to vector<512x128xf32>
      %gt3A_59 = arith.cmpf ogt, %add3A_56, %gt3A_58 : vector<512x128xf32>
      %mul3A_60 = arith.constant 0.00999999977 : f32
      %mul3A_61 = vector.broadcast %mul3A_60 : f32 to vector<512x128xf32>
      %mul3A_62 = arith.mulf %mul3A_61, %add3A_56 : vector<512x128xf32>
      %select_n3A = arith.select %gt3A_59, %add3A_56, %mul3A_62 : vector<512x128xi1>, vector<512x128xf32>
      %iota3A = tpu.iota {dimensions = array<i32: 0>} : vector<512x1xi32>
      %mul3A_63 = arith.constant 512 : i32
      %mul3A_64 = arith.muli %arg1, %mul3A_63 : i32
      %add3A_65 = vector.broadcast %mul3A_64 : i32 to vector<512x1xi32>
      %add3A_66 = arith.addi %iota3A, %add3A_65 : vector<512x1xi32>
      %lt3A = arith.constant 5000 : i32
      %lt3A_67 = vector.broadcast %lt3A : i32 to vector<512x1xi32>
      %lt3A_68 = arith.cmpi slt, %add3A_66, %lt3A_67 : vector<512x1xi32>
      %jit3A = arith.constant 0.000000e+00 : f32
      %broadcast_in_dim3A = vector.shape_cast %lt3A_68 : vector<512x1xi1> to vector<512x1xi1>
      %broadcast_in_dim3A_69 = vector.broadcast %broadcast_in_dim3A : vector<512x1xi1> to vector<512x128xi1>
      %broadcast_in_dim3A_70 = vector.broadcast %jit3A : f32 to vector<512x128xf32>
      %select_n3A_71 = arith.select %broadcast_in_dim3A_69, %select_n3A, %broadcast_in_dim3A_70 : vector<512x128xi1>, vector<512x128xf32>
      %get3A_72 = arith.constant 0 : index
      %get3A_73 = arith.constant 0 : index
      %get3A_74 = vector.load %arg9[%get3A_72, %get3A_73] : memref<1x128xf32, #tpu.memory_space<vmem>>, vector<1x128xf32>
      %reduce_sum3A = arith.constant dense<0.000000e+00> : vector<128xf32>
      %reduce_sum3A_75 = vector.multi_reduction <add>, %select_n3A_71, %reduce_sum3A [0] : vector<512x128xf32> to vector<128xf32>
      %broadcast_in_dim3A_76 = vector.shape_cast %reduce_sum3A_75 : vector<128xf32> to vector<1x128xf32>
      %add3A_77 = arith.addf %get3A_74, %broadcast_in_dim3A_76 : vector<1x128xf32>
      %swap3A = arith.constant 0 : index
      %swap3A_78 = arith.constant 0 : index
      %swap3A_79 = vector.load %arg9[%swap3A, %swap3A_78] : memref<1x128xf32, #tpu.memory_space<vmem>>, vector<1x128xf32>
      tpu.vector_store %arg9[%swap3A, %swap3A_78], %add3A_77 {strides = array<i32>} : memref<1x128xf32, #tpu.memory_space<vmem>>, vector<1x128xf32>,
    } else {
    }
    %eq3A_37 = arith.constant 9 : i32
    %eq3A_38 = arith.cmpi eq, %arg1, %eq3A_37 : i32
    %eq3A_39 = arith.constant 0 : i32
    %eq3A_40 = arith.cmpi eq, %arg2, %eq3A_39 : i32
    %and3A_41 = arith.andi %eq3A_38, %eq3A_40 : i1
    %convert_element_type3A_42 = arith.extui %and3A_41 : i1 to i32
    %cond3A_43 = arith.constant 0 : i32
    %cond3A_44 = arith.cmpi ne, %convert_element_type3A_42, %cond3A_43 : i32
    scf.if %cond3A_44 {
      %get3A_45 = arith.constant 0 : index
      %get3A_46 = arith.constant 0 : index
      %get3A_47 = vector.load %arg9[%get3A_45, %get3A_46] : memref<1x128xf32, #tpu.memory_space<vmem>>, vector<1x128xf32>
      %broadcast_in_dim3A = vector.shape_cast %get3A_47 : vector<1x128xf32> to vector<1x1x128xf32>
      %mul3A = arith.constant 2.000000e-04 : f32
      %mul3A_48 = vector.broadcast %mul3A : f32 to vector<1x1x128xf32>
      %mul3A_49 = arith.mulf %broadcast_in_dim3A, %mul3A_48 : vector<1x1x128xf32>
      %broadcast_in_dim3A_50 = vector.shape_cast %mul3A_49 : vector<1x1x128xf32> to vector<1x1x128xf32>
      %broadcast_in_dim3A_51 = vector.broadcast %broadcast_in_dim3A_50 : vector<1x1x128xf32> to vector<1x8x128xf32>
      %swap3A = arith.constant 0 : index
      %swap3A_52 = arith.constant 0 : index
      %swap3A_53 = arith.constant 0 : index
      %swap3A_54 = vector.load %arg7[%swap3A, %swap3A_52, %swap3A_53] : memref<1x8x128xf32, #tpu.memory_space<vmem>>, vector<1x8x128xf32>
      tpu.vector_store %arg7[%swap3A, %swap3A_52, %swap3A_53], %broadcast_in_dim3A_51 {strides = array<i32>} : memref<1x8x128xf32, #tpu.memory_space<vmem>>, vector<1x8x128xf32>,
    } else {
    }
    return
  }
  func.func @transform_0(%arg0: i32, %arg1: i32, %arg2: i32) -> (i32, i32, i32, i32, i32) {
    %c0_i32 = arith.constant 0 : i32
    %c0_i32_0 = arith.constant 0 : i32
    %c0_i32_1 = arith.constant 0 : i32
    return %c0_i32, %arg0, %arg2, %arg1, %c0_i32_0 : i32, i32, i32, i32, i32
  }
  func.func @transform_1(%arg0: i32, %arg1: i32, %arg2: i32) -> (i32, i32) {
    %c0_i32 = arith.constant 0 : i32
    %c0_i32_0 = arith.constant 0 : i32
    return %arg2, %c0_i32 : i32, i32
  }
  func.func @transform_2(%arg0: i32, %arg1: i32, %arg2: i32) -> (i32, i32) {
    %c0_i32 = arith.constant 0 : i32
    %c0_i32_0 = arith.constant 0 : i32
    %c0_i32_1 = arith.constant 0 : i32
    return %c0_i32, %c0_i32_0 : i32, i32
  }
  func.func @transform_3(%arg0: i32, %arg1: i32, %arg2: i32) -> (i32, i32) {
    %c0_i32 = arith.constant 0 : i32
    %c0_i32_0 = arith.constant 0 : i32
    return %arg1, %c0_i32 : i32, i32
  }
  func.func @transform_4(%arg0: i32, %arg1: i32, %arg2: i32) -> (i32, i32, i32) {
    %c0_i32 = arith.constant 0 : i32
    %c0_i32_0 = arith.constant 0 : i32
    %c0_i32_1 = arith.constant 0 : i32
    return %arg0, %c0_i32, %c0_i32_0 : i32, i32, i32
  }
}

module attributes {stable_mosaic.version = 14 : i64} {
  func.func @body(%arg0: memref<8x128xf32, #tpu.memory_space<vmem>>, %arg1: memref<8x128xf32, #tpu.memory_space<vmem>>, %arg2: memref<8x128xf32, #tpu.memory_space<vmem>>, %arg3: memref<128x128xf32, #tpu.memory_space<vmem>>, %arg4: memref<1x128xf32, #tpu.memory_space<vmem>>, %arg5: memref<128x128xf32, #tpu.memory_space<vmem>>, %arg6: memref<1x128xf32, #tpu.memory_space<vmem>>, %arg7: memref<128x128xf32, #tpu.memory_space<vmem>>, %arg8: memref<1x128xf32, #tpu.memory_space<vmem>>, %arg9: memref<128x512xf32, #tpu.memory_space<vmem>>, %arg10: memref<128x512xf32, #tpu.memory_space<vmem>>, %arg11: memref<1x512xf32, #tpu.memory_space<vmem>>, %arg12: memref<128x512xf32, #tpu.memory_space<vmem>>, %arg13: memref<128x512xf32, #tpu.memory_space<vmem>>, %arg14: memref<1x512xf32, #tpu.memory_space<vmem>>, %arg15: memref<8x128xf32, #tpu.memory_space<vmem>>, %arg16: memref<8x128xf32, #tpu.memory_space<vmem>>, %arg17: memref<8x128xf32, #tpu.memory_space<vmem>>) attributes {dimension_semantics = [], scalar_prefetch = 0 : i64, scratch_operands = 2 : i64, tpu.core_type = #tpu.core_type<tc>} {
    %get3A = arith.constant 0 : index
    %get3A_0 = arith.constant 0 : index
    %get3A_1 = vector.load %arg0[%get3A, %get3A_0] : memref<8x128xf32, #tpu.memory_space<vmem>>, vector<8x128xf32>
    %get3A_2 = arith.constant 0 : index
    %get3A_3 = arith.constant 0 : index
    %get3A_4 = vector.load %arg3[%get3A_2, %get3A_3] : memref<128x128xf32, #tpu.memory_space<vmem>>, vector<128x128xf32>
    %dot_general3A = arith.constant dense<0.000000e+00> : vector<8x128xf32>
    %dot_general3A_5 = tpu.matmul %get3A_1, %get3A_4, %dot_general3A {dimension_numbers = #tpu.dot_dimension_numbers<[1], [0], [0], [1], [0, 0, 1, 1], [], []>, transpose_lhs_hint = false} : vector<8x128xf32>, vector<128x128xf32>, vector<8x128xf32> -> vector<8x128xf32>
    %get3A_6 = arith.constant 0 : index
    %get3A_7 = arith.constant 0 : index
    %get3A_8 = vector.load %arg4[%get3A_6, %get3A_7] : memref<1x128xf32, #tpu.memory_space<vmem>>, vector<1x128xf32>
    %add3A = vector.broadcast %get3A_8 : vector<1x128xf32> to vector<8x128xf32>
    %add3A_9 = arith.addf %dot_general3A_5, %add3A : vector<8x128xf32>
    %get3A_10 = arith.constant 0 : index
    %get3A_11 = arith.constant 0 : index
    %get3A_12 = vector.load %arg1[%get3A_10, %get3A_11] : memref<8x128xf32, #tpu.memory_space<vmem>>, vector<8x128xf32>
    %get3A_13 = arith.constant 0 : index
    %get3A_14 = arith.constant 0 : index
    %get3A_15 = vector.load %arg5[%get3A_13, %get3A_14] : memref<128x128xf32, #tpu.memory_space<vmem>>, vector<128x128xf32>
    %dot_general3A_16 = arith.constant dense<0.000000e+00> : vector<8x128xf32>
    %dot_general3A_17 = tpu.matmul %get3A_12, %get3A_15, %dot_general3A_16 {dimension_numbers = #tpu.dot_dimension_numbers<[1], [0], [0], [1], [0, 0, 1, 1], [], []>, transpose_lhs_hint = false} : vector<8x128xf32>, vector<128x128xf32>, vector<8x128xf32> -> vector<8x128xf32>
    %add3A_18 = arith.addf %add3A_9, %dot_general3A_17 : vector<8x128xf32>
    %get3A_19 = arith.constant 0 : index
    %get3A_20 = arith.constant 0 : index
    %get3A_21 = vector.load %arg6[%get3A_19, %get3A_20] : memref<1x128xf32, #tpu.memory_space<vmem>>, vector<1x128xf32>
    %add3A_22 = vector.broadcast %get3A_21 : vector<1x128xf32> to vector<8x128xf32>
    %add3A_23 = arith.addf %add3A_18, %add3A_22 : vector<8x128xf32>
    %get3A_24 = arith.constant 0 : index
    %get3A_25 = arith.constant 0 : index
    %get3A_26 = vector.load %arg2[%get3A_24, %get3A_25] : memref<8x128xf32, #tpu.memory_space<vmem>>, vector<8x128xf32>
    %get3A_27 = arith.constant 0 : index
    %get3A_28 = arith.constant 0 : index
    %get3A_29 = vector.load %arg7[%get3A_27, %get3A_28] : memref<128x128xf32, #tpu.memory_space<vmem>>, vector<128x128xf32>
    %dot_general3A_30 = arith.constant dense<0.000000e+00> : vector<8x128xf32>
    %dot_general3A_31 = tpu.matmul %get3A_26, %get3A_29, %dot_general3A_30 {dimension_numbers = #tpu.dot_dimension_numbers<[1], [0], [0], [1], [0, 0, 1, 1], [], []>, transpose_lhs_hint = false} : vector<8x128xf32>, vector<128x128xf32>, vector<8x128xf32> -> vector<8x128xf32>
    %add3A_32 = arith.addf %add3A_23, %dot_general3A_31 : vector<8x128xf32>
    %get3A_33 = arith.constant 0 : index
    %get3A_34 = arith.constant 0 : index
    %get3A_35 = vector.load %arg8[%get3A_33, %get3A_34] : memref<1x128xf32, #tpu.memory_space<vmem>>, vector<1x128xf32>
    %add3A_36 = vector.broadcast %get3A_35 : vector<1x128xf32> to vector<8x128xf32>
    %add3A_37 = arith.addf %add3A_32, %add3A_36 : vector<8x128xf32>
    %mul3A = arith.constant 0.333333343 : f32
    %mul3A_38 = vector.broadcast %mul3A : f32 to vector<8x128xf32>
    %mul3A_39 = arith.mulf %add3A_37, %mul3A_38 : vector<8x128xf32>
    %swap3A = arith.constant 0 : index
    %swap3A_40 = arith.constant 0 : index
    %swap3A_41 = vector.load %arg16[%swap3A, %swap3A_40] : memref<8x128xf32, #tpu.memory_space<vmem>>, vector<8x128xf32>
    tpu.vector_store %arg16[%swap3A, %swap3A_40], %mul3A_39 {strides = array<i32>} : memref<8x128xf32, #tpu.memory_space<vmem>>, vector<8x128xf32>,
    %get3A_42 = arith.constant 0 : index
    %get3A_43 = arith.constant 0 : index
    %get3A_44 = vector.load %arg9[%get3A_42, %get3A_43] : memref<128x512xf32, #tpu.memory_space<vmem>>, vector<128x512xf32>
    %get3A_45 = arith.constant 0 : index
    %get3A_46 = arith.constant 0 : index
    %get3A_47 = vector.load %arg10[%get3A_45, %get3A_46] : memref<128x512xf32, #tpu.memory_space<vmem>>, vector<128x512xf32>
    %get3A_48 = arith.constant 0 : index
    %get3A_49 = arith.constant 0 : index
    %get3A_50 = vector.load %arg11[%get3A_48, %get3A_49] : memref<1x512xf32, #tpu.memory_space<vmem>>, vector<1x512xf32>
    %broadcast_in_dim3A = arith.constant 0.000000e+00 : f32
    %broadcast_in_dim3A_51 = vector.broadcast %broadcast_in_dim3A : f32 to vector<1x128xf32>
    %scan3A = arith.constant 0 : i32
    %scan3A_52 = arith.constant 8 : i32
    %scan3A_53 = arith.addi %scan3A, %scan3A_52 : i32
    %scan3A_54 = arith.constant 1 : i32
    %scan3A_55:2 = scf.for %scan3A_74 = %scan3A to %scan3A_53 step %scan3A_54 iter_args(%scan3A_75 = %broadcast_in_dim3A_51, %scan3A_76 = %broadcast_in_dim3A_51) -> (vector<1x128xf32>, vector<1x128xf32>)  : i32 {
      %get3A_77 = arith.index_cast %scan3A_74 : i32 to index
      %get3A_78 = arith.constant 0 : index
      %get3A_79 = vector.load %arg16[%get3A_77, %get3A_78] : memref<8x128xf32, #tpu.memory_space<vmem>>, vector<1x128xf32>
      %dot_general3A_80 = arith.constant dense<0.000000e+00> : vector<1x512xf32>
      %dot_general3A_81 = tpu.matmul %get3A_79, %get3A_44, %dot_general3A_80 {dimension_numbers = #tpu.dot_dimension_numbers<[1], [0], [0], [1], [0, 0, 1, 1], [], []>, transpose_lhs_hint = false} : vector<1x128xf32>, vector<128x512xf32>, vector<1x512xf32> -> vector<1x512xf32>
      %dot_general3A_82 = arith.constant dense<0.000000e+00> : vector<1x512xf32>
      %dot_general3A_83 = tpu.matmul %scan3A_75, %get3A_47, %dot_general3A_82 {dimension_numbers = #tpu.dot_dimension_numbers<[1], [0], [0], [1], [0, 0, 1, 1], [], []>, transpose_lhs_hint = false} : vector<1x128xf32>, vector<128x512xf32>, vector<1x512xf32> -> vector<1x512xf32>
      %add3A_84 = arith.addf %dot_general3A_81, %dot_general3A_83 : vector<1x512xf32>
      %add3A_85 = arith.addf %add3A_84, %get3A_50 : vector<1x512xf32>
      %slice3A = vector.extract_strided_slice %add3A_85 {offsets = [0, 0], sizes = [1, 128], strides = [1, 1]} : vector<1x512xf32> to vector<1x128xf32>
      %logistic3A = arith.negf %slice3A : vector<1x128xf32>
      %logistic3A_86 = math.exp %logistic3A : vector<1x128xf32>
      %logistic3A_87 = arith.constant 1.000000e+00 : f32
      %logistic3A_88 = vector.broadcast %logistic3A_87 : f32 to vector<1x128xf32>
      %logistic3A_89 = arith.addf %logistic3A_88, %logistic3A_86 : vector<1x128xf32>
      %logistic3A_90 = arith.divf %logistic3A_88, %logistic3A_89 : vector<1x128xf32>
      %slice3A_91 = vector.extract_strided_slice %add3A_85 {offsets = [0, 128], sizes = [1, 128], strides = [1, 1]} : vector<1x512xf32> to vector<1x128xf32>
      %logistic3A_92 = arith.negf %slice3A_91 : vector<1x128xf32>
      %logistic3A_93 = math.exp %logistic3A_92 : vector<1x128xf32>
      %logistic3A_94 = arith.constant 1.000000e+00 : f32
      %logistic3A_95 = vector.broadcast %logistic3A_94 : f32 to vector<1x128xf32>
      %logistic3A_96 = arith.addf %logistic3A_95, %logistic3A_93 : vector<1x128xf32>
      %logistic3A_97 = arith.divf %logistic3A_95, %logistic3A_96 : vector<1x128xf32>
      %slice3A_98 = vector.extract_strided_slice %add3A_85 {offsets = [0, 256], sizes = [1, 128], strides = [1, 1]} : vector<1x512xf32> to vector<1x128xf32>
      %tanh3A = math.tanh %slice3A_98 : vector<1x128xf32>
      %slice3A_99 = vector.extract_strided_slice %add3A_85 {offsets = [0, 384], sizes = [1, 128], strides = [1, 1]} : vector<1x512xf32> to vector<1x128xf32>
      %logistic3A_100 = arith.negf %slice3A_99 : vector<1x128xf32>
      %logistic3A_101 = math.exp %logistic3A_100 : vector<1x128xf32>
      %logistic3A_102 = arith.constant 1.000000e+00 : f32
      %logistic3A_103 = vector.broadcast %logistic3A_102 : f32 to vector<1x128xf32>
      %logistic3A_104 = arith.addf %logistic3A_103, %logistic3A_101 : vector<1x128xf32>
      %logistic3A_105 = arith.divf %logistic3A_103, %logistic3A_104 : vector<1x128xf32>
      %mul3A_106 = arith.mulf %logistic3A_97, %scan3A_76 : vector<1x128xf32>
      %mul3A_107 = arith.mulf %logistic3A_90, %tanh3A : vector<1x128xf32>
      %add3A_108 = arith.addf %mul3A_106, %mul3A_107 : vector<1x128xf32>
      %tanh3A_109 = math.tanh %add3A_108 : vector<1x128xf32>
      %mul3A_110 = arith.mulf %logistic3A_105, %tanh3A_109 : vector<1x128xf32>
      %swap3A_111 = arith.index_cast %scan3A_74 : i32 to index
      %swap3A_112 = arith.constant 0 : index
      %swap3A_113 = vector.load %arg17[%swap3A_111, %swap3A_112] : memref<8x128xf32, #tpu.memory_space<vmem>>, vector<1x128xf32>
      tpu.vector_store %arg17[%swap3A_111, %swap3A_112], %mul3A_110 {strides = array<i32>} : memref<8x128xf32, #tpu.memory_space<vmem>>, vector<1x128xf32>,
      scf.yield %mul3A_110, %add3A_108 : vector<1x128xf32>, vector<1x128xf32>
    }
    %scan3A_56 = arith.constant 8 : i32
    %get3A_57 = arith.constant 0 : index
    %get3A_58 = arith.constant 0 : index
    %get3A_59 = vector.load %arg12[%get3A_57, %get3A_58] : memref<128x512xf32, #tpu.memory_space<vmem>>, vector<128x512xf32>
    %get3A_60 = arith.constant 0 : index
    %get3A_61 = arith.constant 0 : index
    %get3A_62 = vector.load %arg13[%get3A_60, %get3A_61] : memref<128x512xf32, #tpu.memory_space<vmem>>, vector<128x512xf32>
    %get3A_63 = arith.constant 0 : index
    %get3A_64 = arith.constant 0 : index
    %get3A_65 = vector.load %arg14[%get3A_63, %get3A_64] : memref<1x512xf32, #tpu.memory_space<vmem>>, vector<1x512xf32>
    %broadcast_in_dim3A_66 = arith.constant 0.000000e+00 : f32
    %broadcast_in_dim3A_67 = vector.broadcast %broadcast_in_dim3A_66 : f32 to vector<1x128xf32>
    %scan3A_68 = arith.constant 0 : i32
    %scan3A_69 = arith.constant 8 : i32
    %scan3A_70 = arith.addi %scan3A_68, %scan3A_69 : i32
    %scan3A_71 = arith.constant 1 : i32
    %scan3A_72:2 = scf.for %scan3A_74 = %scan3A_68 to %scan3A_70 step %scan3A_71 iter_args(%scan3A_75 = %broadcast_in_dim3A_67, %scan3A_76 = %broadcast_in_dim3A_67) -> (vector<1x128xf32>, vector<1x128xf32>)  : i32 {
      %get3A_77 = arith.index_cast %scan3A_74 : i32 to index
      %get3A_78 = arith.constant 0 : index
      %get3A_79 = vector.load %arg17[%get3A_77, %get3A_78] : memref<8x128xf32, #tpu.memory_space<vmem>>, vector<1x128xf32>
      %dot_general3A_80 = arith.constant dense<0.000000e+00> : vector<1x512xf32>
      %dot_general3A_81 = tpu.matmul %get3A_79, %get3A_59, %dot_general3A_80 {dimension_numbers = #tpu.dot_dimension_numbers<[1], [0], [0], [1], [0, 0, 1, 1], [], []>, transpose_lhs_hint = false} : vector<1x128xf32>, vector<128x512xf32>, vector<1x512xf32> -> vector<1x512xf32>
      %dot_general3A_82 = arith.constant dense<0.000000e+00> : vector<1x512xf32>
      %dot_general3A_83 = tpu.matmul %scan3A_75, %get3A_62, %dot_general3A_82 {dimension_numbers = #tpu.dot_dimension_numbers<[1], [0], [0], [1], [0, 0, 1, 1], [], []>, transpose_lhs_hint = false} : vector<1x128xf32>, vector<128x512xf32>, vector<1x512xf32> -> vector<1x512xf32>
      %add3A_84 = arith.addf %dot_general3A_81, %dot_general3A_83 : vector<1x512xf32>
      %add3A_85 = arith.addf %add3A_84, %get3A_65 : vector<1x512xf32>
      %slice3A = vector.extract_strided_slice %add3A_85 {offsets = [0, 0], sizes = [1, 128], strides = [1, 1]} : vector<1x512xf32> to vector<1x128xf32>
      %logistic3A = arith.negf %slice3A : vector<1x128xf32>
      %logistic3A_86 = math.exp %logistic3A : vector<1x128xf32>
      %logistic3A_87 = arith.constant 1.000000e+00 : f32
      %logistic3A_88 = vector.broadcast %logistic3A_87 : f32 to vector<1x128xf32>
      %logistic3A_89 = arith.addf %logistic3A_88, %logistic3A_86 : vector<1x128xf32>
      %logistic3A_90 = arith.divf %logistic3A_88, %logistic3A_89 : vector<1x128xf32>
      %slice3A_91 = vector.extract_strided_slice %add3A_85 {offsets = [0, 128], sizes = [1, 128], strides = [1, 1]} : vector<1x512xf32> to vector<1x128xf32>
      %logistic3A_92 = arith.negf %slice3A_91 : vector<1x128xf32>
      %logistic3A_93 = math.exp %logistic3A_92 : vector<1x128xf32>
      %logistic3A_94 = arith.constant 1.000000e+00 : f32
      %logistic3A_95 = vector.broadcast %logistic3A_94 : f32 to vector<1x128xf32>
      %logistic3A_96 = arith.addf %logistic3A_95, %logistic3A_93 : vector<1x128xf32>
      %logistic3A_97 = arith.divf %logistic3A_95, %logistic3A_96 : vector<1x128xf32>
      %slice3A_98 = vector.extract_strided_slice %add3A_85 {offsets = [0, 256], sizes = [1, 128], strides = [1, 1]} : vector<1x512xf32> to vector<1x128xf32>
      %tanh3A = math.tanh %slice3A_98 : vector<1x128xf32>
      %slice3A_99 = vector.extract_strided_slice %add3A_85 {offsets = [0, 384], sizes = [1, 128], strides = [1, 1]} : vector<1x512xf32> to vector<1x128xf32>
      %logistic3A_100 = arith.negf %slice3A_99 : vector<1x128xf32>
      %logistic3A_101 = math.exp %logistic3A_100 : vector<1x128xf32>
      %logistic3A_102 = arith.constant 1.000000e+00 : f32
      %logistic3A_103 = vector.broadcast %logistic3A_102 : f32 to vector<1x128xf32>
      %logistic3A_104 = arith.addf %logistic3A_103, %logistic3A_101 : vector<1x128xf32>
      %logistic3A_105 = arith.divf %logistic3A_103, %logistic3A_104 : vector<1x128xf32>
      %mul3A_106 = arith.mulf %logistic3A_97, %scan3A_76 : vector<1x128xf32>
      %mul3A_107 = arith.mulf %logistic3A_90, %tanh3A : vector<1x128xf32>
      %add3A_108 = arith.addf %mul3A_106, %mul3A_107 : vector<1x128xf32>
      %tanh3A_109 = math.tanh %add3A_108 : vector<1x128xf32>
      %mul3A_110 = arith.mulf %logistic3A_105, %tanh3A_109 : vector<1x128xf32>
      %swap3A_111 = arith.index_cast %scan3A_74 : i32 to index
      %swap3A_112 = arith.constant 0 : index
      %swap3A_113 = vector.load %arg15[%swap3A_111, %swap3A_112] : memref<8x128xf32, #tpu.memory_space<vmem>>, vector<1x128xf32>
      tpu.vector_store %arg15[%swap3A_111, %swap3A_112], %mul3A_110 {strides = array<i32>} : memref<8x128xf32, #tpu.memory_space<vmem>>, vector<1x128xf32>,
      scf.yield %mul3A_110, %add3A_108 : vector<1x128xf32>, vector<1x128xf32>
    }
    %scan3A_73 = arith.constant 8 : i32
    return
  }
}

</mosaic_0001>

<sc_bundles>
// kernel: kernel.16.cloned.1.call-start
scs
__scs_entry_jumppad:
0x0: {  	(pc) =	sbr.rel $0x88, $3  }
0x1: {  	(tag) =	ssettag $0x0;
	lr =	simm.s32 $0x1  }
0x2: {  	[smem:$0x3F86] =	sst lr;
	_ =	strace $0xD0000000  }
0x3: {  	_ = 	snop  }
0x4: {  	_ = 	snop  }
0x5: {  	_ = 	snop  }
0x6: {  	_ = 	snop  }
0x7: {  	_ = 	snop  }
__scs_overlays_trampoline_lowered:
0x8: {  	[smem:$0x3F95] =	sst s0  }
0x9: {  	[smem:$0x3F96] =	sst s1  }
0xa: {  	[smem:$0x3F97] =	sst s2  }
0xb: {  	[smem:$0x3F98] =	sst s3  }
0xc: {  	[smem:$0x3F99] =	sst s4  }
0xd: {  	[smem:$0x3F9A] =	sst s5  }
0xe: {  	[smem:$0x3F9B] =	sst s6  }
0xf: {  	[smem:$0x3F9C] =	sst s7  }
0x10: {  	[smem:$0x3F9D] =	sst s8  }
0x11: {  	[smem:$0x3F9E] =	sst s9;
	s0 =	simm.s32 @!p0 $0x0  }
0x12: {  	s1 =	sld [smem:$0x3F84];
	s0 =	simm.s32 @p0 $0x1  }
0x13: {  	[smem:$0x3F9F] =	sst s0;
	s0 =	simm.s32 @!p1 $0x0  }
0x14: {  	s2 =	sld [smem:$0x3F83];
	s0 =	simm.s32 @p1 $0x1  }
0x15: {  	[smem:$0x3FA0] =	sst s0;
	s0 =	simm.s32 @!p2 $0x0  }
0x16: {  	s3 =	sld [smem:$0x3FDB];
	s0 =	simm.s32 @p2 $0x1  }
0x17: {  	s4 =	simm.s32 $0x1BF5;
	[smem:$0x3FA2] =	sst s0  }
0x18: {  	s0 =	sld [smem:$0x3F85];
	_ =	swait.ge [sflag:s4], $0x0  }
0x19: {  	s7 =	sld [smem:$0x3F86]  }
0x1a: {  	s8 =	sadd.s32 $0xFFFFE003, lr  }
0x1b: {  	s9 =	sadd.s32 $0xFFFFFEF7, lr;
	s5 =	simm.s32 $0xFFFFFFFF;
	p2 =	slt.u32 s8, $0xFFFFF086  }
0x1c: {  	p1 =	slt.u32 s9, $0xF7A;
	s5 =	simm.s32 @!p2 $0x0  }
0x1d: {  	s5 =	simm.s32 @p1 $0x1;
	p0 =	seq.s32 s7, s2  }
0x1e: {  	s7 =	smul.u32 @!p0 $0xF7A, s2;
	p2 =	seq.s32 @!p0 s5, $0x0  }
0x1f: {  	s9 =	smul.u32 $0xF7A, s1;
	s8 =	simm.s32 @!p0 $0x1BF5;
	p2 =	por !p2, p0  }
0x20: {  	[sflag:s8] =	ssyncset.s32 @!p0 $0xFFFFF086;
	s6 =	sadd.s32 @!p0 s3, s7;
	s7 =	simm.s32 @!p0 $0x108  }
0x21: {  	s3 =	sadd.s32 s3, s9;
	s6 =	sadd.s32 @!p0 $0x88, s6;
	s7 =	simm.s32 @p2 $0x1082  }
0x22: {  	[simem:s7], [sflag:s8] =	dma.local @!p0 [hbm:s6], $0xF7A  }
0x23: {  	s9 =	sor.u32 $0xD0000000, s2;
	s6 =	simm.s32 $0x108;
	_ =	swait.ge @!p0 [sflag:s8], $0x0  }
0x24: {  	s3 =	sadd.s32 $0x88, s3;
	s6 =	simm.s32 @!p1 $0x1082;
	[sflag:s4] =	ssyncset.s32 $0xFFFFF086  }
0x25: {  	[simem:s6], [sflag:s4] =	dma.local [hbm:s3], $0xF7A  }
0x26: {  	[smem:$0x3F86] =	sst s1;
	(tag) =	ssettag s2;
	_ =	strace s9  }
0x27: {  	s1 =	sld [smem:$0x3F96]  }
0x28: {  	s2 =	sld [smem:$0x3F97]  }
0x29: {  	s4 =	sld [smem:$0x3F99]  }
0x2a: {  	p0 =	seq.s32 s5, $0x0;
	s5 =	sld [smem:$0x3F9A]  }
0x2b: {  	s6 =	sld [smem:$0x3F9B]  }
0x2c: {  	s7 =	sld [smem:$0x3F9C]  }
0x2d: {  	s3 =	simm.s32 $0x108;
	s8 =	sld [smem:$0x3F9D]  }
0x2e: {  	s3 =	simm.s32 @!p0 $0x1082;
	s9 =	sld [smem:$0x3F9E]  }
0x2f: {  	lr =	sadd.s32 s0, s3;
	s0 =	sld [smem:$0x3F95]  }
0x30: {  	s3 =	sld [smem:$0x3F98]  }
0x31: {  	[smem:$0x3FA1] =	sst s10  }
0x32: {  	s10 =	sld [smem:$0x3F9F];
	_ =	sdelay $0x3  }
0x33: {  	p0 =	seq.s32 s10, $0x1;
	s10 =	sld [smem:$0x3FA1];
	_ =	sdelay $0x3  }
0x34: {  	[smem:$0x3FA1] =	sst s10  }
0x35: {  	s10 =	sld [smem:$0x3FA0];
	_ =	sdelay $0x3  }
0x36: {  	p1 =	seq.s32 s10, $0x1;
	s10 =	sld [smem:$0x3FA1];
	_ =	sdelay $0x3  }
0x37: {  	[smem:$0x3FA1] =	sst s10  }
0x38: {  	s10 =	sld [smem:$0x3FA2]  }
0x39: {  	_ = 	snop;
	(pc) =	sbr.ind lr, $3  }
0x3a: {  	_ = 	snop  }
0x3b: {  	_ = 	snop  }
0x3c: {  	p2 =	seq.s32 s10, $0x1;
	s10 =	sld [smem:$0x3FA1]  }
0x3d: {  	_ =	shalt  }
0x3e: {  	_ =	shalt  }
0x3f: {  	_ =	shalt  }
0x40: {  	_ =	shalt  }
0x41: {  	_ =	shalt  }
0x42: {  	_ =	shalt  }
0x43: {  	_ =	shalt  }
0x44: {  	_ =	shalt  }
0x45: {  	_ =	shalt  }
0x46: {  	_ =	shalt  }
0x47: {  	_ =	shalt  }
0x48: {  	_ =	shalt  }
0x49: {  	_ =	shalt  }
0x4a: {  	_ =	shalt  }
0x4b: {  	_ =	shalt  }
0x4c: {  	_ =	shalt  }
0x4d: {  	_ =	shalt  }
0x4e: {  	_ =	shalt  }
0x4f: {  	_ =	shalt  }
0x50: {  	_ =	shalt  }
0x51: {  	_ =	shalt  }
0x52: {  	_ =	shalt  }
0x53: {  	_ =	shalt  }
0x54: {  	_ =	shalt  }
0x55: {  	_ =	shalt  }
0x56: {  	_ =	shalt  }
0x57: {  	_ =	shalt  }
0x58: {  	_ =	shalt  }
0x59: {  	_ =	shalt  }
0x5a: {  	_ =	shalt  }
0x5b: {  	_ =	shalt  }
0x5c: {  	_ =	shalt  }
0x5d: {  	_ =	shalt  }
0x5e: {  	_ =	shalt  }
0x5f: {  	_ =	shalt  }
0x60: {  	_ =	shalt  }
0x61: {  	_ =	shalt  }
0x62: {  	_ =	shalt  }
0x63: {  	_ =	shalt  }
0x64: {  	_ =	shalt  }
0x65: {  	_ =	shalt  }
0x66: {  	_ =	shalt  }
0x67: {  	_ =	shalt  }
0x68: {  	_ =	shalt  }
0x69: {  	_ =	shalt  }
0x6a: {  	_ =	shalt  }
0x6b: {  	_ =	shalt  }
0x6c: {  	_ =	shalt  }
0x6d: {  	_ =	shalt  }
0x6e: {  	_ =	shalt  }
0x6f: {  	_ =	shalt  }
0x70: {  	_ =	shalt  }
0x71: {  	_ =	shalt  }
0x72: {  	_ =	shalt  }
0x73: {  	_ =	shalt  }
0x74: {  	_ =	shalt  }
0x75: {  	_ =	shalt  }
0x76: {  	_ =	shalt  }
0x77: {  	_ =	shalt  }
0x78: {  	_ =	shalt  }
0x79: {  	_ =	shalt  }
0x7a: {  	_ =	shalt  }
0x7b: {  	_ =	shalt  }
0x7c: {  	_ =	shalt  }
0x7d: {  	_ =	shalt  }
0x7e: {  	_ =	shalt  }
0x7f: {  	_ =	shalt  }
0x80: {  	_ =	shalt  }
0x81: {  	_ =	shalt  }
0x82: {  	_ =	shalt  }
0x83: {  	_ =	shalt  }
0x84: {  	_ =	shalt  }
0x85: {  	_ =	shalt  }
0x86: {  	_ =	shalt  }
0x87: {  	_ =	shalt  }
.Lfunc_end0:
.L_simem_size_0:
called_computation.3_lowered:
.L_overlay_start_0:
0x88: {  	s2 =	sld [smem:$0x3FD9]  }
0x89: {  	s3 =	sld [smem:$0x3FFE];
	_ =	sdelay $0x1  }
0x8a: {  	s1 =	srdreg.scid  }
0x8b: {  	s0 =	sand.u32 $0x1, s1  }
0x8c: {  	s16 =	sshll.u32 s0, $0xA;
	s2 =	sadd.s32 s3, s2  }
0x8d: {  	s2 =	sadd.s32 s2, s16  }
0x8e: {  	[smem:$0x3FAD] =	sst s2  }
0x8f: {  	_ = 	snop  }
0x90: {  	(tm) =	ssettm $0x1  }
0x91: {  	s17 =	sld [smem:$0x3FFB];
	_ =	sdelay $0x3  }
0x92: {  	_ =	strace s17  }
0x93: {  	s2 =	sld [smem:$0x3FFC];
	_ =	sdelay $0x3  }
0x94: {  	_ =	strace s2  }
0x95: {  	s2 =	sld [smem:$0x3FFD];
	_ =	sdelay $0x3  }
0x96: {  	_ =	strace s2  }
0x97: {  	_ =	strace $0x8FFFFFFF  }
0x98: {  	s18 =	sld [smem:$0x3FDB];
	_ =	sdelay $0x1  }
0x99: {  	s19 =	simm.s32 $_scs_section_size  }
0x9a: {  	s4 =	simm.s32 $_size__tile_overlayer_lowered;
	s5 =	simm.s32 $_tile_overlayer_lowered  }
0x9b: {  	s22 =	simm.s32 $0x1BFF;
	s21 =	sshll.u32 s5, $0x1;
	s2 =	sadd.s32 s19, s18  }
0x9c: {  	s6 =	simm.s32 $0x0;
	s20 =	sshll.u32 s4, $0x1;
	s4 =	sadd.s32 s21, s2  }
0x9d: {  	[timem:s6], [sflag:s22] =	dma.local [hbm:s4], s20  }
0x9e: {  	_ =	swait.ge [sflag:s22], s20  }
0x9f: {  	s3 =	ssub.s32 $0x0, s20;
	[sflag:s22] =	ssyncset.done $0x0  }
0xa0: {  	[sflag:s22] =	ssyncadd.s32 s3;
	_ =	sdelay $0x1  }
0xa1: {  	s23 =	simm.s32 $0x1B8B  }
0xa2: {  	_ =	swait.ge [sflag:s23], $0x1  }
0xa3: {  	[sflag:s23] =	ssyncset.done $0x0  }
0xa4: {  	s25 =	simm.s32 $0x1B8E;
	s24 =	sld [smem:$0x3FFE];
	[sflag:s23] =	ssyncadd.s32 $0xFFFFFFFF  }
0xa5: {  	s26 =	simm.s32 $execute0_lowered;
	[smem:$0x3FD2] =	sst s25  }
0xa6: {  	s4 =	sshll.u32 s26, $0x1;
	_ =	strace $0x80000046;
	[dreg:$0x1] =	wrdreg $0xFFFFFFFF  }
0xa7: {  	s28 =	simm.s32 $_size_execute0_lowered;
	s2 =	sadd.s32 s2, s4;
	[dreg:$0x0] =	wrdreg $0x0  }
0xa8: {  	s4 =	sshll.u32 s28, $0x1;
	[dreg:$0x2] =	wrdreg s2  }
0xa9: {  	[dreg:$0x3] =	wrdreg s4  }
0xaa: {  	[dreg:$0x4] =	wrdreg $0xC0  }
0xab: {  	_ =	task [dreg:s6], $0x5FFFF  }
0xac: {  	[dreg:$0x1] =	wrdreg $0xFFFFFFFF  }
0xad: {  	[dreg:$0x0] =	wrdreg $0x60  }
0xae: {  	[dreg:$0x2] =	wrdreg s24  }
0xaf: {  	[dreg:$0x3] =	wrdreg $0xB  }
0xb0: {  	_ =	task.clear_ibuf [dreg:s6], $0x4FFFF;
	_ =	strace $0x90000046  }
0xb1: {  	s29 =	simm.s32 $0xB;
	_ =	strace $0x80000048  }
0xb2: {  	_ =	swait.ge [sflag:s29], $0x1  }
0xb3: {  	[sflag:s29] =	ssyncadd.s32 $0xFFFFFFFF  }
0xb4: {  	_ =	strace $0x90000048  }
0xb5: {  	_ =	sfence  }
0xb6: {  	s30 =	sld [smem:$0x0];
	_ =	sdelay $0x2  }
0xb7: {  	s31 =	sshll.u32 s1, $0xD;
	s1 =	sshrl.u32 s1, $0x2  }
0xb8: {  	s3 =	sand.u32 $0x4000, s31;
	s1 =	sadd.s32 s1, s30  }
0xb9: {  	s0 =	sor.u32 s3, s0;
	s1 =	sshll.u32 s1, $0x11  }
0xba: {  	s0 =	sor.u32 s1, s0  }
0xbb: {  	s0 =	sadd.s32 $0x8F2B, s0  }
0xbc: {  	[sflag:s0] =	ssyncadd.remote.s32 $0x1  }
0xbd: {  	_ =	sfence.sel $0xFFFF  }
0xbe: {  	[dreg:$0x0] =	wrdreg $0xFFFFFFFF;
	(pc) =	sbr.abs _section_cstart, $3  }
0xbf: {  	[dreg:$0x1] =	wrdreg $0xFFFFFFFF  }
0xc0: {  	_ =	task.clear_ibuf [dreg:s6], $0x2FFFF;
	_ =	strace $0x9FFFFFFF  }
0xc1: {  	(tm) =	ssettm $0x7FFFFFFF  }
tec
execute0_lowered:
.L_overlay_start_1:
0x0: {  	(tag) =	ssettag $0x1  }
0x1: {  	s1 =	srdreg.scid;
	s0 =	stileid.u32  }
0x2: {  	s5 =	rddreg [dreg:$0x0];
	s2 =	simm.s32 $0x0;
	s16 =	simm.s32 $0xC400  }
0x3: {  	s17 =	simm.s32 $0x1;
	s18 =	simm.s32 $0x80;
	s19 =	simm.s32 $0x400  }
0x4: {  	s20 =	simm.s32 $0x0;
	s3 =	sand.u32 $0x1, s1;
	s7 =	sshrl.u32 s0, $0x2  }
0x5: {  	s29 =	sshll.u32 s0, $0x1;
	s1 =	rddreg [dreg:$0x1];
	s9 =	smul.u32 $0x14000, s7  }
0x6: {  	[smem:$0x7FF] =	sst s2;
	s4 =	sor.u32 s3, s29;
	s10 =	smul.u32 $0xA000, s7  }
0x7: {  	_ =	strace $0x80000047;
	s3 =	ssub.s32 $0x2, s3;
	s6 =	smul.u32 $0x500, s4  }
0x8: {  	s8 =	sshll.u32 s4, $0x7;
	s4 =	smul.u32 $0x680, s4;
	s31 =	sshrl.u32 s3, $0x1  }
0x9: {  	s7 =	smul.u32 $0x62000, s7;
	s8 =	sand.u32 $0x380, s8;
	s15 =	ssub.s32 s3, s31  }
0xa: {  	s9 =	sor.u32 s9, s8;
	s6 =	sadd.s32 s6, s5;
	s13 =	sadd.s32 s4, s5  }
0xb: {  	s30 =	sor.u32 s10, s8;
	s7 =	sor.u32 s7, s8;
	s15 =	smax.u32 s15, $0x1  }
0xc: {  	s9 =	sshrl.u32 s9, $0x3;
	s4 =	sshrl.u32 s30, $0x3;
	s7 =	sshrl.u32 s7, $0x3  }
0xd: {  	s3 =	sadd.s32 $0x30400, s6;
	s11 =	sadd.s32 $0x3A400, s13;
	s9 =	sadd.s32 s9, s5  }
0xe: {  	s12 =	sadd.s32 s4, s5;
	s14 =	sadd.s32 s7, s5;
	s5 =	sadd.s32 $0x26400, s6  }
0xf: {  	s7 =	sadd.s32 $0x47400, s13;
	s4 =	sadd.s32 $0xC0400, s9;
	s6 =	sadd.s32 $0xCA400, s9  }
0x10: {  	s8 =	sadd.s32 $0x54400, s14;
	s9 =	sadd.s32 $0x19400, s13;
	s10 =	sadd.s32 $0xB6400, s12  }
0x11: {  	v0 =	vimm.f32 $0.0e+00;
	v1 =	vimm.f32 $1.000000000e+00;
	s12 =	sadd.s32 $0xBB400, s12;
	s13 =	sadd.s32 $0xC400, s13;
	s14 =	sadd.s32 $0x85400, s14  }
.LBB2_1:
0x12: {  	s21 =	simm.s32 $0x40;
	s22 =	simm.s32 $0x0  }
.LBB2_2:
0x13: {  	p0 =	sne.s32 s21, $0x9FC0;
	[tilespmem:s22+$0x0] =	vst v0;
	s22 =	smov.u32 s21;
	s21 =	sadd.s32 $0x40, s21  }
.Ltmp0:
0x14: {  	(pc) =	sbr.rel @p0 .LBB2_2-.Ltmp0, $2  }
0x15: {  	_ =	sdelay $0x2  }
0x16: {  	s22 =	sshra.s32 s22, $0x2  }
0x17: {  	[tilespmem:s22+$0x0] =	vst v0;
	s21 =	simm.s32 $0x0  }
0x18: {  	[tilespmem:s16], [sflag:$0x1] =	stream.linear.gather [hbm4b:s3+s21], $0x2800, $0x38;
	[tilespmem:$0xF800] =	vst v63  }
0x19: {  	s31 =	sand.u32 $0xFE00, s21;
	_ =	swait.ge [sflag:s17], $0x2800  }
0x1a: {  	s21 =	sand.u32 $0x70, s21;
	s22 =	sshrl.u32 s31, $0x2;
	[sflag:s17] =	ssyncset.done $0x0  }
0x1b: {  	s21 =	sor.u32 s21, s22;
	[sflag:s17] =	ssyncadd.s32 $0xFFFFD800  }
0x1c: {  	v2 =	vld [tilespmem:s21+$0xC400];
	_ =	sdelay $0x4  }
0x1d: {  	s23 =	simm.s32 $0x40  }
0x1e: {  	s23 =	sand.u32 $0xFE00, s23;
	s22 =	simm.s32 $0x80;
	s21 =	simm.s32 $0x10  }
.LBB2_4:
0x1f: {  	p0 =	sne.s32 s22, $0x9FC0;
	s24 =	sand.u32 $0x70, s21;
	s23 =	sshrl.u32 s23, $0x2  }
0x20: {  	s23 =	sor.u32 s24, s23;
	[tilespmem:v2+s2+$0x0] =	vst.idx.add.f32.msk $0xffff, v1  }
0x21: {  	v2 =	vld [tilespmem:s23+$0xC400];
	_ =	sdelay $0x1  }
.Ltmp1:
0x22: {  	(pc) =	sbr.rel @p0 .LBB2_4-.Ltmp1, $2  }
0x23: {  	_ =	sdelay $0x2  }
0x24: {  	s21 =	sadd.s32 $0x10, s21;
	s23 =	sand.u32 $0xFE00, s22;
	s22 =	sadd.s32 $0x40, s22  }
0x25: {  	_ =	sdelay $0x2  }
0x26: {  	s21 =	sand.u32 $0x70, s21;
	s22 =	sshrl.u32 s23, $0x2  }
0x27: {  	[tilespmem:v2+s2+$0x0] =	vst.idx.add.f32.msk $0xffff, v1;
	s21 =	sor.u32 s21, s22  }
0x28: {  	v2 =	vld [tilespmem:s21+$0xC400];
	_ =	sdelay $0x7  }
0x29: {  	s31 =	simm.s32 $0x0;
	[tilespmem:v2+s2+$0x0] =	vst.idx.add.f32.msk $0xffff, v1  }
0x2a: {  	[hbm4b:s4+s18] =	stream.strided.scatter [tilespmem:s31], [sflag:$0x1], $0x2800, s19, s18, $0x38;
	[tilespmem:$0xF800] =	vst v63  }
0x2b: {  	_ =	swait.ge [sflag:s17], $0x2800  }
0x2c: {  	[sflag:s17] =	ssyncset.done $0x0  }
0x2d: {  	s22 =	simm.s32 $0x0;
	s21 =	simm.s32 $0x40;
	[sflag:s17] =	ssyncadd.s32 $0xFFFFD800  }
.LBB2_6:
0x2e: {  	p0 =	sne.s32 s21, $0x9FC0;
	[tilespmem:s22+$0x0] =	vst v0;
	s22 =	smov.u32 s21;
	s21 =	sadd.s32 $0x40, s21  }
.Ltmp2:
0x2f: {  	(pc) =	sbr.rel @p0 .LBB2_6-.Ltmp2, $2  }
0x30: {  	_ =	sdelay $0x2  }
0x31: {  	s22 =	sshra.s32 s22, $0x2  }
0x32: {  	[tilespmem:s22+$0x0] =	vst v0;
	s21 =	simm.s32 $0x0  }
0x33: {  	[tilespmem:s16], [sflag:$0x1] =	stream.linear.gather [hbm4b:s5+s21], $0x2800, $0x38;
	[tilespmem:$0xF800] =	vst v63  }
0x34: {  	s31 =	sand.u32 $0xFE00, s21;
	_ =	swait.ge [sflag:s17], $0x2800  }
0x35: {  	s21 =	sand.u32 $0x70, s21;
	s22 =	sshrl.u32 s31, $0x2;
	[sflag:s17] =	ssyncset.done $0x0  }
0x36: {  	s21 =	sor.u32 s21, s22;
	[sflag:s17] =	ssyncadd.s32 $0xFFFFD800  }
0x37: {  	v2 =	vld [tilespmem:s21+$0xC400];
	_ =	sdelay $0x4  }
0x38: {  	s23 =	simm.s32 $0x40  }
0x39: {  	s23 =	sand.u32 $0xFE00, s23;
	s22 =	simm.s32 $0x80;
	s21 =	simm.s32 $0x10  }
.LBB2_8:
0x3a: {  	p0 =	sne.s32 s22, $0x9FC0;
	s24 =	sand.u32 $0x70, s21;
	s23 =	sshrl.u32 s23, $0x2  }
0x3b: {  	s23 =	sor.u32 s24, s23;
	[tilespmem:v2+s2+$0x0] =	vst.idx.add.f32.msk $0xffff, v1  }
0x3c: {  	v2 =	vld [tilespmem:s23+$0xC400];
	_ =	sdelay $0x1  }
.Ltmp3:
0x3d: {  	(pc) =	sbr.rel @p0 .LBB2_8-.Ltmp3, $2  }
0x3e: {  	_ =	sdelay $0x2  }
0x3f: {  	s21 =	sadd.s32 $0x10, s21;
	s23 =	sand.u32 $0xFE00, s22;
	s22 =	sadd.s32 $0x40, s22  }
0x40: {  	_ =	sdelay $0x2  }
0x41: {  	s21 =	sand.u32 $0x70, s21;
	s22 =	sshrl.u32 s23, $0x2  }
0x42: {  	[tilespmem:v2+s2+$0x0] =	vst.idx.add.f32.msk $0xffff, v1;
	s21 =	sor.u32 s21, s22  }
0x43: {  	v2 =	vld [tilespmem:s21+$0xC400];
	_ =	sdelay $0x7  }
0x44: {  	s31 =	simm.s32 $0x0;
	[tilespmem:v2+s2+$0x0] =	vst.idx.add.f32.msk $0xffff, v1  }
0x45: {  	[hbm4b:s6+s18] =	stream.strided.scatter [tilespmem:s31], [sflag:$0x1], $0x2800, s19, s18, $0x38;
	[tilespmem:$0xF800] =	vst v63  }
0x46: {  	_ =	swait.ge [sflag:s17], $0x2800  }
0x47: {  	[sflag:s17] =	ssyncset.done $0x0  }
0x48: {  	s22 =	simm.s32 $0x0;
	s21 =	simm.s32 $0x40;
	[sflag:s17] =	ssyncadd.s32 $0xFFFFD800  }
.LBB2_10:
0x49: {  	p0 =	sne.s32 s21, $0x30FC0;
	[tilespmem:s22+$0x0] =	vst v0;
	s22 =	smov.u32 s21;
	s21 =	sadd.s32 $0x40, s21  }
.Ltmp4:
0x4a: {  	(pc) =	sbr.rel @p0 .LBB2_10-.Ltmp4, $2  }
0x4b: {  	_ =	sdelay $0x2  }
0x4c: {  	s22 =	sshra.s32 s22, $0x2  }
0x4d: {  	[tilespmem:s22+$0x0] =	vst v0;
	s21 =	simm.s32 $0x0  }
0x4e: {  	[tilespmem:s16], [sflag:$0x1] =	stream.linear.gather [hbm4b:s7+s21], $0x3400, $0x38;
	[tilespmem:$0xF800] =	vst v63  }
0x4f: {  	s31 =	sand.u32 $0xFE00, s21;
	_ =	swait.ge [sflag:s17], $0x3400  }
0x50: {  	s21 =	sand.u32 $0x70, s21;
	s22 =	sshrl.u32 s31, $0x2;
	[sflag:s17] =	ssyncset.done $0x0  }
0x51: {  	s21 =	sor.u32 s21, s22;
	[sflag:s17] =	ssyncadd.s32 $0xFFFFCC00  }
0x52: {  	v2 =	vld [tilespmem:s21+$0xC400];
	_ =	sdelay $0x4  }
0x53: {  	s23 =	simm.s32 $0x40  }
0x54: {  	s23 =	sand.u32 $0xFE00, s23;
	s22 =	simm.s32 $0x80;
	s21 =	simm.s32 $0x10  }
.LBB2_12:
0x55: {  	p0 =	sne.s32 s22, $0xCFC0;
	s24 =	sand.u32 $0x70, s21;
	s23 =	sshrl.u32 s23, $0x2  }
0x56: {  	s23 =	sor.u32 s24, s23;
	[tilespmem:v2+s2+$0x0] =	vst.idx.add.f32.msk $0xffff, v1  }
0x57: {  	v2 =	vld [tilespmem:s23+$0xC400];
	_ =	sdelay $0x1  }
.Ltmp5:
0x58: {  	(pc) =	sbr.rel @p0 .LBB2_12-.Ltmp5, $2  }
0x59: {  	_ =	sdelay $0x2  }
0x5a: {  	s21 =	sadd.s32 $0x10, s21;
	s23 =	sand.u32 $0xFE00, s22;
	s22 =	sadd.s32 $0x40, s22  }
0x5b: {  	_ =	sdelay $0x2  }
0x5c: {  	s21 =	sand.u32 $0x70, s21;
	s22 =	sshrl.u32 s23, $0x2  }
0x5d: {  	[tilespmem:v2+s2+$0x0] =	vst.idx.add.f32.msk $0xffff, v1;
	s21 =	sor.u32 s21, s22  }
0x5e: {  	v2 =	vld [tilespmem:s21+$0xC400];
	_ =	sdelay $0x7  }
0x5f: {  	s31 =	simm.s32 $0x0;
	[tilespmem:v2+s2+$0x0] =	vst.idx.add.f32.msk $0xffff, v1  }
0x60: {  	[hbm4b:s8+s18] =	stream.strided.scatter [tilespmem:s31], [sflag:$0x1], $0xC400, s19, s18, $0x38;
	[tilespmem:$0xF800] =	vst v63  }
0x61: {  	_ =	swait.ge [sflag:s17], $0xC400  }
0x62: {  	[sflag:s17] =	ssyncset.done $0x0  }
0x63: {  	s22 =	simm.s32 $0x0;
	s21 =	simm.s32 $0x40;
	[sflag:s17] =	ssyncadd.s32 $0xFFFF3C00  }
.LBB2_14:
0x64: {  	p0 =	sne.s32 s21, $0x4FC0;
	[tilespmem:s22+$0x0] =	vst v0;
	s22 =	smov.u32 s21;
	s21 =	sadd.s32 $0x40, s21  }
.Ltmp6:
0x65: {  	(pc) =	sbr.rel @p0 .LBB2_14-.Ltmp6, $2  }
0x66: {  	_ =	sdelay $0x2  }
0x67: {  	s22 =	sshra.s32 s22, $0x2  }
0x68: {  	[tilespmem:s22+$0x0] =	vst v0;
	s21 =	simm.s32 $0x0  }
0x69: {  	[tilespmem:s16], [sflag:$0x1] =	stream.linear.gather [hbm4b:s9+s21], $0x3400, $0x38;
	[tilespmem:$0xF800] =	vst v63  }
0x6a: {  	s31 =	sand.u32 $0xFE00, s21;
	_ =	swait.ge [sflag:s17], $0x3400  }
0x6b: {  	s21 =	sand.u32 $0x70, s21;
	s22 =	sshrl.u32 s31, $0x2;
	[sflag:s17] =	ssyncset.done $0x0  }
0x6c: {  	s21 =	sor.u32 s21, s22;
	[sflag:s17] =	ssyncadd.s32 $0xFFFFCC00  }
0x6d: {  	v2 =	vld [tilespmem:s21+$0xC400];
	_ =	sdelay $0x4  }
0x6e: {  	s23 =	simm.s32 $0x40  }
0x6f: {  	s23 =	sand.u32 $0xFE00, s23;
	s22 =	simm.s32 $0x80;
	s21 =	simm.s32 $0x10  }
.LBB2_16:
0x70: {  	p0 =	sne.s32 s22, $0xCFC0;
	s24 =	sand.u32 $0x70, s21;
	s23 =	sshrl.u32 s23, $0x2  }
0x71: {  	s23 =	sor.u32 s24, s23;
	[tilespmem:v2+s2+$0x0] =	vst.idx.add.f32.msk $0xffff, v1  }
0x72: {  	v2 =	vld [tilespmem:s23+$0xC400];
	_ =	sdelay $0x1  }
.Ltmp7:
0x73: {  	(pc) =	sbr.rel @p0 .LBB2_16-.Ltmp7, $2  }
0x74: {  	_ =	sdelay $0x2  }
0x75: {  	s21 =	sadd.s32 $0x10, s21;
	s23 =	sand.u32 $0xFE00, s22;
	s22 =	sadd.s32 $0x40, s22  }
0x76: {  	_ =	sdelay $0x2  }
0x77: {  	s21 =	sand.u32 $0x70, s21;
	s22 =	sshrl.u32 s23, $0x2  }
0x78: {  	[tilespmem:v2+s2+$0x0] =	vst.idx.add.f32.msk $0xffff, v1;
	s21 =	sor.u32 s21, s22  }
0x79: {  	v2 =	vld [tilespmem:s21+$0xC400];
	_ =	sdelay $0x7  }
0x7a: {  	s31 =	simm.s32 $0x0;
	[tilespmem:v2+s2+$0x0] =	vst.idx.add.f32.msk $0xffff, v1  }
0x7b: {  	[hbm4b:s10+s18] =	stream.strided.scatter [tilespmem:s31], [sflag:$0x1], $0x1400, s19, s18, $0x38;
	[tilespmem:$0xF800] =	vst v63  }
0x7c: {  	_ =	swait.ge [sflag:s17], $0x1400  }
0x7d: {  	[sflag:s17] =	ssyncset.done $0x0  }
0x7e: {  	s22 =	simm.s32 $0x0;
	s21 =	simm.s32 $0x40;
	[sflag:s17] =	ssyncadd.s32 $0xFFFFEC00  }
.LBB2_18:
0x7f: {  	p0 =	sne.s32 s21, $0x4FC0;
	[tilespmem:s22+$0x0] =	vst v0;
	s22 =	smov.u32 s21;
	s21 =	sadd.s32 $0x40, s21  }
.Ltmp8:
0x80: {  	(pc) =	sbr.rel @p0 .LBB2_18-.Ltmp8, $2  }
0x81: {  	_ =	sdelay $0x2  }
0x82: {  	s22 =	sshra.s32 s22, $0x2  }
0x83: {  	[tilespmem:s22+$0x0] =	vst v0;
	s21 =	simm.s32 $0x0  }
0x84: {  	[tilespmem:s16], [sflag:$0x1] =	stream.linear.gather [hbm4b:s11+s21], $0x3400, $0x38;
	[tilespmem:$0xF800] =	vst v63  }
0x85: {  	s31 =	sand.u32 $0xFE00, s21;
	_ =	swait.ge [sflag:s17], $0x3400  }
0x86: {  	s21 =	sand.u32 $0x70, s21;
	s22 =	sshrl.u32 s31, $0x2;
	[sflag:s17] =	ssyncset.done $0x0  }
0x87: {  	s21 =	sor.u32 s21, s22;
	[sflag:s17] =	ssyncadd.s32 $0xFFFFCC00  }
0x88: {  	v2 =	vld [tilespmem:s21+$0xC400];
	_ =	sdelay $0x4  }
0x89: {  	s23 =	simm.s32 $0x40  }
0x8a: {  	s23 =	sand.u32 $0xFE00, s23;
	s22 =	simm.s32 $0x80;
	s21 =	simm.s32 $0x10  }
.LBB2_20:
0x8b: {  	p0 =	sne.s32 s22, $0xCFC0;
	s24 =	sand.u32 $0x70, s21;
	s23 =	sshrl.u32 s23, $0x2  }
0x8c: {  	s23 =	sor.u32 s24, s23;
	[tilespmem:v2+s2+$0x0] =	vst.idx.add.f32.msk $0xffff, v1  }
0x8d: {  	v2 =	vld [tilespmem:s23+$0xC400];
	_ =	sdelay $0x1  }
.Ltmp9:
0x8e: {  	(pc) =	sbr.rel @p0 .LBB2_20-.Ltmp9, $2  }
0x8f: {  	_ =	sdelay $0x2  }
0x90: {  	s21 =	sadd.s32 $0x10, s21;
	s23 =	sand.u32 $0xFE00, s22;
	s22 =	sadd.s32 $0x40, s22  }
0x91: {  	_ =	sdelay $0x2  }
0x92: {  	s21 =	sand.u32 $0x70, s21;
	s22 =	sshrl.u32 s23, $0x2  }
0x93: {  	[tilespmem:v2+s2+$0x0] =	vst.idx.add.f32.msk $0xffff, v1;
	s21 =	sor.u32 s21, s22  }
0x94: {  	v2 =	vld [tilespmem:s21+$0xC400];
	_ =	sdelay $0x7  }
0x95: {  	s31 =	simm.s32 $0x0;
	[tilespmem:v2+s2+$0x0] =	vst.idx.add.f32.msk $0xffff, v1  }
0x96: {  	[hbm4b:s12+s18] =	stream.strided.scatter [tilespmem:s31], [sflag:$0x1], $0x1400, s19, s18, $0x38;
	[tilespmem:$0xF800] =	vst v63  }
0x97: {  	_ =	swait.ge [sflag:s17], $0x1400  }
0x98: {  	[sflag:s17] =	ssyncset.done $0x0  }
0x99: {  	s22 =	simm.s32 $0x0;
	s21 =	simm.s32 $0x40;
	[sflag:s17] =	ssyncadd.s32 $0xFFFFEC00  }
.LBB2_22:
0x9a: {  	p0 =	sne.s32 s21, $0x30FC0;
	[tilespmem:s22+$0x0] =	vst v0;
	s22 =	smov.u32 s21;
	s21 =	sadd.s32 $0x40, s21  }
.Ltmp10:
0x9b: {  	(pc) =	sbr.rel @p0 .LBB2_22-.Ltmp10, $2  }
0x9c: {  	_ =	sdelay $0x2  }
0x9d: {  	s22 =	sshra.s32 s22, $0x2  }
0x9e: {  	[tilespmem:s22+$0x0] =	vst v0;
	s21 =	simm.s32 $0x0  }
0x9f: {  	[tilespmem:s16], [sflag:$0x1] =	stream.linear.gather [hbm4b:s13+s21], $0x3400, $0x38;
	[tilespmem:$0xF800] =	vst v63  }
0xa0: {  	s31 =	sand.u32 $0xFE00, s21;
	_ =	swait.ge [sflag:s17], $0x3400  }
0xa1: {  	s21 =	sand.u32 $0x70, s21;
	s22 =	sshrl.u32 s31, $0x2;
	[sflag:s17] =	ssyncset.done $0x0  }
0xa2: {  	s21 =	sor.u32 s21, s22;
	[sflag:s17] =	ssyncadd.s32 $0xFFFFCC00  }
0xa3: {  	v2 =	vld [tilespmem:s21+$0xC400];
	_ =	sdelay $0x4  }
0xa4: {  	s23 =	simm.s32 $0x40  }
0xa5: {  	s23 =	sand.u32 $0xFE00, s23;
	s22 =	simm.s32 $0x80;
	s21 =	simm.s32 $0x10  }
.LBB2_24:
0xa6: {  	p0 =	sne.s32 s22, $0xCFC0;
	s24 =	sand.u32 $0x70, s21;
	s23 =	sshrl.u32 s23, $0x2  }
0xa7: {  	s23 =	sor.u32 s24, s23;
	[tilespmem:v2+s2+$0x0] =	vst.idx.add.f32.msk $0xffff, v1  }
0xa8: {  	v2 =	vld [tilespmem:s23+$0xC400];
	_ =	sdelay $0x1  }
.Ltmp11:
0xa9: {  	(pc) =	sbr.rel @p0 .LBB2_24-.Ltmp11, $2  }
0xaa: {  	_ =	sdelay $0x2  }
0xab: {  	s21 =	sadd.s32 $0x10, s21;
	s23 =	sand.u32 $0xFE00, s22;
	s22 =	sadd.s32 $0x40, s22  }
0xac: {  	_ =	sdelay $0x2  }
0xad: {  	s21 =	sand.u32 $0x70, s21;
	s22 =	sshrl.u32 s23, $0x2  }
0xae: {  	[tilespmem:v2+s2+$0x0] =	vst.idx.add.f32.msk $0xffff, v1;
	s21 =	sor.u32 s21, s22  }
0xaf: {  	v2 =	vld [tilespmem:s21+$0xC400];
	_ =	sdelay $0x5  }
0xb0: {  	s20 =	sadd.s32 $0x1, s20  }
0xb1: {  	p0 =	sne.s32 s20, s15  }
.Ltmp12:
0xb2: {  	[tilespmem:v2+s2+$0x0] =	vst.idx.add.f32.msk $0xffff, v1;
	(pc) =	sbr.rel @p0 .LBB2_1-.Ltmp12, $4  }
0xb3: {  	[hbm4b:s14+s18] =	stream.strided.scatter [tilespmem:s2], [sflag:$0x1], $0xC400, s19, s18, $0x38;
	[tilespmem:$0xF800] =	vst v63  }
0xb4: {  	_ =	swait.ge [sflag:s17], $0xC400  }
0xb5: {  	[sflag:s17] =	ssyncset.done $0x0  }
0xb6: {  	[sflag:s17] =	ssyncadd.s32 $0xFFFF3C00  }
0xb7: {  	_ =	sfence.sel $0x180000  }
0xb8: {  	[bflag:$0x0] =	sbarrier.arrive $0xFFFF  }
0xb9: {  	p0 =	sne.s32 s0, $0x0;
	_ =	strace $0x90000047  }
0xba: {  	s0 =	sadd.s32 @!p0 $0x100000, s1;
	[bflag:$0x2] =	sbarrier.arrive $0xFFFF  }
0xbb: {  	[sflag:s0] =	ssyncadd.tile.s32 @!p0 $0x1;
	_ =	shalt  }
.Lfunc_end2:
_tile_overlayer_lowered:
.L_overlay_start_2:
0xbc: {  	(tag) =	ssettag $0x2  }
0xbd: {  	s0 =	rddreg [dreg:$0x0];
	s2 =	stileid.u32  }
0xbe: {  	s1 =	rddreg [dreg:$0x1];
	p0 =	sne.s32 s2, $0x0  }
0xbf: {  	s3 =	rddreg [dreg:$0x2];
	[bflag:$0x3] =	sbarrier.arrive $0xFFFF;
	s2 =	simm.s32 @!p0 $0x1C01  }
0xc0: {  	[timem:s3], [sflag:s2] =	dma.local @!p0 [hbm:s0], s1  }
0xc1: {  	s0 =	simm.s32 @!p0 $0x1  }
0xc2: {  	_ =	swait.ge @!p0 [sflag:s0], s1  }
0xc3: {  	s1 =	ssub.s32 @!p0 $0x0, s1;
	[sflag:s0] =	ssyncset.done @!p0 $0x0  }
0xc4: {  	[sflag:s0] =	ssyncadd.s32 @!p0 s1  }
0xc5: {  	[bflag:$0x3] =	sbarrier.arrive $0xFFFF  }
0xc6: {  	_ =	shalt  }

// kernel: kernel.19.cloned.1.call-start
scs
__scs_entry_jumppad:
0x0: {  	(pc) =	sbr.rel $0x88, $3  }
0x1: {  	(tag) =	ssettag $0x0;
	lr =	simm.s32 $0x1  }
0x2: {  	[smem:$0x3F86] =	sst lr;
	_ =	strace $0xD0000000  }
0x3: {  	_ = 	snop  }
0x4: {  	_ = 	snop  }
0x5: {  	_ = 	snop  }
0x6: {  	_ = 	snop  }
0x7: {  	_ = 	snop  }
__scs_overlays_trampoline_lowered:
0x8: {  	[smem:$0x3F95] =	sst s0  }
0x9: {  	[smem:$0x3F96] =	sst s1  }
0xa: {  	[smem:$0x3F97] =	sst s2  }
0xb: {  	[smem:$0x3F98] =	sst s3  }
0xc: {  	[smem:$0x3F99] =	sst s4  }
0xd: {  	[smem:$0x3F9A] =	sst s5  }
0xe: {  	[smem:$0x3F9B] =	sst s6  }
0xf: {  	[smem:$0x3F9C] =	sst s7  }
0x10: {  	[smem:$0x3F9D] =	sst s8  }
0x11: {  	[smem:$0x3F9E] =	sst s9;
	s0 =	simm.s32 @!p0 $0x0  }
0x12: {  	s1 =	sld [smem:$0x3F84];
	s0 =	simm.s32 @p0 $0x1  }
0x13: {  	[smem:$0x3F9F] =	sst s0;
	s0 =	simm.s32 @!p1 $0x0  }
0x14: {  	s2 =	sld [smem:$0x3F83];
	s0 =	simm.s32 @p1 $0x1  }
0x15: {  	[smem:$0x3FA0] =	sst s0;
	s0 =	simm.s32 @!p2 $0x0  }
0x16: {  	s3 =	sld [smem:$0x3FDB];
	s0 =	simm.s32 @p2 $0x1  }
0x17: {  	s4 =	simm.s32 $0x1BF5;
	[smem:$0x3FA2] =	sst s0  }
0x18: {  	s0 =	sld [smem:$0x3F85];
	_ =	swait.ge [sflag:s4], $0x0  }
0x19: {  	s7 =	sld [smem:$0x3F86]  }
0x1a: {  	s8 =	sadd.s32 $0xFFFFE003, lr  }
0x1b: {  	s9 =	sadd.s32 $0xFFFFFEF7, lr;
	s5 =	simm.s32 $0xFFFFFFFF;
	p2 =	slt.u32 s8, $0xFFFFF086  }
0x1c: {  	p1 =	slt.u32 s9, $0xF7A;
	s5 =	simm.s32 @!p2 $0x0  }
0x1d: {  	s5 =	simm.s32 @p1 $0x1;
	p0 =	seq.s32 s7, s2  }
0x1e: {  	s7 =	smul.u32 @!p0 $0xF7A, s2;
	p2 =	seq.s32 @!p0 s5, $0x0  }
0x1f: {  	s9 =	smul.u32 $0xF7A, s1;
	s8 =	simm.s32 @!p0 $0x1BF5;
	p2 =	por !p2, p0  }
0x20: {  	[sflag:s8] =	ssyncset.s32 @!p0 $0xFFFFF086;
	s6 =	sadd.s32 @!p0 s3, s7;
	s7 =	simm.s32 @!p0 $0x108  }
0x21: {  	s3 =	sadd.s32 s3, s9;
	s6 =	sadd.s32 @!p0 $0x88, s6;
	s7 =	simm.s32 @p2 $0x1082  }
0x22: {  	[simem:s7], [sflag:s8] =	dma.local @!p0 [hbm:s6], $0xF7A  }
0x23: {  	s9 =	sor.u32 $0xD0000000, s2;
	s6 =	simm.s32 $0x108;
	_ =	swait.ge @!p0 [sflag:s8], $0x0  }
0x24: {  	s3 =	sadd.s32 $0x88, s3;
	s6 =	simm.s32 @!p1 $0x1082;
	[sflag:s4] =	ssyncset.s32 $0xFFFFF086  }
0x25: {  	[simem:s6], [sflag:s4] =	dma.local [hbm:s3], $0xF7A  }
0x26: {  	[smem:$0x3F86] =	sst s1;
	(tag) =	ssettag s2;
	_ =	strace s9  }
0x27: {  	s1 =	sld [smem:$0x3F96]  }
0x28: {  	s2 =	sld [smem:$0x3F97]  }
0x29: {  	s4 =	sld [smem:$0x3F99]  }
0x2a: {  	p0 =	seq.s32 s5, $0x0;
	s5 =	sld [smem:$0x3F9A]  }
0x2b: {  	s6 =	sld [smem:$0x3F9B]  }
0x2c: {  	s7 =	sld [smem:$0x3F9C]  }
0x2d: {  	s3 =	simm.s32 $0x108;
	s8 =	sld [smem:$0x3F9D]  }
0x2e: {  	s3 =	simm.s32 @!p0 $0x1082;
	s9 =	sld [smem:$0x3F9E]  }
0x2f: {  	lr =	sadd.s32 s0, s3;
	s0 =	sld [smem:$0x3F95]  }
0x30: {  	s3 =	sld [smem:$0x3F98]  }
0x31: {  	[smem:$0x3FA1] =	sst s10  }
0x32: {  	s10 =	sld [smem:$0x3F9F];
	_ =	sdelay $0x3  }
0x33: {  	p0 =	seq.s32 s10, $0x1;
	s10 =	sld [smem:$0x3FA1];
	_ =	sdelay $0x3  }
0x34: {  	[smem:$0x3FA1] =	sst s10  }
0x35: {  	s10 =	sld [smem:$0x3FA0];
	_ =	sdelay $0x3  }
0x36: {  	p1 =	seq.s32 s10, $0x1;
	s10 =	sld [smem:$0x3FA1];
	_ =	sdelay $0x3  }
0x37: {  	[smem:$0x3FA1] =	sst s10  }
0x38: {  	s10 =	sld [smem:$0x3FA2]  }
0x39: {  	_ = 	snop;
	(pc) =	sbr.ind lr, $3  }
0x3a: {  	_ = 	snop  }
0x3b: {  	_ = 	snop  }
0x3c: {  	p2 =	seq.s32 s10, $0x1;
	s10 =	sld [smem:$0x3FA1]  }
0x3d: {  	_ =	shalt  }
0x3e: {  	_ =	shalt  }
0x3f: {  	_ =	shalt  }
0x40: {  	_ =	shalt  }
0x41: {  	_ =	shalt  }
0x42: {  	_ =	shalt  }
0x43: {  	_ =	shalt  }
0x44: {  	_ =	shalt  }
0x45: {  	_ =	shalt  }
0x46: {  	_ =	shalt  }
0x47: {  	_ =	shalt  }
0x48: {  	_ =	shalt  }
0x49: {  	_ =	shalt  }
0x4a: {  	_ =	shalt  }
0x4b: {  	_ =	shalt  }
0x4c: {  	_ =	shalt  }
0x4d: {  	_ =	shalt  }
0x4e: {  	_ =	shalt  }
0x4f: {  	_ =	shalt  }
0x50: {  	_ =	shalt  }
0x51: {  	_ =	shalt  }
0x52: {  	_ =	shalt  }
0x53: {  	_ =	shalt  }
0x54: {  	_ =	shalt  }
0x55: {  	_ =	shalt  }
0x56: {  	_ =	shalt  }
0x57: {  	_ =	shalt  }
0x58: {  	_ =	shalt  }
0x59: {  	_ =	shalt  }
0x5a: {  	_ =	shalt  }
0x5b: {  	_ =	shalt  }
0x5c: {  	_ =	shalt  }
0x5d: {  	_ =	shalt  }
0x5e: {  	_ =	shalt  }
0x5f: {  	_ =	shalt  }
0x60: {  	_ =	shalt  }
0x61: {  	_ =	shalt  }
0x62: {  	_ =	shalt  }
0x63: {  	_ =	shalt  }
0x64: {  	_ =	shalt  }
0x65: {  	_ =	shalt  }
0x66: {  	_ =	shalt  }
0x67: {  	_ =	shalt  }
0x68: {  	_ =	shalt  }
0x69: {  	_ =	shalt  }
0x6a: {  	_ =	shalt  }
0x6b: {  	_ =	shalt  }
0x6c: {  	_ =	shalt  }
0x6d: {  	_ =	shalt  }
0x6e: {  	_ =	shalt  }
0x6f: {  	_ =	shalt  }
0x70: {  	_ =	shalt  }
0x71: {  	_ =	shalt  }
0x72: {  	_ =	shalt  }
0x73: {  	_ =	shalt  }
0x74: {  	_ =	shalt  }
0x75: {  	_ =	shalt  }
0x76: {  	_ =	shalt  }
0x77: {  	_ =	shalt  }
0x78: {  	_ =	shalt  }
0x79: {  	_ =	shalt  }
0x7a: {  	_ =	shalt  }
0x7b: {  	_ =	shalt  }
0x7c: {  	_ =	shalt  }
0x7d: {  	_ =	shalt  }
0x7e: {  	_ =	shalt  }
0x7f: {  	_ =	shalt  }
0x80: {  	_ =	shalt  }
0x81: {  	_ =	shalt  }
0x82: {  	_ =	shalt  }
0x83: {  	_ =	shalt  }
0x84: {  	_ =	shalt  }
0x85: {  	_ =	shalt  }
0x86: {  	_ =	shalt  }
0x87: {  	_ =	shalt  }
.Lfunc_end0:
.L_simem_size_0:
called_computation.4_lowered:
.L_overlay_start_0:
0x88: {  	s2 =	sld [smem:$0x3FD9]  }
0x89: {  	s3 =	sld [smem:$0x3FFE];
	_ =	sdelay $0x1  }
0x8a: {  	s1 =	srdreg.scid  }
0x8b: {  	s0 =	sand.u32 $0x1, s1  }
0x8c: {  	s17 =	sshll.u32 s0, $0xA;
	s2 =	sadd.s32 s3, s2  }
0x8d: {  	s2 =	sadd.s32 s2, s17  }
0x8e: {  	[smem:$0x3FAD] =	sst s2  }
0x8f: {  	_ = 	snop  }
0x90: {  	(tm) =	ssettm $0x1  }
0x91: {  	s18 =	sld [smem:$0x3FFB];
	_ =	sdelay $0x3  }
0x92: {  	_ =	strace s18  }
0x93: {  	s2 =	sld [smem:$0x3FFC];
	_ =	sdelay $0x3  }
0x94: {  	_ =	strace s2  }
0x95: {  	s2 =	sld [smem:$0x3FFD];
	_ =	sdelay $0x3  }
0x96: {  	_ =	strace s2  }
0x97: {  	_ =	strace $0x8FFFFFFF  }
0x98: {  	s19 =	sld [smem:$0x3FDB];
	_ =	sdelay $0x1  }
0x99: {  	s20 =	simm.s32 $_scs_section_size  }
0x9a: {  	s4 =	simm.s32 $_size__tile_overlayer_lowered;
	s5 =	simm.s32 $_tile_overlayer_lowered  }
0x9b: {  	s6 =	simm.s32 $0x1BFF;
	s21 =	sshll.u32 s5, $0x1;
	s3 =	sadd.s32 s20, s19  }
0x9c: {  	s22 =	simm.s32 $0x0;
	s4 =	sshll.u32 s4, $0x1;
	s5 =	sadd.s32 s21, s3  }
0x9d: {  	[timem:s22], [sflag:s6] =	dma.local [hbm:s5], s4  }
0x9e: {  	_ =	swait.ge [sflag:s6], s4  }
0x9f: {  	s4 =	ssub.s32 $0x0, s4;
	[sflag:s6] =	ssyncset.done $0x0  }
0xa0: {  	[sflag:s6] =	ssyncadd.s32 s4;
	_ =	sdelay $0x1  }
0xa1: {  	s23 =	simm.s32 $0x1B8B  }
0xa2: {  	_ =	swait.ge [sflag:s23], $0x1  }
0xa3: {  	[sflag:s23] =	ssyncset.done $0x0  }
0xa4: {  	[sflag:s23] =	ssyncadd.s32 $0xFFFFFFFF  }
0xa5: {  	s4 =	sld [smem:$0x0]  }
0xa6: {  	s5 =	sand.u32 $0xFFFFFFFE, s1  }
0xa7: {  	p0 =	sne.s32 s1, s5  }
0xa8: {  	s5 =	sshll.u32 @p0 s5, $0xE  }
0xa9: {  	s5 =	sadd.s32 @p0 $0x11B8D, s5;
	s6 =	sshll.u32 @p0 s4, $0x11  }
0xaa: {  	s5 =	sor.u32 @p0 s6, s5  }
0xab: {  	[sflag:s5] =	ssyncadd.remote.s32 @p0 $0x1;
	_ =	sdelay $0x1  }
0xac: {  	s5 =	simm.s32 @p0 $0x1B8D  }
0xad: {  	_ =	swait.eq @p0 [sflag:s5], $0x1  }
0xae: {  	[sflag:s5] =	ssyncadd.s32 @p0 $0xFFFFFFFF  }
0xaf: {  	s6 =	sshll.u32 @!p0 s1, $0xE  }
0xb0: {  	s6 =	sor.u32 @!p0 $0x4000, s6;
	s5 =	simm.s32 @!p0 $0x1B8D  }
0xb1: {  	s4 =	sshll.u32 @!p0 s4, $0x11;
	s6 =	sadd.s32 @!p0 $0x11B8D, s6;
	_ =	swait.eq @!p0 [sflag:s5], $0x1  }
0xb2: {  	s4 =	sor.u32 @!p0 s4, s6;
	[sflag:s5] =	ssyncadd.s32 @!p0 $0xFFFFFFFF  }
0xb3: {  	s25 =	simm.s32 $0x1B8E;
	s24 =	sld [smem:$0x3FFE];
	[sflag:s4] =	ssyncadd.remote.s32 @!p0 $0x1  }
0xb4: {  	s26 =	simm.s32 $execute0_lowered;
	[smem:$0x3FD2] =	sst s25  }
0xb5: {  	s5 =	sshll.u32 s26, $0x1;
	_ =	strace $0x80000055;
	[dreg:$0x1] =	wrdreg $0xFFFFFFFF  }
0xb6: {  	s28 =	simm.s32 $_size_execute0_lowered;
	s3 =	sadd.s32 s3, s5;
	[dreg:$0x0] =	wrdreg $0x0  }
0xb7: {  	s5 =	sshll.u32 s28, $0x1;
	[dreg:$0x2] =	wrdreg s3  }
0xb8: {  	[dreg:$0x3] =	wrdreg s5  }
0xb9: {  	[dreg:$0x4] =	wrdreg $0xC0  }
0xba: {  	_ =	task [dreg:s22], $0x5FFFF  }
0xbb: {  	[dreg:$0x1] =	wrdreg $0xFFFFFFFF  }
0xbc: {  	[dreg:$0x0] =	wrdreg $0x60  }
0xbd: {  	[dreg:$0x2] =	wrdreg s24  }
0xbe: {  	[dreg:$0x3] =	wrdreg $0xE0000  }
0xbf: {  	[dreg:$0x4] =	wrdreg $0x9  }
0xc0: {  	_ =	task.clear_ibuf [dreg:s22], $0x5FFFF;
	_ =	strace $0x90000055  }
0xc1: {  	s29 =	simm.s32 $0x9;
	_ =	strace $0x80000057  }
0xc2: {  	_ =	swait.ge [sflag:s29], $0x1  }
0xc3: {  	[sflag:s29] =	ssyncadd.s32 $0xFFFFFFFF  }
0xc4: {  	_ =	strace $0x90000057  }
0xc5: {  	_ =	sfence  }
0xc6: {  	s30 =	sld [smem:$0x0];
	_ =	sdelay $0x2  }
0xc7: {  	s31 =	sshll.u32 s1, $0xD;
	s1 =	sshrl.u32 s1, $0x2  }
0xc8: {  	s4 =	sand.u32 $0x4000, s31;
	s1 =	sadd.s32 s1, s30  }
0xc9: {  	s0 =	sor.u32 s4, s0;
	s1 =	sshll.u32 s1, $0x11  }
0xca: {  	s0 =	sor.u32 s1, s0  }
0xcb: {  	s0 =	sadd.s32 $0x8F2B, s0  }
0xcc: {  	[sflag:s0] =	ssyncadd.remote.s32 $0x1  }
0xcd: {  	_ =	sfence.sel $0xFFFF  }
0xce: {  	[dreg:$0x0] =	wrdreg $0xFFFFFFFF;
	(pc) =	sbr.abs _section_cstart, $3  }
0xcf: {  	[dreg:$0x1] =	wrdreg $0xFFFFFFFF  }
0xd0: {  	_ =	task.clear_ibuf [dreg:s22], $0x2FFFF;
	_ =	strace $0x9FFFFFFF  }
0xd1: {  	(tm) =	ssettm $0x7FFFFFFF  }
tec
execute0_lowered:
.L_overlay_start_1:
0x0: {  	(tag) =	ssettag $0x1  }
0x1: {  	s0 =	rddreg [dreg:$0x0]  }
0x2: {  	s1 =	rddreg [dreg:$0x1]  }
0x3: {  	s2 =	srdreg.scid;
	s10 =	simm.s32 $0x0;
	s5 =	stileid.u32  }
0x4: {  	s20 =	simm.s32 $0x5;
	s22 =	simm.s32 $0xD000;
	s29 =	simm.s32 $0x9000  }
0x5: {  	s30 =	simm.s32 $0xB000;
	s31 =	simm.s32 $0x1;
	s21 =	simm.s32 $0x3  }
0x6: {  	s2 =	sand.u32 $0x1, s2;
	[smem:$0x7FF] =	sst s10;
	s7 =	smul.u32 $0x28000, s5  }
0x7: {  	s4 =	sadd.s32 $0x3E4400, s0;
	s24 =	smul.u32 $0x14000, s5;
	s3 =	sshll.u32 s2, $0x4  }
0x8: {  	_ =	strace $0x80000056;
	s6 =	ssub.s32 $0x2, s2;
	s2 =	smul.u32 $0xA00000, s2  }
0x9: {  	s3 =	sor.u32 s5, s3;
	s8 =	sshrl.u32 s6, $0x1;
	s26 =	sshrl.u32 s7, $0x2  }
0xa: {  	s28 =	sshrl.u32 s24, $0x1;
	s3 =	smul.u32 $0x500, s3;
	s23 =	ssub.s32 s6, s8  }
0xb: {  	s8 =	sadd.s32 s26, s1;
	s9 =	sor.u32 s2, s24;
	s2 =	sadd.s32 s28, s1  }
0xc: {  	s24 =	simm.s32 $0x5000;
	s26 =	simm.s32 $0x7000;
	s6 =	simm.s32 $0x4  }
0xd: {  	s11 =	sadd.s32 $0x1000, s8;
	s12 =	sadd.s32 $0x2000, s8;
	s13 =	sadd.s32 $0x3000, s8  }
0xe: {  	s14 =	sadd.s32 $0x4000, s8;
	s15 =	sadd.s32 $0x5000, s8;
	s16 =	sadd.s32 $0x6000, s8  }
0xf: {  	s17 =	sadd.s32 $0x7000, s8;
	s3 =	sadd.s32 s3, s0;
	s0 =	sadd.s32 $0x484400, s0  }
0x10: {  	s18 =	sadd.s32 $0x8000, s8;
	[dreg:$0x4] =	wrdreg s0;
	s25 =	sadd.s32 $0xA4400, s3  }
0x11: {  	s19 =	sadd.s32 $0x9000, s8;
	s3 =	sadd.s32 $0x2D400, s3;
	[dreg:$0x5] =	wrdreg s25  }
0x12: {  	s0 =	smax.u32 s23, $0x1;
	s23 =	simm.s32 $0x80;
	[dreg:$0x6] =	wrdreg s3  }
0x13: {  	v0 =	vimm.bf16 $0.0e+00;
	[dreg:$0x7] =	wrdreg s0;
	s25 =	sshrl.u32 s2, $0x3;
	s0 =	simm.s32 $0x2  }
.LBB2_1:
0x14: {  	[dreg:$0x3] =	wrdreg s10;
	s3 =	simm.s32 $0x100;
	s2 =	simm.s32 $0x0  }
.LBB2_2:
0x15: {  	p0 =	sne.s32 s3, $0x3F00;
	[tilespmem:s2+$0xD030] =	vst v0;
	s7 =	smov.u32 s3;
	s3 =	sadd.s32 $0x100, s3  }
.Ltmp0:
0x16: {  	[tilespmem:s2+$0xD020] =	vst v0;
	(pc) =	sbr.rel @p0 .LBB2_2-.Ltmp0, $3  }
0x17: {  	[tilespmem:s2+$0xD000] =	vst v0  }
0x18: {  	[tilespmem:s2+$0xD010] =	vst v0;
	_ =	sdelay $0x1  }
0x19: {  	s2 =	sshra.s32 s7, $0x2  }
0x1a: {  	[tilespmem:s2+$0xD030] =	vst v0  }
0x1b: {  	[tilespmem:s2+$0xD020] =	vst v0  }
0x1c: {  	[tilespmem:s2+$0xD000] =	vst v0  }
0x1d: {  	[tilespmem:s2+$0xD010] =	vst v0;
	s5 =	simm.s32 $0x0;
	s10 =	rddreg [dreg:$0x5]  }
0x1e: {  	[tilespmem:s5], [sflag:$0x5] =	stream.linear.gather [hbm4b:s10+s5], $0x2800, $0x38;
	[tilespmem:$0x18000] =	vst v63  }
0x1f: {  	_ =	swait.ge [sflag:s20], $0x2800  }
0x20: {  	[sflag:s20] =	ssyncset.done $0x0  }
0x21: {  	s3 =	simm.s32 $0x2800;
	s28 =	rddreg [dreg:$0x6];
	[sflag:s20] =	ssyncadd.s32 $0xFFFFD800  }
0x22: {  	[tilespmem:s3], [sflag:$0x5] =	stream.linear.gather [hbm4b:s28+s5], $0x2800, $0x38;
	[tilespmem:$0x18000] =	vst v63  }
0x23: {  	_ =	swait.ge [sflag:s20], $0x2800  }
0x24: {  	[sflag:s20] =	ssyncset.done $0x0  }
0x25: {  	s10 =	simm.s32 $0x0;
	[sflag:s20] =	ssyncadd.s32 $0xFFFFD800  }
.LBB2_4:
0x26: {  	p0 =	seq.s32 s10, $0x0  }
.Ltmp1:
0x27: {  	_ = 	snop;
	(pc) =	sbr.rel @p0 .LBB2_8-.Ltmp1, $1  }
0x28: {  	_ =	sdelay $0x3  }
0x29: {  	s3 =	simm.s32 $0x0  }
0x2a: {  	s2 =	sshrl.u32 s3, $0x2  }
0x2b: {  	s2 =	sand.u32 $0x3FF0, s2  }
0x2c: {  	v1 =	vld [tilespmem:s2+$0x0];
	_ =	sdelay $0x3  }
0x2d: {  	s3 =	sadd.s32 $0x40, s3  }
0x2e: {  	s7 =	sshrl.u32 s3, $0x2;
	s3 =	sadd.s32 $0x40, s3;
	v1 =	vadd.s32 $0x2800, v1  }
.LBB2_6:
0x2f: {  	p0 =	sne.s32 s3, $0x9FC0;
	[tilespmem:s2+$0x0] =	vst v1;
	s2 =	sand.u32 $0x3FF0, s7  }
0x30: {  	v1 =	vld [tilespmem:s2+$0x0]  }
.Ltmp2:
0x31: {  	(pc) =	sbr.rel @p0 .LBB2_6-.Ltmp2, $2  }
0x32: {  	_ =	sdelay $0x2  }
0x33: {  	s7 =	sshrl.u32 s3, $0x2;
	s3 =	sadd.s32 $0x40, s3;
	v1 =	vadd.s32 $0x2800, v1  }
0x34: {  	s3 =	sand.u32 $0x3FF0, s7;
	[tilespmem:s2+$0x0] =	vst v1  }
0x35: {  	v1 =	vld [tilespmem:s3+$0x0];
	_ =	sdelay $0x4  }
0x36: {  	v1 =	vadd.s32 $0x2800, v1  }
0x37: {  	[tilespmem:s3+$0x0] =	vst v1  }
.LBB2_8:
0x38: {  	[spmem:s8] =	stream.linear.scatter [tilespmem:s22], [sflag:$0x5], $0x1000, $0x38;
	[tilespmem:$0x18000] =	vst v63  }
0x39: {  	_ =	swait.ge [sflag:s20], $0x1000  }
0x3a: {  	[sflag:s20] =	ssyncset.done $0x0  }
0x3b: {  	[sflag:s20] =	ssyncadd.s32 $0xFFFFF000  }
0x3c: {  	[spmem:s11] =	stream.linear.scatter [tilespmem:s22], [sflag:$0x5], $0x1000, $0x38;
	[tilespmem:$0x18000] =	vst v63  }
0x3d: {  	_ =	swait.ge [sflag:s20], $0x1000  }
0x3e: {  	[sflag:s20] =	ssyncset.done $0x0  }
0x3f: {  	[sflag:s20] =	ssyncadd.s32 $0xFFFFF000  }
0x40: {  	[spmem:s12] =	stream.linear.scatter [tilespmem:s22], [sflag:$0x5], $0x1000, $0x38;
	[tilespmem:$0x18000] =	vst v63  }
0x41: {  	_ =	swait.ge [sflag:s20], $0x1000  }
0x42: {  	[sflag:s20] =	ssyncset.done $0x0  }
0x43: {  	[sflag:s20] =	ssyncadd.s32 $0xFFFFF000  }
0x44: {  	[spmem:s13] =	stream.linear.scatter [tilespmem:s22], [sflag:$0x5], $0x1000, $0x38;
	[tilespmem:$0x18000] =	vst v63  }
0x45: {  	_ =	swait.ge [sflag:s20], $0x1000  }
0x46: {  	[sflag:s20] =	ssyncset.done $0x0  }
0x47: {  	[sflag:s20] =	ssyncadd.s32 $0xFFFFF000  }
0x48: {  	[spmem:s14] =	stream.linear.scatter [tilespmem:s22], [sflag:$0x5], $0x1000, $0x38;
	[tilespmem:$0x18000] =	vst v63  }
0x49: {  	_ =	swait.ge [sflag:s20], $0x1000  }
0x4a: {  	[sflag:s20] =	ssyncset.done $0x0  }
0x4b: {  	[sflag:s20] =	ssyncadd.s32 $0xFFFFF000  }
0x4c: {  	[spmem:s15] =	stream.linear.scatter [tilespmem:s22], [sflag:$0x5], $0x1000, $0x38;
	[tilespmem:$0x18000] =	vst v63  }
0x4d: {  	_ =	swait.ge [sflag:s20], $0x1000  }
0x4e: {  	[sflag:s20] =	ssyncset.done $0x0  }
0x4f: {  	[sflag:s20] =	ssyncadd.s32 $0xFFFFF000  }
0x50: {  	[spmem:s16] =	stream.linear.scatter [tilespmem:s22], [sflag:$0x5], $0x1000, $0x38;
	[tilespmem:$0x18000] =	vst v63  }
0x51: {  	_ =	swait.ge [sflag:s20], $0x1000  }
0x52: {  	[sflag:s20] =	ssyncset.done $0x0  }
0x53: {  	[sflag:s20] =	ssyncadd.s32 $0xFFFFF000  }
0x54: {  	[spmem:s17] =	stream.linear.scatter [tilespmem:s22], [sflag:$0x5], $0x1000, $0x38;
	[tilespmem:$0x18000] =	vst v63  }
0x55: {  	_ =	swait.ge [sflag:s20], $0x1000  }
0x56: {  	[sflag:s20] =	ssyncset.done $0x0  }
0x57: {  	[sflag:s20] =	ssyncadd.s32 $0xFFFFF000  }
0x58: {  	[spmem:s18] =	stream.linear.scatter [tilespmem:s22], [sflag:$0x5], $0x1000, $0x38;
	[tilespmem:$0x18000] =	vst v63  }
0x59: {  	_ =	swait.ge [sflag:s20], $0x1000  }
0x5a: {  	[sflag:s20] =	ssyncset.done $0x0  }
0x5b: {  	[sflag:s20] =	ssyncadd.s32 $0xFFFFF000  }
0x5c: {  	[spmem:s19] =	stream.linear.scatter [tilespmem:s22], [sflag:$0x5], $0x1000, $0x38;
	[tilespmem:$0x18000] =	vst v63  }
0x5d: {  	_ =	swait.ge [sflag:s20], $0x1000  }
0x5e: {  	[sflag:s20] =	ssyncset.done $0x0  }
0x5f: {  	[sflag:s20] =	ssyncadd.s32 $0xFFFFF000  }
0x60: {  	s2 =	simm.s32 $0x0;
	[bflag:$0x0] =	sbarrier.arrive $0xFFFF  }
0x61: {  	[tilespmem:s24], [sflag:$0x1] =	stream.indirect.gather [hbm4b:s4+s23], $0x40, s2, s23, $0xb8;
	[tilespmem:$0x18000] =	vst v63  }
0x62: {  	_ = 	snop  }
0x63: {  	[tilespmem:s26], [sflag:$0x2] =	stream.indirect.gather [hbm4b:s4+s23], $0x40, s23, s23, $0xb8;
	[tilespmem:$0x18000] =	vst v63  }
0x64: {  	s28 =	simm.s32 $0x100  }
0x65: {  	[tilespmem:s29], [sflag:$0x3] =	stream.indirect.gather [hbm4b:s4+s23], $0x40, s28, s23, $0xb8;
	[tilespmem:$0x18000] =	vst v63  }
0x66: {  	s3 =	simm.s32 $0x180  }
0x67: {  	[tilespmem:s30], [sflag:$0x4] =	stream.indirect.gather [hbm4b:s4+s23], $0x40, s3, s23, $0xb8;
	[tilespmem:$0x18000] =	vst v63  }
0x68: {  	_ =	swait.ge [sflag:s31], $0x2000  }
0x69: {  	[sflag:s31] =	ssyncset.done $0x0  }
0x6a: {  	s5 =	simm.s32 $0x2800;
	[sflag:s31] =	ssyncadd.s32 $0xFFFFE000  }
0x6b: {  	[spmem:s1] =	stream.indirect.scatter.add.bf16 [tilespmem:s24], [sflag:$0x5], $0x40, s5, s23, $0xb8;
	[tilespmem:$0x18000] =	vst v63  }
0x6c: {  	_ =	swait.ge [sflag:s20], $0x2000  }
0x6d: {  	[sflag:s20] =	ssyncset.done $0x0  }
0x6e: {  	s7 =	simm.s32 $0x200;
	[sflag:s20] =	ssyncadd.s32 $0xFFFFE000  }
0x6f: {  	[tilespmem:s24], [sflag:$0x1] =	stream.indirect.gather [hbm4b:s4+s23], $0x40, s7, s23, $0xb8;
	[tilespmem:$0x18000] =	vst v63  }
0x70: {  	_ =	swait.ge [sflag:s0], $0x2000  }
0x71: {  	[sflag:s0] =	ssyncset.done $0x0  }
0x72: {  	s28 =	simm.s32 $0x2880;
	[sflag:s0] =	ssyncadd.s32 $0xFFFFE000  }
0x73: {  	[spmem:s1] =	stream.indirect.scatter.add.bf16 [tilespmem:s26], [sflag:$0x5], $0x40, s28, s23, $0xb8;
	[tilespmem:$0x18000] =	vst v63  }
0x74: {  	_ =	swait.ge [sflag:s20], $0x2000  }
0x75: {  	[sflag:s20] =	ssyncset.done $0x0  }
0x76: {  	s3 =	simm.s32 $0x280;
	[sflag:s20] =	ssyncadd.s32 $0xFFFFE000  }
0x77: {  	[tilespmem:s26], [sflag:$0x2] =	stream.indirect.gather [hbm4b:s4+s23], $0x40, s3, s23, $0xb8;
	[tilespmem:$0x18000] =	vst v63  }
0x78: {  	_ =	swait.ge [sflag:s21], $0x2000  }
0x79: {  	[sflag:s21] =	ssyncset.done $0x0  }
0x7a: {  	s5 =	simm.s32 $0x2900;
	[sflag:s21] =	ssyncadd.s32 $0xFFFFE000  }
0x7b: {  	[spmem:s1] =	stream.indirect.scatter.add.bf16 [tilespmem:s29], [sflag:$0x5], $0x40, s5, s23, $0xb8;
	[tilespmem:$0x18000] =	vst v63  }
0x7c: {  	_ =	swait.ge [sflag:s20], $0x2000  }
0x7d: {  	[sflag:s20] =	ssyncset.done $0x0  }
0x7e: {  	s7 =	simm.s32 $0x300;
	[sflag:s20] =	ssyncadd.s32 $0xFFFFE000  }
0x7f: {  	[tilespmem:s29], [sflag:$0x3] =	stream.indirect.gather [hbm4b:s4+s23], $0x40, s7, s23, $0xb8;
	[tilespmem:$0x18000] =	vst v63  }
0x80: {  	_ =	swait.ge [sflag:s6], $0x2000  }
0x81: {  	[sflag:s6] =	ssyncset.done $0x0  }
0x82: {  	s28 =	simm.s32 $0x2980;
	[sflag:s6] =	ssyncadd.s32 $0xFFFFE000  }
0x83: {  	[spmem:s1] =	stream.indirect.scatter.add.bf16 [tilespmem:s30], [sflag:$0x5], $0x40, s28, s23, $0xb8;
	[tilespmem:$0x18000] =	vst v63  }
0x84: {  	_ =	swait.ge [sflag:s20], $0x2000  }
0x85: {  	s2 =	simm.s32 $0x1000;
	s3 =	simm.s32 $0x200;
	[sflag:s20] =	ssyncset.done $0x0  }
.LBB2_9:
0x86: {  	s5 =	sadd.s32 $0x180, s3  }
0x87: {  	[sflag:s20] =	ssyncadd.s32 $0xFFFFE000;
	s28 =	smov.u32 s2;
	s7 =	sadd.s32 $0x800, s2  }
0x88: {  	[tilespmem:s30], [sflag:$0x4] =	stream.indirect.gather [hbm4b:s4+s23], $0x40, s5, s23, $0xb8;
	[tilespmem:$0x18000] =	vst v63  }
0x89: {  	p0 =	sne.s32 s2, $0x9000;
	_ =	swait.ge [sflag:s31], $0x2000  }
0x8a: {  	[sflag:s31] =	ssyncset.done $0x0  }
0x8b: {  	s2 =	sadd.s32 $0x2800, s3;
	[sflag:s31] =	ssyncadd.s32 $0xFFFFE000  }
0x8c: {  	[spmem:s1] =	stream.indirect.scatter.add.bf16 [tilespmem:s24], [sflag:$0x5], $0x40, s2, s23, $0xb8;
	[tilespmem:$0x18000] =	vst v63  }
0x8d: {  	_ =	swait.ge [sflag:s20], $0x2000  }
0x8e: {  	[sflag:s20] =	ssyncset.done $0x0  }
0x8f: {  	s2 =	sadd.s32 $0x200, s3;
	[sflag:s20] =	ssyncadd.s32 $0xFFFFE000  }
0x90: {  	[tilespmem:s24], [sflag:$0x1] =	stream.indirect.gather [hbm4b:s4+s23], $0x40, s2, s23, $0xb8;
	[tilespmem:$0x18000] =	vst v63  }
0x91: {  	_ =	swait.ge [sflag:s0], $0x2000  }
0x92: {  	[sflag:s0] =	ssyncset.done $0x0  }
0x93: {  	s2 =	sadd.s32 $0x2880, s3;
	[sflag:s0] =	ssyncadd.s32 $0xFFFFE000  }
0x94: {  	[spmem:s1] =	stream.indirect.scatter.add.bf16 [tilespmem:s26], [sflag:$0x5], $0x40, s2, s23, $0xb8;
	[tilespmem:$0x18000] =	vst v63  }
0x95: {  	_ =	swait.ge [sflag:s20], $0x2000  }
0x96: {  	[sflag:s20] =	ssyncset.done $0x0  }
0x97: {  	s2 =	sadd.s32 $0x280, s3;
	[sflag:s20] =	ssyncadd.s32 $0xFFFFE000  }
0x98: {  	[tilespmem:s26], [sflag:$0x2] =	stream.indirect.gather [hbm4b:s4+s23], $0x40, s2, s23, $0xb8;
	[tilespmem:$0x18000] =	vst v63  }
0x99: {  	_ =	swait.ge [sflag:s21], $0x2000  }
0x9a: {  	[sflag:s21] =	ssyncset.done $0x0  }
0x9b: {  	s2 =	sadd.s32 $0x2900, s3;
	[sflag:s21] =	ssyncadd.s32 $0xFFFFE000  }
0x9c: {  	[spmem:s1] =	stream.indirect.scatter.add.bf16 [tilespmem:s29], [sflag:$0x5], $0x40, s2, s23, $0xb8;
	[tilespmem:$0x18000] =	vst v63  }
0x9d: {  	_ =	swait.ge [sflag:s20], $0x2000  }
0x9e: {  	[sflag:s20] =	ssyncset.done $0x0  }
0x9f: {  	s2 =	sadd.s32 $0x300, s3;
	[sflag:s20] =	ssyncadd.s32 $0xFFFFE000  }
0xa0: {  	[tilespmem:s29], [sflag:$0x3] =	stream.indirect.gather [hbm4b:s4+s23], $0x40, s2, s23, $0xb8;
	[tilespmem:$0x18000] =	vst v63  }
0xa1: {  	_ =	swait.ge [sflag:s6], $0x2000  }
.Ltmp3:
0xa2: {  	[sflag:s6] =	ssyncset.done $0x0;
	(pc) =	sbr.rel @p0 .LBB2_9-.Ltmp3, $4  }
0xa3: {  	s2 =	sadd.s32 $0x2980, s3;
	[sflag:s6] =	ssyncadd.s32 $0xFFFFE000  }
0xa4: {  	[spmem:s1] =	stream.indirect.scatter.add.bf16 [tilespmem:s30], [sflag:$0x5], $0x40, s2, s23, $0xb8;
	[tilespmem:$0x18000] =	vst v63  }
0xa5: {  	_ =	swait.ge [sflag:s20], $0x2000  }
0xa6: {  	s3 =	sshra.s32 s28, $0x2;
	s2 =	smov.u32 s7;
	[sflag:s20] =	ssyncset.done $0x0  }
0xa7: {  	s2 =	sadd.s32 $0x180, s3;
	[sflag:s20] =	ssyncadd.s32 $0xFFFFE000  }
0xa8: {  	[tilespmem:s30], [sflag:$0x4] =	stream.indirect.gather [hbm4b:s4+s23], $0x40, s2, s23, $0xb8;
	[tilespmem:$0x18000] =	vst v63  }
0xa9: {  	_ =	swait.ge [sflag:s31], $0x2000  }
0xaa: {  	[sflag:s31] =	ssyncset.done $0x0  }
0xab: {  	s5 =	sadd.s32 $0x2800, s3;
	[sflag:s31] =	ssyncadd.s32 $0xFFFFE000  }
0xac: {  	[spmem:s1] =	stream.indirect.scatter.add.bf16 [tilespmem:s24], [sflag:$0x5], $0x40, s5, s23, $0xb8;
	[tilespmem:$0x18000] =	vst v63  }
0xad: {  	_ =	swait.ge [sflag:s20], $0x2000  }
0xae: {  	[sflag:s20] =	ssyncset.done $0x0  }
0xaf: {  	s7 =	sadd.s32 $0x200, s3;
	[sflag:s20] =	ssyncadd.s32 $0xFFFFE000  }
0xb0: {  	[tilespmem:s24], [sflag:$0x1] =	stream.indirect.gather [hbm4b:s4+s23], $0x40, s7, s23, $0xb8;
	[tilespmem:$0x18000] =	vst v63  }
0xb1: {  	_ =	swait.ge [sflag:s0], $0x2000  }
0xb2: {  	[sflag:s0] =	ssyncset.done $0x0  }
0xb3: {  	s28 =	sadd.s32 $0x2880, s3;
	[sflag:s0] =	ssyncadd.s32 $0xFFFFE000  }
0xb4: {  	[spmem:s1] =	stream.indirect.scatter.add.bf16 [tilespmem:s26], [sflag:$0x5], $0x40, s28, s23, $0xb8;
	[tilespmem:$0x18000] =	vst v63  }
0xb5: {  	_ =	swait.ge [sflag:s20], $0x2000  }
0xb6: {  	[sflag:s20] =	ssyncset.done $0x0  }
0xb7: {  	s5 =	sadd.s32 $0x280, s3;
	[sflag:s20] =	ssyncadd.s32 $0xFFFFE000  }
0xb8: {  	[tilespmem:s26], [sflag:$0x2] =	stream.indirect.gather [hbm4b:s4+s23], $0x40, s5, s23, $0xb8;
	[tilespmem:$0x18000] =	vst v63  }
0xb9: {  	_ =	swait.ge [sflag:s21], $0x2000  }
0xba: {  	[sflag:s21] =	ssyncset.done $0x0  }
0xbb: {  	s7 =	sadd.s32 $0x2900, s3;
	[sflag:s21] =	ssyncadd.s32 $0xFFFFE000  }
0xbc: {  	[spmem:s1] =	stream.indirect.scatter.add.bf16 [tilespmem:s29], [sflag:$0x5], $0x40, s7, s23, $0xb8;
	[tilespmem:$0x18000] =	vst v63  }
0xbd: {  	_ =	swait.ge [sflag:s20], $0x2000  }
0xbe: {  	[sflag:s20] =	ssyncset.done $0x0  }
0xbf: {  	s28 =	sadd.s32 $0x300, s3;
	[sflag:s20] =	ssyncadd.s32 $0xFFFFE000  }
0xc0: {  	[tilespmem:s29], [sflag:$0x3] =	stream.indirect.gather [hbm4b:s4+s23], $0x40, s28, s23, $0xb8;
	[tilespmem:$0x18000] =	vst v63  }
0xc1: {  	_ =	swait.ge [sflag:s6], $0x2000  }
0xc2: {  	[sflag:s6] =	ssyncset.done $0x0  }
0xc3: {  	s3 =	sadd.s32 $0x2980, s3;
	[sflag:s6] =	ssyncadd.s32 $0xFFFFE000  }
0xc4: {  	[spmem:s1] =	stream.indirect.scatter.add.bf16 [tilespmem:s30], [sflag:$0x5], $0x40, s3, s23, $0xb8;
	[tilespmem:$0x18000] =	vst v63  }
0xc5: {  	_ =	swait.ge [sflag:s20], $0x2000  }
0xc6: {  	[sflag:s20] =	ssyncset.done $0x0  }
0xc7: {  	s5 =	simm.s32 $0x2780;
	[sflag:s20] =	ssyncadd.s32 $0xFFFFE000  }
0xc8: {  	[tilespmem:s30], [sflag:$0x4] =	stream.indirect.gather [hbm4b:s4+s23], $0x40, s5, s23, $0xb8;
	[tilespmem:$0x18000] =	vst v63  }
0xc9: {  	_ =	swait.ge [sflag:s31], $0x2000  }
0xca: {  	[sflag:s31] =	ssyncset.done $0x0  }
0xcb: {  	s7 =	simm.s32 $0x4E00;
	[sflag:s31] =	ssyncadd.s32 $0xFFFFE000  }
0xcc: {  	[spmem:s1] =	stream.indirect.scatter.add.bf16 [tilespmem:s24], [sflag:$0x5], $0x40, s7, s23, $0xb8;
	[tilespmem:$0x18000] =	vst v63  }
0xcd: {  	_ =	swait.ge [sflag:s20], $0x2000  }
0xce: {  	[sflag:s20] =	ssyncset.done $0x0  }
0xcf: {  	[sflag:s20] =	ssyncadd.s32 $0xFFFFE000  }
0xd0: {  	_ =	swait.ge [sflag:s0], $0x2000  }
0xd1: {  	[sflag:s0] =	ssyncset.done $0x0  }
0xd2: {  	s28 =	simm.s32 $0x4E80;
	[sflag:s0] =	ssyncadd.s32 $0xFFFFE000  }
0xd3: {  	[spmem:s1] =	stream.indirect.scatter.add.bf16 [tilespmem:s26], [sflag:$0x5], $0x40, s28, s23, $0xb8;
	[tilespmem:$0x18000] =	vst v63  }
0xd4: {  	_ =	swait.ge [sflag:s20], $0x2000  }
0xd5: {  	[sflag:s20] =	ssyncset.done $0x0  }
0xd6: {  	[sflag:s20] =	ssyncadd.s32 $0xFFFFE000  }
0xd7: {  	_ =	swait.ge [sflag:s21], $0x2000  }
0xd8: {  	[sflag:s21] =	ssyncset.done $0x0  }
0xd9: {  	s3 =	simm.s32 $0x4F00;
	[sflag:s21] =	ssyncadd.s32 $0xFFFFE000  }
0xda: {  	[spmem:s1] =	stream.indirect.scatter.add.bf16 [tilespmem:s29], [sflag:$0x5], $0x40, s3, s23, $0xb8;
	[tilespmem:$0x18000] =	vst v63  }
0xdb: {  	_ =	swait.ge [sflag:s20], $0x2000  }
0xdc: {  	[sflag:s20] =	ssyncset.done $0x0  }
0xdd: {  	[sflag:s20] =	ssyncadd.s32 $0xFFFFE000  }
0xde: {  	_ =	swait.ge [sflag:s6], $0x2000  }
0xdf: {  	[sflag:s6] =	ssyncset.done $0x0  }
0xe0: {  	s5 =	simm.s32 $0x4F80;
	[sflag:s6] =	ssyncadd.s32 $0xFFFFE000  }
0xe1: {  	[spmem:s1] =	stream.indirect.scatter.add.bf16 [tilespmem:s30], [sflag:$0x5], $0x40, s5, s23, $0xb8;
	[tilespmem:$0x18000] =	vst v63  }
0xe2: {  	_ =	swait.ge [sflag:s20], $0x2000  }
0xe3: {  	s7 =	smul.u32 $0x140000, s10;
	s10 =	sadd.s32 $0x1, s10;
	[sflag:s20] =	ssyncset.done $0x0  }
0xe4: {  	p0 =	sne.s32 s10, $0x8;
	[sflag:s20] =	ssyncadd.s32 $0xFFFFE000  }
0xe5: {  	s2 =	sadd.s32 s7, s9;
	s28 =	stileid.u32;
	[bflag:$0x0] =	sbarrier.arrive $0xFFFF  }
0xe6: {  	s2 =	sshrl.u32 s2, $0x4;
	s3 =	sshll.u32 s28, $0x6;
	s5 =	rddreg [dreg:$0x4]  }
.Ltmp4:
0xe7: {  	s3 =	sor.u32 $0x1C05, s3;
	s2 =	sadd.s32 s5, s2;
	(pc) =	sbr.rel @p0 .LBB2_4-.Ltmp4, $4  }
0xe8: {  	[hbm:s2], [sflag:s3] =	dma.local [spmem:s25], $0x1400  }
0xe9: {  	_ =	swait.ge [sflag:s20], $0x1400  }
0xea: {  	[sflag:s20] =	ssyncset.done $0x0  }
0xeb: {  	[sflag:s20] =	ssyncadd.s32 $0xFFFFEC00  }
0xec: {  	s10 =	rddreg [dreg:$0x3]  }
0xed: {  	s2 =	rddreg [dreg:$0x7];
	s10 =	sadd.s32 $0x1, s10  }
0xee: {  	p0 =	sne.s32 s10, s2  }
.Ltmp5:
0xef: {  	_ = 	snop;
	(pc) =	sbr.rel @p0 .LBB2_1-.Ltmp5, $1  }
0xf0: {  	_ =	sdelay $0x3  }
0xf1: {  	_ =	sfence.sel $0x180000  }
0xf2: {  	[bflag:$0x0] =	sbarrier.arrive $0xFFFF  }
0xf3: {  	_ =	strace $0x90000056  }
0xf4: {  	s0 =	stileid.u32;
	[bflag:$0x2] =	sbarrier.arrive $0xFFFF  }
0xf5: {  	p0 =	sne.s32 s0, $0x0;
	s0 =	rddreg [dreg:$0x2]  }
0xf6: {  	s0 =	sadd.s32 @!p0 $0x100000, s0  }
0xf7: {  	[sflag:s0] =	ssyncadd.tile.s32 @!p0 $0x1;
	_ =	shalt  }
.Lfunc_end2:
_tile_overlayer_lowered:
.L_overlay_start_2:
0xf8: {  	(tag) =	ssettag $0x2  }
0xf9: {  	s0 =	rddreg [dreg:$0x0];
	s2 =	stileid.u32  }
0xfa: {  	s1 =	rddreg [dreg:$0x1];
	p0 =	sne.s32 s2, $0x0  }
0xfb: {  	s3 =	rddreg [dreg:$0x2];
	[bflag:$0x3] =	sbarrier.arrive $0xFFFF;
	s2 =	simm.s32 @!p0 $0x1C05  }
0xfc: {  	[timem:s3], [sflag:s2] =	dma.local @!p0 [hbm:s0], s1  }
0xfd: {  	s0 =	simm.s32 @!p0 $0x5  }
0xfe: {  	_ =	swait.ge @!p0 [sflag:s0], s1  }
0xff: {  	s1 =	ssub.s32 @!p0 $0x0, s1;
	[sflag:s0] =	ssyncset.done @!p0 $0x0  }
0x100: {  	[sflag:s0] =	ssyncadd.s32 @!p0 s1  }
0x101: {  	[bflag:$0x3] =	sbarrier.arrive $0xFFFF  }
0x102: {  	_ =	shalt  }

// kernel: kernel.22.cloned.1.call-start
scs
__scs_entry_jumppad:
0x0: {  	(pc) =	sbr.rel $0x88, $3  }
0x1: {  	(tag) =	ssettag $0x0;
	lr =	simm.s32 $0x1  }
0x2: {  	[smem:$0x3F86] =	sst lr;
	_ =	strace $0xD0000000  }
0x3: {  	_ = 	snop  }
0x4: {  	_ = 	snop  }
0x5: {  	_ = 	snop  }
0x6: {  	_ = 	snop  }
0x7: {  	_ = 	snop  }
__scs_overlays_trampoline_lowered:
0x8: {  	[smem:$0x3F95] =	sst s0  }
0x9: {  	[smem:$0x3F96] =	sst s1  }
0xa: {  	[smem:$0x3F97] =	sst s2  }
0xb: {  	[smem:$0x3F98] =	sst s3  }
0xc: {  	[smem:$0x3F99] =	sst s4  }
0xd: {  	[smem:$0x3F9A] =	sst s5  }
0xe: {  	[smem:$0x3F9B] =	sst s6  }
0xf: {  	[smem:$0x3F9C] =	sst s7  }
0x10: {  	[smem:$0x3F9D] =	sst s8  }
0x11: {  	[smem:$0x3F9E] =	sst s9;
	s0 =	simm.s32 @!p0 $0x0  }
0x12: {  	s1 =	sld [smem:$0x3F84];
	s0 =	simm.s32 @p0 $0x1  }
0x13: {  	[smem:$0x3F9F] =	sst s0;
	s0 =	simm.s32 @!p1 $0x0  }
0x14: {  	s2 =	sld [smem:$0x3F83];
	s0 =	simm.s32 @p1 $0x1  }
0x15: {  	[smem:$0x3FA0] =	sst s0;
	s0 =	simm.s32 @!p2 $0x0  }
0x16: {  	s3 =	sld [smem:$0x3FDB];
	s0 =	simm.s32 @p2 $0x1  }
0x17: {  	s4 =	simm.s32 $0x1BF5;
	[smem:$0x3FA2] =	sst s0  }
0x18: {  	s0 =	sld [smem:$0x3F85];
	_ =	swait.ge [sflag:s4], $0x0  }
0x19: {  	s7 =	sld [smem:$0x3F86]  }
0x1a: {  	s8 =	sadd.s32 $0xFFFFE003, lr  }
0x1b: {  	s9 =	sadd.s32 $0xFFFFFEF7, lr;
	s5 =	simm.s32 $0xFFFFFFFF;
	p2 =	slt.u32 s8, $0xFFFFF086  }
0x1c: {  	p1 =	slt.u32 s9, $0xF7A;
	s5 =	simm.s32 @!p2 $0x0  }
0x1d: {  	s5 =	simm.s32 @p1 $0x1;
	p0 =	seq.s32 s7, s2  }
0x1e: {  	s7 =	smul.u32 @!p0 $0xF7A, s2;
	p2 =	seq.s32 @!p0 s5, $0x0  }
0x1f: {  	s9 =	smul.u32 $0xF7A, s1;
	s8 =	simm.s32 @!p0 $0x1BF5;
	p2 =	por !p2, p0  }
0x20: {  	[sflag:s8] =	ssyncset.s32 @!p0 $0xFFFFF086;
	s6 =	sadd.s32 @!p0 s3, s7;
	s7 =	simm.s32 @!p0 $0x108  }
0x21: {  	s3 =	sadd.s32 s3, s9;
	s6 =	sadd.s32 @!p0 $0x88, s6;
	s7 =	simm.s32 @p2 $0x1082  }
0x22: {  	[simem:s7], [sflag:s8] =	dma.local @!p0 [hbm:s6], $0xF7A  }
0x23: {  	s9 =	sor.u32 $0xD0000000, s2;
	s6 =	simm.s32 $0x108;
	_ =	swait.ge @!p0 [sflag:s8], $0x0  }
0x24: {  	s3 =	sadd.s32 $0x88, s3;
	s6 =	simm.s32 @!p1 $0x1082;
	[sflag:s4] =	ssyncset.s32 $0xFFFFF086  }
0x25: {  	[simem:s6], [sflag:s4] =	dma.local [hbm:s3], $0xF7A  }
0x26: {  	[smem:$0x3F86] =	sst s1;
	(tag) =	ssettag s2;
	_ =	strace s9  }
0x27: {  	s1 =	sld [smem:$0x3F96]  }
0x28: {  	s2 =	sld [smem:$0x3F97]  }
0x29: {  	s4 =	sld [smem:$0x3F99]  }
0x2a: {  	p0 =	seq.s32 s5, $0x0;
	s5 =	sld [smem:$0x3F9A]  }
0x2b: {  	s6 =	sld [smem:$0x3F9B]  }
0x2c: {  	s7 =	sld [smem:$0x3F9C]  }
0x2d: {  	s3 =	simm.s32 $0x108;
	s8 =	sld [smem:$0x3F9D]  }
0x2e: {  	s3 =	simm.s32 @!p0 $0x1082;
	s9 =	sld [smem:$0x3F9E]  }
0x2f: {  	lr =	sadd.s32 s0, s3;
	s0 =	sld [smem:$0x3F95]  }
0x30: {  	s3 =	sld [smem:$0x3F98]  }
0x31: {  	[smem:$0x3FA1] =	sst s10  }
0x32: {  	s10 =	sld [smem:$0x3F9F];
	_ =	sdelay $0x3  }
0x33: {  	p0 =	seq.s32 s10, $0x1;
	s10 =	sld [smem:$0x3FA1];
	_ =	sdelay $0x3  }
0x34: {  	[smem:$0x3FA1] =	sst s10  }
0x35: {  	s10 =	sld [smem:$0x3FA0];
	_ =	sdelay $0x3  }
0x36: {  	p1 =	seq.s32 s10, $0x1;
	s10 =	sld [smem:$0x3FA1];
	_ =	sdelay $0x3  }
0x37: {  	[smem:$0x3FA1] =	sst s10  }
0x38: {  	s10 =	sld [smem:$0x3FA2]  }
0x39: {  	_ = 	snop;
	(pc) =	sbr.ind lr, $3  }
0x3a: {  	_ = 	snop  }
0x3b: {  	_ = 	snop  }
0x3c: {  	p2 =	seq.s32 s10, $0x1;
	s10 =	sld [smem:$0x3FA1]  }
0x3d: {  	_ =	shalt  }
0x3e: {  	_ =	shalt  }
0x3f: {  	_ =	shalt  }
0x40: {  	_ =	shalt  }
0x41: {  	_ =	shalt  }
0x42: {  	_ =	shalt  }
0x43: {  	_ =	shalt  }
0x44: {  	_ =	shalt  }
0x45: {  	_ =	shalt  }
0x46: {  	_ =	shalt  }
0x47: {  	_ =	shalt  }
0x48: {  	_ =	shalt  }
0x49: {  	_ =	shalt  }
0x4a: {  	_ =	shalt  }
0x4b: {  	_ =	shalt  }
0x4c: {  	_ =	shalt  }
0x4d: {  	_ =	shalt  }
0x4e: {  	_ =	shalt  }
0x4f: {  	_ =	shalt  }
0x50: {  	_ =	shalt  }
0x51: {  	_ =	shalt  }
0x52: {  	_ =	shalt  }
0x53: {  	_ =	shalt  }
0x54: {  	_ =	shalt  }
0x55: {  	_ =	shalt  }
0x56: {  	_ =	shalt  }
0x57: {  	_ =	shalt  }
0x58: {  	_ =	shalt  }
0x59: {  	_ =	shalt  }
0x5a: {  	_ =	shalt  }
0x5b: {  	_ =	shalt  }
0x5c: {  	_ =	shalt  }
0x5d: {  	_ =	shalt  }
0x5e: {  	_ =	shalt  }
0x5f: {  	_ =	shalt  }
0x60: {  	_ =	shalt  }
0x61: {  	_ =	shalt  }
0x62: {  	_ =	shalt  }
0x63: {  	_ =	shalt  }
0x64: {  	_ =	shalt  }
0x65: {  	_ =	shalt  }
0x66: {  	_ =	shalt  }
0x67: {  	_ =	shalt  }
0x68: {  	_ =	shalt  }
0x69: {  	_ =	shalt  }
0x6a: {  	_ =	shalt  }
0x6b: {  	_ =	shalt  }
0x6c: {  	_ =	shalt  }
0x6d: {  	_ =	shalt  }
0x6e: {  	_ =	shalt  }
0x6f: {  	_ =	shalt  }
0x70: {  	_ =	shalt  }
0x71: {  	_ =	shalt  }
0x72: {  	_ =	shalt  }
0x73: {  	_ =	shalt  }
0x74: {  	_ =	shalt  }
0x75: {  	_ =	shalt  }
0x76: {  	_ =	shalt  }
0x77: {  	_ =	shalt  }
0x78: {  	_ =	shalt  }
0x79: {  	_ =	shalt  }
0x7a: {  	_ =	shalt  }
0x7b: {  	_ =	shalt  }
0x7c: {  	_ =	shalt  }
0x7d: {  	_ =	shalt  }
0x7e: {  	_ =	shalt  }
0x7f: {  	_ =	shalt  }
0x80: {  	_ =	shalt  }
0x81: {  	_ =	shalt  }
0x82: {  	_ =	shalt  }
0x83: {  	_ =	shalt  }
0x84: {  	_ =	shalt  }
0x85: {  	_ =	shalt  }
0x86: {  	_ =	shalt  }
0x87: {  	_ =	shalt  }
.Lfunc_end0:
.L_simem_size_0:
called_computation.5_lowered:
.L_overlay_start_0:
0x88: {  	s2 =	sld [smem:$0x3FD9]  }
0x89: {  	s3 =	sld [smem:$0x3FFE];
	_ =	sdelay $0x1  }
0x8a: {  	s1 =	srdreg.scid  }
0x8b: {  	s0 =	sand.u32 $0x1, s1  }
0x8c: {  	s17 =	sshll.u32 s0, $0xA;
	s2 =	sadd.s32 s3, s2  }
0x8d: {  	s2 =	sadd.s32 s2, s17  }
0x8e: {  	[smem:$0x3FAD] =	sst s2  }
0x8f: {  	_ = 	snop  }
0x90: {  	(tm) =	ssettm $0x1  }
0x91: {  	s18 =	sld [smem:$0x3FFB];
	_ =	sdelay $0x3  }
0x92: {  	_ =	strace s18  }
0x93: {  	s2 =	sld [smem:$0x3FFC];
	_ =	sdelay $0x3  }
0x94: {  	_ =	strace s2  }
0x95: {  	s2 =	sld [smem:$0x3FFD];
	_ =	sdelay $0x3  }
0x96: {  	_ =	strace s2  }
0x97: {  	_ =	strace $0x8FFFFFFF  }
0x98: {  	s19 =	sld [smem:$0x3FDB];
	_ =	sdelay $0x1  }
0x99: {  	s20 =	simm.s32 $_scs_section_size  }
0x9a: {  	s4 =	simm.s32 $_size__tile_overlayer_lowered;
	s5 =	simm.s32 $_tile_overlayer_lowered  }
0x9b: {  	s6 =	simm.s32 $0x1BFF;
	s21 =	sshll.u32 s5, $0x1;
	s3 =	sadd.s32 s20, s19  }
0x9c: {  	s22 =	simm.s32 $0x0;
	s4 =	sshll.u32 s4, $0x1;
	s5 =	sadd.s32 s21, s3  }
0x9d: {  	[timem:s22], [sflag:s6] =	dma.local [hbm:s5], s4  }
0x9e: {  	_ =	swait.ge [sflag:s6], s4  }
0x9f: {  	s4 =	ssub.s32 $0x0, s4;
	[sflag:s6] =	ssyncset.done $0x0  }
0xa0: {  	[sflag:s6] =	ssyncadd.s32 s4;
	_ =	sdelay $0x1  }
0xa1: {  	s23 =	simm.s32 $0x1B8B  }
0xa2: {  	_ =	swait.ge [sflag:s23], $0x1  }
0xa3: {  	[sflag:s23] =	ssyncset.done $0x0  }
0xa4: {  	[sflag:s23] =	ssyncadd.s32 $0xFFFFFFFF  }
0xa5: {  	s4 =	sld [smem:$0x0]  }
0xa6: {  	s5 =	sand.u32 $0xFFFFFFFE, s1  }
0xa7: {  	p0 =	sne.s32 s1, s5  }
0xa8: {  	s5 =	sshll.u32 @p0 s5, $0xE  }
0xa9: {  	s5 =	sadd.s32 @p0 $0x11B8D, s5;
	s6 =	sshll.u32 @p0 s4, $0x11  }
0xaa: {  	s5 =	sor.u32 @p0 s6, s5  }
0xab: {  	[sflag:s5] =	ssyncadd.remote.s32 @p0 $0x1;
	_ =	sdelay $0x1  }
0xac: {  	s5 =	simm.s32 @p0 $0x1B8D  }
0xad: {  	_ =	swait.eq @p0 [sflag:s5], $0x1  }
0xae: {  	[sflag:s5] =	ssyncadd.s32 @p0 $0xFFFFFFFF  }
0xaf: {  	s6 =	sshll.u32 @!p0 s1, $0xE  }
0xb0: {  	s6 =	sor.u32 @!p0 $0x4000, s6;
	s5 =	simm.s32 @!p0 $0x1B8D  }
0xb1: {  	s4 =	sshll.u32 @!p0 s4, $0x11;
	s6 =	sadd.s32 @!p0 $0x11B8D, s6;
	_ =	swait.eq @!p0 [sflag:s5], $0x1  }
0xb2: {  	s4 =	sor.u32 @!p0 s4, s6;
	[sflag:s5] =	ssyncadd.s32 @!p0 $0xFFFFFFFF  }
0xb3: {  	s25 =	simm.s32 $0x1B8E;
	s24 =	sld [smem:$0x3FFE];
	[sflag:s4] =	ssyncadd.remote.s32 @!p0 $0x1  }
0xb4: {  	s26 =	simm.s32 $execute0_lowered;
	[smem:$0x3FD2] =	sst s25  }
0xb5: {  	s5 =	sshll.u32 s26, $0x1;
	_ =	strace $0x80000058;
	[dreg:$0x1] =	wrdreg $0xFFFFFFFF  }
0xb6: {  	s28 =	simm.s32 $_size_execute0_lowered;
	s3 =	sadd.s32 s3, s5;
	[dreg:$0x0] =	wrdreg $0x0  }
0xb7: {  	s5 =	sshll.u32 s28, $0x1;
	[dreg:$0x2] =	wrdreg s3  }
0xb8: {  	[dreg:$0x3] =	wrdreg s5  }
0xb9: {  	[dreg:$0x4] =	wrdreg $0xC0  }
0xba: {  	_ =	task [dreg:s22], $0x5FFFF  }
0xbb: {  	[dreg:$0x1] =	wrdreg $0xFFFFFFFF  }
0xbc: {  	[dreg:$0x0] =	wrdreg $0x60  }
0xbd: {  	[dreg:$0x2] =	wrdreg s24  }
0xbe: {  	[dreg:$0x3] =	wrdreg $0xF8000  }
0xbf: {  	[dreg:$0x4] =	wrdreg $0xB  }
0xc0: {  	_ =	task.clear_ibuf [dreg:s22], $0x5FFFF;
	_ =	strace $0x90000058  }
0xc1: {  	s29 =	simm.s32 $0xB;
	_ =	strace $0x8000005A  }
0xc2: {  	_ =	swait.ge [sflag:s29], $0x1  }
0xc3: {  	[sflag:s29] =	ssyncadd.s32 $0xFFFFFFFF  }
0xc4: {  	_ =	strace $0x9000005A  }
0xc5: {  	_ =	sfence  }
0xc6: {  	s30 =	sld [smem:$0x0];
	_ =	sdelay $0x2  }
0xc7: {  	s31 =	sshll.u32 s1, $0xD;
	s1 =	sshrl.u32 s1, $0x2  }
0xc8: {  	s4 =	sand.u32 $0x4000, s31;
	s1 =	sadd.s32 s1, s30  }
0xc9: {  	s0 =	sor.u32 s4, s0;
	s1 =	sshll.u32 s1, $0x11  }
0xca: {  	s0 =	sor.u32 s1, s0  }
0xcb: {  	s0 =	sadd.s32 $0x8F2B, s0  }
0xcc: {  	[sflag:s0] =	ssyncadd.remote.s32 $0x1  }
0xcd: {  	_ =	sfence.sel $0xFFFF  }
0xce: {  	[dreg:$0x0] =	wrdreg $0xFFFFFFFF;
	(pc) =	sbr.abs _section_cstart, $3  }
0xcf: {  	[dreg:$0x1] =	wrdreg $0xFFFFFFFF  }
0xd0: {  	_ =	task.clear_ibuf [dreg:s22], $0x2FFFF;
	_ =	strace $0x9FFFFFFF  }
0xd1: {  	(tm) =	ssettm $0x7FFFFFFF  }
tec
execute0_lowered:
.L_overlay_start_1:
0x0: {  	(tag) =	ssettag $0x1  }
0x1: {  	s0 =	srdreg.scid;
	s1 =	rddreg [dreg:$0x0]  }
0x2: {  	s2 =	rddreg [dreg:$0x1];
	s8 =	stileid.u32;
	s10 =	simm.s32 $0x0  }
0x3: {  	s15 =	simm.s32 $0x5;
	s17 =	simm.s32 $0xE800;
	s18 =	simm.s32 $0x80  }
0x4: {  	s19 =	simm.s32 $0x6800;
	s20 =	simm.s32 $0x8800;
	s22 =	simm.s32 $0xA800  }
0x5: {  	s23 =	simm.s32 $0xC800;
	s28 =	simm.s32 $0x3;
	s29 =	simm.s32 $0x4  }
0x6: {  	s16 =	simm.s32 $0x6700;
	s0 =	sand.u32 $0x1, s0;
	[smem:$0x7FF] =	sst s10  }
0x7: {  	s4 =	sadd.s32 $0xD4400, s1;
	s7 =	smul.u32 $0x14000, s8;
	s5 =	sadd.s32 $0x84F400, s1  }
0x8: {  	s9 =	smul.u32 $0xA000, s8;
	s3 =	sshll.u32 s0, $0x4;
	_ =	strace $0x80000059  }
0x9: {  	s6 =	ssub.s32 $0x2, s0;
	s0 =	smul.u32 $0x500000, s0;
	s3 =	sor.u32 s8, s3  }
0xa: {  	s24 =	sshrl.u32 s6, $0x1;
	s26 =	sshrl.u32 s7, $0x2;
	s30 =	sshrl.u32 s9, $0x1  }
0xb: {  	s3 =	smul.u32 $0x680, s3;
	s8 =	sadd.s32 s26, s2;
	s9 =	sor.u32 s0, s9  }
0xc: {  	s31 =	sadd.s32 s30, s2;
	s26 =	simm.s32 $0x2;
	s0 =	simm.s32 $0x6680  }
0xd: {  	s11 =	sadd.s32 $0x1000, s8;
	s12 =	sadd.s32 $0x2000, s8;
	s3 =	sadd.s32 s3, s1  }
0xe: {  	s13 =	sadd.s32 $0x3000, s8;
	s14 =	sadd.s32 $0x4000, s8;
	s25 =	sadd.s32 $0x47400, s3  }
0xf: {  	s1 =	ssub.s32 s6, s24;
	s3 =	sadd.s32 $0xAE400, s3;
	[dreg:$0x4] =	wrdreg s25  }
0x10: {  	s24 =	simm.s32 $0x1;
	s1 =	smax.u32 s1, $0x1;
	[dreg:$0x5] =	wrdreg s3  }
0x11: {  	v0 =	vimm.bf16 $0.0e+00;
	s6 =	simm.s32 $0x6780;
	[dreg:$0x6] =	wrdreg s1;
	s25 =	sshrl.u32 s31, $0x3  }
.LBB2_1:
0x12: {  	[dreg:$0x3] =	wrdreg s10;
	s3 =	simm.s32 $0x100;
	s1 =	simm.s32 $0x0  }
.LBB2_2:
0x13: {  	p0 =	sne.s32 s3, $0x3F00;
	[tilespmem:s1+$0xE830] =	vst v0;
	s7 =	smov.u32 s3;
	s3 =	sadd.s32 $0x100, s3  }
.Ltmp0:
0x14: {  	[tilespmem:s1+$0xE820] =	vst v0;
	(pc) =	sbr.rel @p0 .LBB2_2-.Ltmp0, $3  }
0x15: {  	[tilespmem:s1+$0xE800] =	vst v0  }
0x16: {  	[tilespmem:s1+$0xE810] =	vst v0;
	_ =	sdelay $0x1  }
0x17: {  	s1 =	sshra.s32 s7, $0x2  }
0x18: {  	[tilespmem:s1+$0xE830] =	vst v0  }
0x19: {  	[tilespmem:s1+$0xE820] =	vst v0  }
0x1a: {  	[tilespmem:s1+$0xE800] =	vst v0  }
0x1b: {  	[tilespmem:s1+$0xE810] =	vst v0;
	s7 =	simm.s32 $0x0;
	s30 =	rddreg [dreg:$0x4]  }
0x1c: {  	[tilespmem:s7], [sflag:$0x5] =	stream.linear.gather [hbm4b:s30+s7], $0x3400, $0x38;
	[tilespmem:$0x14800] =	vst v63  }
0x1d: {  	_ =	swait.ge [sflag:s15], $0x3400  }
0x1e: {  	[sflag:s15] =	ssyncset.done $0x0  }
0x1f: {  	s3 =	simm.s32 $0x3400;
	s31 =	rddreg [dreg:$0x5];
	[sflag:s15] =	ssyncadd.s32 $0xFFFFCC00  }
0x20: {  	[tilespmem:s3], [sflag:$0x5] =	stream.linear.gather [hbm4b:s31+s7], $0x3400, $0x38;
	[tilespmem:$0x14800] =	vst v63  }
0x21: {  	_ =	swait.ge [sflag:s15], $0x3400  }
0x22: {  	[sflag:s15] =	ssyncset.done $0x0  }
0x23: {  	s10 =	simm.s32 $0x0;
	[sflag:s15] =	ssyncadd.s32 $0xFFFFCC00  }
.LBB2_4:
0x24: {  	p0 =	seq.s32 s10, $0x0  }
.Ltmp1:
0x25: {  	_ = 	snop;
	(pc) =	sbr.rel @p0 .LBB2_8-.Ltmp1, $1  }
0x26: {  	_ =	sdelay $0x3  }
0x27: {  	s1 =	sshrl.u32 s7, $0x2  }
0x28: {  	s1 =	sand.u32 $0x3FF0, s1  }
0x29: {  	v1 =	vld [tilespmem:s1+$0x0];
	_ =	sdelay $0x3  }
0x2a: {  	s3 =	sadd.s32 $0x40, s7  }
0x2b: {  	s21 =	sshrl.u32 s3, $0x2;
	s3 =	sadd.s32 $0x40, s3;
	v1 =	vadd.s32 $0xC400, v1  }
.LBB2_6:
0x2c: {  	p0 =	sne.s32 s3, $0xCFC0;
	[tilespmem:s1+$0x0] =	vst v1;
	s1 =	sand.u32 $0x3FF0, s21  }
0x2d: {  	v1 =	vld [tilespmem:s1+$0x0]  }
.Ltmp2:
0x2e: {  	(pc) =	sbr.rel @p0 .LBB2_6-.Ltmp2, $2  }
0x2f: {  	_ =	sdelay $0x2  }
0x30: {  	s21 =	sshrl.u32 s3, $0x2;
	s3 =	sadd.s32 $0x40, s3;
	v1 =	vadd.s32 $0xC400, v1  }
0x31: {  	s3 =	sand.u32 $0x3FF0, s21;
	[tilespmem:s1+$0x0] =	vst v1  }
0x32: {  	v1 =	vld [tilespmem:s3+$0x0];
	_ =	sdelay $0x4  }
0x33: {  	v1 =	vadd.s32 $0xC400, v1  }
0x34: {  	[tilespmem:s3+$0x0] =	vst v1  }
.LBB2_8:
0x35: {  	[spmem:s8] =	stream.linear.scatter [tilespmem:s17], [sflag:$0x5], $0x1000, $0x38;
	[tilespmem:$0x14800] =	vst v63  }
0x36: {  	_ =	swait.ge [sflag:s15], $0x1000  }
0x37: {  	[sflag:s15] =	ssyncset.done $0x0  }
0x38: {  	[sflag:s15] =	ssyncadd.s32 $0xFFFFF000  }
0x39: {  	[spmem:s11] =	stream.linear.scatter [tilespmem:s17], [sflag:$0x5], $0x1000, $0x38;
	[tilespmem:$0x14800] =	vst v63  }
0x3a: {  	_ =	swait.ge [sflag:s15], $0x1000  }
0x3b: {  	[sflag:s15] =	ssyncset.done $0x0  }
0x3c: {  	[sflag:s15] =	ssyncadd.s32 $0xFFFFF000  }
0x3d: {  	[spmem:s12] =	stream.linear.scatter [tilespmem:s17], [sflag:$0x5], $0x1000, $0x38;
	[tilespmem:$0x14800] =	vst v63  }
0x3e: {  	_ =	swait.ge [sflag:s15], $0x1000  }
0x3f: {  	[sflag:s15] =	ssyncset.done $0x0  }
0x40: {  	[sflag:s15] =	ssyncadd.s32 $0xFFFFF000  }
0x41: {  	[spmem:s13] =	stream.linear.scatter [tilespmem:s17], [sflag:$0x5], $0x1000, $0x38;
	[tilespmem:$0x14800] =	vst v63  }
0x42: {  	_ =	swait.ge [sflag:s15], $0x1000  }
0x43: {  	[sflag:s15] =	ssyncset.done $0x0  }
0x44: {  	[sflag:s15] =	ssyncadd.s32 $0xFFFFF000  }
0x45: {  	[spmem:s14] =	stream.linear.scatter [tilespmem:s17], [sflag:$0x5], $0x1000, $0x38;
	[tilespmem:$0x14800] =	vst v63  }
0x46: {  	_ =	swait.ge [sflag:s15], $0x1000  }
0x47: {  	[sflag:s15] =	ssyncset.done $0x0  }
0x48: {  	[sflag:s15] =	ssyncadd.s32 $0xFFFFF000  }
0x49: {  	s1 =	simm.s32 $0x0;
	[bflag:$0x0] =	sbarrier.arrive $0xFFFF  }
0x4a: {  	[tilespmem:s19], [sflag:$0x1] =	stream.indirect.gather [hbm4b:s4+s18], $0x40, s1, s18, $0xb8;
	[tilespmem:$0x14800] =	vst v63  }
0x4b: {  	_ = 	snop  }
0x4c: {  	[tilespmem:s20], [sflag:$0x2] =	stream.indirect.gather [hbm4b:s4+s18], $0x40, s18, s18, $0xb8;
	[tilespmem:$0x14800] =	vst v63  }
0x4d: {  	s31 =	simm.s32 $0x100  }
0x4e: {  	[tilespmem:s22], [sflag:$0x3] =	stream.indirect.gather [hbm4b:s4+s18], $0x40, s31, s18, $0xb8;
	[tilespmem:$0x14800] =	vst v63  }
0x4f: {  	s3 =	simm.s32 $0x180  }
0x50: {  	[tilespmem:s23], [sflag:$0x4] =	stream.indirect.gather [hbm4b:s4+s18], $0x40, s3, s18, $0xb8;
	[tilespmem:$0x14800] =	vst v63  }
0x51: {  	_ =	swait.ge [sflag:s24], $0x2000  }
0x52: {  	[sflag:s24] =	ssyncset.done $0x0  }
0x53: {  	s21 =	simm.s32 $0x3400;
	[sflag:s24] =	ssyncadd.s32 $0xFFFFE000  }
0x54: {  	[spmem:s2] =	stream.indirect.scatter.add.bf16 [tilespmem:s19], [sflag:$0x5], $0x40, s21, s18, $0xb8;
	[tilespmem:$0x14800] =	vst v63  }
0x55: {  	_ =	swait.ge [sflag:s15], $0x2000  }
0x56: {  	[sflag:s15] =	ssyncset.done $0x0  }
0x57: {  	s30 =	simm.s32 $0x200;
	[sflag:s15] =	ssyncadd.s32 $0xFFFFE000  }
0x58: {  	[tilespmem:s19], [sflag:$0x1] =	stream.indirect.gather [hbm4b:s4+s18], $0x40, s30, s18, $0xb8;
	[tilespmem:$0x14800] =	vst v63  }
0x59: {  	_ =	swait.ge [sflag:s26], $0x2000  }
0x5a: {  	[sflag:s26] =	ssyncset.done $0x0  }
0x5b: {  	s31 =	simm.s32 $0x3480;
	[sflag:s26] =	ssyncadd.s32 $0xFFFFE000  }
0x5c: {  	[spmem:s2] =	stream.indirect.scatter.add.bf16 [tilespmem:s20], [sflag:$0x5], $0x40, s31, s18, $0xb8;
	[tilespmem:$0x14800] =	vst v63  }
0x5d: {  	_ =	swait.ge [sflag:s15], $0x2000  }
0x5e: {  	[sflag:s15] =	ssyncset.done $0x0  }
0x5f: {  	s3 =	simm.s32 $0x280;
	[sflag:s15] =	ssyncadd.s32 $0xFFFFE000  }
0x60: {  	[tilespmem:s20], [sflag:$0x2] =	stream.indirect.gather [hbm4b:s4+s18], $0x40, s3, s18, $0xb8;
	[tilespmem:$0x14800] =	vst v63  }
0x61: {  	_ =	swait.ge [sflag:s28], $0x2000  }
0x62: {  	[sflag:s28] =	ssyncset.done $0x0  }
0x63: {  	s21 =	simm.s32 $0x3500;
	[sflag:s28] =	ssyncadd.s32 $0xFFFFE000  }
0x64: {  	[spmem:s2] =	stream.indirect.scatter.add.bf16 [tilespmem:s22], [sflag:$0x5], $0x40, s21, s18, $0xb8;
	[tilespmem:$0x14800] =	vst v63  }
0x65: {  	_ =	swait.ge [sflag:s15], $0x2000  }
0x66: {  	[sflag:s15] =	ssyncset.done $0x0  }
0x67: {  	s30 =	simm.s32 $0x300;
	[sflag:s15] =	ssyncadd.s32 $0xFFFFE000  }
0x68: {  	[tilespmem:s22], [sflag:$0x3] =	stream.indirect.gather [hbm4b:s4+s18], $0x40, s30, s18, $0xb8;
	[tilespmem:$0x14800] =	vst v63  }
0x69: {  	_ =	swait.ge [sflag:s29], $0x2000  }
0x6a: {  	[sflag:s29] =	ssyncset.done $0x0  }
0x6b: {  	s31 =	simm.s32 $0x3580;
	[sflag:s29] =	ssyncadd.s32 $0xFFFFE000  }
0x6c: {  	[spmem:s2] =	stream.indirect.scatter.add.bf16 [tilespmem:s23], [sflag:$0x5], $0x40, s31, s18, $0xb8;
	[tilespmem:$0x14800] =	vst v63  }
0x6d: {  	_ =	swait.ge [sflag:s15], $0x2000  }
0x6e: {  	s1 =	simm.s32 $0x1000;
	s3 =	simm.s32 $0x200;
	[sflag:s15] =	ssyncset.done $0x0  }
.LBB2_9:
0x6f: {  	s31 =	sadd.s32 $0x180, s3  }
0x70: {  	[sflag:s15] =	ssyncadd.s32 $0xFFFFE000;
	s21 =	smov.u32 s1;
	s30 =	sadd.s32 $0x800, s1  }
0x71: {  	[tilespmem:s23], [sflag:$0x4] =	stream.indirect.gather [hbm4b:s4+s18], $0x40, s31, s18, $0xb8;
	[tilespmem:$0x14800] =	vst v63  }
0x72: {  	p0 =	sne.s32 s1, $0xC000;
	_ =	swait.ge [sflag:s24], $0x2000  }
0x73: {  	[sflag:s24] =	ssyncset.done $0x0  }
0x74: {  	s1 =	sadd.s32 $0x3400, s3;
	[sflag:s24] =	ssyncadd.s32 $0xFFFFE000  }
0x75: {  	[spmem:s2] =	stream.indirect.scatter.add.bf16 [tilespmem:s19], [sflag:$0x5], $0x40, s1, s18, $0xb8;
	[tilespmem:$0x14800] =	vst v63  }
0x76: {  	_ =	swait.ge [sflag:s15], $0x2000  }
0x77: {  	[sflag:s15] =	ssyncset.done $0x0  }
0x78: {  	s1 =	sadd.s32 $0x200, s3;
	[sflag:s15] =	ssyncadd.s32 $0xFFFFE000  }
0x79: {  	[tilespmem:s19], [sflag:$0x1] =	stream.indirect.gather [hbm4b:s4+s18], $0x40, s1, s18, $0xb8;
	[tilespmem:$0x14800] =	vst v63  }
0x7a: {  	_ =	swait.ge [sflag:s26], $0x2000  }
0x7b: {  	[sflag:s26] =	ssyncset.done $0x0  }
0x7c: {  	s1 =	sadd.s32 $0x3480, s3;
	[sflag:s26] =	ssyncadd.s32 $0xFFFFE000  }
0x7d: {  	[spmem:s2] =	stream.indirect.scatter.add.bf16 [tilespmem:s20], [sflag:$0x5], $0x40, s1, s18, $0xb8;
	[tilespmem:$0x14800] =	vst v63  }
0x7e: {  	_ =	swait.ge [sflag:s15], $0x2000  }
0x7f: {  	[sflag:s15] =	ssyncset.done $0x0  }
0x80: {  	s1 =	sadd.s32 $0x280, s3;
	[sflag:s15] =	ssyncadd.s32 $0xFFFFE000  }
0x81: {  	[tilespmem:s20], [sflag:$0x2] =	stream.indirect.gather [hbm4b:s4+s18], $0x40, s1, s18, $0xb8;
	[tilespmem:$0x14800] =	vst v63  }
0x82: {  	_ =	swait.ge [sflag:s28], $0x2000  }
0x83: {  	[sflag:s28] =	ssyncset.done $0x0  }
0x84: {  	s1 =	sadd.s32 $0x3500, s3;
	[sflag:s28] =	ssyncadd.s32 $0xFFFFE000  }
0x85: {  	[spmem:s2] =	stream.indirect.scatter.add.bf16 [tilespmem:s22], [sflag:$0x5], $0x40, s1, s18, $0xb8;
	[tilespmem:$0x14800] =	vst v63  }
0x86: {  	_ =	swait.ge [sflag:s15], $0x2000  }
0x87: {  	[sflag:s15] =	ssyncset.done $0x0  }
0x88: {  	s1 =	sadd.s32 $0x300, s3;
	[sflag:s15] =	ssyncadd.s32 $0xFFFFE000  }
0x89: {  	[tilespmem:s22], [sflag:$0x3] =	stream.indirect.gather [hbm4b:s4+s18], $0x40, s1, s18, $0xb8;
	[tilespmem:$0x14800] =	vst v63  }
0x8a: {  	_ =	swait.ge [sflag:s29], $0x2000  }
.Ltmp3:
0x8b: {  	[sflag:s29] =	ssyncset.done $0x0;
	(pc) =	sbr.rel @p0 .LBB2_9-.Ltmp3, $4  }
0x8c: {  	s1 =	sadd.s32 $0x3580, s3;
	[sflag:s29] =	ssyncadd.s32 $0xFFFFE000  }
0x8d: {  	[spmem:s2] =	stream.indirect.scatter.add.bf16 [tilespmem:s23], [sflag:$0x5], $0x40, s1, s18, $0xb8;
	[tilespmem:$0x14800] =	vst v63  }
0x8e: {  	_ =	swait.ge [sflag:s15], $0x2000  }
0x8f: {  	s3 =	sshra.s32 s21, $0x2;
	s1 =	smov.u32 s30;
	[sflag:s15] =	ssyncset.done $0x0  }
0x90: {  	s1 =	sadd.s32 $0x180, s3;
	[sflag:s15] =	ssyncadd.s32 $0xFFFFE000  }
0x91: {  	[tilespmem:s23], [sflag:$0x4] =	stream.indirect.gather [hbm4b:s4+s18], $0x40, s1, s18, $0xb8;
	[tilespmem:$0x14800] =	vst v63  }
0x92: {  	_ =	swait.ge [sflag:s24], $0x2000  }
0x93: {  	[sflag:s24] =	ssyncset.done $0x0  }
0x94: {  	s31 =	sadd.s32 $0x3400, s3;
	[sflag:s24] =	ssyncadd.s32 $0xFFFFE000  }
0x95: {  	[spmem:s2] =	stream.indirect.scatter.add.bf16 [tilespmem:s19], [sflag:$0x5], $0x40, s31, s18, $0xb8;
	[tilespmem:$0x14800] =	vst v63  }
0x96: {  	_ =	swait.ge [sflag:s15], $0x2000  }
0x97: {  	[sflag:s15] =	ssyncset.done $0x0  }
0x98: {  	s21 =	sadd.s32 $0x200, s3;
	[sflag:s15] =	ssyncadd.s32 $0xFFFFE000  }
0x99: {  	[tilespmem:s19], [sflag:$0x1] =	stream.indirect.gather [hbm4b:s4+s18], $0x40, s21, s18, $0xb8;
	[tilespmem:$0x14800] =	vst v63  }
0x9a: {  	_ =	swait.ge [sflag:s26], $0x2000  }
0x9b: {  	[sflag:s26] =	ssyncset.done $0x0  }
0x9c: {  	s30 =	sadd.s32 $0x3480, s3;
	[sflag:s26] =	ssyncadd.s32 $0xFFFFE000  }
0x9d: {  	[spmem:s2] =	stream.indirect.scatter.add.bf16 [tilespmem:s20], [sflag:$0x5], $0x40, s30, s18, $0xb8;
	[tilespmem:$0x14800] =	vst v63  }
0x9e: {  	_ =	swait.ge [sflag:s15], $0x2000  }
0x9f: {  	[sflag:s15] =	ssyncset.done $0x0  }
0xa0: {  	s31 =	sadd.s32 $0x280, s3;
	[sflag:s15] =	ssyncadd.s32 $0xFFFFE000  }
0xa1: {  	[tilespmem:s20], [sflag:$0x2] =	stream.indirect.gather [hbm4b:s4+s18], $0x40, s31, s18, $0xb8;
	[tilespmem:$0x14800] =	vst v63  }
0xa2: {  	_ =	swait.ge [sflag:s28], $0x2000  }
0xa3: {  	[sflag:s28] =	ssyncset.done $0x0  }
0xa4: {  	s21 =	sadd.s32 $0x3500, s3;
	[sflag:s28] =	ssyncadd.s32 $0xFFFFE000  }
0xa5: {  	[spmem:s2] =	stream.indirect.scatter.add.bf16 [tilespmem:s22], [sflag:$0x5], $0x40, s21, s18, $0xb8;
	[tilespmem:$0x14800] =	vst v63  }
0xa6: {  	_ =	swait.ge [sflag:s15], $0x2000  }
0xa7: {  	[sflag:s15] =	ssyncset.done $0x0  }
0xa8: {  	s30 =	sadd.s32 $0x300, s3;
	[sflag:s15] =	ssyncadd.s32 $0xFFFFE000  }
0xa9: {  	[tilespmem:s22], [sflag:$0x3] =	stream.indirect.gather [hbm4b:s4+s18], $0x40, s30, s18, $0xb8;
	[tilespmem:$0x14800] =	vst v63  }
0xaa: {  	_ =	swait.ge [sflag:s29], $0x2000  }
0xab: {  	[sflag:s29] =	ssyncset.done $0x0  }
0xac: {  	s31 =	sadd.s32 $0x3580, s3;
	[sflag:s29] =	ssyncadd.s32 $0xFFFFE000  }
0xad: {  	[spmem:s2] =	stream.indirect.scatter.add.bf16 [tilespmem:s23], [sflag:$0x5], $0x40, s31, s18, $0xb8;
	[tilespmem:$0x14800] =	vst v63  }
0xae: {  	_ =	swait.ge [sflag:s15], $0x2000  }
0xaf: {  	[sflag:s15] =	ssyncset.done $0x0  }
0xb0: {  	s3 =	simm.s32 $0x3380;
	[sflag:s15] =	ssyncadd.s32 $0xFFFFE000  }
0xb1: {  	[tilespmem:s23], [sflag:$0x4] =	stream.indirect.gather [hbm4b:s4+s18], $0x40, s3, s18, $0xb8;
	[tilespmem:$0x14800] =	vst v63  }
0xb2: {  	_ =	swait.ge [sflag:s24], $0x2000  }
0xb3: {  	[sflag:s24] =	ssyncset.done $0x0  }
0xb4: {  	s21 =	simm.s32 $0x6600;
	[sflag:s24] =	ssyncadd.s32 $0xFFFFE000  }
0xb5: {  	[spmem:s2] =	stream.indirect.scatter.add.bf16 [tilespmem:s19], [sflag:$0x5], $0x40, s21, s18, $0xb8;
	[tilespmem:$0x14800] =	vst v63  }
0xb6: {  	_ =	swait.ge [sflag:s15], $0x2000  }
0xb7: {  	[sflag:s15] =	ssyncset.done $0x0  }
0xb8: {  	[sflag:s15] =	ssyncadd.s32 $0xFFFFE000  }
0xb9: {  	_ =	swait.ge [sflag:s26], $0x2000  }
0xba: {  	[sflag:s26] =	ssyncset.done $0x0  }
0xbb: {  	[sflag:s26] =	ssyncadd.s32 $0xFFFFE000  }
0xbc: {  	[spmem:s2] =	stream.indirect.scatter.add.bf16 [tilespmem:s20], [sflag:$0x5], $0x40, s0, s18, $0xb8;
	[tilespmem:$0x14800] =	vst v63  }
0xbd: {  	_ =	swait.ge [sflag:s15], $0x2000  }
0xbe: {  	[sflag:s15] =	ssyncset.done $0x0  }
0xbf: {  	[sflag:s15] =	ssyncadd.s32 $0xFFFFE000  }
0xc0: {  	_ =	swait.ge [sflag:s28], $0x2000  }
0xc1: {  	[sflag:s28] =	ssyncset.done $0x0  }
0xc2: {  	[sflag:s28] =	ssyncadd.s32 $0xFFFFE000  }
0xc3: {  	[spmem:s2] =	stream.indirect.scatter.add.bf16 [tilespmem:s22], [sflag:$0x5], $0x40, s16, s18, $0xb8;
	[tilespmem:$0x14800] =	vst v63  }
0xc4: {  	_ =	swait.ge [sflag:s15], $0x2000  }
0xc5: {  	[sflag:s15] =	ssyncset.done $0x0  }
0xc6: {  	[sflag:s15] =	ssyncadd.s32 $0xFFFFE000  }
0xc7: {  	_ =	swait.ge [sflag:s29], $0x2000  }
0xc8: {  	[sflag:s29] =	ssyncset.done $0x0  }
0xc9: {  	s30 =	smul.u32 $0xA0000, s10;
	s10 =	sadd.s32 $0x1, s10;
	[sflag:s29] =	ssyncadd.s32 $0xFFFFE000  }
0xca: {  	[spmem:s2] =	stream.indirect.scatter.add.bf16 [tilespmem:s23], [sflag:$0x5], $0x40, s6, s18, $0xb8;
	[tilespmem:$0x14800] =	vst v63  }
0xcb: {  	p0 =	sne.s32 s10, $0x8;
	s1 =	sadd.s32 s30, s9;
	_ =	swait.ge [sflag:s15], $0x2000  }
0xcc: {  	s1 =	sshrl.u32 s1, $0x4;
	s31 =	stileid.u32;
	[sflag:s15] =	ssyncset.done $0x0  }
0xcd: {  	s1 =	sadd.s32 s5, s1;
	s3 =	sshll.u32 s31, $0x6;
	[sflag:s15] =	ssyncadd.s32 $0xFFFFE000  }
.Ltmp4:
0xce: {  	s3 =	sor.u32 $0x1C05, s3;
	[bflag:$0x0] =	sbarrier.arrive $0xFFFF;
	(pc) =	sbr.rel @p0 .LBB2_4-.Ltmp4, $4  }
0xcf: {  	[hbm:s1], [sflag:s3] =	dma.local [spmem:s25], $0xA00  }
0xd0: {  	_ =	swait.ge [sflag:s15], $0xA00  }
0xd1: {  	[sflag:s15] =	ssyncset.done $0x0  }
0xd2: {  	[sflag:s15] =	ssyncadd.s32 $0xFFFFF600  }
0xd3: {  	s10 =	rddreg [dreg:$0x3]  }
0xd4: {  	s1 =	rddreg [dreg:$0x6];
	s10 =	sadd.s32 $0x1, s10  }
0xd5: {  	p0 =	sne.s32 s10, s1  }
.Ltmp5:
0xd6: {  	_ = 	snop;
	(pc) =	sbr.rel @p0 .LBB2_1-.Ltmp5, $1  }
0xd7: {  	_ =	sdelay $0x3  }
0xd8: {  	_ =	sfence.sel $0x180000  }
0xd9: {  	[bflag:$0x0] =	sbarrier.arrive $0xFFFF  }
0xda: {  	_ =	strace $0x90000059  }
0xdb: {  	s0 =	stileid.u32;
	[bflag:$0x2] =	sbarrier.arrive $0xFFFF  }
0xdc: {  	p0 =	sne.s32 s0, $0x0;
	s0 =	rddreg [dreg:$0x2]  }
0xdd: {  	s0 =	sadd.s32 @!p0 $0x100000, s0  }
0xde: {  	[sflag:s0] =	ssyncadd.tile.s32 @!p0 $0x1;
	_ =	shalt  }
.Lfunc_end2:
_tile_overlayer_lowered:
.L_overlay_start_2:
0xdf: {  	(tag) =	ssettag $0x2  }
0xe0: {  	s0 =	rddreg [dreg:$0x0];
	s2 =	stileid.u32  }
0xe1: {  	s1 =	rddreg [dreg:$0x1];
	p0 =	sne.s32 s2, $0x0  }
0xe2: {  	s3 =	rddreg [dreg:$0x2];
	[bflag:$0x3] =	sbarrier.arrive $0xFFFF;
	s2 =	simm.s32 @!p0 $0x1C05  }
0xe3: {  	[timem:s3], [sflag:s2] =	dma.local @!p0 [hbm:s0], s1  }
0xe4: {  	s0 =	simm.s32 @!p0 $0x5  }
0xe5: {  	_ =	swait.ge @!p0 [sflag:s0], s1  }
0xe6: {  	s1 =	ssub.s32 @!p0 $0x0, s1;
	[sflag:s0] =	ssyncset.done @!p0 $0x0  }
0xe7: {  	[sflag:s0] =	ssyncadd.s32 @!p0 s1  }
0xe8: {  	[bflag:$0x3] =	sbarrier.arrive $0xFFFF  }
0xe9: {  	_ =	shalt  }

// kernel: kernel.25.cloned.1.call-start
scs
__scs_entry_jumppad:
0x0: {  	(pc) =	sbr.rel $0x88, $3  }
0x1: {  	(tag) =	ssettag $0x0;
	lr =	simm.s32 $0x1  }
0x2: {  	[smem:$0x3F86] =	sst lr;
	_ =	strace $0xD0000000  }
0x3: {  	_ = 	snop  }
0x4: {  	_ = 	snop  }
0x5: {  	_ = 	snop  }
0x6: {  	_ = 	snop  }
0x7: {  	_ = 	snop  }
__scs_overlays_trampoline_lowered:
0x8: {  	[smem:$0x3F95] =	sst s0  }
0x9: {  	[smem:$0x3F96] =	sst s1  }
0xa: {  	[smem:$0x3F97] =	sst s2  }
0xb: {  	[smem:$0x3F98] =	sst s3  }
0xc: {  	[smem:$0x3F99] =	sst s4  }
0xd: {  	[smem:$0x3F9A] =	sst s5  }
0xe: {  	[smem:$0x3F9B] =	sst s6  }
0xf: {  	[smem:$0x3F9C] =	sst s7  }
0x10: {  	[smem:$0x3F9D] =	sst s8  }
0x11: {  	[smem:$0x3F9E] =	sst s9;
	s0 =	simm.s32 @!p0 $0x0  }
0x12: {  	s1 =	sld [smem:$0x3F84];
	s0 =	simm.s32 @p0 $0x1  }
0x13: {  	[smem:$0x3F9F] =	sst s0;
	s0 =	simm.s32 @!p1 $0x0  }
0x14: {  	s2 =	sld [smem:$0x3F83];
	s0 =	simm.s32 @p1 $0x1  }
0x15: {  	[smem:$0x3FA0] =	sst s0;
	s0 =	simm.s32 @!p2 $0x0  }
0x16: {  	s3 =	sld [smem:$0x3FDB];
	s0 =	simm.s32 @p2 $0x1  }
0x17: {  	s4 =	simm.s32 $0x1BF5;
	[smem:$0x3FA2] =	sst s0  }
0x18: {  	s0 =	sld [smem:$0x3F85];
	_ =	swait.ge [sflag:s4], $0x0  }
0x19: {  	s7 =	sld [smem:$0x3F86]  }
0x1a: {  	s8 =	sadd.s32 $0xFFFFE003, lr  }
0x1b: {  	s9 =	sadd.s32 $0xFFFFFEF7, lr;
	s5 =	simm.s32 $0xFFFFFFFF;
	p2 =	slt.u32 s8, $0xFFFFF086  }
0x1c: {  	p1 =	slt.u32 s9, $0xF7A;
	s5 =	simm.s32 @!p2 $0x0  }
0x1d: {  	s5 =	simm.s32 @p1 $0x1;
	p0 =	seq.s32 s7, s2  }
0x1e: {  	s7 =	smul.u32 @!p0 $0xF7A, s2;
	p2 =	seq.s32 @!p0 s5, $0x0  }
0x1f: {  	s9 =	smul.u32 $0xF7A, s1;
	s8 =	simm.s32 @!p0 $0x1BF5;
	p2 =	por !p2, p0  }
0x20: {  	[sflag:s8] =	ssyncset.s32 @!p0 $0xFFFFF086;
	s6 =	sadd.s32 @!p0 s3, s7;
	s7 =	simm.s32 @!p0 $0x108  }
0x21: {  	s3 =	sadd.s32 s3, s9;
	s6 =	sadd.s32 @!p0 $0x88, s6;
	s7 =	simm.s32 @p2 $0x1082  }
0x22: {  	[simem:s7], [sflag:s8] =	dma.local @!p0 [hbm:s6], $0xF7A  }
0x23: {  	s9 =	sor.u32 $0xD0000000, s2;
	s6 =	simm.s32 $0x108;
	_ =	swait.ge @!p0 [sflag:s8], $0x0  }
0x24: {  	s3 =	sadd.s32 $0x88, s3;
	s6 =	simm.s32 @!p1 $0x1082;
	[sflag:s4] =	ssyncset.s32 $0xFFFFF086  }
0x25: {  	[simem:s6], [sflag:s4] =	dma.local [hbm:s3], $0xF7A  }
0x26: {  	[smem:$0x3F86] =	sst s1;
	(tag) =	ssettag s2;
	_ =	strace s9  }
0x27: {  	s1 =	sld [smem:$0x3F96]  }
0x28: {  	s2 =	sld [smem:$0x3F97]  }
0x29: {  	s4 =	sld [smem:$0x3F99]  }
0x2a: {  	p0 =	seq.s32 s5, $0x0;
	s5 =	sld [smem:$0x3F9A]  }
0x2b: {  	s6 =	sld [smem:$0x3F9B]  }
0x2c: {  	s7 =	sld [smem:$0x3F9C]  }
0x2d: {  	s3 =	simm.s32 $0x108;
	s8 =	sld [smem:$0x3F9D]  }
0x2e: {  	s3 =	simm.s32 @!p0 $0x1082;
	s9 =	sld [smem:$0x3F9E]  }
0x2f: {  	lr =	sadd.s32 s0, s3;
	s0 =	sld [smem:$0x3F95]  }
0x30: {  	s3 =	sld [smem:$0x3F98]  }
0x31: {  	[smem:$0x3FA1] =	sst s10  }
0x32: {  	s10 =	sld [smem:$0x3F9F];
	_ =	sdelay $0x3  }
0x33: {  	p0 =	seq.s32 s10, $0x1;
	s10 =	sld [smem:$0x3FA1];
	_ =	sdelay $0x3  }
0x34: {  	[smem:$0x3FA1] =	sst s10  }
0x35: {  	s10 =	sld [smem:$0x3FA0];
	_ =	sdelay $0x3  }
0x36: {  	p1 =	seq.s32 s10, $0x1;
	s10 =	sld [smem:$0x3FA1];
	_ =	sdelay $0x3  }
0x37: {  	[smem:$0x3FA1] =	sst s10  }
0x38: {  	s10 =	sld [smem:$0x3FA2]  }
0x39: {  	_ = 	snop;
	(pc) =	sbr.ind lr, $3  }
0x3a: {  	_ = 	snop  }
0x3b: {  	_ = 	snop  }
0x3c: {  	p2 =	seq.s32 s10, $0x1;
	s10 =	sld [smem:$0x3FA1]  }
0x3d: {  	_ =	shalt  }
0x3e: {  	_ =	shalt  }
0x3f: {  	_ =	shalt  }
0x40: {  	_ =	shalt  }
0x41: {  	_ =	shalt  }
0x42: {  	_ =	shalt  }
0x43: {  	_ =	shalt  }
0x44: {  	_ =	shalt  }
0x45: {  	_ =	shalt  }
0x46: {  	_ =	shalt  }
0x47: {  	_ =	shalt  }
0x48: {  	_ =	shalt  }
0x49: {  	_ =	shalt  }
0x4a: {  	_ =	shalt  }
0x4b: {  	_ =	shalt  }
0x4c: {  	_ =	shalt  }
0x4d: {  	_ =	shalt  }
0x4e: {  	_ =	shalt  }
0x4f: {  	_ =	shalt  }
0x50: {  	_ =	shalt  }
0x51: {  	_ =	shalt  }
0x52: {  	_ =	shalt  }
0x53: {  	_ =	shalt  }
0x54: {  	_ =	shalt  }
0x55: {  	_ =	shalt  }
0x56: {  	_ =	shalt  }
0x57: {  	_ =	shalt  }
0x58: {  	_ =	shalt  }
0x59: {  	_ =	shalt  }
0x5a: {  	_ =	shalt  }
0x5b: {  	_ =	shalt  }
0x5c: {  	_ =	shalt  }
0x5d: {  	_ =	shalt  }
0x5e: {  	_ =	shalt  }
0x5f: {  	_ =	shalt  }
0x60: {  	_ =	shalt  }
0x61: {  	_ =	shalt  }
0x62: {  	_ =	shalt  }
0x63: {  	_ =	shalt  }
0x64: {  	_ =	shalt  }
0x65: {  	_ =	shalt  }
0x66: {  	_ =	shalt  }
0x67: {  	_ =	shalt  }
0x68: {  	_ =	shalt  }
0x69: {  	_ =	shalt  }
0x6a: {  	_ =	shalt  }
0x6b: {  	_ =	shalt  }
0x6c: {  	_ =	shalt  }
0x6d: {  	_ =	shalt  }
0x6e: {  	_ =	shalt  }
0x6f: {  	_ =	shalt  }
0x70: {  	_ =	shalt  }
0x71: {  	_ =	shalt  }
0x72: {  	_ =	shalt  }
0x73: {  	_ =	shalt  }
0x74: {  	_ =	shalt  }
0x75: {  	_ =	shalt  }
0x76: {  	_ =	shalt  }
0x77: {  	_ =	shalt  }
0x78: {  	_ =	shalt  }
0x79: {  	_ =	shalt  }
0x7a: {  	_ =	shalt  }
0x7b: {  	_ =	shalt  }
0x7c: {  	_ =	shalt  }
0x7d: {  	_ =	shalt  }
0x7e: {  	_ =	shalt  }
0x7f: {  	_ =	shalt  }
0x80: {  	_ =	shalt  }
0x81: {  	_ =	shalt  }
0x82: {  	_ =	shalt  }
0x83: {  	_ =	shalt  }
0x84: {  	_ =	shalt  }
0x85: {  	_ =	shalt  }
0x86: {  	_ =	shalt  }
0x87: {  	_ =	shalt  }
.Lfunc_end0:
.L_simem_size_0:
called_computation.6_lowered:
.L_overlay_start_0:
0x88: {  	s2 =	sld [smem:$0x3FD9]  }
0x89: {  	s3 =	sld [smem:$0x3FFE];
	_ =	sdelay $0x1  }
0x8a: {  	s1 =	srdreg.scid  }
0x8b: {  	s0 =	sand.u32 $0x1, s1  }
0x8c: {  	s17 =	sshll.u32 s0, $0xA;
	s2 =	sadd.s32 s3, s2  }
0x8d: {  	s2 =	sadd.s32 s2, s17  }
0x8e: {  	[smem:$0x3FAD] =	sst s2  }
0x8f: {  	_ = 	snop  }
0x90: {  	(tm) =	ssettm $0x1  }
0x91: {  	s18 =	sld [smem:$0x3FFB];
	_ =	sdelay $0x3  }
0x92: {  	_ =	strace s18  }
0x93: {  	s2 =	sld [smem:$0x3FFC];
	_ =	sdelay $0x3  }
0x94: {  	_ =	strace s2  }
0x95: {  	s2 =	sld [smem:$0x3FFD];
	_ =	sdelay $0x3  }
0x96: {  	_ =	strace s2  }
0x97: {  	_ =	strace $0x8FFFFFFF  }
0x98: {  	s19 =	sld [smem:$0x3FDB];
	_ =	sdelay $0x1  }
0x99: {  	s20 =	simm.s32 $_scs_section_size  }
0x9a: {  	s4 =	simm.s32 $_size__tile_overlayer_lowered;
	s5 =	simm.s32 $_tile_overlayer_lowered  }
0x9b: {  	s6 =	simm.s32 $0x1BFF;
	s21 =	sshll.u32 s5, $0x1;
	s3 =	sadd.s32 s20, s19  }
0x9c: {  	s22 =	simm.s32 $0x0;
	s4 =	sshll.u32 s4, $0x1;
	s5 =	sadd.s32 s21, s3  }
0x9d: {  	[timem:s22], [sflag:s6] =	dma.local [hbm:s5], s4  }
0x9e: {  	_ =	swait.ge [sflag:s6], s4  }
0x9f: {  	s4 =	ssub.s32 $0x0, s4;
	[sflag:s6] =	ssyncset.done $0x0  }
0xa0: {  	[sflag:s6] =	ssyncadd.s32 s4;
	_ =	sdelay $0x1  }
0xa1: {  	s23 =	simm.s32 $0x1B8B  }
0xa2: {  	_ =	swait.ge [sflag:s23], $0x1  }
0xa3: {  	[sflag:s23] =	ssyncset.done $0x0  }
0xa4: {  	[sflag:s23] =	ssyncadd.s32 $0xFFFFFFFF  }
0xa5: {  	s4 =	sld [smem:$0x0]  }
0xa6: {  	s5 =	sand.u32 $0xFFFFFFFE, s1  }
0xa7: {  	p0 =	sne.s32 s1, s5  }
0xa8: {  	s5 =	sshll.u32 @p0 s5, $0xE  }
0xa9: {  	s5 =	sadd.s32 @p0 $0x11B8D, s5;
	s6 =	sshll.u32 @p0 s4, $0x11  }
0xaa: {  	s5 =	sor.u32 @p0 s6, s5  }
0xab: {  	[sflag:s5] =	ssyncadd.remote.s32 @p0 $0x1;
	_ =	sdelay $0x1  }
0xac: {  	s5 =	simm.s32 @p0 $0x1B8D  }
0xad: {  	_ =	swait.eq @p0 [sflag:s5], $0x1  }
0xae: {  	[sflag:s5] =	ssyncadd.s32 @p0 $0xFFFFFFFF  }
0xaf: {  	s6 =	sshll.u32 @!p0 s1, $0xE  }
0xb0: {  	s6 =	sor.u32 @!p0 $0x4000, s6;
	s5 =	simm.s32 @!p0 $0x1B8D  }
0xb1: {  	s4 =	sshll.u32 @!p0 s4, $0x11;
	s6 =	sadd.s32 @!p0 $0x11B8D, s6;
	_ =	swait.eq @!p0 [sflag:s5], $0x1  }
0xb2: {  	s4 =	sor.u32 @!p0 s4, s6;
	[sflag:s5] =	ssyncadd.s32 @!p0 $0xFFFFFFFF  }
0xb3: {  	s25 =	simm.s32 $0x1B8E;
	s24 =	sld [smem:$0x3FFE];
	[sflag:s4] =	ssyncadd.remote.s32 @!p0 $0x1  }
0xb4: {  	s26 =	simm.s32 $execute0_lowered;
	[smem:$0x3FD2] =	sst s25  }
0xb5: {  	s5 =	sshll.u32 s26, $0x1;
	_ =	strace $0x80000052;
	[dreg:$0x1] =	wrdreg $0xFFFFFFFF  }
0xb6: {  	s28 =	simm.s32 $_size_execute0_lowered;
	s3 =	sadd.s32 s3, s5;
	[dreg:$0x0] =	wrdreg $0x0  }
0xb7: {  	s5 =	sshll.u32 s28, $0x1;
	[dreg:$0x2] =	wrdreg s3  }
0xb8: {  	[dreg:$0x3] =	wrdreg s5  }
0xb9: {  	[dreg:$0x4] =	wrdreg $0xC0  }
0xba: {  	_ =	task [dreg:s22], $0x5FFFF  }
0xbb: {  	[dreg:$0x1] =	wrdreg $0xFFFFFFFF  }
0xbc: {  	[dreg:$0x0] =	wrdreg $0x60  }
0xbd: {  	[dreg:$0x2] =	wrdreg s24  }
0xbe: {  	[dreg:$0x3] =	wrdreg $0x8C000  }
0xbf: {  	[dreg:$0x4] =	wrdreg $0xA  }
0xc0: {  	_ =	task.clear_ibuf [dreg:s22], $0x5FFFF;
	_ =	strace $0x90000052  }
0xc1: {  	s29 =	simm.s32 $0xA;
	_ =	strace $0x80000054  }
0xc2: {  	_ =	swait.ge [sflag:s29], $0x1  }
0xc3: {  	[sflag:s29] =	ssyncadd.s32 $0xFFFFFFFF  }
0xc4: {  	_ =	strace $0x90000054  }
0xc5: {  	_ =	sfence  }
0xc6: {  	s30 =	sld [smem:$0x0];
	_ =	sdelay $0x2  }
0xc7: {  	s31 =	sshll.u32 s1, $0xD;
	s1 =	sshrl.u32 s1, $0x2  }
0xc8: {  	s4 =	sand.u32 $0x4000, s31;
	s1 =	sadd.s32 s1, s30  }
0xc9: {  	s0 =	sor.u32 s4, s0;
	s1 =	sshll.u32 s1, $0x11  }
0xca: {  	s0 =	sor.u32 s1, s0  }
0xcb: {  	s0 =	sadd.s32 $0x8F2B, s0  }
0xcc: {  	[sflag:s0] =	ssyncadd.remote.s32 $0x1  }
0xcd: {  	_ =	sfence.sel $0xFFFF  }
0xce: {  	[dreg:$0x0] =	wrdreg $0xFFFFFFFF;
	(pc) =	sbr.abs _section_cstart, $3  }
0xcf: {  	[dreg:$0x1] =	wrdreg $0xFFFFFFFF  }
0xd0: {  	_ =	task.clear_ibuf [dreg:s22], $0x2FFFF;
	_ =	strace $0x9FFFFFFF  }
0xd1: {  	(tm) =	ssettm $0x7FFFFFFF  }
tec
execute0_lowered:
.L_overlay_start_1:
0x0: {  	(tag) =	ssettag $0x1  }
0x1: {  	s0 =	rddreg [dreg:$0x0]  }
0x2: {  	s1 =	rddreg [dreg:$0x1]  }
0x3: {  	s2 =	srdreg.scid;
	s3 =	simm.s32 $0x0;
	s11 =	simm.s32 $0x5  }
0x4: {  	s13 =	simm.s32 $0x8800;
	s14 =	simm.s32 $0x80;
	s15 =	simm.s32 $0x6800  }
0x5: {  	s16 =	simm.s32 $0x7000;
	s17 =	simm.s32 $0x100;
	s18 =	simm.s32 $0x7800  }
0x6: {  	s19 =	simm.s32 $0x8000;
	s20 =	simm.s32 $0x1;
	s21 =	simm.s32 $0x2  }
0x7: {  	s28 =	simm.s32 $0x6680;
	s29 =	simm.s32 $0x6700;
	s30 =	simm.s32 $0x6780  }
0x8: {  	s31 =	simm.s32 $0x0;
	s5 =	sand.u32 $0x1, s2;
	s2 =	stileid.u32  }
0x9: {  	[smem:$0x7FF] =	sst s3;
	s4 =	sshll.u32 s5, $0x4;
	s8 =	smul.u32 $0x31000, s2  }
0xa: {  	_ =	strace $0x80000053;
	s7 =	ssub.s32 $0x2, s5;
	s10 =	smul.u32 $0x3100000, s5  }
0xb: {  	s5 =	sadd.s32 $0xD5B800, s0;
	s23 =	smul.u32 $0x18800, s2;
	s4 =	sor.u32 s2, s4  }
0xc: {  	s9 =	sshrl.u32 s7, $0x1;
	s6 =	smul.u32 $0x680, s4;
	s4 =	sadd.s32 $0x54400, s0  }
0xd: {  	s22 =	ssub.s32 s7, s9;
	s25 =	sshrl.u32 s8, $0x2;
	s9 =	sadd.s32 s10, s23  }
0xe: {  	s26 =	sshrl.u32 s23, $0x1;
	s6 =	sadd.s32 s6, s0;
	s0 =	smax.u32 s22, $0x1  }
0xf: {  	s23 =	simm.s32 $0x4;
	s24 =	sadd.s32 $0x3A400, s6;
	[dreg:$0x6] =	wrdreg s0  }
0x10: {  	s8 =	sadd.s32 s25, s1;
	s6 =	sadd.s32 $0xC400, s6;
	[dreg:$0x4] =	wrdreg s24  }
0x11: {  	s22 =	simm.s32 $0x3;
	[dreg:$0x5] =	wrdreg s6;
	s6 =	sadd.s32 s26, s1  }
0x12: {  	v0 =	vimm.bf16 $0.0e+00;
	s24 =	simm.s32 $0x3380;
	s26 =	simm.s32 $0x6600;
	s25 =	sshrl.u32 s6, $0x3  }
.LBB2_1:
0x13: {  	[dreg:$0x3] =	wrdreg s3;
	s0 =	simm.s32 $0x40;
	s6 =	simm.s32 $0x0  }
.LBB2_2:
0x14: {  	p0 =	sne.s32 s0, $0xFC0;
	[tilespmem:s6+$0x8800] =	vst v0;
	s6 =	smov.u32 s0;
	s0 =	sadd.s32 $0x40, s0  }
.Ltmp0:
0x15: {  	(pc) =	sbr.rel @p0 .LBB2_2-.Ltmp0, $2  }
0x16: {  	_ =	sdelay $0x2  }
0x17: {  	s6 =	sshra.s32 s6, $0x2  }
0x18: {  	[tilespmem:s6+$0x8800] =	vst v0;
	s0 =	rddreg [dreg:$0x4]  }
0x19: {  	[tilespmem:s31], [sflag:$0x5] =	stream.linear.gather [hbm4b:s0+s31], $0x3400, $0x38;
	[tilespmem:$0x15000] =	vst v63  }
0x1a: {  	_ =	swait.ge [sflag:s11], $0x3400  }
0x1b: {  	[sflag:s11] =	ssyncset.done $0x0  }
0x1c: {  	s3 =	simm.s32 $0x3400;
	s12 =	rddreg [dreg:$0x5];
	[sflag:s11] =	ssyncadd.s32 $0xFFFFCC00  }
0x1d: {  	[tilespmem:s3], [sflag:$0x5] =	stream.linear.gather [hbm4b:s12+s31], $0x3400, $0x38;
	[tilespmem:$0x15000] =	vst v63  }
0x1e: {  	_ =	swait.ge [sflag:s11], $0x3400  }
0x1f: {  	[sflag:s11] =	ssyncset.done $0x0  }
0x20: {  	s0 =	simm.s32 $0x0;
	[sflag:s11] =	ssyncadd.s32 $0xFFFFCC00  }
.LBB2_4:
0x21: {  	p0 =	seq.s32 s0, $0x0  }
.Ltmp1:
0x22: {  	_ = 	snop;
	(pc) =	sbr.rel @p0 .LBB2_8-.Ltmp1, $1  }
0x23: {  	_ =	sdelay $0x3  }
0x24: {  	s6 =	sshrl.u32 s31, $0x2  }
0x25: {  	s6 =	sand.u32 $0x3FF0, s6  }
0x26: {  	v1 =	vld [tilespmem:s6+$0x0];
	_ =	sdelay $0x3  }
0x27: {  	s7 =	sadd.s32 $0x40, s31  }
0x28: {  	s10 =	sshrl.u32 s7, $0x2;
	s7 =	sadd.s32 $0x40, s7;
	v1 =	vadd.s32 $0x1400, v1  }
.LBB2_6:
0x29: {  	p0 =	sne.s32 s7, $0xCFC0;
	[tilespmem:s6+$0x0] =	vst v1;
	s6 =	sand.u32 $0x3FF0, s10  }
0x2a: {  	v1 =	vld [tilespmem:s6+$0x0]  }
.Ltmp2:
0x2b: {  	(pc) =	sbr.rel @p0 .LBB2_6-.Ltmp2, $2  }
0x2c: {  	_ =	sdelay $0x2  }
0x2d: {  	s10 =	sshrl.u32 s7, $0x2;
	s7 =	sadd.s32 $0x40, s7;
	v1 =	vadd.s32 $0x1400, v1  }
0x2e: {  	s7 =	sand.u32 $0x3FF0, s10;
	[tilespmem:s6+$0x0] =	vst v1  }
0x2f: {  	v1 =	vld [tilespmem:s7+$0x0];
	_ =	sdelay $0x4  }
0x30: {  	v1 =	vadd.s32 $0x1400, v1  }
0x31: {  	[tilespmem:s7+$0x0] =	vst v1  }
.LBB2_8:
0x32: {  	s6 =	sadd.s32 $0x0, s8  }
0x33: {  	[spmem:s6] =	stream.linear.scatter [tilespmem:s13], [sflag:$0x5], $0x400, $0x38;
	[tilespmem:$0x15000] =	vst v63  }
0x34: {  	s6 =	simm.s32 $0x1000;
	_ =	swait.ge [sflag:s11], $0x400  }
.LBB2_9:
0x35: {  	s7 =	sshra.s32 s6, $0x2;
	[sflag:s11] =	ssyncset.done $0x0;
	p0 =	sne.s32 s6, $0x30000  }
.Ltmp3:
0x36: {  	s7 =	sadd.s32 s7, s8;
	[sflag:s11] =	ssyncadd.s32 $0xFFFFFC00;
	(pc) =	sbr.rel @p0 .LBB2_9-.Ltmp3, $3  }
0x37: {  	[spmem:s7] =	stream.linear.scatter [tilespmem:s13], [sflag:$0x5], $0x400, $0x38;
	[tilespmem:$0x15000] =	vst v63  }
0x38: {  	s6 =	sadd.s32 $0x1000, s6;
	_ =	sdelay $0x1  }
0x39: {  	_ =	swait.ge [sflag:s11], $0x400  }
0x3a: {  	[sflag:s11] =	ssyncset.done $0x0  }
0x3b: {  	[sflag:s11] =	ssyncadd.s32 $0xFFFFFC00  }
0x3c: {  	s6 =	simm.s32 $0x0;
	[bflag:$0x0] =	sbarrier.arrive $0xFFFF  }
0x3d: {  	[tilespmem:s15], [sflag:$0x1] =	stream.indirect.gather [hbm4b:s4+s14], $0x10, s6, s14, $0xb8;
	[tilespmem:$0x15000] =	vst v63  }
0x3e: {  	_ = 	snop  }
0x3f: {  	[tilespmem:s16], [sflag:$0x2] =	stream.indirect.gather [hbm4b:s4+s14], $0x10, s14, s14, $0xb8;
	[tilespmem:$0x15000] =	vst v63  }
0x40: {  	_ = 	snop  }
0x41: {  	[tilespmem:s18], [sflag:$0x3] =	stream.indirect.gather [hbm4b:s4+s14], $0x10, s17, s14, $0xb8;
	[tilespmem:$0x15000] =	vst v63  }
0x42: {  	s3 =	simm.s32 $0x180  }
0x43: {  	[tilespmem:s19], [sflag:$0x4] =	stream.indirect.gather [hbm4b:s4+s14], $0x10, s3, s14, $0xb8;
	[tilespmem:$0x15000] =	vst v63  }
0x44: {  	_ =	swait.ge [sflag:s20], $0x800  }
0x45: {  	[sflag:s20] =	ssyncset.done $0x0  }
0x46: {  	s7 =	simm.s32 $0x3400;
	[sflag:s20] =	ssyncadd.s32 $0xFFFFF800  }
0x47: {  	[spmem:s1] =	stream.indirect.scatter.add.bf16 [tilespmem:s15], [sflag:$0x5], $0x10, s7, s14, $0xb8;
	[tilespmem:$0x15000] =	vst v63  }
0x48: {  	_ =	swait.ge [sflag:s11], $0x800  }
0x49: {  	[sflag:s11] =	ssyncset.done $0x0  }
0x4a: {  	s10 =	simm.s32 $0x200;
	[sflag:s11] =	ssyncadd.s32 $0xFFFFF800  }
0x4b: {  	[tilespmem:s15], [sflag:$0x1] =	stream.indirect.gather [hbm4b:s4+s14], $0x10, s10, s14, $0xb8;
	[tilespmem:$0x15000] =	vst v63  }
0x4c: {  	_ =	swait.ge [sflag:s21], $0x800  }
0x4d: {  	[sflag:s21] =	ssyncset.done $0x0  }
0x4e: {  	s12 =	simm.s32 $0x3480;
	[sflag:s21] =	ssyncadd.s32 $0xFFFFF800  }
0x4f: {  	[spmem:s1] =	stream.indirect.scatter.add.bf16 [tilespmem:s16], [sflag:$0x5], $0x10, s12, s14, $0xb8;
	[tilespmem:$0x15000] =	vst v63  }
0x50: {  	_ =	swait.ge [sflag:s11], $0x800  }
0x51: {  	[sflag:s11] =	ssyncset.done $0x0  }
0x52: {  	s3 =	simm.s32 $0x280;
	[sflag:s11] =	ssyncadd.s32 $0xFFFFF800  }
0x53: {  	[tilespmem:s16], [sflag:$0x2] =	stream.indirect.gather [hbm4b:s4+s14], $0x10, s3, s14, $0xb8;
	[tilespmem:$0x15000] =	vst v63  }
0x54: {  	_ =	swait.ge [sflag:s22], $0x800  }
0x55: {  	[sflag:s22] =	ssyncset.done $0x0  }
0x56: {  	s7 =	simm.s32 $0x3500;
	[sflag:s22] =	ssyncadd.s32 $0xFFFFF800  }
0x57: {  	[spmem:s1] =	stream.indirect.scatter.add.bf16 [tilespmem:s18], [sflag:$0x5], $0x10, s7, s14, $0xb8;
	[tilespmem:$0x15000] =	vst v63  }
0x58: {  	_ =	swait.ge [sflag:s11], $0x800  }
0x59: {  	[sflag:s11] =	ssyncset.done $0x0  }
0x5a: {  	s10 =	simm.s32 $0x300;
	[sflag:s11] =	ssyncadd.s32 $0xFFFFF800  }
0x5b: {  	[tilespmem:s18], [sflag:$0x3] =	stream.indirect.gather [hbm4b:s4+s14], $0x10, s10, s14, $0xb8;
	[tilespmem:$0x15000] =	vst v63  }
0x5c: {  	_ =	swait.ge [sflag:s23], $0x800  }
0x5d: {  	[sflag:s23] =	ssyncset.done $0x0  }
0x5e: {  	s12 =	simm.s32 $0x3580;
	[sflag:s23] =	ssyncadd.s32 $0xFFFFF800  }
0x5f: {  	[spmem:s1] =	stream.indirect.scatter.add.bf16 [tilespmem:s19], [sflag:$0x5], $0x10, s12, s14, $0xb8;
	[tilespmem:$0x15000] =	vst v63  }
0x60: {  	_ =	swait.ge [sflag:s11], $0x800  }
0x61: {  	s6 =	simm.s32 $0x1000;
	s12 =	simm.s32 $0x200;
	[sflag:s11] =	ssyncset.done $0x0  }
.LBB2_11:
0x62: {  	s3 =	sadd.s32 $0x180, s12  }
0x63: {  	[sflag:s11] =	ssyncadd.s32 $0xFFFFF800;
	s7 =	smov.u32 s6;
	s10 =	sadd.s32 $0x800, s6  }
0x64: {  	[tilespmem:s19], [sflag:$0x4] =	stream.indirect.gather [hbm4b:s4+s14], $0x10, s3, s14, $0xb8;
	[tilespmem:$0x15000] =	vst v63  }
0x65: {  	p0 =	sne.s32 s6, $0xC000;
	_ =	swait.ge [sflag:s20], $0x800  }
0x66: {  	[sflag:s20] =	ssyncset.done $0x0  }
0x67: {  	s3 =	sadd.s32 $0x3400, s12;
	[sflag:s20] =	ssyncadd.s32 $0xFFFFF800  }
0x68: {  	[spmem:s1] =	stream.indirect.scatter.add.bf16 [tilespmem:s15], [sflag:$0x5], $0x10, s3, s14, $0xb8;
	[tilespmem:$0x15000] =	vst v63  }
0x69: {  	_ =	swait.ge [sflag:s11], $0x800  }
0x6a: {  	[sflag:s11] =	ssyncset.done $0x0  }
0x6b: {  	s3 =	sadd.s32 $0x200, s12;
	[sflag:s11] =	ssyncadd.s32 $0xFFFFF800  }
0x6c: {  	[tilespmem:s15], [sflag:$0x1] =	stream.indirect.gather [hbm4b:s4+s14], $0x10, s3, s14, $0xb8;
	[tilespmem:$0x15000] =	vst v63  }
0x6d: {  	_ =	swait.ge [sflag:s21], $0x800  }
0x6e: {  	[sflag:s21] =	ssyncset.done $0x0  }
0x6f: {  	s3 =	sadd.s32 $0x3480, s12;
	[sflag:s21] =	ssyncadd.s32 $0xFFFFF800  }
0x70: {  	[spmem:s1] =	stream.indirect.scatter.add.bf16 [tilespmem:s16], [sflag:$0x5], $0x10, s3, s14, $0xb8;
	[tilespmem:$0x15000] =	vst v63  }
0x71: {  	_ =	swait.ge [sflag:s11], $0x800  }
0x72: {  	[sflag:s11] =	ssyncset.done $0x0  }
0x73: {  	s3 =	sadd.s32 $0x280, s12;
	[sflag:s11] =	ssyncadd.s32 $0xFFFFF800  }
0x74: {  	[tilespmem:s16], [sflag:$0x2] =	stream.indirect.gather [hbm4b:s4+s14], $0x10, s3, s14, $0xb8;
	[tilespmem:$0x15000] =	vst v63  }
0x75: {  	_ =	swait.ge [sflag:s22], $0x800  }
0x76: {  	[sflag:s22] =	ssyncset.done $0x0  }
0x77: {  	s3 =	sadd.s32 $0x3500, s12;
	[sflag:s22] =	ssyncadd.s32 $0xFFFFF800  }
0x78: {  	[spmem:s1] =	stream.indirect.scatter.add.bf16 [tilespmem:s18], [sflag:$0x5], $0x10, s3, s14, $0xb8;
	[tilespmem:$0x15000] =	vst v63  }
0x79: {  	_ =	swait.ge [sflag:s11], $0x800  }
0x7a: {  	[sflag:s11] =	ssyncset.done $0x0  }
0x7b: {  	s3 =	sadd.s32 $0x300, s12;
	[sflag:s11] =	ssyncadd.s32 $0xFFFFF800  }
0x7c: {  	[tilespmem:s18], [sflag:$0x3] =	stream.indirect.gather [hbm4b:s4+s14], $0x10, s3, s14, $0xb8;
	[tilespmem:$0x15000] =	vst v63  }
0x7d: {  	_ =	swait.ge [sflag:s23], $0x800  }
.Ltmp4:
0x7e: {  	[sflag:s23] =	ssyncset.done $0x0;
	(pc) =	sbr.rel @p0 .LBB2_11-.Ltmp4, $4  }
0x7f: {  	s3 =	sadd.s32 $0x3580, s12;
	[sflag:s23] =	ssyncadd.s32 $0xFFFFF800  }
0x80: {  	[spmem:s1] =	stream.indirect.scatter.add.bf16 [tilespmem:s19], [sflag:$0x5], $0x10, s3, s14, $0xb8;
	[tilespmem:$0x15000] =	vst v63  }
0x81: {  	_ =	swait.ge [sflag:s11], $0x800  }
0x82: {  	s6 =	smov.u32 s10;
	s12 =	sshra.s32 s7, $0x2;
	[sflag:s11] =	ssyncset.done $0x0  }
0x83: {  	s3 =	sadd.s32 $0x180, s12;
	[sflag:s11] =	ssyncadd.s32 $0xFFFFF800  }
0x84: {  	[tilespmem:s19], [sflag:$0x4] =	stream.indirect.gather [hbm4b:s4+s14], $0x10, s3, s14, $0xb8;
	[tilespmem:$0x15000] =	vst v63  }
0x85: {  	_ =	swait.ge [sflag:s20], $0x800  }
0x86: {  	[sflag:s20] =	ssyncset.done $0x0  }
0x87: {  	s10 =	sadd.s32 $0x3400, s12;
	[sflag:s20] =	ssyncadd.s32 $0xFFFFF800  }
0x88: {  	[spmem:s1] =	stream.indirect.scatter.add.bf16 [tilespmem:s15], [sflag:$0x5], $0x10, s10, s14, $0xb8;
	[tilespmem:$0x15000] =	vst v63  }
0x89: {  	_ =	swait.ge [sflag:s11], $0x800  }
0x8a: {  	[sflag:s11] =	ssyncset.done $0x0  }
0x8b: {  	s6 =	sadd.s32 $0x200, s12;
	[sflag:s11] =	ssyncadd.s32 $0xFFFFF800  }
0x8c: {  	[tilespmem:s15], [sflag:$0x1] =	stream.indirect.gather [hbm4b:s4+s14], $0x10, s6, s14, $0xb8;
	[tilespmem:$0x15000] =	vst v63  }
0x8d: {  	_ =	swait.ge [sflag:s21], $0x800  }
0x8e: {  	[sflag:s21] =	ssyncset.done $0x0  }
0x8f: {  	s7 =	sadd.s32 $0x3480, s12;
	[sflag:s21] =	ssyncadd.s32 $0xFFFFF800  }
0x90: {  	[spmem:s1] =	stream.indirect.scatter.add.bf16 [tilespmem:s16], [sflag:$0x5], $0x10, s7, s14, $0xb8;
	[tilespmem:$0x15000] =	vst v63  }
0x91: {  	_ =	swait.ge [sflag:s11], $0x800  }
0x92: {  	[sflag:s11] =	ssyncset.done $0x0  }
0x93: {  	s10 =	sadd.s32 $0x280, s12;
	[sflag:s11] =	ssyncadd.s32 $0xFFFFF800  }
0x94: {  	[tilespmem:s16], [sflag:$0x2] =	stream.indirect.gather [hbm4b:s4+s14], $0x10, s10, s14, $0xb8;
	[tilespmem:$0x15000] =	vst v63  }
0x95: {  	_ =	swait.ge [sflag:s22], $0x800  }
0x96: {  	[sflag:s22] =	ssyncset.done $0x0  }
0x97: {  	s6 =	sadd.s32 $0x3500, s12;
	[sflag:s22] =	ssyncadd.s32 $0xFFFFF800  }
0x98: {  	[spmem:s1] =	stream.indirect.scatter.add.bf16 [tilespmem:s18], [sflag:$0x5], $0x10, s6, s14, $0xb8;
	[tilespmem:$0x15000] =	vst v63  }
0x99: {  	_ =	swait.ge [sflag:s11], $0x800  }
0x9a: {  	[sflag:s11] =	ssyncset.done $0x0  }
0x9b: {  	s7 =	sadd.s32 $0x300, s12;
	[sflag:s11] =	ssyncadd.s32 $0xFFFFF800  }
0x9c: {  	[tilespmem:s18], [sflag:$0x3] =	stream.indirect.gather [hbm4b:s4+s14], $0x10, s7, s14, $0xb8;
	[tilespmem:$0x15000] =	vst v63  }
0x9d: {  	_ =	swait.ge [sflag:s23], $0x800  }
0x9e: {  	[sflag:s23] =	ssyncset.done $0x0  }
0x9f: {  	s10 =	sadd.s32 $0x3580, s12;
	[sflag:s23] =	ssyncadd.s32 $0xFFFFF800  }
0xa0: {  	[spmem:s1] =	stream.indirect.scatter.add.bf16 [tilespmem:s19], [sflag:$0x5], $0x10, s10, s14, $0xb8;
	[tilespmem:$0x15000] =	vst v63  }
0xa1: {  	_ =	swait.ge [sflag:s11], $0x800  }
0xa2: {  	[sflag:s11] =	ssyncset.done $0x0  }
0xa3: {  	[sflag:s11] =	ssyncadd.s32 $0xFFFFF800  }
0xa4: {  	[tilespmem:s19], [sflag:$0x4] =	stream.indirect.gather [hbm4b:s4+s14], $0x10, s24, s14, $0xb8;
	[tilespmem:$0x15000] =	vst v63  }
0xa5: {  	_ =	swait.ge [sflag:s20], $0x800  }
0xa6: {  	[sflag:s20] =	ssyncset.done $0x0  }
0xa7: {  	[sflag:s20] =	ssyncadd.s32 $0xFFFFF800  }
0xa8: {  	[spmem:s1] =	stream.indirect.scatter.add.bf16 [tilespmem:s15], [sflag:$0x5], $0x10, s26, s14, $0xb8;
	[tilespmem:$0x15000] =	vst v63  }
0xa9: {  	_ =	swait.ge [sflag:s11], $0x800  }
0xaa: {  	[sflag:s11] =	ssyncset.done $0x0  }
0xab: {  	[sflag:s11] =	ssyncadd.s32 $0xFFFFF800  }
0xac: {  	_ =	swait.ge [sflag:s21], $0x800  }
0xad: {  	[sflag:s21] =	ssyncset.done $0x0  }
0xae: {  	[sflag:s21] =	ssyncadd.s32 $0xFFFFF800  }
0xaf: {  	[spmem:s1] =	stream.indirect.scatter.add.bf16 [tilespmem:s16], [sflag:$0x5], $0x10, s28, s14, $0xb8;
	[tilespmem:$0x15000] =	vst v63  }
0xb0: {  	_ =	swait.ge [sflag:s11], $0x800  }
0xb1: {  	[sflag:s11] =	ssyncset.done $0x0  }
0xb2: {  	[sflag:s11] =	ssyncadd.s32 $0xFFFFF800  }
0xb3: {  	_ =	swait.ge [sflag:s22], $0x800  }
0xb4: {  	[sflag:s22] =	ssyncset.done $0x0  }
0xb5: {  	[sflag:s22] =	ssyncadd.s32 $0xFFFFF800  }
0xb6: {  	[spmem:s1] =	stream.indirect.scatter.add.bf16 [tilespmem:s18], [sflag:$0x5], $0x10, s29, s14, $0xb8;
	[tilespmem:$0x15000] =	vst v63  }
0xb7: {  	_ =	swait.ge [sflag:s11], $0x800  }
0xb8: {  	[sflag:s11] =	ssyncset.done $0x0  }
0xb9: {  	[sflag:s11] =	ssyncadd.s32 $0xFFFFF800  }
0xba: {  	_ =	swait.ge [sflag:s23], $0x800  }
0xbb: {  	[sflag:s23] =	ssyncset.done $0x0  }
0xbc: {  	s12 =	smul.u32 $0x188000, s0;
	[sflag:s23] =	ssyncadd.s32 $0xFFFFF800  }
0xbd: {  	[spmem:s1] =	stream.indirect.scatter.add.bf16 [tilespmem:s19], [sflag:$0x5], $0x10, s30, s14, $0xb8;
	[tilespmem:$0x15000] =	vst v63  }
0xbe: {  	s0 =	sadd.s32 $0x1, s0;
	s3 =	sadd.s32 s12, s9;
	_ =	swait.ge [sflag:s11], $0x800  }
0xbf: {  	p0 =	sne.s32 s0, $0x20;
	s3 =	sshrl.u32 s3, $0x4;
	[sflag:s11] =	ssyncset.done $0x0  }
0xc0: {  	s6 =	sshll.u32 s2, $0x6;
	s3 =	sadd.s32 s5, s3;
	[sflag:s11] =	ssyncadd.s32 $0xFFFFF800  }
.Ltmp5:
0xc1: {  	s6 =	sor.u32 $0x1C05, s6;
	[bflag:$0x0] =	sbarrier.arrive $0xFFFF;
	(pc) =	sbr.rel @p0 .LBB2_4-.Ltmp5, $4  }
0xc2: {  	[hbm:s3], [sflag:s6] =	dma.local [spmem:s25], $0x1880  }
0xc3: {  	_ =	swait.ge [sflag:s11], $0x1880  }
0xc4: {  	[sflag:s11] =	ssyncset.done $0x0  }
0xc5: {  	[sflag:s11] =	ssyncadd.s32 $0xFFFFE780  }
0xc6: {  	s3 =	rddreg [dreg:$0x3]  }
0xc7: {  	s0 =	rddreg [dreg:$0x6];
	s3 =	sadd.s32 $0x1, s3  }
0xc8: {  	p0 =	sne.s32 s3, s0  }
.Ltmp6:
0xc9: {  	_ = 	snop;
	(pc) =	sbr.rel @p0 .LBB2_1-.Ltmp6, $1  }
0xca: {  	_ =	sdelay $0x3  }
0xcb: {  	_ =	sfence.sel $0x180000  }
0xcc: {  	[bflag:$0x0] =	sbarrier.arrive $0xFFFF  }
0xcd: {  	_ =	strace $0x90000053  }
0xce: {  	[bflag:$0x2] =	sbarrier.arrive $0xFFFF  }
0xcf: {  	p0 =	sne.s32 s2, $0x0;
	s0 =	rddreg [dreg:$0x2]  }
0xd0: {  	s0 =	sadd.s32 @!p0 $0x100000, s0  }
0xd1: {  	[sflag:s0] =	ssyncadd.tile.s32 @!p0 $0x1;
	_ =	shalt  }
.Lfunc_end2:
_tile_overlayer_lowered:
.L_overlay_start_2:
0xd2: {  	(tag) =	ssettag $0x2  }
0xd3: {  	s0 =	rddreg [dreg:$0x0];
	s2 =	stileid.u32  }
0xd4: {  	s1 =	rddreg [dreg:$0x1];
	p0 =	sne.s32 s2, $0x0  }
0xd5: {  	s3 =	rddreg [dreg:$0x2];
	[bflag:$0x3] =	sbarrier.arrive $0xFFFF;
	s2 =	simm.s32 @!p0 $0x1C05  }
0xd6: {  	[timem:s3], [sflag:s2] =	dma.local @!p0 [hbm:s0], s1  }
0xd7: {  	s0 =	simm.s32 @!p0 $0x5  }
0xd8: {  	_ =	swait.ge @!p0 [sflag:s0], s1  }
0xd9: {  	s1 =	ssub.s32 @!p0 $0x0, s1;
	[sflag:s0] =	ssyncset.done @!p0 $0x0  }
0xda: {  	[sflag:s0] =	ssyncadd.s32 @!p0 s1  }
0xdb: {  	[bflag:$0x3] =	sbarrier.arrive $0xFFFF  }
0xdc: {  	_ =	shalt  }

// kernel: sparse-core-data-format-call.1.cloned.1.call-start
scs
called_computation.1_lowered:
.L_overlay_start_0:
0x0: {  	s2 =	sld [smem:$0x3FD9]  }
0x1: {  	s3 =	sld [smem:$0x3FFE];
	_ =	sdelay $0x1  }
0x2: {  	s1 =	srdreg.scid  }
0x3: {  	s0 =	sand.u32 $0x1, s1  }
0x4: {  	s18 =	sshll.u32 s0, $0xA;
	s2 =	sadd.s32 s3, s2  }
0x5: {  	s2 =	sadd.s32 s2, s18  }
0x6: {  	[smem:$0x3FAD] =	sst s2  }
0x7: {  	_ = 	snop  }
0x8: {  	s19 =	sld [smem:$0x3FC8];
	(tm) =	ssettm $0x1  }
0x9: {  	s20 =	sld [smem:$0x3FFB];
	_ =	sdelay $0x3  }
0xa: {  	_ =	strace s20  }
0xb: {  	s2 =	sld [smem:$0x3FFC];
	_ =	sdelay $0x3  }
0xc: {  	_ =	strace s2  }
0xd: {  	s2 =	sld [smem:$0x3FFD];
	_ =	sdelay $0x3  }
0xe: {  	_ =	strace s2  }
0xf: {  	_ =	strace $0x8FFFFFFF  }
0x10: {  	s21 =	sld [smem:$0x3FDB];
	_ =	sdelay $0x1  }
0x11: {  	s4 =	simm.s32 $_scs_section_size  }
0x12: {  	s5 =	simm.s32 $_size__tile_overlayer_lowered;
	s6 =	simm.s32 $_tile_overlayer_lowered  }
0x13: {  	s7 =	simm.s32 $0x1BFF;
	s22 =	sshll.u32 s6, $0x1;
	s4 =	sadd.s32 s4, s21  }
0x14: {  	s23 =	simm.s32 $0x0;
	s5 =	sshll.u32 s5, $0x1;
	s6 =	sadd.s32 s22, s4  }
0x15: {  	[timem:s23], [sflag:s7] =	dma.local [hbm:s6], s5  }
0x16: {  	_ =	swait.ge [sflag:s7], s5  }
0x17: {  	s5 =	ssub.s32 $0x0, s5;
	[sflag:s7] =	ssyncset.done $0x0  }
0x18: {  	[sflag:s7] =	ssyncadd.s32 s5;
	_ =	sdelay $0x1  }
0x19: {  	s24 =	simm.s32 $0x1B8B  }
0x1a: {  	_ =	swait.ge [sflag:s24], $0x1  }
0x1b: {  	[sflag:s24] =	ssyncset.done $0x0  }
0x1c: {  	[sflag:s24] =	ssyncadd.s32 $0xFFFFFFFF  }
0x1d: {  	s5 =	sld [smem:$0x0]  }
0x1e: {  	s6 =	sand.u32 $0xFFFFFFFE, s1  }
0x1f: {  	p0 =	sne.s32 s1, s6  }
0x20: {  	s6 =	sshll.u32 @p0 s6, $0xE  }
0x21: {  	s6 =	sadd.s32 @p0 $0x11B8D, s6;
	s7 =	sshll.u32 @p0 s5, $0x11  }
0x22: {  	s6 =	sor.u32 @p0 s7, s6  }
0x23: {  	[sflag:s6] =	ssyncadd.remote.s32 @p0 $0x1;
	_ =	sdelay $0x1  }
0x24: {  	s6 =	simm.s32 @p0 $0x1B8D  }
0x25: {  	_ =	swait.eq @p0 [sflag:s6], $0x1  }
0x26: {  	[sflag:s6] =	ssyncadd.s32 @p0 $0xFFFFFFFF  }
0x27: {  	s7 =	sshll.u32 @!p0 s1, $0xE  }
0x28: {  	s7 =	sor.u32 @!p0 $0x4000, s7;
	s6 =	simm.s32 @!p0 $0x1B8D  }
0x29: {  	s5 =	sshll.u32 @!p0 s5, $0x11;
	s7 =	sadd.s32 @!p0 $0x11B8D, s7;
	_ =	swait.eq @!p0 [sflag:s6], $0x1  }
0x2a: {  	s5 =	sor.u32 @!p0 s5, s7;
	[sflag:s6] =	ssyncadd.s32 @!p0 $0xFFFFFFFF  }
0x2b: {  	s26 =	simm.s32 $0x1B8E;
	s25 =	sld [smem:$0x3FFE];
	[sflag:s5] =	ssyncadd.remote.s32 @!p0 $0x1  }
0x2c: {  	s27 =	simm.s32 $execute0_lowered;
	[smem:$0x3FD2] =	sst s26  }
0x2d: {  	s6 =	sshll.u32 s27, $0x1;
	_ =	strace $0x80000049;
	[dreg:$0x1] =	wrdreg $0xFFFFFFFF  }
0x2e: {  	s28 =	simm.s32 $_size_execute0_lowered;
	s4 =	sadd.s32 s4, s6;
	[dreg:$0x0] =	wrdreg $0x0  }
0x2f: {  	s6 =	sshll.u32 s28, $0x1;
	[dreg:$0x2] =	wrdreg s4  }
0x30: {  	[dreg:$0x3] =	wrdreg s6  }
0x31: {  	[dreg:$0x4] =	wrdreg $0xC0  }
0x32: {  	_ =	task [dreg:s23], $0x5FFFF  }
0x33: {  	[dreg:$0x1] =	wrdreg $0xFFFFFFFF  }
0x34: {  	[dreg:$0x0] =	wrdreg $0x60  }
0x35: {  	[dreg:$0x2] =	wrdreg s19  }
0x36: {  	[dreg:$0x3] =	wrdreg s25  }
0x37: {  	[dreg:$0x4] =	wrdreg $0xA  }
0x38: {  	_ =	task.clear_ibuf [dreg:s23], $0x5FFFF;
	_ =	strace $0x90000049  }
0x39: {  	s29 =	simm.s32 $0xA;
	_ =	strace $0x8000004B  }
0x3a: {  	_ =	swait.ge [sflag:s29], $0x1  }
0x3b: {  	[sflag:s29] =	ssyncadd.s32 $0xFFFFFFFF  }
0x3c: {  	_ =	strace $0x9000004B  }
0x3d: {  	_ =	sfence  }
0x3e: {  	s30 =	sld [smem:$0x0];
	_ =	sdelay $0x2  }
0x3f: {  	s31 =	sshll.u32 s1, $0xD;
	s1 =	sshrl.u32 s1, $0x2  }
0x40: {  	s4 =	sand.u32 $0x4000, s31;
	s1 =	sadd.s32 s1, s30  }
0x41: {  	s0 =	sor.u32 s4, s0;
	s1 =	sshll.u32 s1, $0x11  }
0x42: {  	s0 =	sor.u32 s1, s0  }
0x43: {  	s0 =	sadd.s32 $0x8F2B, s0  }
0x44: {  	[sflag:s0] =	ssyncadd.remote.s32 $0x1  }
0x45: {  	_ =	sfence.sel $0xFFFF  }
0x46: {  	[dreg:$0x0] =	wrdreg $0xFFFFFFFF;
	(pc) =	sbr.abs _section_cstart, $3  }
0x47: {  	[dreg:$0x1] =	wrdreg $0xFFFFFFFF  }
0x48: {  	_ =	task.clear_ibuf [dreg:s23], $0x2FFFF;
	_ =	strace $0x9FFFFFFF  }
0x49: {  	(tm) =	ssettm $0x7FFFFFFF  }
tec
execute0_lowered:
.L_overlay_start_1:
0x0: {  	(tag) =	ssettag $0x1  }
0x1: {  	s0 =	srdreg.scid  }
0x2: {  	s1 =	sshll.u32 s0, $0x4  }
0x3: {  	s2 =	rddreg [dreg:$0x0];
	s0 =	stileid.u32;
	s1 =	sand.u32 $0x10, s1  }
0x4: {  	s4 =	rddreg [dreg:$0x1];
	s7 =	simm.s32 $0x1;
	s1 =	sor.u32 s0, s1  }
0x5: {  	s8 =	simm.s32 $0x2;
	s9 =	simm.s32 $0x0;
	s3 =	sshll.u32 s1, $0x1  }
0x6: {  	s12 =	simm.s32 $0x0;
	s11 =	simm.s32 $0x0;
	s6 =	ssub.s32 $0x186A, s3  }
.Ltmp0:
0x7: {  	s4 =	sadd.s32 $0xD4400, s4;
	s5 =	sand.u32 $0x3E, s6;
	(pc) =	sbr.rel .LBB1_1-.Ltmp0, $4  }
0x8: {  	s1 =	rddreg [dreg:$0x2];
	_ =	strace $0x8000004A;
	p0 =	sne.s32 s5, $0x0  }
0x9: {  	s6 =	sshrl.u32 s6, $0x6;
	s5 =	simm.s32 $0x1;
	s7 =	simm.s32 @!p0 $0x0  }
0xa: {  	s10 =	smov.u32 s3;
	[sflag:s5] =	ssyncpa.u1 $0x0;
	s6 =	sadd.s32 s7, s6  }
0xb: {  	[sflag:s8] =	ssyncpa.u1 $0x0;
	s8 =	simm.s32 $0x0;
	s7 =	sadd.s32 $0x1, s6  }
.LBB1_9:
0xc: {  	s14 =	sadd.s32 $0x40, s10  }
0xd: {  	p1 =	sgt.s32 s14, $0x1869  }
0xe: {  	s14 =	smov.u32 @p1 s3;
	p1 =	sne.s32 s11, s7  }
.Ltmp1:
0xf: {  	p0 =	slt.u32 s11, $0x2;
	(pc) =	sbr.rel @!p1 .LBB1_10-.Ltmp1, $4  }
0x10: {  	s13 =	simm.s32 @!p0 $0x2  }
0x11: {  	s15 =	sadd.s32 $0x1, s11;
	_ =	swait.ge @!p0 [sflag:s13], $0x4000  }
0x12: {  	s12 =	smov.u32 s10;
	s9 =	sadd.s32 $0x4000, s9;
	[sflag:s13] =	ssyncset.done @!p0 $0x0  }
0x13: {  	s11 =	smov.u32 s15;
	s10 =	smov.u32 s14;
	[sflag:s13] =	ssyncadd.s32 @!p0 $0xFFFFC000  }
.LBB1_1:
0x14: {  	p0 =	sge.u32 s11, s6  }
0x15: {  	s13 =	sxor.u32 @!p0 $0xFFFFFFFF, s11  }
0x16: {  	s31 =	sadd.s32 $0xFFFFFFFF, s11;
	s14 =	sshll.u32 @!p0 s10, $0xA;
	s13 =	sshll.u32 @!p0 s13, $0xE  }
0x17: {  	s15 =	simm.s32 @!p0 $0x0;
	s14 =	sadd.s32 @!p0 s2, s14;
	s13 =	sand.u32 @!p0 $0x4000, s13  }
0x18: {  	[tilespmem:s13], [sflag:$0x1] =	stream.linear.gather @!p0 [hbm4b:s14+s15], $0x4000, $0x38;
	[tilespmem:$0x10000] =	vst v63  }
0x19: {  	p0 =	sge.u32 s31, s6  }
.Ltmp2:
0x1a: {  	_ = 	snop;
	(pc) =	sbr.rel @p0 .LBB1_9-.Ltmp2, $1  }
0x1b: {  	_ =	sdelay $0x3  }
0x1c: {  	s13 =	sshll.u32 s9, $0x2  }
0x1d: {  	_ =	swait.ge [sflag:s5], $0x4000;
	s14 =	sshll.u32 s11, $0xE;
	s16 =	simm.s32 $0x0  }
0x1e: {  	p1 =	por $0x1, $0x1;
	s13 =	sand.u32 $0x10000, s13;
	[sflag:s5] =	ssyncset.done $0x0  }
0x1f: {  	s14 =	sand.u32 $0x4000, s14;
	s15 =	sshrl.u32 s13, $0x2;
	[sflag:s5] =	ssyncadd.s32 $0xFFFFC000  }
0x20: {  	s13 =	sor.u32 $0x8000, s14;
	s14 =	sadd.s32 $0x8040, s15;
	s15 =	sadd.s32 $0x40, s15  }
.LBB1_3:
0x21: {  	s16 =	sshll.u32 s16, $0x2  }
0x22: {  	p0 =	por p1, p1;
	s17 =	sshra.s32 s16, $0x2  }
0x23: {  	s18 =	simm.s32 $0x0;
	s16 =	sadd.s32 s17, s14;
	s17 =	sadd.s32 s17, s15  }
.LBB1_4:
0x24: {  	v0 =	vmov s17;
	_ =	sdelay $0x3  }
0x25: {  	s20 =	simm.s32 $0x0  }
0x26: {  	v6 =	vld.idx.msk [tilespmem:v0+s20+$0x30 ss:$0x1], $0xffff  }
0x27: {  	v7 =	vld.idx.msk [tilespmem:v0+s20+$0xFFFFFFC0 ss:$0x1], $0xffff  }
0x28: {  	v5 =	vld.idx.msk [tilespmem:v0+s20+$0xFFFFFFD0 ss:$0x1], $0xffff  }
0x29: {  	v4 =	vld.idx.msk [tilespmem:v0+s20+$0xFFFFFFE0 ss:$0x1], $0xffff  }
0x2a: {  	v3 =	vld.idx.msk [tilespmem:v0+s20+$0xFFFFFFF0 ss:$0x1], $0xffff  }
0x2b: {  	v1 =	vld.idx.msk [tilespmem:v0+s20+$0x0 ss:$0x1], $0xffff  }
0x2c: {  	v2 =	vld.idx.msk [tilespmem:v0+s20+$0x10 ss:$0x1], $0xffff;
	[tilespmem:s16+$0x30] =	vst v6  }
0x2d: {  	s19 =	simm.s32 $0x80;
	s21 =	simm.s32 $0x400;
	[tilespmem:s16+$0xFFFFFFC0] =	vst v7;
	v6 =	vld.idx.msk [tilespmem:v0+s20+$0x20 ss:$0x1], $0xffff;
	s20 =	smov.u32 s16  }
.LBB1_5:
0x2e: {  	p1 =	sne.s32 s21, $0xE00;
	v7 =	vld.idx.msk [tilespmem:v0+s19+$0x30 ss:$0x1], $0xffff;
	[tilespmem:s20+$0xFFFFFFD0] =	vst v5  }
0x2f: {  	v8 =	vld.idx.msk [tilespmem:v0+s19+$0xFFFFFFC0 ss:$0x1], $0xffff;
	[tilespmem:s20+$0xFFFFFFE0] =	vst v4  }
0x30: {  	v5 =	vld.idx.msk [tilespmem:v0+s19+$0xFFFFFFD0 ss:$0x1], $0xffff;
	[tilespmem:s20+$0xFFFFFFF0] =	vst v3  }
.Ltmp3:
0x31: {  	v4 =	vld.idx.msk [tilespmem:v0+s19+$0xFFFFFFE0 ss:$0x1], $0xffff;
	[tilespmem:s20+$0x0] =	vst v1;
	(pc) =	sbr.rel @p1 .LBB1_5-.Ltmp3, $4  }
0x32: {  	v3 =	vld.idx.msk [tilespmem:v0+s19+$0xFFFFFFF0 ss:$0x1], $0xffff;
	[tilespmem:s20+$0x10] =	vst v2  }
0x33: {  	v1 =	vld.idx.msk [tilespmem:v0+s19+$0x0 ss:$0x1], $0xffff;
	[tilespmem:s20+$0x20] =	vst v6;
	s20 =	sadd.s32 $0x400, s20  }
0x34: {  	v2 =	vld.idx.msk [tilespmem:v0+s19+$0x10 ss:$0x1], $0xffff;
	[tilespmem:s20+$0x30] =	vst v7  }
0x35: {  	[tilespmem:s20+$0xFFFFFFC0] =	vst v8;
	v6 =	vld.idx.msk [tilespmem:v0+s19+$0x20 ss:$0x1], $0xffff;
	s19 =	sshra.s32 s21, $0x2;
	s21 =	sadd.s32 $0x200, s21  }
0x36: {  	_ =	sdelay $0x2  }
0x37: {  	[tilespmem:s20+$0xFFFFFFD0] =	vst v5  }
0x38: {  	v56 =	vld.idx.msk [tilespmem:v0+s19+$0x30 ss:$0x1], $0xffff;
	[tilespmem:s20+$0xFFFFFFE0] =	vst v4  }
0x39: {  	v57 =	vld.idx.msk [tilespmem:v0+s19+$0xFFFFFFC0 ss:$0x1], $0xffff;
	[tilespmem:s20+$0xFFFFFFF0] =	vst v3  }
0x3a: {  	v58 =	vld.idx.msk [tilespmem:v0+s19+$0xFFFFFFD0 ss:$0x1], $0xffff;
	[tilespmem:s20+$0x0] =	vst v1  }
0x3b: {  	v59 =	vld.idx.msk [tilespmem:v0+s19+$0xFFFFFFE0 ss:$0x1], $0xffff;
	[tilespmem:s20+$0x10] =	vst v2  }
0x3c: {  	v60 =	vld.idx.msk [tilespmem:v0+s19+$0xFFFFFFF0 ss:$0x1], $0xffff;
	s31 =	sadd.s32 $0x400, s20;
	[tilespmem:s20+$0x20] =	vst v6  }
0x3d: {  	v61 =	vld.idx.msk [tilespmem:v0+s19+$0x0 ss:$0x1], $0xffff;
	[tilespmem:s31+$0x30] =	vst v56  }
0x3e: {  	v62 =	vld.idx.msk [tilespmem:v0+s19+$0x10 ss:$0x1], $0xffff;
	s18 =	sadd.s32 $0x1, s18;
	[tilespmem:s31+$0xFFFFFFC0] =	vst v57  }
0x3f: {  	v63 =	vld.idx.msk [tilespmem:v0+s19+$0x20 ss:$0x1], $0xffff;
	p1 =	sne.s32 s18, $0x8;
	[tilespmem:s31+$0xFFFFFFD0] =	vst v58  }
.Ltmp4:
0x40: {  	[tilespmem:s31+$0xFFFFFFE0] =	vst v59;
	(pc) =	sbr.rel @p1 .LBB1_4-.Ltmp4, $4  }
0x41: {  	[tilespmem:s31+$0xFFFFFFF0] =	vst v60  }
0x42: {  	[tilespmem:s31+$0x0] =	vst v61  }
0x43: {  	[tilespmem:s31+$0x10] =	vst v62  }
0x44: {  	s16 =	sadd.s32 $0x80, s16;
	s17 =	sadd.s32 $0x400, s17;
	[tilespmem:s31+$0x20] =	vst v63  }
.Ltmp5:
0x45: {  	(pc) =	sbr.rel @p0 .LBB1_3-.Ltmp5, $2  }
0x46: {  	_ =	sdelay $0x2  }
0x47: {  	s16 =	simm.s32 $0x2000;
	p1 =	por $0x0, $0x0  }
.Ltmp6:
0x48: {  	(pc) =	sbr.rel .LBB1_9-.Ltmp6, $4  }
0x49: {  	_ = 	snop  }
0x4a: {  	s12 =	sshll.u32 s12, $0xA  }
0x4b: {  	s12 =	sadd.s32 s4, s12  }
0x4c: {  	[hbm4b:s12+s8] =	stream.linear.scatter [tilespmem:s13], [sflag:$0x2], $0x4000, $0x38;
	[tilespmem:$0x10000] =	vst v63  }
.LBB1_10:
0x4d: {  	_ =	sfence.sel $0x180000  }
0x4e: {  	s2 =	simm.s32 $0x1;
	[bflag:$0x0] =	sbarrier.arrive $0xFFFF  }
0x4f: {  	s31 =	simm.s32 $0x2;
	[sflag:s2] =	ssyncpa.u1 $0x1  }
0x50: {  	[sflag:s31] =	ssyncpa.u1 $0x1  }
0x51: {  	p0 =	sne.s32 s0, $0x0;
	_ =	strace $0x9000004A  }
0x52: {  	s0 =	sadd.s32 @!p0 $0x100000, s1;
	[bflag:$0x2] =	sbarrier.arrive $0xFFFF  }
0x53: {  	[sflag:s0] =	ssyncadd.tile.s32 @!p0 $0x1;
	_ =	shalt  }
.Lfunc_end1:
_tile_overlayer_lowered:
.L_overlay_start_2:
0x54: {  	(tag) =	ssettag $0x2  }
0x55: {  	s0 =	rddreg [dreg:$0x0];
	s2 =	stileid.u32  }
0x56: {  	s1 =	rddreg [dreg:$0x1];
	p0 =	sne.s32 s2, $0x0  }
0x57: {  	s3 =	rddreg [dreg:$0x2];
	[bflag:$0x3] =	sbarrier.arrive $0xFFFF;
	s2 =	simm.s32 @!p0 $0x1C01  }
0x58: {  	[timem:s3], [sflag:s2] =	dma.local @!p0 [hbm:s0], s1  }
0x59: {  	s0 =	simm.s32 @!p0 $0x1  }
0x5a: {  	_ =	swait.ge @!p0 [sflag:s0], s1  }
0x5b: {  	s1 =	ssub.s32 @!p0 $0x0, s1;
	[sflag:s0] =	ssyncset.done @!p0 $0x0  }
0x5c: {  	[sflag:s0] =	ssyncadd.s32 @!p0 s1  }
0x5d: {  	[bflag:$0x3] =	sbarrier.arrive $0xFFFF  }
0x5e: {  	_ =	shalt  }

// kernel: sparse-core-data-format-call.2.cloned.1.call-start
scs
called_computation.2_lowered:
.L_overlay_start_0:
0x0: {  	s2 =	sld [smem:$0x3FD9]  }
0x1: {  	s3 =	sld [smem:$0x3FFE];
	_ =	sdelay $0x1  }
0x2: {  	s1 =	srdreg.scid  }
0x3: {  	s0 =	sand.u32 $0x1, s1  }
0x4: {  	s18 =	sshll.u32 s0, $0xA;
	s2 =	sadd.s32 s3, s2  }
0x5: {  	s2 =	sadd.s32 s2, s18  }
0x6: {  	[smem:$0x3FAD] =	sst s2  }
0x7: {  	_ = 	snop  }
0x8: {  	s19 =	sld [smem:$0x3FC9];
	(tm) =	ssettm $0x1  }
0x9: {  	s20 =	sld [smem:$0x3FFB];
	_ =	sdelay $0x3  }
0xa: {  	_ =	strace s20  }
0xb: {  	s2 =	sld [smem:$0x3FFC];
	_ =	sdelay $0x3  }
0xc: {  	_ =	strace s2  }
0xd: {  	s2 =	sld [smem:$0x3FFD];
	_ =	sdelay $0x3  }
0xe: {  	_ =	strace s2  }
0xf: {  	_ =	strace $0x8FFFFFFF  }
0x10: {  	s21 =	sld [smem:$0x3FDB];
	_ =	sdelay $0x1  }
0x11: {  	s4 =	simm.s32 $_scs_section_size  }
0x12: {  	s5 =	simm.s32 $_size__tile_overlayer_lowered;
	s6 =	simm.s32 $_tile_overlayer_lowered  }
0x13: {  	s7 =	simm.s32 $0x1BFF;
	s22 =	sshll.u32 s6, $0x1;
	s4 =	sadd.s32 s4, s21  }
0x14: {  	s23 =	simm.s32 $0x0;
	s5 =	sshll.u32 s5, $0x1;
	s6 =	sadd.s32 s22, s4  }
0x15: {  	[timem:s23], [sflag:s7] =	dma.local [hbm:s6], s5  }
0x16: {  	_ =	swait.ge [sflag:s7], s5  }
0x17: {  	s5 =	ssub.s32 $0x0, s5;
	[sflag:s7] =	ssyncset.done $0x0  }
0x18: {  	[sflag:s7] =	ssyncadd.s32 s5;
	_ =	sdelay $0x1  }
0x19: {  	s24 =	simm.s32 $0x1B8B  }
0x1a: {  	_ =	swait.ge [sflag:s24], $0x1  }
0x1b: {  	[sflag:s24] =	ssyncset.done $0x0  }
0x1c: {  	[sflag:s24] =	ssyncadd.s32 $0xFFFFFFFF  }
0x1d: {  	s5 =	sld [smem:$0x0]  }
0x1e: {  	s6 =	sand.u32 $0xFFFFFFFE, s1  }
0x1f: {  	p0 =	sne.s32 s1, s6  }
0x20: {  	s6 =	sshll.u32 @p0 s6, $0xE  }
0x21: {  	s6 =	sadd.s32 @p0 $0x11B8D, s6;
	s7 =	sshll.u32 @p0 s5, $0x11  }
0x22: {  	s6 =	sor.u32 @p0 s7, s6  }
0x23: {  	[sflag:s6] =	ssyncadd.remote.s32 @p0 $0x1;
	_ =	sdelay $0x1  }
0x24: {  	s6 =	simm.s32 @p0 $0x1B8D  }
0x25: {  	_ =	swait.eq @p0 [sflag:s6], $0x1  }
0x26: {  	[sflag:s6] =	ssyncadd.s32 @p0 $0xFFFFFFFF  }
0x27: {  	s7 =	sshll.u32 @!p0 s1, $0xE  }
0x28: {  	s7 =	sor.u32 @!p0 $0x4000, s7;
	s6 =	simm.s32 @!p0 $0x1B8D  }
0x29: {  	s5 =	sshll.u32 @!p0 s5, $0x11;
	s7 =	sadd.s32 @!p0 $0x11B8D, s7;
	_ =	swait.eq @!p0 [sflag:s6], $0x1  }
0x2a: {  	s5 =	sor.u32 @!p0 s5, s7;
	[sflag:s6] =	ssyncadd.s32 @!p0 $0xFFFFFFFF  }
0x2b: {  	s26 =	simm.s32 $0x1B8E;
	s25 =	sld [smem:$0x3FFE];
	[sflag:s5] =	ssyncadd.remote.s32 @!p0 $0x1  }
0x2c: {  	s27 =	simm.s32 $execute0_lowered;
	[smem:$0x3FD2] =	sst s26  }
0x2d: {  	s6 =	sshll.u32 s27, $0x1;
	_ =	strace $0x8000004C;
	[dreg:$0x1] =	wrdreg $0xFFFFFFFF  }
0x2e: {  	s28 =	simm.s32 $_size_execute0_lowered;
	s4 =	sadd.s32 s4, s6;
	[dreg:$0x0] =	wrdreg $0x0  }
0x2f: {  	s6 =	sshll.u32 s28, $0x1;
	[dreg:$0x2] =	wrdreg s4  }
0x30: {  	[dreg:$0x3] =	wrdreg s6  }
0x31: {  	[dreg:$0x4] =	wrdreg $0xC0  }
0x32: {  	_ =	task [dreg:s23], $0x5FFFF  }
0x33: {  	[dreg:$0x1] =	wrdreg $0xFFFFFFFF  }
0x34: {  	[dreg:$0x0] =	wrdreg $0x60  }
0x35: {  	[dreg:$0x2] =	wrdreg s19  }
0x36: {  	[dreg:$0x3] =	wrdreg s25  }
0x37: {  	[dreg:$0x4] =	wrdreg $0x9  }
0x38: {  	_ =	task.clear_ibuf [dreg:s23], $0x5FFFF;
	_ =	strace $0x9000004C  }
0x39: {  	s29 =	simm.s32 $0x9;
	_ =	strace $0x8000004E  }
0x3a: {  	_ =	swait.ge [sflag:s29], $0x1  }
0x3b: {  	[sflag:s29] =	ssyncadd.s32 $0xFFFFFFFF  }
0x3c: {  	_ =	strace $0x9000004E  }
0x3d: {  	_ =	sfence  }
0x3e: {  	s30 =	sld [smem:$0x0];
	_ =	sdelay $0x2  }
0x3f: {  	s31 =	sshll.u32 s1, $0xD;
	s1 =	sshrl.u32 s1, $0x2  }
0x40: {  	s4 =	sand.u32 $0x4000, s31;
	s1 =	sadd.s32 s1, s30  }
0x41: {  	s0 =	sor.u32 s4, s0;
	s1 =	sshll.u32 s1, $0x11  }
0x42: {  	s0 =	sor.u32 s1, s0  }
0x43: {  	s0 =	sadd.s32 $0x8F2B, s0  }
0x44: {  	[sflag:s0] =	ssyncadd.remote.s32 $0x1  }
0x45: {  	_ =	sfence.sel $0xFFFF  }
0x46: {  	[dreg:$0x0] =	wrdreg $0xFFFFFFFF;
	(pc) =	sbr.abs _section_cstart, $3  }
0x47: {  	[dreg:$0x1] =	wrdreg $0xFFFFFFFF  }
0x48: {  	_ =	task.clear_ibuf [dreg:s23], $0x2FFFF;
	_ =	strace $0x9FFFFFFF  }
0x49: {  	(tm) =	ssettm $0x7FFFFFFF  }
tec
execute0_lowered:
.L_overlay_start_1:
0x0: {  	(tag) =	ssettag $0x1  }
0x1: {  	s0 =	srdreg.scid  }
0x2: {  	s1 =	sshll.u32 s0, $0x4  }
0x3: {  	s2 =	rddreg [dreg:$0x0];
	s0 =	stileid.u32;
	s1 =	sand.u32 $0x10, s1  }
0x4: {  	s4 =	rddreg [dreg:$0x1];
	s7 =	simm.s32 $0x1;
	s1 =	sor.u32 s0, s1  }
0x5: {  	s8 =	simm.s32 $0x2;
	s9 =	simm.s32 $0x0;
	s3 =	sshll.u32 s1, $0x1  }
0x6: {  	s12 =	simm.s32 $0x0;
	s11 =	simm.s32 $0x0;
	s6 =	ssub.s32 $0x4E2, s3  }
.Ltmp0:
0x7: {  	s4 =	sadd.s32 $0x6EEC00, s4;
	s5 =	sand.u32 $0x3E, s6;
	(pc) =	sbr.rel .LBB1_1-.Ltmp0, $4  }
0x8: {  	s1 =	rddreg [dreg:$0x2];
	_ =	strace $0x8000004D;
	p0 =	sne.s32 s5, $0x0  }
0x9: {  	s6 =	sshrl.u32 s6, $0x6;
	s5 =	simm.s32 $0x1;
	s7 =	simm.s32 @!p0 $0x0  }
0xa: {  	s10 =	smov.u32 s3;
	[sflag:s5] =	ssyncpa.u1 $0x0;
	s6 =	sadd.s32 s7, s6  }
0xb: {  	[sflag:s8] =	ssyncpa.u1 $0x0;
	s8 =	simm.s32 $0x0;
	s7 =	sadd.s32 $0x1, s6  }
.LBB1_9:
0xc: {  	s14 =	sadd.s32 $0x40, s10  }
0xd: {  	p1 =	sgt.s32 s14, $0x4E1  }
0xe: {  	s14 =	smov.u32 @p1 s3;
	p1 =	sne.s32 s11, s7  }
.Ltmp1:
0xf: {  	p0 =	slt.u32 s11, $0x2;
	(pc) =	sbr.rel @!p1 .LBB1_10-.Ltmp1, $4  }
0x10: {  	s13 =	simm.s32 @!p0 $0x2  }
0x11: {  	s15 =	sadd.s32 $0x1, s11;
	_ =	swait.ge @!p0 [sflag:s13], $0x4000  }
0x12: {  	s12 =	smov.u32 s10;
	s9 =	sadd.s32 $0x4000, s9;
	[sflag:s13] =	ssyncset.done @!p0 $0x0  }
0x13: {  	s11 =	smov.u32 s15;
	s10 =	smov.u32 s14;
	[sflag:s13] =	ssyncadd.s32 @!p0 $0xFFFFC000  }
.LBB1_1:
0x14: {  	p0 =	sge.u32 s11, s6  }
0x15: {  	s13 =	sxor.u32 @!p0 $0xFFFFFFFF, s11  }
0x16: {  	s31 =	sadd.s32 $0xFFFFFFFF, s11;
	s14 =	sshll.u32 @!p0 s10, $0xA;
	s13 =	sshll.u32 @!p0 s13, $0xE  }
0x17: {  	s15 =	simm.s32 @!p0 $0x0;
	s14 =	sadd.s32 @!p0 s2, s14;
	s13 =	sand.u32 @!p0 $0x4000, s13  }
0x18: {  	[tilespmem:s13], [sflag:$0x1] =	stream.linear.gather @!p0 [hbm4b:s14+s15], $0x4000, $0x38;
	[tilespmem:$0x10000] =	vst v63  }
0x19: {  	p0 =	sge.u32 s31, s6  }
.Ltmp2:
0x1a: {  	_ = 	snop;
	(pc) =	sbr.rel @p0 .LBB1_9-.Ltmp2, $1  }
0x1b: {  	_ =	sdelay $0x3  }
0x1c: {  	s13 =	sshll.u32 s9, $0x2  }
0x1d: {  	_ =	swait.ge [sflag:s5], $0x4000;
	s14 =	sshll.u32 s11, $0xE;
	s16 =	simm.s32 $0x0  }
0x1e: {  	p1 =	por $0x1, $0x1;
	s13 =	sand.u32 $0x10000, s13;
	[sflag:s5] =	ssyncset.done $0x0  }
0x1f: {  	s14 =	sand.u32 $0x4000, s14;
	s15 =	sshrl.u32 s13, $0x2;
	[sflag:s5] =	ssyncadd.s32 $0xFFFFC000  }
0x20: {  	s13 =	sor.u32 $0x8000, s14;
	s14 =	sadd.s32 $0x8040, s15;
	s15 =	sadd.s32 $0x40, s15  }
.LBB1_3:
0x21: {  	s16 =	sshll.u32 s16, $0x2  }
0x22: {  	p0 =	por p1, p1;
	s17 =	sshra.s32 s16, $0x2  }
0x23: {  	s18 =	simm.s32 $0x0;
	s16 =	sadd.s32 s17, s14;
	s17 =	sadd.s32 s17, s15  }
.LBB1_4:
0x24: {  	v0 =	vmov s17;
	_ =	sdelay $0x3  }
0x25: {  	s20 =	simm.s32 $0x0  }
0x26: {  	v6 =	vld.idx.msk [tilespmem:v0+s20+$0x30 ss:$0x1], $0xffff  }
0x27: {  	v7 =	vld.idx.msk [tilespmem:v0+s20+$0xFFFFFFC0 ss:$0x1], $0xffff  }
0x28: {  	v5 =	vld.idx.msk [tilespmem:v0+s20+$0xFFFFFFD0 ss:$0x1], $0xffff  }
0x29: {  	v4 =	vld.idx.msk [tilespmem:v0+s20+$0xFFFFFFE0 ss:$0x1], $0xffff  }
0x2a: {  	v3 =	vld.idx.msk [tilespmem:v0+s20+$0xFFFFFFF0 ss:$0x1], $0xffff  }
0x2b: {  	v1 =	vld.idx.msk [tilespmem:v0+s20+$0x0 ss:$0x1], $0xffff  }
0x2c: {  	v2 =	vld.idx.msk [tilespmem:v0+s20+$0x10 ss:$0x1], $0xffff;
	[tilespmem:s16+$0x30] =	vst v6  }
0x2d: {  	s19 =	simm.s32 $0x80;
	s21 =	simm.s32 $0x400;
	[tilespmem:s16+$0xFFFFFFC0] =	vst v7;
	v6 =	vld.idx.msk [tilespmem:v0+s20+$0x20 ss:$0x1], $0xffff;
	s20 =	smov.u32 s16  }
.LBB1_5:
0x2e: {  	p1 =	sne.s32 s21, $0xE00;
	v7 =	vld.idx.msk [tilespmem:v0+s19+$0x30 ss:$0x1], $0xffff;
	[tilespmem:s20+$0xFFFFFFD0] =	vst v5  }
0x2f: {  	v8 =	vld.idx.msk [tilespmem:v0+s19+$0xFFFFFFC0 ss:$0x1], $0xffff;
	[tilespmem:s20+$0xFFFFFFE0] =	vst v4  }
0x30: {  	v5 =	vld.idx.msk [tilespmem:v0+s19+$0xFFFFFFD0 ss:$0x1], $0xffff;
	[tilespmem:s20+$0xFFFFFFF0] =	vst v3  }
.Ltmp3:
0x31: {  	v4 =	vld.idx.msk [tilespmem:v0+s19+$0xFFFFFFE0 ss:$0x1], $0xffff;
	[tilespmem:s20+$0x0] =	vst v1;
	(pc) =	sbr.rel @p1 .LBB1_5-.Ltmp3, $4  }
0x32: {  	v3 =	vld.idx.msk [tilespmem:v0+s19+$0xFFFFFFF0 ss:$0x1], $0xffff;
	[tilespmem:s20+$0x10] =	vst v2  }
0x33: {  	v1 =	vld.idx.msk [tilespmem:v0+s19+$0x0 ss:$0x1], $0xffff;
	[tilespmem:s20+$0x20] =	vst v6;
	s20 =	sadd.s32 $0x400, s20  }
0x34: {  	v2 =	vld.idx.msk [tilespmem:v0+s19+$0x10 ss:$0x1], $0xffff;
	[tilespmem:s20+$0x30] =	vst v7  }
0x35: {  	[tilespmem:s20+$0xFFFFFFC0] =	vst v8;
	v6 =	vld.idx.msk [tilespmem:v0+s19+$0x20 ss:$0x1], $0xffff;
	s19 =	sshra.s32 s21, $0x2;
	s21 =	sadd.s32 $0x200, s21  }
0x36: {  	_ =	sdelay $0x2  }
0x37: {  	[tilespmem:s20+$0xFFFFFFD0] =	vst v5  }
0x38: {  	v56 =	vld.idx.msk [tilespmem:v0+s19+$0x30 ss:$0x1], $0xffff;
	[tilespmem:s20+$0xFFFFFFE0] =	vst v4  }
0x39: {  	v57 =	vld.idx.msk [tilespmem:v0+s19+$0xFFFFFFC0 ss:$0x1], $0xffff;
	[tilespmem:s20+$0xFFFFFFF0] =	vst v3  }
0x3a: {  	v58 =	vld.idx.msk [tilespmem:v0+s19+$0xFFFFFFD0 ss:$0x1], $0xffff;
	[tilespmem:s20+$0x0] =	vst v1  }
0x3b: {  	v59 =	vld.idx.msk [tilespmem:v0+s19+$0xFFFFFFE0 ss:$0x1], $0xffff;
	[tilespmem:s20+$0x10] =	vst v2  }
0x3c: {  	v60 =	vld.idx.msk [tilespmem:v0+s19+$0xFFFFFFF0 ss:$0x1], $0xffff;
	s31 =	sadd.s32 $0x400, s20;
	[tilespmem:s20+$0x20] =	vst v6  }
0x3d: {  	v61 =	vld.idx.msk [tilespmem:v0+s19+$0x0 ss:$0x1], $0xffff;
	[tilespmem:s31+$0x30] =	vst v56  }
0x3e: {  	v62 =	vld.idx.msk [tilespmem:v0+s19+$0x10 ss:$0x1], $0xffff;
	s18 =	sadd.s32 $0x1, s18;
	[tilespmem:s31+$0xFFFFFFC0] =	vst v57  }
0x3f: {  	v63 =	vld.idx.msk [tilespmem:v0+s19+$0x20 ss:$0x1], $0xffff;
	p1 =	sne.s32 s18, $0x8;
	[tilespmem:s31+$0xFFFFFFD0] =	vst v58  }
.Ltmp4:
0x40: {  	[tilespmem:s31+$0xFFFFFFE0] =	vst v59;
	(pc) =	sbr.rel @p1 .LBB1_4-.Ltmp4, $4  }
0x41: {  	[tilespmem:s31+$0xFFFFFFF0] =	vst v60  }
0x42: {  	[tilespmem:s31+$0x0] =	vst v61  }
0x43: {  	[tilespmem:s31+$0x10] =	vst v62  }
0x44: {  	s16 =	sadd.s32 $0x80, s16;
	s17 =	sadd.s32 $0x400, s17;
	[tilespmem:s31+$0x20] =	vst v63  }
.Ltmp5:
0x45: {  	(pc) =	sbr.rel @p0 .LBB1_3-.Ltmp5, $2  }
0x46: {  	_ =	sdelay $0x2  }
0x47: {  	s16 =	simm.s32 $0x2000;
	p1 =	por $0x0, $0x0  }
.Ltmp6:
0x48: {  	(pc) =	sbr.rel .LBB1_9-.Ltmp6, $4  }
0x49: {  	_ = 	snop  }
0x4a: {  	s12 =	sshll.u32 s12, $0xA  }
0x4b: {  	s12 =	sadd.s32 s4, s12  }
0x4c: {  	[hbm4b:s12+s8] =	stream.linear.scatter [tilespmem:s13], [sflag:$0x2], $0x4000, $0x38;
	[tilespmem:$0x10000] =	vst v63  }
.LBB1_10:
0x4d: {  	_ =	sfence.sel $0x180000  }
0x4e: {  	s2 =	simm.s32 $0x1;
	[bflag:$0x0] =	sbarrier.arrive $0xFFFF  }
0x4f: {  	s31 =	simm.s32 $0x2;
	[sflag:s2] =	ssyncpa.u1 $0x1  }
0x50: {  	[sflag:s31] =	ssyncpa.u1 $0x1  }
0x51: {  	p0 =	sne.s32 s0, $0x0;
	_ =	strace $0x9000004D  }
0x52: {  	s0 =	sadd.s32 @!p0 $0x100000, s1;
	[bflag:$0x2] =	sbarrier.arrive $0xFFFF  }
0x53: {  	[sflag:s0] =	ssyncadd.tile.s32 @!p0 $0x1;
	_ =	shalt  }
.Lfunc_end1:
_tile_overlayer_lowered:
.L_overlay_start_2:
0x54: {  	(tag) =	ssettag $0x2  }
0x55: {  	s0 =	rddreg [dreg:$0x0];
	s2 =	stileid.u32  }
0x56: {  	s1 =	rddreg [dreg:$0x1];
	p0 =	sne.s32 s2, $0x0  }
0x57: {  	s3 =	rddreg [dreg:$0x2];
	[bflag:$0x3] =	sbarrier.arrive $0xFFFF;
	s2 =	simm.s32 @!p0 $0x1C01  }
0x58: {  	[timem:s3], [sflag:s2] =	dma.local @!p0 [hbm:s0], s1  }
0x59: {  	s0 =	simm.s32 @!p0 $0x1  }
0x5a: {  	_ =	swait.ge @!p0 [sflag:s0], s1  }
0x5b: {  	s1 =	ssub.s32 @!p0 $0x0, s1;
	[sflag:s0] =	ssyncset.done @!p0 $0x0  }
0x5c: {  	[sflag:s0] =	ssyncadd.s32 @!p0 s1  }
0x5d: {  	[bflag:$0x3] =	sbarrier.arrive $0xFFFF  }
0x5e: {  	_ =	shalt  }

// kernel: sparse-core-data-format-call.cloned.1.call-start
scs
called_computation_lowered:
.L_overlay_start_0:
0x0: {  	s2 =	sld [smem:$0x3FD9]  }
0x1: {  	s3 =	sld [smem:$0x3FFE];
	_ =	sdelay $0x1  }
0x2: {  	s1 =	srdreg.scid  }
0x3: {  	s0 =	sand.u32 $0x1, s1  }
0x4: {  	s18 =	sshll.u32 s0, $0xA;
	s2 =	sadd.s32 s3, s2  }
0x5: {  	s2 =	sadd.s32 s2, s18  }
0x6: {  	[smem:$0x3FAD] =	sst s2  }
0x7: {  	_ = 	snop  }
0x8: {  	(tm) =	ssettm $0x1  }
0x9: {  	s19 =	sld [smem:$0x3FFB];
	_ =	sdelay $0x3  }
0xa: {  	_ =	strace s19  }
0xb: {  	s2 =	sld [smem:$0x3FFC];
	_ =	sdelay $0x3  }
0xc: {  	_ =	strace s2  }
0xd: {  	s2 =	sld [smem:$0x3FFD];
	_ =	sdelay $0x3  }
0xe: {  	_ =	strace s2  }
0xf: {  	_ =	strace $0x8FFFFFFF  }
0x10: {  	s20 =	sld [smem:$0x3FDB];
	_ =	sdelay $0x1  }
0x11: {  	s21 =	simm.s32 $_scs_section_size  }
0x12: {  	s4 =	simm.s32 $_size__tile_overlayer_lowered;
	s5 =	simm.s32 $_tile_overlayer_lowered  }
0x13: {  	s6 =	simm.s32 $0x1BFF;
	s22 =	sshll.u32 s5, $0x1;
	s3 =	sadd.s32 s21, s20  }
0x14: {  	s23 =	simm.s32 $0x0;
	s4 =	sshll.u32 s4, $0x1;
	s5 =	sadd.s32 s22, s3  }
0x15: {  	[timem:s23], [sflag:s6] =	dma.local [hbm:s5], s4  }
0x16: {  	_ =	swait.ge [sflag:s6], s4  }
0x17: {  	s4 =	ssub.s32 $0x0, s4;
	[sflag:s6] =	ssyncset.done $0x0  }
0x18: {  	[sflag:s6] =	ssyncadd.s32 s4;
	_ =	sdelay $0x1  }
0x19: {  	s24 =	simm.s32 $0x1B8B  }
0x1a: {  	_ =	swait.ge [sflag:s24], $0x1  }
0x1b: {  	[sflag:s24] =	ssyncset.done $0x0  }
0x1c: {  	[sflag:s24] =	ssyncadd.s32 $0xFFFFFFFF  }
0x1d: {  	s4 =	sld [smem:$0x0]  }
0x1e: {  	s5 =	sand.u32 $0xFFFFFFFE, s1  }
0x1f: {  	p0 =	sne.s32 s1, s5  }
0x20: {  	s5 =	sshll.u32 @p0 s5, $0xE  }
0x21: {  	s5 =	sadd.s32 @p0 $0x11B8D, s5;
	s6 =	sshll.u32 @p0 s4, $0x11  }
0x22: {  	s5 =	sor.u32 @p0 s6, s5  }
0x23: {  	[sflag:s5] =	ssyncadd.remote.s32 @p0 $0x1;
	_ =	sdelay $0x1  }
0x24: {  	s5 =	simm.s32 @p0 $0x1B8D  }
0x25: {  	_ =	swait.eq @p0 [sflag:s5], $0x1  }
0x26: {  	[sflag:s5] =	ssyncadd.s32 @p0 $0xFFFFFFFF  }
0x27: {  	s6 =	sshll.u32 @!p0 s1, $0xE  }
0x28: {  	s6 =	sor.u32 @!p0 $0x4000, s6;
	s5 =	simm.s32 @!p0 $0x1B8D  }
0x29: {  	s4 =	sshll.u32 @!p0 s4, $0x11;
	s6 =	sadd.s32 @!p0 $0x11B8D, s6;
	_ =	swait.eq @!p0 [sflag:s5], $0x1  }
0x2a: {  	s4 =	sor.u32 @!p0 s4, s6;
	[sflag:s5] =	ssyncadd.s32 @!p0 $0xFFFFFFFF  }
0x2b: {  	s26 =	simm.s32 $0x1B8E;
	s25 =	sld [smem:$0x3FFE];
	[sflag:s4] =	ssyncadd.remote.s32 @!p0 $0x1  }
0x2c: {  	s27 =	simm.s32 $execute0_lowered;
	[smem:$0x3FD2] =	sst s26  }
0x2d: {  	s5 =	sshll.u32 s27, $0x1;
	_ =	strace $0x8000004F;
	[dreg:$0x1] =	wrdreg $0xFFFFFFFF  }
0x2e: {  	s28 =	simm.s32 $_size_execute0_lowered;
	s3 =	sadd.s32 s3, s5;
	[dreg:$0x0] =	wrdreg $0x0  }
0x2f: {  	s5 =	sshll.u32 s28, $0x1;
	[dreg:$0x2] =	wrdreg s3  }
0x30: {  	[dreg:$0x3] =	wrdreg s5  }
0x31: {  	[dreg:$0x4] =	wrdreg $0xC0  }
0x32: {  	_ =	task [dreg:s23], $0x5FFFF  }
0x33: {  	[dreg:$0x1] =	wrdreg $0xFFFFFFFF  }
0x34: {  	[dreg:$0x0] =	wrdreg $0x60  }
0x35: {  	[dreg:$0x2] =	wrdreg s25  }
0x36: {  	[dreg:$0x3] =	wrdreg $0xB  }
0x37: {  	_ =	task.clear_ibuf [dreg:s23], $0x4FFFF;
	_ =	strace $0x9000004F  }
0x38: {  	s29 =	simm.s32 $0xB;
	_ =	strace $0x80000051  }
0x39: {  	_ =	swait.ge [sflag:s29], $0x1  }
0x3a: {  	[sflag:s29] =	ssyncadd.s32 $0xFFFFFFFF  }
0x3b: {  	_ =	strace $0x90000051  }
0x3c: {  	_ =	sfence  }
0x3d: {  	s30 =	sld [smem:$0x0];
	_ =	sdelay $0x2  }
0x3e: {  	s31 =	sshll.u32 s1, $0xD;
	s1 =	sshrl.u32 s1, $0x2  }
0x3f: {  	s4 =	sand.u32 $0x4000, s31;
	s1 =	sadd.s32 s1, s30  }
0x40: {  	s0 =	sor.u32 s4, s0;
	s1 =	sshll.u32 s1, $0x11  }
0x41: {  	s0 =	sor.u32 s1, s0  }
0x42: {  	s0 =	sadd.s32 $0x8F2B, s0  }
0x43: {  	[sflag:s0] =	ssyncadd.remote.s32 $0x1  }
0x44: {  	_ =	sfence.sel $0xFFFF  }
0x45: {  	[dreg:$0x0] =	wrdreg $0xFFFFFFFF;
	(pc) =	sbr.abs _section_cstart, $3  }
0x46: {  	[dreg:$0x1] =	wrdreg $0xFFFFFFFF  }
0x47: {  	_ =	task.clear_ibuf [dreg:s23], $0x2FFFF;
	_ =	strace $0x9FFFFFFF  }
0x48: {  	(tm) =	ssettm $0x7FFFFFFF  }
0x49: {  	_ =	shalt  }
tec
execute0_lowered:
.L_overlay_start_1:
0x0: {  	(tag) =	ssettag $0x1  }
0x1: {  	s0 =	srdreg.scid  }
0x2: {  	s1 =	sshll.u32 s0, $0x4  }
0x3: {  	s4 =	rddreg [dreg:$0x0];
	s0 =	stileid.u32;
	s1 =	sand.u32 $0x10, s1  }
0x4: {  	s7 =	simm.s32 $0x1;
	s8 =	simm.s32 $0x2;
	s2 =	sor.u32 s0, s1  }
0x5: {  	s9 =	simm.s32 $0x0;
	s12 =	simm.s32 $0x0;
	s2 =	sshll.u32 s2, $0x4  }
0x6: {  	s11 =	simm.s32 $0x0;
	s3 =	sadd.s32 $0xA4B800, s4;
	s6 =	ssub.s32 $0x6200, s2  }
.Ltmp0:
0x7: {  	s4 =	sadd.s32 $0xD4400, s4;
	s5 =	sand.u32 $0x1F0, s6;
	(pc) =	sbr.rel .LBB1_1-.Ltmp0, $4  }
0x8: {  	s1 =	rddreg [dreg:$0x1];
	_ =	strace $0x80000050;
	p0 =	sne.s32 s5, $0x0  }
0x9: {  	s6 =	sshrl.u32 s6, $0x9;
	s5 =	simm.s32 $0x1;
	s7 =	simm.s32 @!p0 $0x0  }
0xa: {  	s10 =	smov.u32 s2;
	[sflag:s5] =	ssyncpa.u1 $0x0;
	s6 =	sadd.s32 s7, s6  }
0xb: {  	[sflag:s8] =	ssyncpa.u1 $0x0;
	s8 =	simm.s32 $0x0;
	s7 =	sadd.s32 $0x1, s6  }
.LBB1_7:
0xc: {  	s14 =	sadd.s32 $0x200, s10  }
0xd: {  	p1 =	sgt.s32 s14, $0x61FF  }
0xe: {  	s14 =	smov.u32 @p1 s2;
	p1 =	sne.s32 s11, s7  }
.Ltmp1:
0xf: {  	p0 =	slt.u32 s11, $0x2;
	(pc) =	sbr.rel @!p1 .LBB1_8-.Ltmp1, $4  }
0x10: {  	s13 =	simm.s32 @!p0 $0x2  }
0x11: {  	s15 =	sadd.s32 $0x1, s11;
	_ =	swait.ge @!p0 [sflag:s13], $0x4000  }
0x12: {  	s12 =	smov.u32 s10;
	s9 =	sadd.s32 $0x8000, s9;
	[sflag:s13] =	ssyncset.done @!p0 $0x0  }
0x13: {  	s11 =	smov.u32 s15;
	s10 =	smov.u32 s14;
	[sflag:s13] =	ssyncadd.s32 @!p0 $0xFFFFC000  }
.LBB1_1:
0x14: {  	p0 =	sge.u32 s11, s6  }
0x15: {  	s13 =	sxor.u32 @!p0 $0xFFFFFFFF, s11  }
0x16: {  	s31 =	sadd.s32 $0xFFFFFFFF, s11;
	s14 =	sshll.u32 @!p0 s10, $0x7;
	s13 =	sshll.u32 @!p0 s13, $0xE  }
0x17: {  	s15 =	simm.s32 @!p0 $0x0;
	s14 =	sadd.s32 @!p0 s3, s14;
	s13 =	sand.u32 @!p0 $0x4000, s13  }
0x18: {  	[tilespmem:s13], [sflag:$0x1] =	stream.linear.gather @!p0 [hbm4b:s14+s15], $0x4000, $0x38;
	[tilespmem:$0x10000] =	vst v63  }
0x19: {  	p0 =	sge.u32 s31, s6  }
.Ltmp2:
0x1a: {  	_ = 	snop;
	(pc) =	sbr.rel @p0 .LBB1_7-.Ltmp2, $1  }
0x1b: {  	_ =	sdelay $0x3  }
0x1c: {  	s13 =	sshrl.u32 s9, $0x1;
	_ =	swait.ge [sflag:s5], $0x4000  }
0x1d: {  	s15 =	sshll.u32 s11, $0xE;
	s16 =	simm.s32 $0x0;
	s14 =	sand.u32 $0x4000, s13  }
0x1e: {  	[sflag:s5] =	ssyncset.done $0x0;
	s15 =	sand.u32 $0x4000, s15;
	s13 =	sor.u32 $0x200, s14  }
0x1f: {  	s14 =	sor.u32 $0x8080, s14;
	[sflag:s5] =	ssyncadd.s32 $0xFFFFC000;
	s15 =	sor.u32 $0x8000, s15  }
.LBB1_3:
0x20: {  	v0 =	vld [tilespmem:s13+$0xFFFFFE70]  }
0x21: {  	v1 =	vld [tilespmem:s13+$0x70]  }
0x22: {  	v2 =	vld [tilespmem:s13+$0x0]  }
0x23: {  	v3 =	vld [tilespmem:s13+$0xFFFFFE10]  }
0x24: {  	v4 =	vld [tilespmem:s13+$0x10]  }
0x25: {  	v5 =	vld [tilespmem:s13+$0xFFFFFE20]  }
0x26: {  	v7 =	vld [tilespmem:s13+$0x20]  }
0x27: {  	v11 =	vld [tilespmem:s13+$0x30];
	v6 =	vunpack.i.l.s16.s32 v0;
	v8 =	vunpack.i.u.s16.s32 v0;
	v9 =	vunpack.i.u.s16.s32 v1  }
0x28: {  	v10 =	vunpack.i.l.s16.s32 v1;
	v0 =	vunpack.i.u.s16.s32 v2;
	v1 =	vunpack.i.l.s16.s32 v2;
	v2 =	vld [tilespmem:s13+$0xFFFFFE30]  }
0x29: {  	v8 =	vpack.i.b32.b16 v9, v8;
	v9 =	vunpack.i.u.s16.s32 v3;
	v3 =	vunpack.i.l.s16.s32 v3  }
0x2a: {  	v12 =	vld [tilespmem:s13+$0xFFFFFE40];
	v6 =	vpack.i.b32.b16 v10, v6;
	[tilespmem:s14+$0x70] =	vst v8;
	v8 =	vunpack.i.u.s16.s32 v4;
	v4 =	vunpack.i.l.s16.s32 v4  }
0x2b: {  	v13 =	vld [tilespmem:s13+$0x40];
	v10 =	vunpack.i.u.s16.s32 v5;
	v5 =	vunpack.i.l.s16.s32 v5;
	[tilespmem:s14+$0xFFFFFFF0] =	vst v6;
	v3 =	vpack.i.b32.b16 v4, v3  }
0x2c: {  	v6 =	vunpack.i.l.s16.s32 v7;
	v4 =	vld [tilespmem:s13+$0xFFFFFE50];
	[tilespmem:s14+$0xFFFFFF90] =	vst v3;
	v3 =	vpack.i.b32.b16 v8, v9;
	v8 =	vunpack.i.u.s16.s32 v7  }
0x2d: {  	v7 =	vunpack.i.l.s16.s32 v11;
	[tilespmem:s14+$0x10] =	vst v3;
	v3 =	vpack.i.b32.b16 v6, v5;
	v9 =	vunpack.i.u.s16.s32 v2;
	v6 =	vld [tilespmem:s13+$0x50]  }
0x2e: {  	v5 =	vunpack.i.l.s16.s32 v2;
	v2 =	vld [tilespmem:s13+$0xFFFFFE60];
	[tilespmem:s14+$0xFFFFFFA0] =	vst v3;
	v3 =	vpack.i.b32.b16 v8, v10;
	v10 =	vunpack.i.u.s16.s32 v11  }
0x2f: {  	s19 =	simm.s32 $0x0;
	v11 =	vpack.i.b32.b16 v7, v5;
	v7 =	vunpack.i.u.s16.s32 v12;
	v8 =	vunpack.i.l.s16.s32 v12;
	[tilespmem:s14+$0x20] =	vst v3;
	v3 =	vld [tilespmem:s13+$0x60]  }
0x30: {  	s20 =	sadd.s32 $0x80, s13;
	s18 =	smov.u32 s14;
	s17 =	smov.u32 s14;
	v5 =	vld [tilespmem:s13+$0xFFFFFE00];
	[tilespmem:s14+$0xFFFFFFB0] =	vst v11;
	v10 =	vpack.i.b32.b16 v10, v9;
	v9 =	vunpack.i.u.s16.s32 v13;
	v11 =	vunpack.i.l.s16.s32 v13  }
.LBB1_4:
0x31: {  	v12 =	vld [tilespmem:s20+$0xFFFFFE70];
	[tilespmem:s18+$0x30] =	vst v10;
	v8 =	vpack.i.b32.b16 v11, v8;
	v10 =	vunpack.i.u.s16.s32 v4;
	v4 =	vunpack.i.l.s16.s32 v4  }
0x32: {  	s19 =	sadd.s32 $0x2, s19;
	v7 =	vpack.i.b32.b16 v9, v7;
	v11 =	vld [tilespmem:s20+$0x70];
	[tilespmem:s18+$0xFFFFFFC0] =	vst v8;
	v8 =	vunpack.i.u.s16.s32 v6;
	v6 =	vunpack.i.l.s16.s32 v6  }
0x33: {  	p0 =	slt.u32 s19, $0x6;
	v9 =	vld [tilespmem:s20+$0x0];
	[tilespmem:s18+$0x40] =	vst v7;
	v4 =	vpack.i.b32.b16 v6, v4;
	v6 =	vunpack.i.u.s16.s32 v2;
	v2 =	vunpack.i.l.s16.s32 v2  }
0x34: {  	v7 =	vld [tilespmem:s20+$0xFFFFFE10];
	[tilespmem:s18+$0xFFFFFFD0] =	vst v4;
	v4 =	vpack.i.b32.b16 v8, v10;
	v8 =	vunpack.i.u.s16.s32 v3;
	v3 =	vunpack.i.l.s16.s32 v3  }
0x35: {  	v10 =	vld [tilespmem:s20+$0x10];
	v13 =	vunpack.i.u.s16.s32 v5;
	v5 =	vunpack.i.l.s16.s32 v5;
	[tilespmem:s18+$0x50] =	vst v4;
	v2 =	vpack.i.b32.b16 v3, v2  }
0x36: {  	v3 =	vld [tilespmem:s20+$0xFFFFFE20];
	v4 =	vunpack.i.l.s16.s32 v12;
	v1 =	vpack.i.b32.b16 v1, v5;
	v5 =	vpack.i.b32.b16 v0, v13;
	[tilespmem:s18+$0xFFFFFFE0] =	vst v2  }
0x37: {  	v12 =	vunpack.i.u.s16.s32 v12;
	v2 =	vld [tilespmem:s20+$0x20];
	v13 =	vunpack.i.u.s16.s32 v11;
	v11 =	vunpack.i.l.s16.s32 v11;
	[tilespmem:s18+$0xFFFFFF80] =	vst v1  }
0x38: {  	s18 =	sadd.s32 $0x100, s18;
	v0 =	vunpack.i.u.s16.s32 v9;
	v1 =	vunpack.i.l.s16.s32 v9;
	v9 =	vld [tilespmem:s20+$0xFFFFFE30];
	v12 =	vpack.i.b32.b16 v13, v12;
	[tilespmem:s17+$0x0] =	vst v5  }
0x39: {  	v6 =	vpack.i.b32.b16 v8, v6;
	v5 =	vunpack.i.u.s16.s32 v7;
	v7 =	vunpack.i.l.s16.s32 v7;
	v13 =	vld [tilespmem:s20+$0x30];
	[tilespmem:s18+$0x70] =	vst v12  }
0x3a: {  	v4 =	vpack.i.b32.b16 v11, v4;
	v8 =	vunpack.i.u.s16.s32 v10;
	v10 =	vunpack.i.l.s16.s32 v10;
	v12 =	vld [tilespmem:s20+$0xFFFFFE40];
	[tilespmem:s17+$0x60] =	vst v6;
	s17 =	smov.u32 s18  }
0x3b: {  	v6 =	vpack.i.b32.b16 v10, v7;
	v7 =	vunpack.i.u.s16.s32 v3;
	v3 =	vunpack.i.l.s16.s32 v3;
	v11 =	vld [tilespmem:s20+$0x40];
	[tilespmem:s18+$0xFFFFFFF0] =	vst v4  }
.Ltmp3:
0x3c: {  	v5 =	vpack.i.b32.b16 v8, v5;
	[tilespmem:s18+$0xFFFFFF90] =	vst v6;
	v8 =	vunpack.i.u.s16.s32 v2;
	v2 =	vunpack.i.l.s16.s32 v2;
	v4 =	vld [tilespmem:s20+$0xFFFFFE50];
	(pc) =	sbr.rel @p0 .LBB1_4-.Ltmp3, $4  }
0x3d: {  	[tilespmem:s18+$0x10] =	vst v5;
	v2 =	vpack.i.b32.b16 v2, v3;
	v10 =	vunpack.i.u.s16.s32 v9;
	v3 =	vunpack.i.l.s16.s32 v9;
	v6 =	vld [tilespmem:s20+$0x50]  }
0x3e: {  	v5 =	vpack.i.b32.b16 v8, v7;
	[tilespmem:s18+$0xFFFFFFA0] =	vst v2;
	v9 =	vunpack.i.u.s16.s32 v13;
	v7 =	vunpack.i.l.s16.s32 v13;
	v2 =	vld [tilespmem:s20+$0xFFFFFE60]  }
0x3f: {  	[tilespmem:s18+$0x20] =	vst v5;
	v13 =	vpack.i.b32.b16 v7, v3;
	v7 =	vunpack.i.u.s16.s32 v12;
	v8 =	vunpack.i.l.s16.s32 v12;
	v3 =	vld [tilespmem:s20+$0x60]  }
0x40: {  	v10 =	vpack.i.b32.b16 v9, v10;
	v5 =	vld [tilespmem:s20+$0xFFFFFE00];
	[tilespmem:s18+$0xFFFFFFB0] =	vst v13;
	v9 =	vunpack.i.u.s16.s32 v11;
	v11 =	vunpack.i.l.s16.s32 v11;
	s20 =	sadd.s32 $0x80, s20  }
0x41: {  	[tilespmem:s18+$0x30] =	vst v10;
	v8 =	vpack.i.b32.b16 v11, v8  }
0x42: {  	v51 =	vunpack.i.l.s16.s32 v4;
	v7 =	vpack.i.b32.b16 v9, v7;
	[tilespmem:s18+$0xFFFFFFC0] =	vst v8;
	v52 =	vunpack.i.l.s16.s32 v6  }
0x43: {  	v53 =	vunpack.i.u.s16.s32 v4;
	s16 =	sadd.s32 $0x1, s16;
	v54 =	vunpack.i.u.s16.s32 v6;
	[tilespmem:s18+$0x40] =	vst v7;
	v55 =	vpack.i.b32.b16 v52, v51  }
0x44: {  	p0 =	sne.s32 s16, $0x10;
	v56 =	vunpack.i.l.s16.s32 v2;
	v4 =	vpack.i.b32.b16 v54, v53;
	[tilespmem:s18+$0xFFFFFFD0] =	vst v55;
	v57 =	vunpack.i.l.s16.s32 v3  }
.Ltmp4:
0x45: {  	[tilespmem:s18+$0x50] =	vst v4;
	v58 =	vunpack.i.l.s16.s32 v5;
	v59 =	vpack.i.b32.b16 v57, v56;
	(pc) =	sbr.rel @p0 .LBB1_3-.Ltmp4, $4  }
0x46: {  	v61 =	vunpack.i.u.s16.s32 v2;
	v62 =	vunpack.i.u.s16.s32 v3;
	v1 =	vpack.i.b32.b16 v1, v58;
	[tilespmem:s18+$0xFFFFFFE0] =	vst v59  }
0x47: {  	v60 =	vunpack.i.u.s16.s32 v5;
	v63 =	vpack.i.b32.b16 v62, v61;
	[tilespmem:s18+$0xFFFFFF80] =	vst v1  }
0x48: {  	v0 =	vpack.i.b32.b16 v0, v60;
	[tilespmem:s17+$0x60] =	vst v63  }
0x49: {  	s13 =	sadd.s32 $0x400, s13;
	s14 =	sadd.s32 $0x400, s14;
	[tilespmem:s17+$0x0] =	vst v0  }
.Ltmp5:
0x4a: {  	(pc) =	sbr.rel .LBB1_7-.Ltmp5, $4  }
0x4b: {  	_ = 	snop  }
0x4c: {  	s12 =	sshll.u32 s12, $0x7  }
0x4d: {  	s12 =	sadd.s32 s4, s12  }
0x4e: {  	[hbm4b:s12+s8] =	stream.linear.scatter [tilespmem:s15], [sflag:$0x2], $0x4000, $0x38;
	[tilespmem:$0x10000] =	vst v63  }
.LBB1_8:
0x4f: {  	_ =	sfence.sel $0x180000  }
0x50: {  	s2 =	simm.s32 $0x1;
	[bflag:$0x0] =	sbarrier.arrive $0xFFFF  }
0x51: {  	s31 =	simm.s32 $0x2;
	[sflag:s2] =	ssyncpa.u1 $0x1  }
0x52: {  	[sflag:s31] =	ssyncpa.u1 $0x1  }
0x53: {  	p0 =	sne.s32 s0, $0x0;
	_ =	strace $0x90000050  }
0x54: {  	s0 =	sadd.s32 @!p0 $0x100000, s1;
	[bflag:$0x2] =	sbarrier.arrive $0xFFFF  }
0x55: {  	[sflag:s0] =	ssyncadd.tile.s32 @!p0 $0x1;
	_ =	shalt  }
.Lfunc_end1:
_tile_overlayer_lowered:
.L_overlay_start_2:
0x56: {  	(tag) =	ssettag $0x2  }
0x57: {  	s0 =	rddreg [dreg:$0x0];
	s2 =	stileid.u32  }
0x58: {  	s1 =	rddreg [dreg:$0x1];
	p0 =	sne.s32 s2, $0x0  }
0x59: {  	s3 =	rddreg [dreg:$0x2];
	[bflag:$0x3] =	sbarrier.arrive $0xFFFF;
	s2 =	simm.s32 @!p0 $0x1C01  }
0x5a: {  	[timem:s3], [sflag:s2] =	dma.local @!p0 [hbm:s0], s1  }
0x5b: {  	s0 =	simm.s32 @!p0 $0x1  }
0x5c: {  	_ =	swait.ge @!p0 [sflag:s0], s1  }
0x5d: {  	s1 =	ssub.s32 @!p0 $0x0, s1;
	[sflag:s0] =	ssyncset.done @!p0 $0x0  }
0x5e: {  	[sflag:s0] =	ssyncadd.s32 @!p0 s1  }
0x5f: {  	[bflag:$0x3] =	sbarrier.arrive $0xFFFF  }
0x60: {  	_ =	shalt  }

</sc_bundles>
